<compile_context>
chip_gen: v7x
topology: tpu7x:2x2x1
jax: 0.10.2.dev20260603
libtpu: 0.0.44.dev20260713+nightly
codegen_flags: <defaults>
</compile_context>

<pallas_src>
import functools

import jax
import jax.numpy as jnp
from jax import lax
from jax.experimental import pallas as pl
from jax.experimental.pallas import tpu as pltpu
from jax.experimental.pallas import tpu_sc as plsc

N = 10000
NP = 10240
E = 160000
F = 256
HALF = 128
G = 128
NSUB = 16
ROWS_PT = NP // NSUB
ECH = 128
ECHUNKS = 80
E_PAD = NSUB * ECHUNKS * ECH
AGG_ROWS = NP + 8
POOL_ROWS = 136


def _edge_mesh_kernel():
  mesh = plsc.VectorSubcoreMesh(core_axis_name="c", subcore_axis_name="s")

  @functools.partial(
      pl.kernel,
      mesh=mesh,
      out_type=jax.ShapeDtypeStruct((2, NP, HALF), jnp.float32),
      scratch_types=[
          pltpu.VMEM((ECH,), jnp.int32),
          pltpu.VMEM((ECH,), jnp.int32),
          pltpu.VMEM((ECHUNKS, ECH), jnp.int32),
          pltpu.VMEM((ECH, HALF), jnp.float32),
          pltpu.VMEM((ECH, HALF), jnp.float32),
          pltpu.VMEM_SHARED((AGG_ROWS, HALF), jnp.float32),
          pltpu.SemaphoreType.DMA,
          pltpu.SemaphoreType.DMA,
      ],
  )
  def edge_kernel(hlo, hhi, src1, dst3, out, src_a, src_b, dst_v, rows_a,
                  rows_b, agg_sh, sem_a, sem_b):
    cid = lax.axis_index("c")
    sid = lax.axis_index("s")
    r0 = sid * ROWS_PT

    def init_from(h_ref):
      for j in range(ROWS_PT // 128):
        sl = pl.ds(r0 + j * 128, 128)
        pltpu.sync_copy(h_ref.at[sl], agg_sh.at[sl])

    @pl.when(cid == 0)
    def _():
      init_from(hlo)

    @pl.when(cid == 1)
    def _():
      init_from(hhi)

    pltpu.sync_copy(dst3.at[sid], dst_v)
    plsc.subcore_barrier()

    def edges_from(h_ref):
      def gather(c, sbuf, rbuf, sem):
        pltpu.sync_copy(src1.at[pl.ds((sid * ECHUNKS + c) * ECH, ECH)], sbuf)
        pltpu.async_copy(h_ref.at[sbuf], rbuf, sem)

      def drain_scatter(c, sbuf, rbuf, sem):
        pltpu.make_async_copy(h_ref.at[sbuf], rbuf, sem).wait()
        pltpu.sync_copy(rbuf, agg_sh.at[dst_v.at[c]], add=True)

      gather(0, src_a, rows_a, sem_a)
      gather(1, src_b, rows_b, sem_b)

      def body(i, carry):
        c = 2 * i
        drain_scatter(c, src_a, rows_a, sem_a)
        gather(c + 2, src_a, rows_a, sem_a)
        drain_scatter(c + 1, src_b, rows_b, sem_b)
        gather(c + 3, src_b, rows_b, sem_b)
        return carry

      lax.fori_loop(0, ECHUNKS // 2 - 1, body, 0)
      drain_scatter(ECHUNKS - 2, src_a, rows_a, sem_a)
      drain_scatter(ECHUNKS - 1, src_b, rows_b, sem_b)

    @pl.when(cid == 0)
    def _():
      edges_from(hlo)

    @pl.when(cid == 1)
    def _():
      edges_from(hhi)

    plsc.subcore_barrier()
    for j in range(ROWS_PT // 128):
      sl = pl.ds(r0 + j * 128, 128)
      pltpu.sync_copy(agg_sh.at[sl], out.at[cid].at[sl])

  return edge_kernel


def _pool_mesh_kernel():
  mesh = plsc.VectorSubcoreMesh(core_axis_name="c", subcore_axis_name="s")

  @functools.partial(
      pl.kernel,
      mesh=mesh,
      out_type=(
          jax.ShapeDtypeStruct((2, G, HALF), jnp.float32),
          jax.ShapeDtypeStruct((G, HALF), jnp.float32),
      ),
      scratch_types=[
          pltpu.VMEM((NP // NSUB // 128, 128), jnp.int32),
          pltpu.VMEM((128, HALF), jnp.float32),
          pltpu.VMEM((128, HALF), jnp.float32),
          pltpu.VMEM_SHARED((POOL_ROWS, HALF), jnp.float32),
          pltpu.VMEM_SHARED((POOL_ROWS, HALF), jnp.float32),
      ],
  )
  def pool_kernel(hlo, hhi, bat2, zeros, ones, sums_out, cnt_out, bat_v,
                  rows_v, ones_v, pool_sh, cnt_sh):
    cid = lax.axis_index("c")
    sid = lax.axis_index("s")
    nchunks = ROWS_PT // 128

    @pl.when(sid == 0)
    def _():
      pltpu.sync_copy(zeros, pool_sh)
      pltpu.sync_copy(zeros, cnt_sh)

    pltpu.sync_copy(bat2.at[sid], bat_v)
    pltpu.sync_copy(ones, ones_v)
    plsc.subcore_barrier()

    def pool_from(h_ref):
      def body(j, carry):
        pltpu.sync_copy(h_ref.at[pl.ds(sid * ROWS_PT + j * 128, 128)], rows_v)
        pltpu.sync_copy(rows_v, pool_sh.at[bat_v.at[j]], add=True)
        pltpu.sync_copy(ones_v, cnt_sh.at[bat_v.at[j]], add=True)
        return carry

      lax.fori_loop(0, nchunks, body, 0)

    @pl.when(cid == 0)
    def _():
      pool_from(hlo)

    @pl.when(cid == 1)
    def _():
      pool_from(hhi)

    plsc.subcore_barrier()
    sl = pl.ds(sid * 8, 8)
    pltpu.sync_copy(pool_sh.at[sl], sums_out.at[cid].at[sl])

    @pl.when(cid == 0)
    def _():
      pltpu.sync_copy(cnt_sh.at[sl], cnt_out.at[sl])

  return pool_kernel


_EDGE_KERNEL = _edge_mesh_kernel()
_POOL_KERNEL = _pool_mesh_kernel()


def _mlp_body(relu_out, lo_ref, hi_ref, w1a_ref, w1b_ref, b1_ref, w2_ref,
              b2_ref, olo_ref, ohi_ref):
  pre = (
      jnp.dot(lo_ref[...], w1a_ref[...], preferred_element_type=jnp.float32)
      + jnp.dot(hi_ref[...], w1b_ref[...], preferred_element_type=jnp.float32)
      + b1_ref[...]
  )
  act = jnp.maximum(pre, 0.0)
  out = jnp.dot(act, w2_ref[...], preferred_element_type=jnp.float32) + b2_ref[...]
  if relu_out:
    out = jnp.maximum(out, 0.0)
  olo_ref[...] = out[:, :HALF]
  ohi_ref[...] = out[:, HALF:]


def _mlp(lo, hi, W1, b1, W2, b2, relu_out):
  BN = 640
  grid = NP // BN
  row_spec = pl.BlockSpec((BN, HALF), lambda i: (i, 0))
  return pl.pallas_call(
      functools.partial(_mlp_body, relu_out),
      grid=(grid,),
      in_specs=[
          row_spec,
          row_spec,
          pl.BlockSpec((HALF, F), lambda i: (0, 0)),
          pl.BlockSpec((HALF, F), lambda i: (0, 0)),
          pl.BlockSpec((1, F), lambda i: (0, 0)),
          pl.BlockSpec((F, F), lambda i: (0, 0)),
          pl.BlockSpec((1, F), lambda i: (0, 0)),
      ],
      out_specs=[row_spec, row_spec],
      out_shape=[
          jax.ShapeDtypeStruct((NP, HALF), jnp.float32),
          jax.ShapeDtypeStruct((NP, HALF), jnp.float32),
      ],
  )(lo, hi, W1[:HALF], W1[HALF:], b1.reshape(1, F), W2, b2.reshape(1, F))


def _div_body(s0_ref, s1_ref, c_ref, out_ref):
  cnt = jnp.maximum(c_ref[:, 0:1], 1.0)
  out_ref[:, :HALF] = s0_ref[...] / cnt
  out_ref[:, HALF:] = s1_ref[...] / cnt


def _div(sums, counts):
  return pl.pallas_call(
      _div_body,
      out_shape=jax.ShapeDtypeStruct((G, F), jnp.float32),
  )(sums[0], sums[1], counts)


@jax.jit
def kernel(x, edge_index, batch, W1_0, b1_0, W2_0, b2_0, W1_1, b1_1, W2_1,
           b2_1, W1_2, b1_2, W2_2, b2_2):
  xp = jnp.pad(x, ((0, NP - N), (0, 0)))
  lo, hi = xp[:, :HALF], xp[:, HALF:]
  src2 = jnp.pad(edge_index[0], (0, E_PAD - E))
  dst2 = jnp.pad(edge_index[1], (0, E_PAD - E), constant_values=NP).reshape(
      NSUB, ECHUNKS, ECH)
  bat2 = jnp.pad(batch, (0, NP - N), constant_values=G).reshape(
      NSUB, ROWS_PT // 128, 128)
  zeros = jnp.zeros((POOL_ROWS, HALF), jnp.float32)
  ones = jnp.ones((128, HALF), jnp.float32)

  params = [(W1_0, b1_0, W2_0, b2_0), (W1_1, b1_1, W2_1, b2_1),
            (W1_2, b1_2, W2_2, b2_2)]
  for i, (W1, b1, W2, b2) in enumerate(params):
    agg = _EDGE_KERNEL(lo, hi, src2, dst2)
    lo, hi = _mlp(agg[0], agg[1], W1, b1, W2, b2, relu_out=(i < 2))

  sums, counts = _POOL_KERNEL(lo, hi, bat2, zeros, ones)
  return _div(sums, counts)

# --- scband reference (transcript-rebuilt; emitter-appended) ---
"""Pipeline reference for scband-graph-encoder-gin-65773129171092 (READ-ONLY COPY).

The authoritative reference and input builder live on the scoring server;
editing this copy changes nothing except your own understanding.
"""

import jax, jax.numpy as jnp
import numpy as np

N = 10000
E = 160000
F = 256
H = 256
L = 3
G = 128


def setup_inputs(seed: int = 0) -> dict:
    key = jax.random.key(seed)
    ks = jax.random.split(key, 3 + 4 * L)
    inp = {}
    inp["x"] = jax.random.normal(ks[0], (N, F), dtype=jnp.float32)
    inp["edge_index"] = jax.random.randint(ks[1], (2, E), 0, N, dtype=jnp.int32)
    inp["batch"] = jnp.sort(jax.random.randint(ks[2], (N,), 0, G, dtype=jnp.int32))
    # GINConv MLP params per layer: Linear(in->H), ReLU, Linear(H->H)
    for l in range(L):
        fin = F if l == 0 else H
        inp[f"W1_{l}"] = jax.random.normal(ks[3 + 4 * l], (fin, H), dtype=jnp.float32) * (1.0 / np.sqrt(fin))
        inp[f"b1_{l}"] = jnp.zeros((H,), dtype=jnp.float32)
        inp[f"W2_{l}"] = jax.random.normal(ks[4 + 4 * l], (H, H), dtype=jnp.float32) * (1.0 / np.sqrt(H))
        inp[f"b2_{l}"] = jnp.zeros((H,), dtype=jnp.float32)
    return inp


def reference(x, edge_index, batch, W1_0, b1_0, W2_0, b2_0, W1_1, b1_1, W2_1, b2_1, W1_2, b1_2, W2_2, b2_2):
    # GIN: per layer h = MLP((1+eps)*h + sum_{j in N(i)} h_j), eps=0 (PyG default)
    src = edge_index[0]
    dst = edge_index[1]
    params = [(W1_0, b1_0, W2_0, b2_0), (W1_1, b1_1, W2_1, b2_1), (W1_2, b1_2, W2_2, b2_2)]
    h = x
    for i, (W1, b1, W2, b2) in enumerate(params):
        agg = jax.ops.segment_sum(h[src], dst, num_segments=N)
        h = h + agg
        h = jax.nn.relu(h @ W1 + b1)
        h = h @ W2 + b2
        if i < L - 1:  # BasicGNN: activation between layers, none after last conv
            h = jax.nn.relu(h)
    # global_mean_pool over batch assignment
    sums = jax.ops.segment_sum(h, batch, num_segments=G)
    counts = jax.ops.segment_sum(jnp.ones((N, 1), dtype=jnp.float32), batch, num_segments=G)
    return sums / jnp.maximum(counts, 1.0)

if __name__ == "__main__":
    import jax
    _d = setup_inputs()
    print(jax.jit(kernel)(*tuple(_d.values())))

</pallas_src>

<mosaic_0001>
#map = affine_map<(d0, d1) -> (0, 0)>
#map1 = affine_map<(d0, d1) -> (0)>
#map2 = affine_map<(d0, d1) -> (0, 0, 0)>
module attributes {stable_mosaic.version = 14 : i64} {
  func.func @edge_kernel(%arg0: i32, %arg1: i32, %arg2: memref<10240x128xf32, #tpu.memory_space<hbm>>, %arg3: memref<10240x128xf32, #tpu.memory_space<hbm>>, %arg4: memref<163840xi32, #tpu.memory_space<hbm>>, %arg5: memref<16x80x128xi32, #tpu.memory_space<hbm>>, %arg6: memref<2x10240x128xf32, #tpu.memory_space<hbm>>, %arg7: memref<128xi32, #tpu.memory_space<vmem>>, %arg8: memref<128xi32, #tpu.memory_space<vmem>>, %arg9: memref<80x128xi32, #tpu.memory_space<vmem>>, %arg10: memref<128x128xf32, #tpu.memory_space<vmem>>, %arg11: memref<128x128xf32, #tpu.memory_space<vmem>>, %arg12: memref<10248x128xf32, #tpu.memory_space<vmem_shared>>, %arg13: memref<!tpu.dma_semaphore, #tpu.memory_space<semaphore_mem>>, %arg14: memref<!tpu.dma_semaphore, #tpu.memory_space<semaphore_mem>>) attributes {dimension_semantics = [#tpu.dimension_semantics<core_parallel>, #tpu.dimension_semantics<subcore_parallel>], iteration_bounds = array<i64: 2, 16>, scalar_prefetch = 0 : i64, scratch_operands = 8 : i64, tpu.core_type = #tpu.core_type<sc_vector_subcore>, window_params = [{transform_indices = #map}, {transform_indices = #map}, {transform_indices = #map1}, {transform_indices = #map2}, {transform_indices = #map2}]} {
    %mul3A = arith.constant 640 : i32
    %mul3A_0 = arith.muli %arg1, %mul3A : i32
    %eq3A = arith.constant 0 : i32
    %eq3A_1 = arith.cmpi eq, %arg0, %eq3A : i32
    %convert_element_type3A = arith.extui %eq3A_1 : i1 to i32
    %cond3A = arith.constant 0 : i32
    %cond3A_2 = arith.cmpi ne, %convert_element_type3A, %cond3A : i32
    scf.if %cond3A_2 {
      %add3A_28 = arith.constant 0 : i32
      %add3A_29 = arith.addi %mul3A_0, %add3A_28 : i32
      "tpu.region"() ({
        %run_scoped3A = tpu.sem_alloc : memref<!tpu.dma_semaphore, #tpu.memory_space<semaphore_mem>>
        %dma_start3A = arith.constant 0 : i32
        %dma_start3A_38 = tpu.memref_slice %arg12[%add3A_29, %dma_start3A] : memref<10248x128xf32, #tpu.memory_space<vmem_shared>> -> memref<128x128xf32, #tpu.memory_space<vmem_shared>>
        %dma_start3A_39 = arith.constant 0 : i32
        %dma_start3A_40 = tpu.memref_slice %arg2[%add3A_29, %dma_start3A_39] : memref<10240x128xf32, #tpu.memory_space<hbm>> -> memref<128x128xf32, #tpu.memory_space<hbm>>
        tpu.enqueue_dma source(%dma_start3A_40 : memref<128x128xf32, #tpu.memory_space<hbm>>) target(%dma_start3A_38 : memref<128x128xf32, #tpu.memory_space<vmem_shared>>) target_semaphore(%run_scoped3A : memref<!tpu.dma_semaphore, #tpu.memory_space<semaphore_mem>>)
        %dma_wait3A = arith.constant 0 : i32
        %dma_wait3A_41 = tpu.memref_slice %arg12[%add3A_29, %dma_wait3A] : memref<10248x128xf32, #tpu.memory_space<vmem_shared>> -> memref<128x128xf32, #tpu.memory_space<vmem_shared>>
        %dma_wait3A_42 = arith.constant 0 : i32
        %dma_wait3A_43 = tpu.memref_slice %arg2[%add3A_29, %dma_wait3A_42] : memref<10240x128xf32, #tpu.memory_space<hbm>> -> memref<128x128xf32, #tpu.memory_space<hbm>>
        tpu.wait_dma2 semaphore(%run_scoped3A : memref<!tpu.dma_semaphore, #tpu.memory_space<semaphore_mem>>) src(%dma_wait3A_43 : memref<128x128xf32, #tpu.memory_space<hbm>>) dst(%dma_wait3A_41 : memref<128x128xf32, #tpu.memory_space<vmem_shared>>)
        tpu.yield
      }) : () -> ()
      %add3A_30 = arith.constant 128 : i32
      %add3A_31 = arith.addi %mul3A_0, %add3A_30 : i32
      "tpu.region"() ({
        %run_scoped3A = tpu.sem_alloc : memref<!tpu.dma_semaphore, #tpu.memory_space<semaphore_mem>>
        %dma_start3A = arith.constant 0 : i32
        %dma_start3A_38 = tpu.memref_slice %arg12[%add3A_31, %dma_start3A] : memref<10248x128xf32, #tpu.memory_space<vmem_shared>> -> memref<128x128xf32, #tpu.memory_space<vmem_shared>>
        %dma_start3A_39 = arith.constant 0 : i32
        %dma_start3A_40 = tpu.memref_slice %arg2[%add3A_31, %dma_start3A_39] : memref<10240x128xf32, #tpu.memory_space<hbm>> -> memref<128x128xf32, #tpu.memory_space<hbm>>
        tpu.enqueue_dma source(%dma_start3A_40 : memref<128x128xf32, #tpu.memory_space<hbm>>) target(%dma_start3A_38 : memref<128x128xf32, #tpu.memory_space<vmem_shared>>) target_semaphore(%run_scoped3A : memref<!tpu.dma_semaphore, #tpu.memory_space<semaphore_mem>>)
        %dma_wait3A = arith.constant 0 : i32
        %dma_wait3A_41 = tpu.memref_slice %arg12[%add3A_31, %dma_wait3A] : memref<10248x128xf32, #tpu.memory_space<vmem_shared>> -> memref<128x128xf32, #tpu.memory_space<vmem_shared>>
        %dma_wait3A_42 = arith.constant 0 : i32
        %dma_wait3A_43 = tpu.memref_slice %arg2[%add3A_31, %dma_wait3A_42] : memref<10240x128xf32, #tpu.memory_space<hbm>> -> memref<128x128xf32, #tpu.memory_space<hbm>>
        tpu.wait_dma2 semaphore(%run_scoped3A : memref<!tpu.dma_semaphore, #tpu.memory_space<semaphore_mem>>) src(%dma_wait3A_43 : memref<128x128xf32, #tpu.memory_space<hbm>>) dst(%dma_wait3A_41 : memref<128x128xf32, #tpu.memory_space<vmem_shared>>)
        tpu.yield
      }) : () -> ()
      %add3A_32 = arith.constant 256 : i32
      %add3A_33 = arith.addi %mul3A_0, %add3A_32 : i32
      "tpu.region"() ({
        %run_scoped3A = tpu.sem_alloc : memref<!tpu.dma_semaphore, #tpu.memory_space<semaphore_mem>>
        %dma_start3A = arith.constant 0 : i32
        %dma_start3A_38 = tpu.memref_slice %arg12[%add3A_33, %dma_start3A] : memref<10248x128xf32, #tpu.memory_space<vmem_shared>> -> memref<128x128xf32, #tpu.memory_space<vmem_shared>>
        %dma_start3A_39 = arith.constant 0 : i32
        %dma_start3A_40 = tpu.memref_slice %arg2[%add3A_33, %dma_start3A_39] : memref<10240x128xf32, #tpu.memory_space<hbm>> -> memref<128x128xf32, #tpu.memory_space<hbm>>
        tpu.enqueue_dma source(%dma_start3A_40 : memref<128x128xf32, #tpu.memory_space<hbm>>) target(%dma_start3A_38 : memref<128x128xf32, #tpu.memory_space<vmem_shared>>) target_semaphore(%run_scoped3A : memref<!tpu.dma_semaphore, #tpu.memory_space<semaphore_mem>>)
        %dma_wait3A = arith.constant 0 : i32
        %dma_wait3A_41 = tpu.memref_slice %arg12[%add3A_33, %dma_wait3A] : memref<10248x128xf32, #tpu.memory_space<vmem_shared>> -> memref<128x128xf32, #tpu.memory_space<vmem_shared>>
        %dma_wait3A_42 = arith.constant 0 : i32
        %dma_wait3A_43 = tpu.memref_slice %arg2[%add3A_33, %dma_wait3A_42] : memref<10240x128xf32, #tpu.memory_space<hbm>> -> memref<128x128xf32, #tpu.memory_space<hbm>>
        tpu.wait_dma2 semaphore(%run_scoped3A : memref<!tpu.dma_semaphore, #tpu.memory_space<semaphore_mem>>) src(%dma_wait3A_43 : memref<128x128xf32, #tpu.memory_space<hbm>>) dst(%dma_wait3A_41 : memref<128x128xf32, #tpu.memory_space<vmem_shared>>)
        tpu.yield
      }) : () -> ()
      %add3A_34 = arith.constant 384 : i32
      %add3A_35 = arith.addi %mul3A_0, %add3A_34 : i32
      "tpu.region"() ({
        %run_scoped3A = tpu.sem_alloc : memref<!tpu.dma_semaphore, #tpu.memory_space<semaphore_mem>>
        %dma_start3A = arith.constant 0 : i32
        %dma_start3A_38 = tpu.memref_slice %arg12[%add3A_35, %dma_start3A] : memref<10248x128xf32, #tpu.memory_space<vmem_shared>> -> memref<128x128xf32, #tpu.memory_space<vmem_shared>>
        %dma_start3A_39 = arith.constant 0 : i32
        %dma_start3A_40 = tpu.memref_slice %arg2[%add3A_35, %dma_start3A_39] : memref<10240x128xf32, #tpu.memory_space<hbm>> -> memref<128x128xf32, #tpu.memory_space<hbm>>
        tpu.enqueue_dma source(%dma_start3A_40 : memref<128x128xf32, #tpu.memory_space<hbm>>) target(%dma_start3A_38 : memref<128x128xf32, #tpu.memory_space<vmem_shared>>) target_semaphore(%run_scoped3A : memref<!tpu.dma_semaphore, #tpu.memory_space<semaphore_mem>>)
        %dma_wait3A = arith.constant 0 : i32
        %dma_wait3A_41 = tpu.memref_slice %arg12[%add3A_35, %dma_wait3A] : memref<10248x128xf32, #tpu.memory_space<vmem_shared>> -> memref<128x128xf32, #tpu.memory_space<vmem_shared>>
        %dma_wait3A_42 = arith.constant 0 : i32
        %dma_wait3A_43 = tpu.memref_slice %arg2[%add3A_35, %dma_wait3A_42] : memref<10240x128xf32, #tpu.memory_space<hbm>> -> memref<128x128xf32, #tpu.memory_space<hbm>>
        tpu.wait_dma2 semaphore(%run_scoped3A : memref<!tpu.dma_semaphore, #tpu.memory_space<semaphore_mem>>) src(%dma_wait3A_43 : memref<128x128xf32, #tpu.memory_space<hbm>>) dst(%dma_wait3A_41 : memref<128x128xf32, #tpu.memory_space<vmem_shared>>)
        tpu.yield
      }) : () -> ()
      %add3A_36 = arith.constant 512 : i32
      %add3A_37 = arith.addi %mul3A_0, %add3A_36 : i32
      "tpu.region"() ({
        %run_scoped3A = tpu.sem_alloc : memref<!tpu.dma_semaphore, #tpu.memory_space<semaphore_mem>>
        %dma_start3A = arith.constant 0 : i32
        %dma_start3A_38 = tpu.memref_slice %arg12[%add3A_37, %dma_start3A] : memref<10248x128xf32, #tpu.memory_space<vmem_shared>> -> memref<128x128xf32, #tpu.memory_space<vmem_shared>>
        %dma_start3A_39 = arith.constant 0 : i32
        %dma_start3A_40 = tpu.memref_slice %arg2[%add3A_37, %dma_start3A_39] : memref<10240x128xf32, #tpu.memory_space<hbm>> -> memref<128x128xf32, #tpu.memory_space<hbm>>
        tpu.enqueue_dma source(%dma_start3A_40 : memref<128x128xf32, #tpu.memory_space<hbm>>) target(%dma_start3A_38 : memref<128x128xf32, #tpu.memory_space<vmem_shared>>) target_semaphore(%run_scoped3A : memref<!tpu.dma_semaphore, #tpu.memory_space<semaphore_mem>>)
        %dma_wait3A = arith.constant 0 : i32
        %dma_wait3A_41 = tpu.memref_slice %arg12[%add3A_37, %dma_wait3A] : memref<10248x128xf32, #tpu.memory_space<vmem_shared>> -> memref<128x128xf32, #tpu.memory_space<vmem_shared>>
        %dma_wait3A_42 = arith.constant 0 : i32
        %dma_wait3A_43 = tpu.memref_slice %arg2[%add3A_37, %dma_wait3A_42] : memref<10240x128xf32, #tpu.memory_space<hbm>> -> memref<128x128xf32, #tpu.memory_space<hbm>>
        tpu.wait_dma2 semaphore(%run_scoped3A : memref<!tpu.dma_semaphore, #tpu.memory_space<semaphore_mem>>) src(%dma_wait3A_43 : memref<128x128xf32, #tpu.memory_space<hbm>>) dst(%dma_wait3A_41 : memref<128x128xf32, #tpu.memory_space<vmem_shared>>)
        tpu.yield
      }) : () -> ()
    } else {
    }
    %eq3A_3 = arith.constant 1 : i32
    %eq3A_4 = arith.cmpi eq, %arg0, %eq3A_3 : i32
    %convert_element_type3A_5 = arith.extui %eq3A_4 : i1 to i32
    %cond3A_6 = arith.constant 0 : i32
    %cond3A_7 = arith.cmpi ne, %convert_element_type3A_5, %cond3A_6 : i32
    scf.if %cond3A_7 {
      %add3A_28 = arith.constant 0 : i32
      %add3A_29 = arith.addi %mul3A_0, %add3A_28 : i32
      "tpu.region"() ({
        %run_scoped3A = tpu.sem_alloc : memref<!tpu.dma_semaphore, #tpu.memory_space<semaphore_mem>>
        %dma_start3A = arith.constant 0 : i32
        %dma_start3A_38 = tpu.memref_slice %arg12[%add3A_29, %dma_start3A] : memref<10248x128xf32, #tpu.memory_space<vmem_shared>> -> memref<128x128xf32, #tpu.memory_space<vmem_shared>>
        %dma_start3A_39 = arith.constant 0 : i32
        %dma_start3A_40 = tpu.memref_slice %arg3[%add3A_29, %dma_start3A_39] : memref<10240x128xf32, #tpu.memory_space<hbm>> -> memref<128x128xf32, #tpu.memory_space<hbm>>
        tpu.enqueue_dma source(%dma_start3A_40 : memref<128x128xf32, #tpu.memory_space<hbm>>) target(%dma_start3A_38 : memref<128x128xf32, #tpu.memory_space<vmem_shared>>) target_semaphore(%run_scoped3A : memref<!tpu.dma_semaphore, #tpu.memory_space<semaphore_mem>>)
        %dma_wait3A = arith.constant 0 : i32
        %dma_wait3A_41 = tpu.memref_slice %arg12[%add3A_29, %dma_wait3A] : memref<10248x128xf32, #tpu.memory_space<vmem_shared>> -> memref<128x128xf32, #tpu.memory_space<vmem_shared>>
        %dma_wait3A_42 = arith.constant 0 : i32
        %dma_wait3A_43 = tpu.memref_slice %arg3[%add3A_29, %dma_wait3A_42] : memref<10240x128xf32, #tpu.memory_space<hbm>> -> memref<128x128xf32, #tpu.memory_space<hbm>>
        tpu.wait_dma2 semaphore(%run_scoped3A : memref<!tpu.dma_semaphore, #tpu.memory_space<semaphore_mem>>) src(%dma_wait3A_43 : memref<128x128xf32, #tpu.memory_space<hbm>>) dst(%dma_wait3A_41 : memref<128x128xf32, #tpu.memory_space<vmem_shared>>)
        tpu.yield
      }) : () -> ()
      %add3A_30 = arith.constant 128 : i32
      %add3A_31 = arith.addi %mul3A_0, %add3A_30 : i32
      "tpu.region"() ({
        %run_scoped3A = tpu.sem_alloc : memref<!tpu.dma_semaphore, #tpu.memory_space<semaphore_mem>>
        %dma_start3A = arith.constant 0 : i32
        %dma_start3A_38 = tpu.memref_slice %arg12[%add3A_31, %dma_start3A] : memref<10248x128xf32, #tpu.memory_space<vmem_shared>> -> memref<128x128xf32, #tpu.memory_space<vmem_shared>>
        %dma_start3A_39 = arith.constant 0 : i32
        %dma_start3A_40 = tpu.memref_slice %arg3[%add3A_31, %dma_start3A_39] : memref<10240x128xf32, #tpu.memory_space<hbm>> -> memref<128x128xf32, #tpu.memory_space<hbm>>
        tpu.enqueue_dma source(%dma_start3A_40 : memref<128x128xf32, #tpu.memory_space<hbm>>) target(%dma_start3A_38 : memref<128x128xf32, #tpu.memory_space<vmem_shared>>) target_semaphore(%run_scoped3A : memref<!tpu.dma_semaphore, #tpu.memory_space<semaphore_mem>>)
        %dma_wait3A = arith.constant 0 : i32
        %dma_wait3A_41 = tpu.memref_slice %arg12[%add3A_31, %dma_wait3A] : memref<10248x128xf32, #tpu.memory_space<vmem_shared>> -> memref<128x128xf32, #tpu.memory_space<vmem_shared>>
        %dma_wait3A_42 = arith.constant 0 : i32
        %dma_wait3A_43 = tpu.memref_slice %arg3[%add3A_31, %dma_wait3A_42] : memref<10240x128xf32, #tpu.memory_space<hbm>> -> memref<128x128xf32, #tpu.memory_space<hbm>>
        tpu.wait_dma2 semaphore(%run_scoped3A : memref<!tpu.dma_semaphore, #tpu.memory_space<semaphore_mem>>) src(%dma_wait3A_43 : memref<128x128xf32, #tpu.memory_space<hbm>>) dst(%dma_wait3A_41 : memref<128x128xf32, #tpu.memory_space<vmem_shared>>)
        tpu.yield
      }) : () -> ()
      %add3A_32 = arith.constant 256 : i32
      %add3A_33 = arith.addi %mul3A_0, %add3A_32 : i32
      "tpu.region"() ({
        %run_scoped3A = tpu.sem_alloc : memref<!tpu.dma_semaphore, #tpu.memory_space<semaphore_mem>>
        %dma_start3A = arith.constant 0 : i32
        %dma_start3A_38 = tpu.memref_slice %arg12[%add3A_33, %dma_start3A] : memref<10248x128xf32, #tpu.memory_space<vmem_shared>> -> memref<128x128xf32, #tpu.memory_space<vmem_shared>>
        %dma_start3A_39 = arith.constant 0 : i32
        %dma_start3A_40 = tpu.memref_slice %arg3[%add3A_33, %dma_start3A_39] : memref<10240x128xf32, #tpu.memory_space<hbm>> -> memref<128x128xf32, #tpu.memory_space<hbm>>
        tpu.enqueue_dma source(%dma_start3A_40 : memref<128x128xf32, #tpu.memory_space<hbm>>) target(%dma_start3A_38 : memref<128x128xf32, #tpu.memory_space<vmem_shared>>) target_semaphore(%run_scoped3A : memref<!tpu.dma_semaphore, #tpu.memory_space<semaphore_mem>>)
        %dma_wait3A = arith.constant 0 : i32
        %dma_wait3A_41 = tpu.memref_slice %arg12[%add3A_33, %dma_wait3A] : memref<10248x128xf32, #tpu.memory_space<vmem_shared>> -> memref<128x128xf32, #tpu.memory_space<vmem_shared>>
        %dma_wait3A_42 = arith.constant 0 : i32
        %dma_wait3A_43 = tpu.memref_slice %arg3[%add3A_33, %dma_wait3A_42] : memref<10240x128xf32, #tpu.memory_space<hbm>> -> memref<128x128xf32, #tpu.memory_space<hbm>>
        tpu.wait_dma2 semaphore(%run_scoped3A : memref<!tpu.dma_semaphore, #tpu.memory_space<semaphore_mem>>) src(%dma_wait3A_43 : memref<128x128xf32, #tpu.memory_space<hbm>>) dst(%dma_wait3A_41 : memref<128x128xf32, #tpu.memory_space<vmem_shared>>)
        tpu.yield
      }) : () -> ()
      %add3A_34 = arith.constant 384 : i32
      %add3A_35 = arith.addi %mul3A_0, %add3A_34 : i32
      "tpu.region"() ({
        %run_scoped3A = tpu.sem_alloc : memref<!tpu.dma_semaphore, #tpu.memory_space<semaphore_mem>>
        %dma_start3A = arith.constant 0 : i32
        %dma_start3A_38 = tpu.memref_slice %arg12[%add3A_35, %dma_start3A] : memref<10248x128xf32, #tpu.memory_space<vmem_shared>> -> memref<128x128xf32, #tpu.memory_space<vmem_shared>>
        %dma_start3A_39 = arith.constant 0 : i32
        %dma_start3A_40 = tpu.memref_slice %arg3[%add3A_35, %dma_start3A_39] : memref<10240x128xf32, #tpu.memory_space<hbm>> -> memref<128x128xf32, #tpu.memory_space<hbm>>
        tpu.enqueue_dma source(%dma_start3A_40 : memref<128x128xf32, #tpu.memory_space<hbm>>) target(%dma_start3A_38 : memref<128x128xf32, #tpu.memory_space<vmem_shared>>) target_semaphore(%run_scoped3A : memref<!tpu.dma_semaphore, #tpu.memory_space<semaphore_mem>>)
        %dma_wait3A = arith.constant 0 : i32
        %dma_wait3A_41 = tpu.memref_slice %arg12[%add3A_35, %dma_wait3A] : memref<10248x128xf32, #tpu.memory_space<vmem_shared>> -> memref<128x128xf32, #tpu.memory_space<vmem_shared>>
        %dma_wait3A_42 = arith.constant 0 : i32
        %dma_wait3A_43 = tpu.memref_slice %arg3[%add3A_35, %dma_wait3A_42] : memref<10240x128xf32, #tpu.memory_space<hbm>> -> memref<128x128xf32, #tpu.memory_space<hbm>>
        tpu.wait_dma2 semaphore(%run_scoped3A : memref<!tpu.dma_semaphore, #tpu.memory_space<semaphore_mem>>) src(%dma_wait3A_43 : memref<128x128xf32, #tpu.memory_space<hbm>>) dst(%dma_wait3A_41 : memref<128x128xf32, #tpu.memory_space<vmem_shared>>)
        tpu.yield
      }) : () -> ()
      %add3A_36 = arith.constant 512 : i32
      %add3A_37 = arith.addi %mul3A_0, %add3A_36 : i32
      "tpu.region"() ({
        %run_scoped3A = tpu.sem_alloc : memref<!tpu.dma_semaphore, #tpu.memory_space<semaphore_mem>>
        %dma_start3A = arith.constant 0 : i32
        %dma_start3A_38 = tpu.memref_slice %arg12[%add3A_37, %dma_start3A] : memref<10248x128xf32, #tpu.memory_space<vmem_shared>> -> memref<128x128xf32, #tpu.memory_space<vmem_shared>>
        %dma_start3A_39 = arith.constant 0 : i32
        %dma_start3A_40 = tpu.memref_slice %arg3[%add3A_37, %dma_start3A_39] : memref<10240x128xf32, #tpu.memory_space<hbm>> -> memref<128x128xf32, #tpu.memory_space<hbm>>
        tpu.enqueue_dma source(%dma_start3A_40 : memref<128x128xf32, #tpu.memory_space<hbm>>) target(%dma_start3A_38 : memref<128x128xf32, #tpu.memory_space<vmem_shared>>) target_semaphore(%run_scoped3A : memref<!tpu.dma_semaphore, #tpu.memory_space<semaphore_mem>>)
        %dma_wait3A = arith.constant 0 : i32
        %dma_wait3A_41 = tpu.memref_slice %arg12[%add3A_37, %dma_wait3A] : memref<10248x128xf32, #tpu.memory_space<vmem_shared>> -> memref<128x128xf32, #tpu.memory_space<vmem_shared>>
        %dma_wait3A_42 = arith.constant 0 : i32
        %dma_wait3A_43 = tpu.memref_slice %arg3[%add3A_37, %dma_wait3A_42] : memref<10240x128xf32, #tpu.memory_space<hbm>> -> memref<128x128xf32, #tpu.memory_space<hbm>>
        tpu.wait_dma2 semaphore(%run_scoped3A : memref<!tpu.dma_semaphore, #tpu.memory_space<semaphore_mem>>) src(%dma_wait3A_43 : memref<128x128xf32, #tpu.memory_space<hbm>>) dst(%dma_wait3A_41 : memref<128x128xf32, #tpu.memory_space<vmem_shared>>)
        tpu.yield
      }) : () -> ()
    } else {
    }
    "tpu.region"() ({
      %run_scoped3A = tpu.sem_alloc : memref<!tpu.dma_semaphore, #tpu.memory_space<semaphore_mem>>
      %dma_start3A = arith.constant 0 : i32
      %dma_start3A_28 = arith.constant 0 : i32
      %dma_start3A_29 = tpu.memref_slice %arg5[%arg1, %dma_start3A, %dma_start3A_28] : memref<16x80x128xi32, #tpu.memory_space<hbm>> -> memref<1x80x128xi32, #tpu.memory_space<hbm>>
      %dma_start3A_30 = tpu.memref_squeeze %dma_start3A_29 : memref<1x80x128xi32, #tpu.memory_space<hbm>> -> memref<80x128xi32, #tpu.memory_space<hbm>>
      %dma_start3A_31 = arith.constant 0 : i32
      %dma_start3A_32 = arith.constant 0 : i32
      %dma_start3A_33 = tpu.memref_slice %arg5[%arg1, %dma_start3A_31, %dma_start3A_32] : memref<16x80x128xi32, #tpu.memory_space<hbm>> -> memref<1x80x128xi32, #tpu.memory_space<hbm>>
      %dma_start3A_34 = tpu.memref_squeeze %dma_start3A_33 : memref<1x80x128xi32, #tpu.memory_space<hbm>> -> memref<80x128xi32, #tpu.memory_space<hbm>>
      tpu.enqueue_dma source(%dma_start3A_34 : memref<80x128xi32, #tpu.memory_space<hbm>>) target(%arg9 : memref<80x128xi32, #tpu.memory_space<vmem>>) target_semaphore(%run_scoped3A : memref<!tpu.dma_semaphore, #tpu.memory_space<semaphore_mem>>)
      %dma_wait3A = arith.constant 0 : i32
      %dma_wait3A_35 = arith.constant 0 : i32
      %dma_wait3A_36 = tpu.memref_slice %arg5[%arg1, %dma_wait3A, %dma_wait3A_35] : memref<16x80x128xi32, #tpu.memory_space<hbm>> -> memref<1x80x128xi32, #tpu.memory_space<hbm>>
      %dma_wait3A_37 = tpu.memref_squeeze %dma_wait3A_36 : memref<1x80x128xi32, #tpu.memory_space<hbm>> -> memref<80x128xi32, #tpu.memory_space<hbm>>
      %dma_wait3A_38 = arith.constant 0 : i32
      %dma_wait3A_39 = arith.constant 0 : i32
      %dma_wait3A_40 = tpu.memref_slice %arg5[%arg1, %dma_wait3A_38, %dma_wait3A_39] : memref<16x80x128xi32, #tpu.memory_space<hbm>> -> memref<1x80x128xi32, #tpu.memory_space<hbm>>
      %dma_wait3A_41 = tpu.memref_squeeze %dma_wait3A_40 : memref<1x80x128xi32, #tpu.memory_space<hbm>> -> memref<80x128xi32, #tpu.memory_space<hbm>>
      tpu.wait_dma2 semaphore(%run_scoped3A : memref<!tpu.dma_semaphore, #tpu.memory_space<semaphore_mem>>) src(%dma_wait3A_41 : memref<80x128xi32, #tpu.memory_space<hbm>>) dst(%arg9 : memref<80x128xi32, #tpu.memory_space<vmem>>)
      tpu.yield
    }) : () -> ()
    %barrier3A = arith.constant 0 : index
    tpu.barrier barrier_id(%barrier3A)
    %eq3A_8 = arith.constant 0 : i32
    %eq3A_9 = arith.cmpi eq, %arg0, %eq3A_8 : i32
    %convert_element_type3A_10 = arith.extui %eq3A_9 : i1 to i32
    %cond3A_11 = arith.constant 0 : i32
    %cond3A_12 = arith.cmpi ne, %convert_element_type3A_10, %cond3A_11 : i32
    scf.if %cond3A_12 {
      %mul3A_28 = arith.constant 80 : i32
      %mul3A_29 = arith.muli %arg1, %mul3A_28 : i32
      %add3A_30 = arith.constant 0 : i32
      %add3A_31 = arith.addi %mul3A_29, %add3A_30 : i32
      %mul3A_32 = arith.constant 128 : i32
      %mul3A_33 = arith.muli %add3A_31, %mul3A_32 : i32
      "tpu.region"() ({
        %run_scoped3A_56 = tpu.sem_alloc : memref<!tpu.dma_semaphore, #tpu.memory_space<semaphore_mem>>
        %dma_start3A_57 = tpu.memref_slice %arg4[%mul3A_33] : memref<163840xi32, #tpu.memory_space<hbm>> -> memref<128xi32, #tpu.memory_space<hbm>>
        %dma_start3A_58 = tpu.memref_slice %arg4[%mul3A_33] : memref<163840xi32, #tpu.memory_space<hbm>> -> memref<128xi32, #tpu.memory_space<hbm>>
        tpu.enqueue_dma source(%dma_start3A_58 : memref<128xi32, #tpu.memory_space<hbm>>) target(%arg7 : memref<128xi32, #tpu.memory_space<vmem>>) target_semaphore(%run_scoped3A_56 : memref<!tpu.dma_semaphore, #tpu.memory_space<semaphore_mem>>)
        %dma_wait3A_59 = tpu.memref_slice %arg4[%mul3A_33] : memref<163840xi32, #tpu.memory_space<hbm>> -> memref<128xi32, #tpu.memory_space<hbm>>
        %dma_wait3A_60 = tpu.memref_slice %arg4[%mul3A_33] : memref<163840xi32, #tpu.memory_space<hbm>> -> memref<128xi32, #tpu.memory_space<hbm>>
        tpu.wait_dma2 semaphore(%run_scoped3A_56 : memref<!tpu.dma_semaphore, #tpu.memory_space<semaphore_mem>>) src(%dma_wait3A_60 : memref<128xi32, #tpu.memory_space<hbm>>) dst(%arg7 : memref<128xi32, #tpu.memory_space<vmem>>)
        tpu.yield
      }) : () -> ()
      %dma_start3A = arith.constant 0 : i32
      %dma_start3A_34 = arith.constant 0 : i32
      %dma_start3A_35 = tpu.memref_slice %arg2[%dma_start3A, %dma_start3A_34] : memref<10240x128xf32, #tpu.memory_space<hbm>> -> memref<10240x128xf32, #tpu.memory_space<hbm>>
      tpu.enqueue_indirect_dma source(%dma_start3A_35 : memref<10240x128xf32, #tpu.memory_space<hbm>>) target(%arg10 : memref<128x128xf32, #tpu.memory_space<vmem>>) offsets(%arg7 : memref<128xi32, #tpu.memory_space<vmem>>) semaphore(%arg13 : memref<!tpu.dma_semaphore, #tpu.memory_space<semaphore_mem>>)
      %mul3A_36 = arith.constant 80 : i32
      %mul3A_37 = arith.muli %arg1, %mul3A_36 : i32
      %add3A_38 = arith.constant 1 : i32
      %add3A_39 = arith.addi %mul3A_37, %add3A_38 : i32
      %mul3A_40 = arith.constant 128 : i32
      %mul3A_41 = arith.muli %add3A_39, %mul3A_40 : i32
      "tpu.region"() ({
        %run_scoped3A_56 = tpu.sem_alloc : memref<!tpu.dma_semaphore, #tpu.memory_space<semaphore_mem>>
        %dma_start3A_57 = tpu.memref_slice %arg4[%mul3A_41] : memref<163840xi32, #tpu.memory_space<hbm>> -> memref<128xi32, #tpu.memory_space<hbm>>
        %dma_start3A_58 = tpu.memref_slice %arg4[%mul3A_41] : memref<163840xi32, #tpu.memory_space<hbm>> -> memref<128xi32, #tpu.memory_space<hbm>>
        tpu.enqueue_dma source(%dma_start3A_58 : memref<128xi32, #tpu.memory_space<hbm>>) target(%arg8 : memref<128xi32, #tpu.memory_space<vmem>>) target_semaphore(%run_scoped3A_56 : memref<!tpu.dma_semaphore, #tpu.memory_space<semaphore_mem>>)
        %dma_wait3A_59 = tpu.memref_slice %arg4[%mul3A_41] : memref<163840xi32, #tpu.memory_space<hbm>> -> memref<128xi32, #tpu.memory_space<hbm>>
        %dma_wait3A_60 = tpu.memref_slice %arg4[%mul3A_41] : memref<163840xi32, #tpu.memory_space<hbm>> -> memref<128xi32, #tpu.memory_space<hbm>>
        tpu.wait_dma2 semaphore(%run_scoped3A_56 : memref<!tpu.dma_semaphore, #tpu.memory_space<semaphore_mem>>) src(%dma_wait3A_60 : memref<128xi32, #tpu.memory_space<hbm>>) dst(%arg8 : memref<128xi32, #tpu.memory_space<vmem>>)
        tpu.yield
      }) : () -> ()
      %dma_start3A_42 = arith.constant 0 : i32
      %dma_start3A_43 = arith.constant 0 : i32
      %dma_start3A_44 = tpu.memref_slice %arg2[%dma_start3A_42, %dma_start3A_43] : memref<10240x128xf32, #tpu.memory_space<hbm>> -> memref<10240x128xf32, #tpu.memory_space<hbm>>
      tpu.enqueue_indirect_dma source(%dma_start3A_44 : memref<10240x128xf32, #tpu.memory_space<hbm>>) target(%arg11 : memref<128x128xf32, #tpu.memory_space<vmem>>) offsets(%arg8 : memref<128xi32, #tpu.memory_space<vmem>>) semaphore(%arg14 : memref<!tpu.dma_semaphore, #tpu.memory_space<semaphore_mem>>)
      %scan3A = arith.constant 0 : i32
      %scan3A_45 = arith.constant 0 : i32
      %scan3A_46 = arith.constant 39 : i32
      %scan3A_47 = arith.addi %scan3A_45, %scan3A_46 : i32
      %scan3A_48 = arith.constant 1 : i32
      scf.for %scan3A_56 = %scan3A_45 to %scan3A_47 step %scan3A_48  : i32 {
        %mul3A_57 = arith.constant 2 : i32
        %mul3A_58 = arith.muli %mul3A_57, %scan3A_56 : i32
        %dma_wait3A_59 = arith.constant 0 : i32
        %dma_wait3A_60 = arith.constant 0 : i32
        %dma_wait3A_61 = tpu.memref_slice %arg2[%dma_wait3A_59, %dma_wait3A_60] : memref<10240x128xf32, #tpu.memory_space<hbm>> -> memref<10240x128xf32, #tpu.memory_space<hbm>>
        tpu.wait_indirect_dma semaphore(%arg13 : memref<!tpu.dma_semaphore, #tpu.memory_space<semaphore_mem>>) src(%dma_wait3A_61 : memref<10240x128xf32, #tpu.memory_space<hbm>>) dst(%arg10 : memref<128x128xf32, #tpu.memory_space<vmem>>)
        "tpu.region"() ({
          %run_scoped3A_87 = tpu.sem_alloc : memref<!tpu.dma_semaphore, #tpu.memory_space<semaphore_mem>>
          %dma_start3A_88 = arith.constant 0 : i32
          %dma_start3A_89 = tpu.memref_slice %arg9[%mul3A_58, %dma_start3A_88] : memref<80x128xi32, #tpu.memory_space<vmem>> -> memref<1x128xi32, #tpu.memory_space<vmem>>
          %dma_start3A_90 = tpu.memref_squeeze %dma_start3A_89 : memref<1x128xi32, #tpu.memory_space<vmem>> -> memref<128xi32, #tpu.memory_space<vmem>>
          %dma_start3A_91 = arith.constant 0 : i32
          %dma_start3A_92 = arith.constant 0 : i32
          %dma_start3A_93 = tpu.memref_slice %arg12[%dma_start3A_91, %dma_start3A_92] : memref<10248x128xf32, #tpu.memory_space<vmem_shared>> -> memref<10248x128xf32, #tpu.memory_space<vmem_shared>>
          tpu.enqueue_indirect_dma source(%arg10 : memref<128x128xf32, #tpu.memory_space<vmem>>) target(%dma_start3A_93 : memref<10248x128xf32, #tpu.memory_space<vmem_shared>>) offsets(%dma_start3A_90 : memref<128xi32, #tpu.memory_space<vmem>>) semaphore(%run_scoped3A_87 : memref<!tpu.dma_semaphore, #tpu.memory_space<semaphore_mem>>) {add = true}
          %dma_wait3A_94 = arith.constant 0 : i32
          %dma_wait3A_95 = tpu.memref_slice %arg9[%mul3A_58, %dma_wait3A_94] : memref<80x128xi32, #tpu.memory_space<vmem>> -> memref<1x128xi32, #tpu.memory_space<vmem>>
          %dma_wait3A_96 = tpu.memref_squeeze %dma_wait3A_95 : memref<1x128xi32, #tpu.memory_space<vmem>> -> memref<128xi32, #tpu.memory_space<vmem>>
          %dma_wait3A_97 = arith.constant 0 : i32
          %dma_wait3A_98 = arith.constant 0 : i32
          %dma_wait3A_99 = tpu.memref_slice %arg12[%dma_wait3A_97, %dma_wait3A_98] : memref<10248x128xf32, #tpu.memory_space<vmem_shared>> -> memref<10248x128xf32, #tpu.memory_space<vmem_shared>>
          tpu.wait_indirect_dma semaphore(%run_scoped3A_87 : memref<!tpu.dma_semaphore, #tpu.memory_space<semaphore_mem>>) src(%arg10 : memref<128x128xf32, #tpu.memory_space<vmem>>) dst(%dma_wait3A_99 : memref<10248x128xf32, #tpu.memory_space<vmem_shared>>)
          tpu.yield
        }) : () -> ()
        %add3A_62 = arith.constant 2 : i32
        %add3A_63 = arith.addi %mul3A_58, %add3A_62 : i32
        %mul3A_64 = arith.constant 80 : i32
        %mul3A_65 = arith.muli %arg1, %mul3A_64 : i32
        %add3A_66 = arith.addi %mul3A_65, %add3A_63 : i32
        %mul3A_67 = arith.constant 128 : i32
        %mul3A_68 = arith.muli %add3A_66, %mul3A_67 : i32
        "tpu.region"() ({
          %run_scoped3A_87 = tpu.sem_alloc : memref<!tpu.dma_semaphore, #tpu.memory_space<semaphore_mem>>
          %dma_start3A_88 = tpu.memref_slice %arg4[%mul3A_68] : memref<163840xi32, #tpu.memory_space<hbm>> -> memref<128xi32, #tpu.memory_space<hbm>>
          %dma_start3A_89 = tpu.memref_slice %arg4[%mul3A_68] : memref<163840xi32, #tpu.memory_space<hbm>> -> memref<128xi32, #tpu.memory_space<hbm>>
          tpu.enqueue_dma source(%dma_start3A_89 : memref<128xi32, #tpu.memory_space<hbm>>) target(%arg7 : memref<128xi32, #tpu.memory_space<vmem>>) target_semaphore(%run_scoped3A_87 : memref<!tpu.dma_semaphore, #tpu.memory_space<semaphore_mem>>)
          %dma_wait3A_90 = tpu.memref_slice %arg4[%mul3A_68] : memref<163840xi32, #tpu.memory_space<hbm>> -> memref<128xi32, #tpu.memory_space<hbm>>
          %dma_wait3A_91 = tpu.memref_slice %arg4[%mul3A_68] : memref<163840xi32, #tpu.memory_space<hbm>> -> memref<128xi32, #tpu.memory_space<hbm>>
          tpu.wait_dma2 semaphore(%run_scoped3A_87 : memref<!tpu.dma_semaphore, #tpu.memory_space<semaphore_mem>>) src(%dma_wait3A_91 : memref<128xi32, #tpu.memory_space<hbm>>) dst(%arg7 : memref<128xi32, #tpu.memory_space<vmem>>)
          tpu.yield
        }) : () -> ()
        %dma_start3A_69 = arith.constant 0 : i32
        %dma_start3A_70 = arith.constant 0 : i32
        %dma_start3A_71 = tpu.memref_slice %arg2[%dma_start3A_69, %dma_start3A_70] : memref<10240x128xf32, #tpu.memory_space<hbm>> -> memref<10240x128xf32, #tpu.memory_space<hbm>>
        tpu.enqueue_indirect_dma source(%dma_start3A_71 : memref<10240x128xf32, #tpu.memory_space<hbm>>) target(%arg10 : memref<128x128xf32, #tpu.memory_space<vmem>>) offsets(%arg7 : memref<128xi32, #tpu.memory_space<vmem>>) semaphore(%arg13 : memref<!tpu.dma_semaphore, #tpu.memory_space<semaphore_mem>>)
        %add3A_72 = arith.constant 1 : i32
        %add3A_73 = arith.addi %mul3A_58, %add3A_72 : i32
        %dma_wait3A_74 = arith.constant 0 : i32
        %dma_wait3A_75 = arith.constant 0 : i32
        %dma_wait3A_76 = tpu.memref_slice %arg2[%dma_wait3A_74, %dma_wait3A_75] : memref<10240x128xf32, #tpu.memory_space<hbm>> -> memref<10240x128xf32, #tpu.memory_space<hbm>>
        tpu.wait_indirect_dma semaphore(%arg14 : memref<!tpu.dma_semaphore, #tpu.memory_space<semaphore_mem>>) src(%dma_wait3A_76 : memref<10240x128xf32, #tpu.memory_space<hbm>>) dst(%arg11 : memref<128x128xf32, #tpu.memory_space<vmem>>)
        "tpu.region"() ({
          %run_scoped3A_87 = tpu.sem_alloc : memref<!tpu.dma_semaphore, #tpu.memory_space<semaphore_mem>>
          %dma_start3A_88 = arith.constant 0 : i32
          %dma_start3A_89 = tpu.memref_slice %arg9[%add3A_73, %dma_start3A_88] : memref<80x128xi32, #tpu.memory_space<vmem>> -> memref<1x128xi32, #tpu.memory_space<vmem>>
          %dma_start3A_90 = tpu.memref_squeeze %dma_start3A_89 : memref<1x128xi32, #tpu.memory_space<vmem>> -> memref<128xi32, #tpu.memory_space<vmem>>
          %dma_start3A_91 = arith.constant 0 : i32
          %dma_start3A_92 = arith.constant 0 : i32
          %dma_start3A_93 = tpu.memref_slice %arg12[%dma_start3A_91, %dma_start3A_92] : memref<10248x128xf32, #tpu.memory_space<vmem_shared>> -> memref<10248x128xf32, #tpu.memory_space<vmem_shared>>
          tpu.enqueue_indirect_dma source(%arg11 : memref<128x128xf32, #tpu.memory_space<vmem>>) target(%dma_start3A_93 : memref<10248x128xf32, #tpu.memory_space<vmem_shared>>) offsets(%dma_start3A_90 : memref<128xi32, #tpu.memory_space<vmem>>) semaphore(%run_scoped3A_87 : memref<!tpu.dma_semaphore, #tpu.memory_space<semaphore_mem>>) {add = true}
          %dma_wait3A_94 = arith.constant 0 : i32
          %dma_wait3A_95 = tpu.memref_slice %arg9[%add3A_73, %dma_wait3A_94] : memref<80x128xi32, #tpu.memory_space<vmem>> -> memref<1x128xi32, #tpu.memory_space<vmem>>
          %dma_wait3A_96 = tpu.memref_squeeze %dma_wait3A_95 : memref<1x128xi32, #tpu.memory_space<vmem>> -> memref<128xi32, #tpu.memory_space<vmem>>
          %dma_wait3A_97 = arith.constant 0 : i32
          %dma_wait3A_98 = arith.constant 0 : i32
          %dma_wait3A_99 = tpu.memref_slice %arg12[%dma_wait3A_97, %dma_wait3A_98] : memref<10248x128xf32, #tpu.memory_space<vmem_shared>> -> memref<10248x128xf32, #tpu.memory_space<vmem_shared>>
          tpu.wait_indirect_dma semaphore(%run_scoped3A_87 : memref<!tpu.dma_semaphore, #tpu.memory_space<semaphore_mem>>) src(%arg11 : memref<128x128xf32, #tpu.memory_space<vmem>>) dst(%dma_wait3A_99 : memref<10248x128xf32, #tpu.memory_space<vmem_shared>>)
          tpu.yield
        }) : () -> ()
        %add3A_77 = arith.constant 3 : i32
        %add3A_78 = arith.addi %mul3A_58, %add3A_77 : i32
        %mul3A_79 = arith.constant 80 : i32
        %mul3A_80 = arith.muli %arg1, %mul3A_79 : i32
        %add3A_81 = arith.addi %mul3A_80, %add3A_78 : i32
        %mul3A_82 = arith.constant 128 : i32
        %mul3A_83 = arith.muli %add3A_81, %mul3A_82 : i32
        "tpu.region"() ({
          %run_scoped3A_87 = tpu.sem_alloc : memref<!tpu.dma_semaphore, #tpu.memory_space<semaphore_mem>>
          %dma_start3A_88 = tpu.memref_slice %arg4[%mul3A_83] : memref<163840xi32, #tpu.memory_space<hbm>> -> memref<128xi32, #tpu.memory_space<hbm>>
          %dma_start3A_89 = tpu.memref_slice %arg4[%mul3A_83] : memref<163840xi32, #tpu.memory_space<hbm>> -> memref<128xi32, #tpu.memory_space<hbm>>
          tpu.enqueue_dma source(%dma_start3A_89 : memref<128xi32, #tpu.memory_space<hbm>>) target(%arg8 : memref<128xi32, #tpu.memory_space<vmem>>) target_semaphore(%run_scoped3A_87 : memref<!tpu.dma_semaphore, #tpu.memory_space<semaphore_mem>>)
          %dma_wait3A_90 = tpu.memref_slice %arg4[%mul3A_83] : memref<163840xi32, #tpu.memory_space<hbm>> -> memref<128xi32, #tpu.memory_space<hbm>>
          %dma_wait3A_91 = tpu.memref_slice %arg4[%mul3A_83] : memref<163840xi32, #tpu.memory_space<hbm>> -> memref<128xi32, #tpu.memory_space<hbm>>
          tpu.wait_dma2 semaphore(%run_scoped3A_87 : memref<!tpu.dma_semaphore, #tpu.memory_space<semaphore_mem>>) src(%dma_wait3A_91 : memref<128xi32, #tpu.memory_space<hbm>>) dst(%arg8 : memref<128xi32, #tpu.memory_space<vmem>>)
          tpu.yield
        }) : () -> ()
        %dma_start3A_84 = arith.constant 0 : i32
        %dma_start3A_85 = arith.constant 0 : i32
        %dma_start3A_86 = tpu.memref_slice %arg2[%dma_start3A_84, %dma_start3A_85] : memref<10240x128xf32, #tpu.memory_space<hbm>> -> memref<10240x128xf32, #tpu.memory_space<hbm>>
        tpu.enqueue_indirect_dma source(%dma_start3A_86 : memref<10240x128xf32, #tpu.memory_space<hbm>>) target(%arg11 : memref<128x128xf32, #tpu.memory_space<vmem>>) offsets(%arg8 : memref<128xi32, #tpu.memory_space<vmem>>) semaphore(%arg14 : memref<!tpu.dma_semaphore, #tpu.memory_space<semaphore_mem>>)
      }
      %scan3A_49 = arith.constant 39 : i32
      %dma_wait3A = arith.constant 0 : i32
      %dma_wait3A_50 = arith.constant 0 : i32
      %dma_wait3A_51 = tpu.memref_slice %arg2[%dma_wait3A, %dma_wait3A_50] : memref<10240x128xf32, #tpu.memory_space<hbm>> -> memref<10240x128xf32, #tpu.memory_space<hbm>>
      tpu.wait_indirect_dma semaphore(%arg13 : memref<!tpu.dma_semaphore, #tpu.memory_space<semaphore_mem>>) src(%dma_wait3A_51 : memref<10240x128xf32, #tpu.memory_space<hbm>>) dst(%arg10 : memref<128x128xf32, #tpu.memory_space<vmem>>)
      %run_scoped3A = arith.constant 78 : i32
      "tpu.region"() ({
        %run_scoped3A_56 = tpu.sem_alloc : memref<!tpu.dma_semaphore, #tpu.memory_space<semaphore_mem>>
        %dma_start3A_57 = arith.constant 0 : i32
        %dma_start3A_58 = tpu.memref_slice %arg9[%run_scoped3A, %dma_start3A_57] : memref<80x128xi32, #tpu.memory_space<vmem>> -> memref<1x128xi32, #tpu.memory_space<vmem>>
        %dma_start3A_59 = tpu.memref_squeeze %dma_start3A_58 : memref<1x128xi32, #tpu.memory_space<vmem>> -> memref<128xi32, #tpu.memory_space<vmem>>
        %dma_start3A_60 = arith.constant 0 : i32
        %dma_start3A_61 = arith.constant 0 : i32
        %dma_start3A_62 = tpu.memref_slice %arg12[%dma_start3A_60, %dma_start3A_61] : memref<10248x128xf32, #tpu.memory_space<vmem_shared>> -> memref<10248x128xf32, #tpu.memory_space<vmem_shared>>
        tpu.enqueue_indirect_dma source(%arg10 : memref<128x128xf32, #tpu.memory_space<vmem>>) target(%dma_start3A_62 : memref<10248x128xf32, #tpu.memory_space<vmem_shared>>) offsets(%dma_start3A_59 : memref<128xi32, #tpu.memory_space<vmem>>) semaphore(%run_scoped3A_56 : memref<!tpu.dma_semaphore, #tpu.memory_space<semaphore_mem>>) {add = true}
        %dma_wait3A_63 = arith.constant 0 : i32
        %dma_wait3A_64 = tpu.memref_slice %arg9[%run_scoped3A, %dma_wait3A_63] : memref<80x128xi32, #tpu.memory_space<vmem>> -> memref<1x128xi32, #tpu.memory_space<vmem>>
        %dma_wait3A_65 = tpu.memref_squeeze %dma_wait3A_64 : memref<1x128xi32, #tpu.memory_space<vmem>> -> memref<128xi32, #tpu.memory_space<vmem>>
        %dma_wait3A_66 = arith.constant 0 : i32
        %dma_wait3A_67 = arith.constant 0 : i32
        %dma_wait3A_68 = tpu.memref_slice %arg12[%dma_wait3A_66, %dma_wait3A_67] : memref<10248x128xf32, #tpu.memory_space<vmem_shared>> -> memref<10248x128xf32, #tpu.memory_space<vmem_shared>>
        tpu.wait_indirect_dma semaphore(%run_scoped3A_56 : memref<!tpu.dma_semaphore, #tpu.memory_space<semaphore_mem>>) src(%arg10 : memref<128x128xf32, #tpu.memory_space<vmem>>) dst(%dma_wait3A_68 : memref<10248x128xf32, #tpu.memory_space<vmem_shared>>)
        tpu.yield
      }) : () -> ()
      %dma_wait3A_52 = arith.constant 0 : i32
      %dma_wait3A_53 = arith.constant 0 : i32
      %dma_wait3A_54 = tpu.memref_slice %arg2[%dma_wait3A_52, %dma_wait3A_53] : memref<10240x128xf32, #tpu.memory_space<hbm>> -> memref<10240x128xf32, #tpu.memory_space<hbm>>
      tpu.wait_indirect_dma semaphore(%arg14 : memref<!tpu.dma_semaphore, #tpu.memory_space<semaphore_mem>>) src(%dma_wait3A_54 : memref<10240x128xf32, #tpu.memory_space<hbm>>) dst(%arg11 : memref<128x128xf32, #tpu.memory_space<vmem>>)
      %run_scoped3A_55 = arith.constant 79 : i32
      "tpu.region"() ({
        %run_scoped3A_56 = tpu.sem_alloc : memref<!tpu.dma_semaphore, #tpu.memory_space<semaphore_mem>>
        %dma_start3A_57 = arith.constant 0 : i32
        %dma_start3A_58 = tpu.memref_slice %arg9[%run_scoped3A_55, %dma_start3A_57] : memref<80x128xi32, #tpu.memory_space<vmem>> -> memref<1x128xi32, #tpu.memory_space<vmem>>
        %dma_start3A_59 = tpu.memref_squeeze %dma_start3A_58 : memref<1x128xi32, #tpu.memory_space<vmem>> -> memref<128xi32, #tpu.memory_space<vmem>>
        %dma_start3A_60 = arith.constant 0 : i32
        %dma_start3A_61 = arith.constant 0 : i32
        %dma_start3A_62 = tpu.memref_slice %arg12[%dma_start3A_60, %dma_start3A_61] : memref<10248x128xf32, #tpu.memory_space<vmem_shared>> -> memref<10248x128xf32, #tpu.memory_space<vmem_shared>>
        tpu.enqueue_indirect_dma source(%arg11 : memref<128x128xf32, #tpu.memory_space<vmem>>) target(%dma_start3A_62 : memref<10248x128xf32, #tpu.memory_space<vmem_shared>>) offsets(%dma_start3A_59 : memref<128xi32, #tpu.memory_space<vmem>>) semaphore(%run_scoped3A_56 : memref<!tpu.dma_semaphore, #tpu.memory_space<semaphore_mem>>) {add = true}
        %dma_wait3A_63 = arith.constant 0 : i32
        %dma_wait3A_64 = tpu.memref_slice %arg9[%run_scoped3A_55, %dma_wait3A_63] : memref<80x128xi32, #tpu.memory_space<vmem>> -> memref<1x128xi32, #tpu.memory_space<vmem>>
        %dma_wait3A_65 = tpu.memref_squeeze %dma_wait3A_64 : memref<1x128xi32, #tpu.memory_space<vmem>> -> memref<128xi32, #tpu.memory_space<vmem>>
        %dma_wait3A_66 = arith.constant 0 : i32
        %dma_wait3A_67 = arith.constant 0 : i32
        %dma_wait3A_68 = tpu.memref_slice %arg12[%dma_wait3A_66, %dma_wait3A_67] : memref<10248x128xf32, #tpu.memory_space<vmem_shared>> -> memref<10248x128xf32, #tpu.memory_space<vmem_shared>>
        tpu.wait_indirect_dma semaphore(%run_scoped3A_56 : memref<!tpu.dma_semaphore, #tpu.memory_space<semaphore_mem>>) src(%arg11 : memref<128x128xf32, #tpu.memory_space<vmem>>) dst(%dma_wait3A_68 : memref<10248x128xf32, #tpu.memory_space<vmem_shared>>)
        tpu.yield
      }) : () -> ()
    } else {
    }
    %eq3A_13 = arith.constant 1 : i32
    %eq3A_14 = arith.cmpi eq, %arg0, %eq3A_13 : i32
    %convert_element_type3A_15 = arith.extui %eq3A_14 : i1 to i32
    %cond3A_16 = arith.constant 0 : i32
    %cond3A_17 = arith.cmpi ne, %convert_element_type3A_15, %cond3A_16 : i32
    scf.if %cond3A_17 {
      %mul3A_28 = arith.constant 80 : i32
      %mul3A_29 = arith.muli %arg1, %mul3A_28 : i32
      %add3A_30 = arith.constant 0 : i32
      %add3A_31 = arith.addi %mul3A_29, %add3A_30 : i32
      %mul3A_32 = arith.constant 128 : i32
      %mul3A_33 = arith.muli %add3A_31, %mul3A_32 : i32
      "tpu.region"() ({
        %run_scoped3A_56 = tpu.sem_alloc : memref<!tpu.dma_semaphore, #tpu.memory_space<semaphore_mem>>
        %dma_start3A_57 = tpu.memref_slice %arg4[%mul3A_33] : memref<163840xi32, #tpu.memory_space<hbm>> -> memref<128xi32, #tpu.memory_space<hbm>>
        %dma_start3A_58 = tpu.memref_slice %arg4[%mul3A_33] : memref<163840xi32, #tpu.memory_space<hbm>> -> memref<128xi32, #tpu.memory_space<hbm>>
        tpu.enqueue_dma source(%dma_start3A_58 : memref<128xi32, #tpu.memory_space<hbm>>) target(%arg7 : memref<128xi32, #tpu.memory_space<vmem>>) target_semaphore(%run_scoped3A_56 : memref<!tpu.dma_semaphore, #tpu.memory_space<semaphore_mem>>)
        %dma_wait3A_59 = tpu.memref_slice %arg4[%mul3A_33] : memref<163840xi32, #tpu.memory_space<hbm>> -> memref<128xi32, #tpu.memory_space<hbm>>
        %dma_wait3A_60 = tpu.memref_slice %arg4[%mul3A_33] : memref<163840xi32, #tpu.memory_space<hbm>> -> memref<128xi32, #tpu.memory_space<hbm>>
        tpu.wait_dma2 semaphore(%run_scoped3A_56 : memref<!tpu.dma_semaphore, #tpu.memory_space<semaphore_mem>>) src(%dma_wait3A_60 : memref<128xi32, #tpu.memory_space<hbm>>) dst(%arg7 : memref<128xi32, #tpu.memory_space<vmem>>)
        tpu.yield
      }) : () -> ()
      %dma_start3A = arith.constant 0 : i32
      %dma_start3A_34 = arith.constant 0 : i32
      %dma_start3A_35 = tpu.memref_slice %arg3[%dma_start3A, %dma_start3A_34] : memref<10240x128xf32, #tpu.memory_space<hbm>> -> memref<10240x128xf32, #tpu.memory_space<hbm>>
      tpu.enqueue_indirect_dma source(%dma_start3A_35 : memref<10240x128xf32, #tpu.memory_space<hbm>>) target(%arg10 : memref<128x128xf32, #tpu.memory_space<vmem>>) offsets(%arg7 : memref<128xi32, #tpu.memory_space<vmem>>) semaphore(%arg13 : memref<!tpu.dma_semaphore, #tpu.memory_space<semaphore_mem>>)
      %mul3A_36 = arith.constant 80 : i32
      %mul3A_37 = arith.muli %arg1, %mul3A_36 : i32
      %add3A_38 = arith.constant 1 : i32
      %add3A_39 = arith.addi %mul3A_37, %add3A_38 : i32
      %mul3A_40 = arith.constant 128 : i32
      %mul3A_41 = arith.muli %add3A_39, %mul3A_40 : i32
      "tpu.region"() ({
        %run_scoped3A_56 = tpu.sem_alloc : memref<!tpu.dma_semaphore, #tpu.memory_space<semaphore_mem>>
        %dma_start3A_57 = tpu.memref_slice %arg4[%mul3A_41] : memref<163840xi32, #tpu.memory_space<hbm>> -> memref<128xi32, #tpu.memory_space<hbm>>
        %dma_start3A_58 = tpu.memref_slice %arg4[%mul3A_41] : memref<163840xi32, #tpu.memory_space<hbm>> -> memref<128xi32, #tpu.memory_space<hbm>>
        tpu.enqueue_dma source(%dma_start3A_58 : memref<128xi32, #tpu.memory_space<hbm>>) target(%arg8 : memref<128xi32, #tpu.memory_space<vmem>>) target_semaphore(%run_scoped3A_56 : memref<!tpu.dma_semaphore, #tpu.memory_space<semaphore_mem>>)
        %dma_wait3A_59 = tpu.memref_slice %arg4[%mul3A_41] : memref<163840xi32, #tpu.memory_space<hbm>> -> memref<128xi32, #tpu.memory_space<hbm>>
        %dma_wait3A_60 = tpu.memref_slice %arg4[%mul3A_41] : memref<163840xi32, #tpu.memory_space<hbm>> -> memref<128xi32, #tpu.memory_space<hbm>>
        tpu.wait_dma2 semaphore(%run_scoped3A_56 : memref<!tpu.dma_semaphore, #tpu.memory_space<semaphore_mem>>) src(%dma_wait3A_60 : memref<128xi32, #tpu.memory_space<hbm>>) dst(%arg8 : memref<128xi32, #tpu.memory_space<vmem>>)
        tpu.yield
      }) : () -> ()
      %dma_start3A_42 = arith.constant 0 : i32
      %dma_start3A_43 = arith.constant 0 : i32
      %dma_start3A_44 = tpu.memref_slice %arg3[%dma_start3A_42, %dma_start3A_43] : memref<10240x128xf32, #tpu.memory_space<hbm>> -> memref<10240x128xf32, #tpu.memory_space<hbm>>
      tpu.enqueue_indirect_dma source(%dma_start3A_44 : memref<10240x128xf32, #tpu.memory_space<hbm>>) target(%arg11 : memref<128x128xf32, #tpu.memory_space<vmem>>) offsets(%arg8 : memref<128xi32, #tpu.memory_space<vmem>>) semaphore(%arg14 : memref<!tpu.dma_semaphore, #tpu.memory_space<semaphore_mem>>)
      %scan3A = arith.constant 0 : i32
      %scan3A_45 = arith.constant 0 : i32
      %scan3A_46 = arith.constant 39 : i32
      %scan3A_47 = arith.addi %scan3A_45, %scan3A_46 : i32
      %scan3A_48 = arith.constant 1 : i32
      scf.for %scan3A_56 = %scan3A_45 to %scan3A_47 step %scan3A_48  : i32 {
        %mul3A_57 = arith.constant 2 : i32
        %mul3A_58 = arith.muli %mul3A_57, %scan3A_56 : i32
        %dma_wait3A_59 = arith.constant 0 : i32
        %dma_wait3A_60 = arith.constant 0 : i32
        %dma_wait3A_61 = tpu.memref_slice %arg3[%dma_wait3A_59, %dma_wait3A_60] : memref<10240x128xf32, #tpu.memory_space<hbm>> -> memref<10240x128xf32, #tpu.memory_space<hbm>>
        tpu.wait_indirect_dma semaphore(%arg13 : memref<!tpu.dma_semaphore, #tpu.memory_space<semaphore_mem>>) src(%dma_wait3A_61 : memref<10240x128xf32, #tpu.memory_space<hbm>>) dst(%arg10 : memref<128x128xf32, #tpu.memory_space<vmem>>)
        "tpu.region"() ({
          %run_scoped3A_87 = tpu.sem_alloc : memref<!tpu.dma_semaphore, #tpu.memory_space<semaphore_mem>>
          %dma_start3A_88 = arith.constant 0 : i32
          %dma_start3A_89 = tpu.memref_slice %arg9[%mul3A_58, %dma_start3A_88] : memref<80x128xi32, #tpu.memory_space<vmem>> -> memref<1x128xi32, #tpu.memory_space<vmem>>
          %dma_start3A_90 = tpu.memref_squeeze %dma_start3A_89 : memref<1x128xi32, #tpu.memory_space<vmem>> -> memref<128xi32, #tpu.memory_space<vmem>>
          %dma_start3A_91 = arith.constant 0 : i32
          %dma_start3A_92 = arith.constant 0 : i32
          %dma_start3A_93 = tpu.memref_slice %arg12[%dma_start3A_91, %dma_start3A_92] : memref<10248x128xf32, #tpu.memory_space<vmem_shared>> -> memref<10248x128xf32, #tpu.memory_space<vmem_shared>>
          tpu.enqueue_indirect_dma source(%arg10 : memref<128x128xf32, #tpu.memory_space<vmem>>) target(%dma_start3A_93 : memref<10248x128xf32, #tpu.memory_space<vmem_shared>>) offsets(%dma_start3A_90 : memref<128xi32, #tpu.memory_space<vmem>>) semaphore(%run_scoped3A_87 : memref<!tpu.dma_semaphore, #tpu.memory_space<semaphore_mem>>) {add = true}
          %dma_wait3A_94 = arith.constant 0 : i32
          %dma_wait3A_95 = tpu.memref_slice %arg9[%mul3A_58, %dma_wait3A_94] : memref<80x128xi32, #tpu.memory_space<vmem>> -> memref<1x128xi32, #tpu.memory_space<vmem>>
          %dma_wait3A_96 = tpu.memref_squeeze %dma_wait3A_95 : memref<1x128xi32, #tpu.memory_space<vmem>> -> memref<128xi32, #tpu.memory_space<vmem>>
          %dma_wait3A_97 = arith.constant 0 : i32
          %dma_wait3A_98 = arith.constant 0 : i32
          %dma_wait3A_99 = tpu.memref_slice %arg12[%dma_wait3A_97, %dma_wait3A_98] : memref<10248x128xf32, #tpu.memory_space<vmem_shared>> -> memref<10248x128xf32, #tpu.memory_space<vmem_shared>>
          tpu.wait_indirect_dma semaphore(%run_scoped3A_87 : memref<!tpu.dma_semaphore, #tpu.memory_space<semaphore_mem>>) src(%arg10 : memref<128x128xf32, #tpu.memory_space<vmem>>) dst(%dma_wait3A_99 : memref<10248x128xf32, #tpu.memory_space<vmem_shared>>)
          tpu.yield
        }) : () -> ()
        %add3A_62 = arith.constant 2 : i32
        %add3A_63 = arith.addi %mul3A_58, %add3A_62 : i32
        %mul3A_64 = arith.constant 80 : i32
        %mul3A_65 = arith.muli %arg1, %mul3A_64 : i32
        %add3A_66 = arith.addi %mul3A_65, %add3A_63 : i32
        %mul3A_67 = arith.constant 128 : i32
        %mul3A_68 = arith.muli %add3A_66, %mul3A_67 : i32
        "tpu.region"() ({
          %run_scoped3A_87 = tpu.sem_alloc : memref<!tpu.dma_semaphore, #tpu.memory_space<semaphore_mem>>
          %dma_start3A_88 = tpu.memref_slice %arg4[%mul3A_68] : memref<163840xi32, #tpu.memory_space<hbm>> -> memref<128xi32, #tpu.memory_space<hbm>>
          %dma_start3A_89 = tpu.memref_slice %arg4[%mul3A_68] : memref<163840xi32, #tpu.memory_space<hbm>> -> memref<128xi32, #tpu.memory_space<hbm>>
          tpu.enqueue_dma source(%dma_start3A_89 : memref<128xi32, #tpu.memory_space<hbm>>) target(%arg7 : memref<128xi32, #tpu.memory_space<vmem>>) target_semaphore(%run_scoped3A_87 : memref<!tpu.dma_semaphore, #tpu.memory_space<semaphore_mem>>)
          %dma_wait3A_90 = tpu.memref_slice %arg4[%mul3A_68] : memref<163840xi32, #tpu.memory_space<hbm>> -> memref<128xi32, #tpu.memory_space<hbm>>
          %dma_wait3A_91 = tpu.memref_slice %arg4[%mul3A_68] : memref<163840xi32, #tpu.memory_space<hbm>> -> memref<128xi32, #tpu.memory_space<hbm>>
          tpu.wait_dma2 semaphore(%run_scoped3A_87 : memref<!tpu.dma_semaphore, #tpu.memory_space<semaphore_mem>>) src(%dma_wait3A_91 : memref<128xi32, #tpu.memory_space<hbm>>) dst(%arg7 : memref<128xi32, #tpu.memory_space<vmem>>)
          tpu.yield
        }) : () -> ()
        %dma_start3A_69 = arith.constant 0 : i32
        %dma_start3A_70 = arith.constant 0 : i32
        %dma_start3A_71 = tpu.memref_slice %arg3[%dma_start3A_69, %dma_start3A_70] : memref<10240x128xf32, #tpu.memory_space<hbm>> -> memref<10240x128xf32, #tpu.memory_space<hbm>>
        tpu.enqueue_indirect_dma source(%dma_start3A_71 : memref<10240x128xf32, #tpu.memory_space<hbm>>) target(%arg10 : memref<128x128xf32, #tpu.memory_space<vmem>>) offsets(%arg7 : memref<128xi32, #tpu.memory_space<vmem>>) semaphore(%arg13 : memref<!tpu.dma_semaphore, #tpu.memory_space<semaphore_mem>>)
        %add3A_72 = arith.constant 1 : i32
        %add3A_73 = arith.addi %mul3A_58, %add3A_72 : i32
        %dma_wait3A_74 = arith.constant 0 : i32
        %dma_wait3A_75 = arith.constant 0 : i32
        %dma_wait3A_76 = tpu.memref_slice %arg3[%dma_wait3A_74, %dma_wait3A_75] : memref<10240x128xf32, #tpu.memory_space<hbm>> -> memref<10240x128xf32, #tpu.memory_space<hbm>>
        tpu.wait_indirect_dma semaphore(%arg14 : memref<!tpu.dma_semaphore, #tpu.memory_space<semaphore_mem>>) src(%dma_wait3A_76 : memref<10240x128xf32, #tpu.memory_space<hbm>>) dst(%arg11 : memref<128x128xf32, #tpu.memory_space<vmem>>)
        "tpu.region"() ({
          %run_scoped3A_87 = tpu.sem_alloc : memref<!tpu.dma_semaphore, #tpu.memory_space<semaphore_mem>>
          %dma_start3A_88 = arith.constant 0 : i32
          %dma_start3A_89 = tpu.memref_slice %arg9[%add3A_73, %dma_start3A_88] : memref<80x128xi32, #tpu.memory_space<vmem>> -> memref<1x128xi32, #tpu.memory_space<vmem>>
          %dma_start3A_90 = tpu.memref_squeeze %dma_start3A_89 : memref<1x128xi32, #tpu.memory_space<vmem>> -> memref<128xi32, #tpu.memory_space<vmem>>
          %dma_start3A_91 = arith.constant 0 : i32
          %dma_start3A_92 = arith.constant 0 : i32
          %dma_start3A_93 = tpu.memref_slice %arg12[%dma_start3A_91, %dma_start3A_92] : memref<10248x128xf32, #tpu.memory_space<vmem_shared>> -> memref<10248x128xf32, #tpu.memory_space<vmem_shared>>
          tpu.enqueue_indirect_dma source(%arg11 : memref<128x128xf32, #tpu.memory_space<vmem>>) target(%dma_start3A_93 : memref<10248x128xf32, #tpu.memory_space<vmem_shared>>) offsets(%dma_start3A_90 : memref<128xi32, #tpu.memory_space<vmem>>) semaphore(%run_scoped3A_87 : memref<!tpu.dma_semaphore, #tpu.memory_space<semaphore_mem>>) {add = true}
          %dma_wait3A_94 = arith.constant 0 : i32
          %dma_wait3A_95 = tpu.memref_slice %arg9[%add3A_73, %dma_wait3A_94] : memref<80x128xi32, #tpu.memory_space<vmem>> -> memref<1x128xi32, #tpu.memory_space<vmem>>
          %dma_wait3A_96 = tpu.memref_squeeze %dma_wait3A_95 : memref<1x128xi32, #tpu.memory_space<vmem>> -> memref<128xi32, #tpu.memory_space<vmem>>
          %dma_wait3A_97 = arith.constant 0 : i32
          %dma_wait3A_98 = arith.constant 0 : i32
          %dma_wait3A_99 = tpu.memref_slice %arg12[%dma_wait3A_97, %dma_wait3A_98] : memref<10248x128xf32, #tpu.memory_space<vmem_shared>> -> memref<10248x128xf32, #tpu.memory_space<vmem_shared>>
          tpu.wait_indirect_dma semaphore(%run_scoped3A_87 : memref<!tpu.dma_semaphore, #tpu.memory_space<semaphore_mem>>) src(%arg11 : memref<128x128xf32, #tpu.memory_space<vmem>>) dst(%dma_wait3A_99 : memref<10248x128xf32, #tpu.memory_space<vmem_shared>>)
          tpu.yield
        }) : () -> ()
        %add3A_77 = arith.constant 3 : i32
        %add3A_78 = arith.addi %mul3A_58, %add3A_77 : i32
        %mul3A_79 = arith.constant 80 : i32
        %mul3A_80 = arith.muli %arg1, %mul3A_79 : i32
        %add3A_81 = arith.addi %mul3A_80, %add3A_78 : i32
        %mul3A_82 = arith.constant 128 : i32
        %mul3A_83 = arith.muli %add3A_81, %mul3A_82 : i32
        "tpu.region"() ({
          %run_scoped3A_87 = tpu.sem_alloc : memref<!tpu.dma_semaphore, #tpu.memory_space<semaphore_mem>>
          %dma_start3A_88 = tpu.memref_slice %arg4[%mul3A_83] : memref<163840xi32, #tpu.memory_space<hbm>> -> memref<128xi32, #tpu.memory_space<hbm>>
          %dma_start3A_89 = tpu.memref_slice %arg4[%mul3A_83] : memref<163840xi32, #tpu.memory_space<hbm>> -> memref<128xi32, #tpu.memory_space<hbm>>
          tpu.enqueue_dma source(%dma_start3A_89 : memref<128xi32, #tpu.memory_space<hbm>>) target(%arg8 : memref<128xi32, #tpu.memory_space<vmem>>) target_semaphore(%run_scoped3A_87 : memref<!tpu.dma_semaphore, #tpu.memory_space<semaphore_mem>>)
          %dma_wait3A_90 = tpu.memref_slice %arg4[%mul3A_83] : memref<163840xi32, #tpu.memory_space<hbm>> -> memref<128xi32, #tpu.memory_space<hbm>>
          %dma_wait3A_91 = tpu.memref_slice %arg4[%mul3A_83] : memref<163840xi32, #tpu.memory_space<hbm>> -> memref<128xi32, #tpu.memory_space<hbm>>
          tpu.wait_dma2 semaphore(%run_scoped3A_87 : memref<!tpu.dma_semaphore, #tpu.memory_space<semaphore_mem>>) src(%dma_wait3A_91 : memref<128xi32, #tpu.memory_space<hbm>>) dst(%arg8 : memref<128xi32, #tpu.memory_space<vmem>>)
          tpu.yield
        }) : () -> ()
        %dma_start3A_84 = arith.constant 0 : i32
        %dma_start3A_85 = arith.constant 0 : i32
        %dma_start3A_86 = tpu.memref_slice %arg3[%dma_start3A_84, %dma_start3A_85] : memref<10240x128xf32, #tpu.memory_space<hbm>> -> memref<10240x128xf32, #tpu.memory_space<hbm>>
        tpu.enqueue_indirect_dma source(%dma_start3A_86 : memref<10240x128xf32, #tpu.memory_space<hbm>>) target(%arg11 : memref<128x128xf32, #tpu.memory_space<vmem>>) offsets(%arg8 : memref<128xi32, #tpu.memory_space<vmem>>) semaphore(%arg14 : memref<!tpu.dma_semaphore, #tpu.memory_space<semaphore_mem>>)
      }
      %scan3A_49 = arith.constant 39 : i32
      %dma_wait3A = arith.constant 0 : i32
      %dma_wait3A_50 = arith.constant 0 : i32
      %dma_wait3A_51 = tpu.memref_slice %arg3[%dma_wait3A, %dma_wait3A_50] : memref<10240x128xf32, #tpu.memory_space<hbm>> -> memref<10240x128xf32, #tpu.memory_space<hbm>>
      tpu.wait_indirect_dma semaphore(%arg13 : memref<!tpu.dma_semaphore, #tpu.memory_space<semaphore_mem>>) src(%dma_wait3A_51 : memref<10240x128xf32, #tpu.memory_space<hbm>>) dst(%arg10 : memref<128x128xf32, #tpu.memory_space<vmem>>)
      %run_scoped3A = arith.constant 78 : i32
      "tpu.region"() ({
        %run_scoped3A_56 = tpu.sem_alloc : memref<!tpu.dma_semaphore, #tpu.memory_space<semaphore_mem>>
        %dma_start3A_57 = arith.constant 0 : i32
        %dma_start3A_58 = tpu.memref_slice %arg9[%run_scoped3A, %dma_start3A_57] : memref<80x128xi32, #tpu.memory_space<vmem>> -> memref<1x128xi32, #tpu.memory_space<vmem>>
        %dma_start3A_59 = tpu.memref_squeeze %dma_start3A_58 : memref<1x128xi32, #tpu.memory_space<vmem>> -> memref<128xi32, #tpu.memory_space<vmem>>
        %dma_start3A_60 = arith.constant 0 : i32
        %dma_start3A_61 = arith.constant 0 : i32
        %dma_start3A_62 = tpu.memref_slice %arg12[%dma_start3A_60, %dma_start3A_61] : memref<10248x128xf32, #tpu.memory_space<vmem_shared>> -> memref<10248x128xf32, #tpu.memory_space<vmem_shared>>
        tpu.enqueue_indirect_dma source(%arg10 : memref<128x128xf32, #tpu.memory_space<vmem>>) target(%dma_start3A_62 : memref<10248x128xf32, #tpu.memory_space<vmem_shared>>) offsets(%dma_start3A_59 : memref<128xi32, #tpu.memory_space<vmem>>) semaphore(%run_scoped3A_56 : memref<!tpu.dma_semaphore, #tpu.memory_space<semaphore_mem>>) {add = true}
        %dma_wait3A_63 = arith.constant 0 : i32
        %dma_wait3A_64 = tpu.memref_slice %arg9[%run_scoped3A, %dma_wait3A_63] : memref<80x128xi32, #tpu.memory_space<vmem>> -> memref<1x128xi32, #tpu.memory_space<vmem>>
        %dma_wait3A_65 = tpu.memref_squeeze %dma_wait3A_64 : memref<1x128xi32, #tpu.memory_space<vmem>> -> memref<128xi32, #tpu.memory_space<vmem>>
        %dma_wait3A_66 = arith.constant 0 : i32
        %dma_wait3A_67 = arith.constant 0 : i32
        %dma_wait3A_68 = tpu.memref_slice %arg12[%dma_wait3A_66, %dma_wait3A_67] : memref<10248x128xf32, #tpu.memory_space<vmem_shared>> -> memref<10248x128xf32, #tpu.memory_space<vmem_shared>>
        tpu.wait_indirect_dma semaphore(%run_scoped3A_56 : memref<!tpu.dma_semaphore, #tpu.memory_space<semaphore_mem>>) src(%arg10 : memref<128x128xf32, #tpu.memory_space<vmem>>) dst(%dma_wait3A_68 : memref<10248x128xf32, #tpu.memory_space<vmem_shared>>)
        tpu.yield
      }) : () -> ()
      %dma_wait3A_52 = arith.constant 0 : i32
      %dma_wait3A_53 = arith.constant 0 : i32
      %dma_wait3A_54 = tpu.memref_slice %arg3[%dma_wait3A_52, %dma_wait3A_53] : memref<10240x128xf32, #tpu.memory_space<hbm>> -> memref<10240x128xf32, #tpu.memory_space<hbm>>
      tpu.wait_indirect_dma semaphore(%arg14 : memref<!tpu.dma_semaphore, #tpu.memory_space<semaphore_mem>>) src(%dma_wait3A_54 : memref<10240x128xf32, #tpu.memory_space<hbm>>) dst(%arg11 : memref<128x128xf32, #tpu.memory_space<vmem>>)
      %run_scoped3A_55 = arith.constant 79 : i32
      "tpu.region"() ({
        %run_scoped3A_56 = tpu.sem_alloc : memref<!tpu.dma_semaphore, #tpu.memory_space<semaphore_mem>>
        %dma_start3A_57 = arith.constant 0 : i32
        %dma_start3A_58 = tpu.memref_slice %arg9[%run_scoped3A_55, %dma_start3A_57] : memref<80x128xi32, #tpu.memory_space<vmem>> -> memref<1x128xi32, #tpu.memory_space<vmem>>
        %dma_start3A_59 = tpu.memref_squeeze %dma_start3A_58 : memref<1x128xi32, #tpu.memory_space<vmem>> -> memref<128xi32, #tpu.memory_space<vmem>>
        %dma_start3A_60 = arith.constant 0 : i32
        %dma_start3A_61 = arith.constant 0 : i32
        %dma_start3A_62 = tpu.memref_slice %arg12[%dma_start3A_60, %dma_start3A_61] : memref<10248x128xf32, #tpu.memory_space<vmem_shared>> -> memref<10248x128xf32, #tpu.memory_space<vmem_shared>>
        tpu.enqueue_indirect_dma source(%arg11 : memref<128x128xf32, #tpu.memory_space<vmem>>) target(%dma_start3A_62 : memref<10248x128xf32, #tpu.memory_space<vmem_shared>>) offsets(%dma_start3A_59 : memref<128xi32, #tpu.memory_space<vmem>>) semaphore(%run_scoped3A_56 : memref<!tpu.dma_semaphore, #tpu.memory_space<semaphore_mem>>) {add = true}
        %dma_wait3A_63 = arith.constant 0 : i32
        %dma_wait3A_64 = tpu.memref_slice %arg9[%run_scoped3A_55, %dma_wait3A_63] : memref<80x128xi32, #tpu.memory_space<vmem>> -> memref<1x128xi32, #tpu.memory_space<vmem>>
        %dma_wait3A_65 = tpu.memref_squeeze %dma_wait3A_64 : memref<1x128xi32, #tpu.memory_space<vmem>> -> memref<128xi32, #tpu.memory_space<vmem>>
        %dma_wait3A_66 = arith.constant 0 : i32
        %dma_wait3A_67 = arith.constant 0 : i32
        %dma_wait3A_68 = tpu.memref_slice %arg12[%dma_wait3A_66, %dma_wait3A_67] : memref<10248x128xf32, #tpu.memory_space<vmem_shared>> -> memref<10248x128xf32, #tpu.memory_space<vmem_shared>>
        tpu.wait_indirect_dma semaphore(%run_scoped3A_56 : memref<!tpu.dma_semaphore, #tpu.memory_space<semaphore_mem>>) src(%arg11 : memref<128x128xf32, #tpu.memory_space<vmem>>) dst(%dma_wait3A_68 : memref<10248x128xf32, #tpu.memory_space<vmem_shared>>)
        tpu.yield
      }) : () -> ()
    } else {
    }
    %barrier3A_18 = arith.constant 0 : index
    tpu.barrier barrier_id(%barrier3A_18)
    %add3A = arith.constant 0 : i32
    %add3A_19 = arith.addi %mul3A_0, %add3A : i32
    "tpu.region"() ({
      %run_scoped3A = tpu.sem_alloc : memref<!tpu.dma_semaphore, #tpu.memory_space<semaphore_mem>>
      %dma_start3A = arith.constant 0 : i32
      %dma_start3A_28 = arith.constant 0 : i32
      %dma_start3A_29 = tpu.memref_slice %arg6[%arg0, %dma_start3A, %dma_start3A_28] : memref<2x10240x128xf32, #tpu.memory_space<hbm>> -> memref<1x10240x128xf32, #tpu.memory_space<hbm>>
      %dma_start3A_30 = tpu.memref_squeeze %dma_start3A_29 : memref<1x10240x128xf32, #tpu.memory_space<hbm>> -> memref<10240x128xf32, #tpu.memory_space<hbm>>
      %dma_start3A_31 = arith.constant 0 : i32
      %dma_start3A_32 = tpu.memref_slice %dma_start3A_30[%add3A_19, %dma_start3A_31] : memref<10240x128xf32, #tpu.memory_space<hbm>> -> memref<128x128xf32, #tpu.memory_space<hbm>>
      %dma_start3A_33 = arith.constant 0 : i32
      %dma_start3A_34 = tpu.memref_slice %arg12[%add3A_19, %dma_start3A_33] : memref<10248x128xf32, #tpu.memory_space<vmem_shared>> -> memref<128x128xf32, #tpu.memory_space<vmem_shared>>
      tpu.enqueue_dma source(%dma_start3A_34 : memref<128x128xf32, #tpu.memory_space<vmem_shared>>) target(%dma_start3A_32 : memref<128x128xf32, #tpu.memory_space<hbm>>) target_semaphore(%run_scoped3A : memref<!tpu.dma_semaphore, #tpu.memory_space<semaphore_mem>>)
      %dma_wait3A = arith.constant 0 : i32
      %dma_wait3A_35 = arith.constant 0 : i32
      %dma_wait3A_36 = tpu.memref_slice %arg6[%arg0, %dma_wait3A, %dma_wait3A_35] : memref<2x10240x128xf32, #tpu.memory_space<hbm>> -> memref<1x10240x128xf32, #tpu.memory_space<hbm>>
      %dma_wait3A_37 = tpu.memref_squeeze %dma_wait3A_36 : memref<1x10240x128xf32, #tpu.memory_space<hbm>> -> memref<10240x128xf32, #tpu.memory_space<hbm>>
      %dma_wait3A_38 = arith.constant 0 : i32
      %dma_wait3A_39 = tpu.memref_slice %dma_wait3A_37[%add3A_19, %dma_wait3A_38] : memref<10240x128xf32, #tpu.memory_space<hbm>> -> memref<128x128xf32, #tpu.memory_space<hbm>>
      %dma_wait3A_40 = arith.constant 0 : i32
      %dma_wait3A_41 = tpu.memref_slice %arg12[%add3A_19, %dma_wait3A_40] : memref<10248x128xf32, #tpu.memory_space<vmem_shared>> -> memref<128x128xf32, #tpu.memory_space<vmem_shared>>
      tpu.wait_dma2 semaphore(%run_scoped3A : memref<!tpu.dma_semaphore, #tpu.memory_space<semaphore_mem>>) src(%dma_wait3A_41 : memref<128x128xf32, #tpu.memory_space<vmem_shared>>) dst(%dma_wait3A_39 : memref<128x128xf32, #tpu.memory_space<hbm>>)
      tpu.yield
    }) : () -> ()
    %add3A_20 = arith.constant 128 : i32
    %add3A_21 = arith.addi %mul3A_0, %add3A_20 : i32
    "tpu.region"() ({
      %run_scoped3A = tpu.sem_alloc : memref<!tpu.dma_semaphore, #tpu.memory_space<semaphore_mem>>
      %dma_start3A = arith.constant 0 : i32
      %dma_start3A_28 = arith.constant 0 : i32
      %dma_start3A_29 = tpu.memref_slice %arg6[%arg0, %dma_start3A, %dma_start3A_28] : memref<2x10240x128xf32, #tpu.memory_space<hbm>> -> memref<1x10240x128xf32, #tpu.memory_space<hbm>>
      %dma_start3A_30 = tpu.memref_squeeze %dma_start3A_29 : memref<1x10240x128xf32, #tpu.memory_space<hbm>> -> memref<10240x128xf32, #tpu.memory_space<hbm>>
      %dma_start3A_31 = arith.constant 0 : i32
      %dma_start3A_32 = tpu.memref_slice %dma_start3A_30[%add3A_21, %dma_start3A_31] : memref<10240x128xf32, #tpu.memory_space<hbm>> -> memref<128x128xf32, #tpu.memory_space<hbm>>
      %dma_start3A_33 = arith.constant 0 : i32
      %dma_start3A_34 = tpu.memref_slice %arg12[%add3A_21, %dma_start3A_33] : memref<10248x128xf32, #tpu.memory_space<vmem_shared>> -> memref<128x128xf32, #tpu.memory_space<vmem_shared>>
      tpu.enqueue_dma source(%dma_start3A_34 : memref<128x128xf32, #tpu.memory_space<vmem_shared>>) target(%dma_start3A_32 : memref<128x128xf32, #tpu.memory_space<hbm>>) target_semaphore(%run_scoped3A : memref<!tpu.dma_semaphore, #tpu.memory_space<semaphore_mem>>)
      %dma_wait3A = arith.constant 0 : i32
      %dma_wait3A_35 = arith.constant 0 : i32
      %dma_wait3A_36 = tpu.memref_slice %arg6[%arg0, %dma_wait3A, %dma_wait3A_35] : memref<2x10240x128xf32, #tpu.memory_space<hbm>> -> memref<1x10240x128xf32, #tpu.memory_space<hbm>>
      %dma_wait3A_37 = tpu.memref_squeeze %dma_wait3A_36 : memref<1x10240x128xf32, #tpu.memory_space<hbm>> -> memref<10240x128xf32, #tpu.memory_space<hbm>>
      %dma_wait3A_38 = arith.constant 0 : i32
      %dma_wait3A_39 = tpu.memref_slice %dma_wait3A_37[%add3A_21, %dma_wait3A_38] : memref<10240x128xf32, #tpu.memory_space<hbm>> -> memref<128x128xf32, #tpu.memory_space<hbm>>
      %dma_wait3A_40 = arith.constant 0 : i32
      %dma_wait3A_41 = tpu.memref_slice %arg12[%add3A_21, %dma_wait3A_40] : memref<10248x128xf32, #tpu.memory_space<vmem_shared>> -> memref<128x128xf32, #tpu.memory_space<vmem_shared>>
      tpu.wait_dma2 semaphore(%run_scoped3A : memref<!tpu.dma_semaphore, #tpu.memory_space<semaphore_mem>>) src(%dma_wait3A_41 : memref<128x128xf32, #tpu.memory_space<vmem_shared>>) dst(%dma_wait3A_39 : memref<128x128xf32, #tpu.memory_space<hbm>>)
      tpu.yield
    }) : () -> ()
    %add3A_22 = arith.constant 256 : i32
    %add3A_23 = arith.addi %mul3A_0, %add3A_22 : i32
    "tpu.region"() ({
      %run_scoped3A = tpu.sem_alloc : memref<!tpu.dma_semaphore, #tpu.memory_space<semaphore_mem>>
      %dma_start3A = arith.constant 0 : i32
      %dma_start3A_28 = arith.constant 0 : i32
      %dma_start3A_29 = tpu.memref_slice %arg6[%arg0, %dma_start3A, %dma_start3A_28] : memref<2x10240x128xf32, #tpu.memory_space<hbm>> -> memref<1x10240x128xf32, #tpu.memory_space<hbm>>
      %dma_start3A_30 = tpu.memref_squeeze %dma_start3A_29 : memref<1x10240x128xf32, #tpu.memory_space<hbm>> -> memref<10240x128xf32, #tpu.memory_space<hbm>>
      %dma_start3A_31 = arith.constant 0 : i32
      %dma_start3A_32 = tpu.memref_slice %dma_start3A_30[%add3A_23, %dma_start3A_31] : memref<10240x128xf32, #tpu.memory_space<hbm>> -> memref<128x128xf32, #tpu.memory_space<hbm>>
      %dma_start3A_33 = arith.constant 0 : i32
      %dma_start3A_34 = tpu.memref_slice %arg12[%add3A_23, %dma_start3A_33] : memref<10248x128xf32, #tpu.memory_space<vmem_shared>> -> memref<128x128xf32, #tpu.memory_space<vmem_shared>>
      tpu.enqueue_dma source(%dma_start3A_34 : memref<128x128xf32, #tpu.memory_space<vmem_shared>>) target(%dma_start3A_32 : memref<128x128xf32, #tpu.memory_space<hbm>>) target_semaphore(%run_scoped3A : memref<!tpu.dma_semaphore, #tpu.memory_space<semaphore_mem>>)
      %dma_wait3A = arith.constant 0 : i32
      %dma_wait3A_35 = arith.constant 0 : i32
      %dma_wait3A_36 = tpu.memref_slice %arg6[%arg0, %dma_wait3A, %dma_wait3A_35] : memref<2x10240x128xf32, #tpu.memory_space<hbm>> -> memref<1x10240x128xf32, #tpu.memory_space<hbm>>
      %dma_wait3A_37 = tpu.memref_squeeze %dma_wait3A_36 : memref<1x10240x128xf32, #tpu.memory_space<hbm>> -> memref<10240x128xf32, #tpu.memory_space<hbm>>
      %dma_wait3A_38 = arith.constant 0 : i32
      %dma_wait3A_39 = tpu.memref_slice %dma_wait3A_37[%add3A_23, %dma_wait3A_38] : memref<10240x128xf32, #tpu.memory_space<hbm>> -> memref<128x128xf32, #tpu.memory_space<hbm>>
      %dma_wait3A_40 = arith.constant 0 : i32
      %dma_wait3A_41 = tpu.memref_slice %arg12[%add3A_23, %dma_wait3A_40] : memref<10248x128xf32, #tpu.memory_space<vmem_shared>> -> memref<128x128xf32, #tpu.memory_space<vmem_shared>>
      tpu.wait_dma2 semaphore(%run_scoped3A : memref<!tpu.dma_semaphore, #tpu.memory_space<semaphore_mem>>) src(%dma_wait3A_41 : memref<128x128xf32, #tpu.memory_space<vmem_shared>>) dst(%dma_wait3A_39 : memref<128x128xf32, #tpu.memory_space<hbm>>)
      tpu.yield
    }) : () -> ()
    %add3A_24 = arith.constant 384 : i32
    %add3A_25 = arith.addi %mul3A_0, %add3A_24 : i32
    "tpu.region"() ({
      %run_scoped3A = tpu.sem_alloc : memref<!tpu.dma_semaphore, #tpu.memory_space<semaphore_mem>>
      %dma_start3A = arith.constant 0 : i32
      %dma_start3A_28 = arith.constant 0 : i32
      %dma_start3A_29 = tpu.memref_slice %arg6[%arg0, %dma_start3A, %dma_start3A_28] : memref<2x10240x128xf32, #tpu.memory_space<hbm>> -> memref<1x10240x128xf32, #tpu.memory_space<hbm>>
      %dma_start3A_30 = tpu.memref_squeeze %dma_start3A_29 : memref<1x10240x128xf32, #tpu.memory_space<hbm>> -> memref<10240x128xf32, #tpu.memory_space<hbm>>
      %dma_start3A_31 = arith.constant 0 : i32
      %dma_start3A_32 = tpu.memref_slice %dma_start3A_30[%add3A_25, %dma_start3A_31] : memref<10240x128xf32, #tpu.memory_space<hbm>> -> memref<128x128xf32, #tpu.memory_space<hbm>>
      %dma_start3A_33 = arith.constant 0 : i32
      %dma_start3A_34 = tpu.memref_slice %arg12[%add3A_25, %dma_start3A_33] : memref<10248x128xf32, #tpu.memory_space<vmem_shared>> -> memref<128x128xf32, #tpu.memory_space<vmem_shared>>
      tpu.enqueue_dma source(%dma_start3A_34 : memref<128x128xf32, #tpu.memory_space<vmem_shared>>) target(%dma_start3A_32 : memref<128x128xf32, #tpu.memory_space<hbm>>) target_semaphore(%run_scoped3A : memref<!tpu.dma_semaphore, #tpu.memory_space<semaphore_mem>>)
      %dma_wait3A = arith.constant 0 : i32
      %dma_wait3A_35 = arith.constant 0 : i32
      %dma_wait3A_36 = tpu.memref_slice %arg6[%arg0, %dma_wait3A, %dma_wait3A_35] : memref<2x10240x128xf32, #tpu.memory_space<hbm>> -> memref<1x10240x128xf32, #tpu.memory_space<hbm>>
      %dma_wait3A_37 = tpu.memref_squeeze %dma_wait3A_36 : memref<1x10240x128xf32, #tpu.memory_space<hbm>> -> memref<10240x128xf32, #tpu.memory_space<hbm>>
      %dma_wait3A_38 = arith.constant 0 : i32
      %dma_wait3A_39 = tpu.memref_slice %dma_wait3A_37[%add3A_25, %dma_wait3A_38] : memref<10240x128xf32, #tpu.memory_space<hbm>> -> memref<128x128xf32, #tpu.memory_space<hbm>>
      %dma_wait3A_40 = arith.constant 0 : i32
      %dma_wait3A_41 = tpu.memref_slice %arg12[%add3A_25, %dma_wait3A_40] : memref<10248x128xf32, #tpu.memory_space<vmem_shared>> -> memref<128x128xf32, #tpu.memory_space<vmem_shared>>
      tpu.wait_dma2 semaphore(%run_scoped3A : memref<!tpu.dma_semaphore, #tpu.memory_space<semaphore_mem>>) src(%dma_wait3A_41 : memref<128x128xf32, #tpu.memory_space<vmem_shared>>) dst(%dma_wait3A_39 : memref<128x128xf32, #tpu.memory_space<hbm>>)
      tpu.yield
    }) : () -> ()
    %add3A_26 = arith.constant 512 : i32
    %add3A_27 = arith.addi %mul3A_0, %add3A_26 : i32
    "tpu.region"() ({
      %run_scoped3A = tpu.sem_alloc : memref<!tpu.dma_semaphore, #tpu.memory_space<semaphore_mem>>
      %dma_start3A = arith.constant 0 : i32
      %dma_start3A_28 = arith.constant 0 : i32
      %dma_start3A_29 = tpu.memref_slice %arg6[%arg0, %dma_start3A, %dma_start3A_28] : memref<2x10240x128xf32, #tpu.memory_space<hbm>> -> memref<1x10240x128xf32, #tpu.memory_space<hbm>>
      %dma_start3A_30 = tpu.memref_squeeze %dma_start3A_29 : memref<1x10240x128xf32, #tpu.memory_space<hbm>> -> memref<10240x128xf32, #tpu.memory_space<hbm>>
      %dma_start3A_31 = arith.constant 0 : i32
      %dma_start3A_32 = tpu.memref_slice %dma_start3A_30[%add3A_27, %dma_start3A_31] : memref<10240x128xf32, #tpu.memory_space<hbm>> -> memref<128x128xf32, #tpu.memory_space<hbm>>
      %dma_start3A_33 = arith.constant 0 : i32
      %dma_start3A_34 = tpu.memref_slice %arg12[%add3A_27, %dma_start3A_33] : memref<10248x128xf32, #tpu.memory_space<vmem_shared>> -> memref<128x128xf32, #tpu.memory_space<vmem_shared>>
      tpu.enqueue_dma source(%dma_start3A_34 : memref<128x128xf32, #tpu.memory_space<vmem_shared>>) target(%dma_start3A_32 : memref<128x128xf32, #tpu.memory_space<hbm>>) target_semaphore(%run_scoped3A : memref<!tpu.dma_semaphore, #tpu.memory_space<semaphore_mem>>)
      %dma_wait3A = arith.constant 0 : i32
      %dma_wait3A_35 = arith.constant 0 : i32
      %dma_wait3A_36 = tpu.memref_slice %arg6[%arg0, %dma_wait3A, %dma_wait3A_35] : memref<2x10240x128xf32, #tpu.memory_space<hbm>> -> memref<1x10240x128xf32, #tpu.memory_space<hbm>>
      %dma_wait3A_37 = tpu.memref_squeeze %dma_wait3A_36 : memref<1x10240x128xf32, #tpu.memory_space<hbm>> -> memref<10240x128xf32, #tpu.memory_space<hbm>>
      %dma_wait3A_38 = arith.constant 0 : i32
      %dma_wait3A_39 = tpu.memref_slice %dma_wait3A_37[%add3A_27, %dma_wait3A_38] : memref<10240x128xf32, #tpu.memory_space<hbm>> -> memref<128x128xf32, #tpu.memory_space<hbm>>
      %dma_wait3A_40 = arith.constant 0 : i32
      %dma_wait3A_41 = tpu.memref_slice %arg12[%add3A_27, %dma_wait3A_40] : memref<10248x128xf32, #tpu.memory_space<vmem_shared>> -> memref<128x128xf32, #tpu.memory_space<vmem_shared>>
      tpu.wait_dma2 semaphore(%run_scoped3A : memref<!tpu.dma_semaphore, #tpu.memory_space<semaphore_mem>>) src(%dma_wait3A_41 : memref<128x128xf32, #tpu.memory_space<vmem_shared>>) dst(%dma_wait3A_39 : memref<128x128xf32, #tpu.memory_space<hbm>>)
      tpu.yield
    }) : () -> ()
    return
  }
}

#map = affine_map<(d0, d1) -> (0, 0)>
#map1 = affine_map<(d0, d1) -> (0)>
#map2 = affine_map<(d0, d1) -> (0, 0, 0)>
module attributes {stable_mosaic.version = 14 : i64} {
  func.func @edge_kernel(%arg0: i32, %arg1: i32, %arg2: memref<10240x128xf32, #tpu.memory_space<hbm>>, %arg3: memref<10240x128xf32, #tpu.memory_space<hbm>>, %arg4: memref<163840xi32, #tpu.memory_space<hbm>>, %arg5: memref<16x80x128xi32, #tpu.memory_space<hbm>>, %arg6: memref<2x10240x128xf32, #tpu.memory_space<hbm>>, %arg7: memref<128xi32, #tpu.memory_space<vmem>>, %arg8: memref<128xi32, #tpu.memory_space<vmem>>, %arg9: memref<80x128xi32, #tpu.memory_space<vmem>>, %arg10: memref<128x128xf32, #tpu.memory_space<vmem>>, %arg11: memref<128x128xf32, #tpu.memory_space<vmem>>, %arg12: memref<10248x128xf32, #tpu.memory_space<vmem_shared>>, %arg13: memref<!tpu.dma_semaphore, #tpu.memory_space<semaphore_mem>>, %arg14: memref<!tpu.dma_semaphore, #tpu.memory_space<semaphore_mem>>) attributes {dimension_semantics = [#tpu.dimension_semantics<core_parallel>, #tpu.dimension_semantics<subcore_parallel>], iteration_bounds = array<i64: 2, 16>, scalar_prefetch = 0 : i64, scratch_operands = 8 : i64, tpu.core_type = #tpu.core_type<sc_vector_subcore>, window_params = [{transform_indices = #map}, {transform_indices = #map}, {transform_indices = #map1}, {transform_indices = #map2}, {transform_indices = #map2}]} {
    %mul3A = arith.constant 640 : i32
    %mul3A_0 = arith.muli %arg1, %mul3A : i32
    %eq3A = arith.constant 0 : i32
    %eq3A_1 = arith.cmpi eq, %arg0, %eq3A : i32
    %convert_element_type3A = arith.extui %eq3A_1 : i1 to i32
    %cond3A = arith.constant 0 : i32
    %cond3A_2 = arith.cmpi ne, %convert_element_type3A, %cond3A : i32
    scf.if %cond3A_2 {
      %add3A_28 = arith.constant 0 : i32
      %add3A_29 = arith.addi %mul3A_0, %add3A_28 : i32
      "tpu.region"() ({
        %run_scoped3A = tpu.sem_alloc : memref<!tpu.dma_semaphore, #tpu.memory_space<semaphore_mem>>
        %dma_start3A = arith.constant 0 : i32
        %dma_start3A_38 = tpu.memref_slice %arg12[%add3A_29, %dma_start3A] : memref<10248x128xf32, #tpu.memory_space<vmem_shared>> -> memref<128x128xf32, #tpu.memory_space<vmem_shared>>
        %dma_start3A_39 = arith.constant 0 : i32
        %dma_start3A_40 = tpu.memref_slice %arg2[%add3A_29, %dma_start3A_39] : memref<10240x128xf32, #tpu.memory_space<hbm>> -> memref<128x128xf32, #tpu.memory_space<hbm>>
        tpu.enqueue_dma source(%dma_start3A_40 : memref<128x128xf32, #tpu.memory_space<hbm>>) target(%dma_start3A_38 : memref<128x128xf32, #tpu.memory_space<vmem_shared>>) target_semaphore(%run_scoped3A : memref<!tpu.dma_semaphore, #tpu.memory_space<semaphore_mem>>)
        %dma_wait3A = arith.constant 0 : i32
        %dma_wait3A_41 = tpu.memref_slice %arg12[%add3A_29, %dma_wait3A] : memref<10248x128xf32, #tpu.memory_space<vmem_shared>> -> memref<128x128xf32, #tpu.memory_space<vmem_shared>>
        %dma_wait3A_42 = arith.constant 0 : i32
        %dma_wait3A_43 = tpu.memref_slice %arg2[%add3A_29, %dma_wait3A_42] : memref<10240x128xf32, #tpu.memory_space<hbm>> -> memref<128x128xf32, #tpu.memory_space<hbm>>
        tpu.wait_dma2 semaphore(%run_scoped3A : memref<!tpu.dma_semaphore, #tpu.memory_space<semaphore_mem>>) src(%dma_wait3A_43 : memref<128x128xf32, #tpu.memory_space<hbm>>) dst(%dma_wait3A_41 : memref<128x128xf32, #tpu.memory_space<vmem_shared>>)
        tpu.yield
      }) : () -> ()
      %add3A_30 = arith.constant 128 : i32
      %add3A_31 = arith.addi %mul3A_0, %add3A_30 : i32
      "tpu.region"() ({
        %run_scoped3A = tpu.sem_alloc : memref<!tpu.dma_semaphore, #tpu.memory_space<semaphore_mem>>
        %dma_start3A = arith.constant 0 : i32
        %dma_start3A_38 = tpu.memref_slice %arg12[%add3A_31, %dma_start3A] : memref<10248x128xf32, #tpu.memory_space<vmem_shared>> -> memref<128x128xf32, #tpu.memory_space<vmem_shared>>
        %dma_start3A_39 = arith.constant 0 : i32
        %dma_start3A_40 = tpu.memref_slice %arg2[%add3A_31, %dma_start3A_39] : memref<10240x128xf32, #tpu.memory_space<hbm>> -> memref<128x128xf32, #tpu.memory_space<hbm>>
        tpu.enqueue_dma source(%dma_start3A_40 : memref<128x128xf32, #tpu.memory_space<hbm>>) target(%dma_start3A_38 : memref<128x128xf32, #tpu.memory_space<vmem_shared>>) target_semaphore(%run_scoped3A : memref<!tpu.dma_semaphore, #tpu.memory_space<semaphore_mem>>)
        %dma_wait3A = arith.constant 0 : i32
        %dma_wait3A_41 = tpu.memref_slice %arg12[%add3A_31, %dma_wait3A] : memref<10248x128xf32, #tpu.memory_space<vmem_shared>> -> memref<128x128xf32, #tpu.memory_space<vmem_shared>>
        %dma_wait3A_42 = arith.constant 0 : i32
        %dma_wait3A_43 = tpu.memref_slice %arg2[%add3A_31, %dma_wait3A_42] : memref<10240x128xf32, #tpu.memory_space<hbm>> -> memref<128x128xf32, #tpu.memory_space<hbm>>
        tpu.wait_dma2 semaphore(%run_scoped3A : memref<!tpu.dma_semaphore, #tpu.memory_space<semaphore_mem>>) src(%dma_wait3A_43 : memref<128x128xf32, #tpu.memory_space<hbm>>) dst(%dma_wait3A_41 : memref<128x128xf32, #tpu.memory_space<vmem_shared>>)
        tpu.yield
      }) : () -> ()
      %add3A_32 = arith.constant 256 : i32
      %add3A_33 = arith.addi %mul3A_0, %add3A_32 : i32
      "tpu.region"() ({
        %run_scoped3A = tpu.sem_alloc : memref<!tpu.dma_semaphore, #tpu.memory_space<semaphore_mem>>
        %dma_start3A = arith.constant 0 : i32
        %dma_start3A_38 = tpu.memref_slice %arg12[%add3A_33, %dma_start3A] : memref<10248x128xf32, #tpu.memory_space<vmem_shared>> -> memref<128x128xf32, #tpu.memory_space<vmem_shared>>
        %dma_start3A_39 = arith.constant 0 : i32
        %dma_start3A_40 = tpu.memref_slice %arg2[%add3A_33, %dma_start3A_39] : memref<10240x128xf32, #tpu.memory_space<hbm>> -> memref<128x128xf32, #tpu.memory_space<hbm>>
        tpu.enqueue_dma source(%dma_start3A_40 : memref<128x128xf32, #tpu.memory_space<hbm>>) target(%dma_start3A_38 : memref<128x128xf32, #tpu.memory_space<vmem_shared>>) target_semaphore(%run_scoped3A : memref<!tpu.dma_semaphore, #tpu.memory_space<semaphore_mem>>)
        %dma_wait3A = arith.constant 0 : i32
        %dma_wait3A_41 = tpu.memref_slice %arg12[%add3A_33, %dma_wait3A] : memref<10248x128xf32, #tpu.memory_space<vmem_shared>> -> memref<128x128xf32, #tpu.memory_space<vmem_shared>>
        %dma_wait3A_42 = arith.constant 0 : i32
        %dma_wait3A_43 = tpu.memref_slice %arg2[%add3A_33, %dma_wait3A_42] : memref<10240x128xf32, #tpu.memory_space<hbm>> -> memref<128x128xf32, #tpu.memory_space<hbm>>
        tpu.wait_dma2 semaphore(%run_scoped3A : memref<!tpu.dma_semaphore, #tpu.memory_space<semaphore_mem>>) src(%dma_wait3A_43 : memref<128x128xf32, #tpu.memory_space<hbm>>) dst(%dma_wait3A_41 : memref<128x128xf32, #tpu.memory_space<vmem_shared>>)
        tpu.yield
      }) : () -> ()
      %add3A_34 = arith.constant 384 : i32
      %add3A_35 = arith.addi %mul3A_0, %add3A_34 : i32
      "tpu.region"() ({
        %run_scoped3A = tpu.sem_alloc : memref<!tpu.dma_semaphore, #tpu.memory_space<semaphore_mem>>
        %dma_start3A = arith.constant 0 : i32
        %dma_start3A_38 = tpu.memref_slice %arg12[%add3A_35, %dma_start3A] : memref<10248x128xf32, #tpu.memory_space<vmem_shared>> -> memref<128x128xf32, #tpu.memory_space<vmem_shared>>
        %dma_start3A_39 = arith.constant 0 : i32
        %dma_start3A_40 = tpu.memref_slice %arg2[%add3A_35, %dma_start3A_39] : memref<10240x128xf32, #tpu.memory_space<hbm>> -> memref<128x128xf32, #tpu.memory_space<hbm>>
        tpu.enqueue_dma source(%dma_start3A_40 : memref<128x128xf32, #tpu.memory_space<hbm>>) target(%dma_start3A_38 : memref<128x128xf32, #tpu.memory_space<vmem_shared>>) target_semaphore(%run_scoped3A : memref<!tpu.dma_semaphore, #tpu.memory_space<semaphore_mem>>)
        %dma_wait3A = arith.constant 0 : i32
        %dma_wait3A_41 = tpu.memref_slice %arg12[%add3A_35, %dma_wait3A] : memref<10248x128xf32, #tpu.memory_space<vmem_shared>> -> memref<128x128xf32, #tpu.memory_space<vmem_shared>>
        %dma_wait3A_42 = arith.constant 0 : i32
        %dma_wait3A_43 = tpu.memref_slice %arg2[%add3A_35, %dma_wait3A_42] : memref<10240x128xf32, #tpu.memory_space<hbm>> -> memref<128x128xf32, #tpu.memory_space<hbm>>
        tpu.wait_dma2 semaphore(%run_scoped3A : memref<!tpu.dma_semaphore, #tpu.memory_space<semaphore_mem>>) src(%dma_wait3A_43 : memref<128x128xf32, #tpu.memory_space<hbm>>) dst(%dma_wait3A_41 : memref<128x128xf32, #tpu.memory_space<vmem_shared>>)
        tpu.yield
      }) : () -> ()
      %add3A_36 = arith.constant 512 : i32
      %add3A_37 = arith.addi %mul3A_0, %add3A_36 : i32
      "tpu.region"() ({
        %run_scoped3A = tpu.sem_alloc : memref<!tpu.dma_semaphore, #tpu.memory_space<semaphore_mem>>
        %dma_start3A = arith.constant 0 : i32
        %dma_start3A_38 = tpu.memref_slice %arg12[%add3A_37, %dma_start3A] : memref<10248x128xf32, #tpu.memory_space<vmem_shared>> -> memref<128x128xf32, #tpu.memory_space<vmem_shared>>
        %dma_start3A_39 = arith.constant 0 : i32
        %dma_start3A_40 = tpu.memref_slice %arg2[%add3A_37, %dma_start3A_39] : memref<10240x128xf32, #tpu.memory_space<hbm>> -> memref<128x128xf32, #tpu.memory_space<hbm>>
        tpu.enqueue_dma source(%dma_start3A_40 : memref<128x128xf32, #tpu.memory_space<hbm>>) target(%dma_start3A_38 : memref<128x128xf32, #tpu.memory_space<vmem_shared>>) target_semaphore(%run_scoped3A : memref<!tpu.dma_semaphore, #tpu.memory_space<semaphore_mem>>)
        %dma_wait3A = arith.constant 0 : i32
        %dma_wait3A_41 = tpu.memref_slice %arg12[%add3A_37, %dma_wait3A] : memref<10248x128xf32, #tpu.memory_space<vmem_shared>> -> memref<128x128xf32, #tpu.memory_space<vmem_shared>>
        %dma_wait3A_42 = arith.constant 0 : i32
        %dma_wait3A_43 = tpu.memref_slice %arg2[%add3A_37, %dma_wait3A_42] : memref<10240x128xf32, #tpu.memory_space<hbm>> -> memref<128x128xf32, #tpu.memory_space<hbm>>
        tpu.wait_dma2 semaphore(%run_scoped3A : memref<!tpu.dma_semaphore, #tpu.memory_space<semaphore_mem>>) src(%dma_wait3A_43 : memref<128x128xf32, #tpu.memory_space<hbm>>) dst(%dma_wait3A_41 : memref<128x128xf32, #tpu.memory_space<vmem_shared>>)
        tpu.yield
      }) : () -> ()
    } else {
    }
    %eq3A_3 = arith.constant 1 : i32
    %eq3A_4 = arith.cmpi eq, %arg0, %eq3A_3 : i32
    %convert_element_type3A_5 = arith.extui %eq3A_4 : i1 to i32
    %cond3A_6 = arith.constant 0 : i32
    %cond3A_7 = arith.cmpi ne, %convert_element_type3A_5, %cond3A_6 : i32
    scf.if %cond3A_7 {
      %add3A_28 = arith.constant 0 : i32
      %add3A_29 = arith.addi %mul3A_0, %add3A_28 : i32
      "tpu.region"() ({
        %run_scoped3A = tpu.sem_alloc : memref<!tpu.dma_semaphore, #tpu.memory_space<semaphore_mem>>
        %dma_start3A = arith.constant 0 : i32
        %dma_start3A_38 = tpu.memref_slice %arg12[%add3A_29, %dma_start3A] : memref<10248x128xf32, #tpu.memory_space<vmem_shared>> -> memref<128x128xf32, #tpu.memory_space<vmem_shared>>
        %dma_start3A_39 = arith.constant 0 : i32
        %dma_start3A_40 = tpu.memref_slice %arg3[%add3A_29, %dma_start3A_39] : memref<10240x128xf32, #tpu.memory_space<hbm>> -> memref<128x128xf32, #tpu.memory_space<hbm>>
        tpu.enqueue_dma source(%dma_start3A_40 : memref<128x128xf32, #tpu.memory_space<hbm>>) target(%dma_start3A_38 : memref<128x128xf32, #tpu.memory_space<vmem_shared>>) target_semaphore(%run_scoped3A : memref<!tpu.dma_semaphore, #tpu.memory_space<semaphore_mem>>)
        %dma_wait3A = arith.constant 0 : i32
        %dma_wait3A_41 = tpu.memref_slice %arg12[%add3A_29, %dma_wait3A] : memref<10248x128xf32, #tpu.memory_space<vmem_shared>> -> memref<128x128xf32, #tpu.memory_space<vmem_shared>>
        %dma_wait3A_42 = arith.constant 0 : i32
        %dma_wait3A_43 = tpu.memref_slice %arg3[%add3A_29, %dma_wait3A_42] : memref<10240x128xf32, #tpu.memory_space<hbm>> -> memref<128x128xf32, #tpu.memory_space<hbm>>
        tpu.wait_dma2 semaphore(%run_scoped3A : memref<!tpu.dma_semaphore, #tpu.memory_space<semaphore_mem>>) src(%dma_wait3A_43 : memref<128x128xf32, #tpu.memory_space<hbm>>) dst(%dma_wait3A_41 : memref<128x128xf32, #tpu.memory_space<vmem_shared>>)
        tpu.yield
      }) : () -> ()
      %add3A_30 = arith.constant 128 : i32
      %add3A_31 = arith.addi %mul3A_0, %add3A_30 : i32
      "tpu.region"() ({
        %run_scoped3A = tpu.sem_alloc : memref<!tpu.dma_semaphore, #tpu.memory_space<semaphore_mem>>
        %dma_start3A = arith.constant 0 : i32
        %dma_start3A_38 = tpu.memref_slice %arg12[%add3A_31, %dma_start3A] : memref<10248x128xf32, #tpu.memory_space<vmem_shared>> -> memref<128x128xf32, #tpu.memory_space<vmem_shared>>
        %dma_start3A_39 = arith.constant 0 : i32
        %dma_start3A_40 = tpu.memref_slice %arg3[%add3A_31, %dma_start3A_39] : memref<10240x128xf32, #tpu.memory_space<hbm>> -> memref<128x128xf32, #tpu.memory_space<hbm>>
        tpu.enqueue_dma source(%dma_start3A_40 : memref<128x128xf32, #tpu.memory_space<hbm>>) target(%dma_start3A_38 : memref<128x128xf32, #tpu.memory_space<vmem_shared>>) target_semaphore(%run_scoped3A : memref<!tpu.dma_semaphore, #tpu.memory_space<semaphore_mem>>)
        %dma_wait3A = arith.constant 0 : i32
        %dma_wait3A_41 = tpu.memref_slice %arg12[%add3A_31, %dma_wait3A] : memref<10248x128xf32, #tpu.memory_space<vmem_shared>> -> memref<128x128xf32, #tpu.memory_space<vmem_shared>>
        %dma_wait3A_42 = arith.constant 0 : i32
        %dma_wait3A_43 = tpu.memref_slice %arg3[%add3A_31, %dma_wait3A_42] : memref<10240x128xf32, #tpu.memory_space<hbm>> -> memref<128x128xf32, #tpu.memory_space<hbm>>
        tpu.wait_dma2 semaphore(%run_scoped3A : memref<!tpu.dma_semaphore, #tpu.memory_space<semaphore_mem>>) src(%dma_wait3A_43 : memref<128x128xf32, #tpu.memory_space<hbm>>) dst(%dma_wait3A_41 : memref<128x128xf32, #tpu.memory_space<vmem_shared>>)
        tpu.yield
      }) : () -> ()
      %add3A_32 = arith.constant 256 : i32
      %add3A_33 = arith.addi %mul3A_0, %add3A_32 : i32
      "tpu.region"() ({
        %run_scoped3A = tpu.sem_alloc : memref<!tpu.dma_semaphore, #tpu.memory_space<semaphore_mem>>
        %dma_start3A = arith.constant 0 : i32
        %dma_start3A_38 = tpu.memref_slice %arg12[%add3A_33, %dma_start3A] : memref<10248x128xf32, #tpu.memory_space<vmem_shared>> -> memref<128x128xf32, #tpu.memory_space<vmem_shared>>
        %dma_start3A_39 = arith.constant 0 : i32
        %dma_start3A_40 = tpu.memref_slice %arg3[%add3A_33, %dma_start3A_39] : memref<10240x128xf32, #tpu.memory_space<hbm>> -> memref<128x128xf32, #tpu.memory_space<hbm>>
        tpu.enqueue_dma source(%dma_start3A_40 : memref<128x128xf32, #tpu.memory_space<hbm>>) target(%dma_start3A_38 : memref<128x128xf32, #tpu.memory_space<vmem_shared>>) target_semaphore(%run_scoped3A : memref<!tpu.dma_semaphore, #tpu.memory_space<semaphore_mem>>)
        %dma_wait3A = arith.constant 0 : i32
        %dma_wait3A_41 = tpu.memref_slice %arg12[%add3A_33, %dma_wait3A] : memref<10248x128xf32, #tpu.memory_space<vmem_shared>> -> memref<128x128xf32, #tpu.memory_space<vmem_shared>>
        %dma_wait3A_42 = arith.constant 0 : i32
        %dma_wait3A_43 = tpu.memref_slice %arg3[%add3A_33, %dma_wait3A_42] : memref<10240x128xf32, #tpu.memory_space<hbm>> -> memref<128x128xf32, #tpu.memory_space<hbm>>
        tpu.wait_dma2 semaphore(%run_scoped3A : memref<!tpu.dma_semaphore, #tpu.memory_space<semaphore_mem>>) src(%dma_wait3A_43 : memref<128x128xf32, #tpu.memory_space<hbm>>) dst(%dma_wait3A_41 : memref<128x128xf32, #tpu.memory_space<vmem_shared>>)
        tpu.yield
      }) : () -> ()
      %add3A_34 = arith.constant 384 : i32
      %add3A_35 = arith.addi %mul3A_0, %add3A_34 : i32
      "tpu.region"() ({
        %run_scoped3A = tpu.sem_alloc : memref<!tpu.dma_semaphore, #tpu.memory_space<semaphore_mem>>
        %dma_start3A = arith.constant 0 : i32
        %dma_start3A_38 = tpu.memref_slice %arg12[%add3A_35, %dma_start3A] : memref<10248x128xf32, #tpu.memory_space<vmem_shared>> -> memref<128x128xf32, #tpu.memory_space<vmem_shared>>
        %dma_start3A_39 = arith.constant 0 : i32
        %dma_start3A_40 = tpu.memref_slice %arg3[%add3A_35, %dma_start3A_39] : memref<10240x128xf32, #tpu.memory_space<hbm>> -> memref<128x128xf32, #tpu.memory_space<hbm>>
        tpu.enqueue_dma source(%dma_start3A_40 : memref<128x128xf32, #tpu.memory_space<hbm>>) target(%dma_start3A_38 : memref<128x128xf32, #tpu.memory_space<vmem_shared>>) target_semaphore(%run_scoped3A : memref<!tpu.dma_semaphore, #tpu.memory_space<semaphore_mem>>)
        %dma_wait3A = arith.constant 0 : i32
        %dma_wait3A_41 = tpu.memref_slice %arg12[%add3A_35, %dma_wait3A] : memref<10248x128xf32, #tpu.memory_space<vmem_shared>> -> memref<128x128xf32, #tpu.memory_space<vmem_shared>>
        %dma_wait3A_42 = arith.constant 0 : i32
        %dma_wait3A_43 = tpu.memref_slice %arg3[%add3A_35, %dma_wait3A_42] : memref<10240x128xf32, #tpu.memory_space<hbm>> -> memref<128x128xf32, #tpu.memory_space<hbm>>
        tpu.wait_dma2 semaphore(%run_scoped3A : memref<!tpu.dma_semaphore, #tpu.memory_space<semaphore_mem>>) src(%dma_wait3A_43 : memref<128x128xf32, #tpu.memory_space<hbm>>) dst(%dma_wait3A_41 : memref<128x128xf32, #tpu.memory_space<vmem_shared>>)
        tpu.yield
      }) : () -> ()
      %add3A_36 = arith.constant 512 : i32
      %add3A_37 = arith.addi %mul3A_0, %add3A_36 : i32
      "tpu.region"() ({
        %run_scoped3A = tpu.sem_alloc : memref<!tpu.dma_semaphore, #tpu.memory_space<semaphore_mem>>
        %dma_start3A = arith.constant 0 : i32
        %dma_start3A_38 = tpu.memref_slice %arg12[%add3A_37, %dma_start3A] : memref<10248x128xf32, #tpu.memory_space<vmem_shared>> -> memref<128x128xf32, #tpu.memory_space<vmem_shared>>
        %dma_start3A_39 = arith.constant 0 : i32
        %dma_start3A_40 = tpu.memref_slice %arg3[%add3A_37, %dma_start3A_39] : memref<10240x128xf32, #tpu.memory_space<hbm>> -> memref<128x128xf32, #tpu.memory_space<hbm>>
        tpu.enqueue_dma source(%dma_start3A_40 : memref<128x128xf32, #tpu.memory_space<hbm>>) target(%dma_start3A_38 : memref<128x128xf32, #tpu.memory_space<vmem_shared>>) target_semaphore(%run_scoped3A : memref<!tpu.dma_semaphore, #tpu.memory_space<semaphore_mem>>)
        %dma_wait3A = arith.constant 0 : i32
        %dma_wait3A_41 = tpu.memref_slice %arg12[%add3A_37, %dma_wait3A] : memref<10248x128xf32, #tpu.memory_space<vmem_shared>> -> memref<128x128xf32, #tpu.memory_space<vmem_shared>>
        %dma_wait3A_42 = arith.constant 0 : i32
        %dma_wait3A_43 = tpu.memref_slice %arg3[%add3A_37, %dma_wait3A_42] : memref<10240x128xf32, #tpu.memory_space<hbm>> -> memref<128x128xf32, #tpu.memory_space<hbm>>
        tpu.wait_dma2 semaphore(%run_scoped3A : memref<!tpu.dma_semaphore, #tpu.memory_space<semaphore_mem>>) src(%dma_wait3A_43 : memref<128x128xf32, #tpu.memory_space<hbm>>) dst(%dma_wait3A_41 : memref<128x128xf32, #tpu.memory_space<vmem_shared>>)
        tpu.yield
      }) : () -> ()
    } else {
    }
    "tpu.region"() ({
      %run_scoped3A = tpu.sem_alloc : memref<!tpu.dma_semaphore, #tpu.memory_space<semaphore_mem>>
      %dma_start3A = arith.constant 0 : i32
      %dma_start3A_28 = arith.constant 0 : i32
      %dma_start3A_29 = tpu.memref_slice %arg5[%arg1, %dma_start3A, %dma_start3A_28] : memref<16x80x128xi32, #tpu.memory_space<hbm>> -> memref<1x80x128xi32, #tpu.memory_space<hbm>>
      %dma_start3A_30 = tpu.memref_squeeze %dma_start3A_29 : memref<1x80x128xi32, #tpu.memory_space<hbm>> -> memref<80x128xi32, #tpu.memory_space<hbm>>
      %dma_start3A_31 = arith.constant 0 : i32
      %dma_start3A_32 = arith.constant 0 : i32
      %dma_start3A_33 = tpu.memref_slice %arg5[%arg1, %dma_start3A_31, %dma_start3A_32] : memref<16x80x128xi32, #tpu.memory_space<hbm>> -> memref<1x80x128xi32, #tpu.memory_space<hbm>>
      %dma_start3A_34 = tpu.memref_squeeze %dma_start3A_33 : memref<1x80x128xi32, #tpu.memory_space<hbm>> -> memref<80x128xi32, #tpu.memory_space<hbm>>
      tpu.enqueue_dma source(%dma_start3A_34 : memref<80x128xi32, #tpu.memory_space<hbm>>) target(%arg9 : memref<80x128xi32, #tpu.memory_space<vmem>>) target_semaphore(%run_scoped3A : memref<!tpu.dma_semaphore, #tpu.memory_space<semaphore_mem>>)
      %dma_wait3A = arith.constant 0 : i32
      %dma_wait3A_35 = arith.constant 0 : i32
      %dma_wait3A_36 = tpu.memref_slice %arg5[%arg1, %dma_wait3A, %dma_wait3A_35] : memref<16x80x128xi32, #tpu.memory_space<hbm>> -> memref<1x80x128xi32, #tpu.memory_space<hbm>>
      %dma_wait3A_37 = tpu.memref_squeeze %dma_wait3A_36 : memref<1x80x128xi32, #tpu.memory_space<hbm>> -> memref<80x128xi32, #tpu.memory_space<hbm>>
      %dma_wait3A_38 = arith.constant 0 : i32
      %dma_wait3A_39 = arith.constant 0 : i32
      %dma_wait3A_40 = tpu.memref_slice %arg5[%arg1, %dma_wait3A_38, %dma_wait3A_39] : memref<16x80x128xi32, #tpu.memory_space<hbm>> -> memref<1x80x128xi32, #tpu.memory_space<hbm>>
      %dma_wait3A_41 = tpu.memref_squeeze %dma_wait3A_40 : memref<1x80x128xi32, #tpu.memory_space<hbm>> -> memref<80x128xi32, #tpu.memory_space<hbm>>
      tpu.wait_dma2 semaphore(%run_scoped3A : memref<!tpu.dma_semaphore, #tpu.memory_space<semaphore_mem>>) src(%dma_wait3A_41 : memref<80x128xi32, #tpu.memory_space<hbm>>) dst(%arg9 : memref<80x128xi32, #tpu.memory_space<vmem>>)
      tpu.yield
    }) : () -> ()
    %barrier3A = arith.constant 0 : index
    tpu.barrier barrier_id(%barrier3A)
    %eq3A_8 = arith.constant 0 : i32
    %eq3A_9 = arith.cmpi eq, %arg0, %eq3A_8 : i32
    %convert_element_type3A_10 = arith.extui %eq3A_9 : i1 to i32
    %cond3A_11 = arith.constant 0 : i32
    %cond3A_12 = arith.cmpi ne, %convert_element_type3A_10, %cond3A_11 : i32
    scf.if %cond3A_12 {
      %mul3A_28 = arith.constant 80 : i32
      %mul3A_29 = arith.muli %arg1, %mul3A_28 : i32
      %add3A_30 = arith.constant 0 : i32
      %add3A_31 = arith.addi %mul3A_29, %add3A_30 : i32
      %mul3A_32 = arith.constant 128 : i32
      %mul3A_33 = arith.muli %add3A_31, %mul3A_32 : i32
      "tpu.region"() ({
        %run_scoped3A_56 = tpu.sem_alloc : memref<!tpu.dma_semaphore, #tpu.memory_space<semaphore_mem>>
        %dma_start3A_57 = tpu.memref_slice %arg4[%mul3A_33] : memref<163840xi32, #tpu.memory_space<hbm>> -> memref<128xi32, #tpu.memory_space<hbm>>
        %dma_start3A_58 = tpu.memref_slice %arg4[%mul3A_33] : memref<163840xi32, #tpu.memory_space<hbm>> -> memref<128xi32, #tpu.memory_space<hbm>>
        tpu.enqueue_dma source(%dma_start3A_58 : memref<128xi32, #tpu.memory_space<hbm>>) target(%arg7 : memref<128xi32, #tpu.memory_space<vmem>>) target_semaphore(%run_scoped3A_56 : memref<!tpu.dma_semaphore, #tpu.memory_space<semaphore_mem>>)
        %dma_wait3A_59 = tpu.memref_slice %arg4[%mul3A_33] : memref<163840xi32, #tpu.memory_space<hbm>> -> memref<128xi32, #tpu.memory_space<hbm>>
        %dma_wait3A_60 = tpu.memref_slice %arg4[%mul3A_33] : memref<163840xi32, #tpu.memory_space<hbm>> -> memref<128xi32, #tpu.memory_space<hbm>>
        tpu.wait_dma2 semaphore(%run_scoped3A_56 : memref<!tpu.dma_semaphore, #tpu.memory_space<semaphore_mem>>) src(%dma_wait3A_60 : memref<128xi32, #tpu.memory_space<hbm>>) dst(%arg7 : memref<128xi32, #tpu.memory_space<vmem>>)
        tpu.yield
      }) : () -> ()
      %dma_start3A = arith.constant 0 : i32
      %dma_start3A_34 = arith.constant 0 : i32
      %dma_start3A_35 = tpu.memref_slice %arg2[%dma_start3A, %dma_start3A_34] : memref<10240x128xf32, #tpu.memory_space<hbm>> -> memref<10240x128xf32, #tpu.memory_space<hbm>>
      tpu.enqueue_indirect_dma source(%dma_start3A_35 : memref<10240x128xf32, #tpu.memory_space<hbm>>) target(%arg10 : memref<128x128xf32, #tpu.memory_space<vmem>>) offsets(%arg7 : memref<128xi32, #tpu.memory_space<vmem>>) semaphore(%arg13 : memref<!tpu.dma_semaphore, #tpu.memory_space<semaphore_mem>>)
      %mul3A_36 = arith.constant 80 : i32
      %mul3A_37 = arith.muli %arg1, %mul3A_36 : i32
      %add3A_38 = arith.constant 1 : i32
      %add3A_39 = arith.addi %mul3A_37, %add3A_38 : i32
      %mul3A_40 = arith.constant 128 : i32
      %mul3A_41 = arith.muli %add3A_39, %mul3A_40 : i32
      "tpu.region"() ({
        %run_scoped3A_56 = tpu.sem_alloc : memref<!tpu.dma_semaphore, #tpu.memory_space<semaphore_mem>>
        %dma_start3A_57 = tpu.memref_slice %arg4[%mul3A_41] : memref<163840xi32, #tpu.memory_space<hbm>> -> memref<128xi32, #tpu.memory_space<hbm>>
        %dma_start3A_58 = tpu.memref_slice %arg4[%mul3A_41] : memref<163840xi32, #tpu.memory_space<hbm>> -> memref<128xi32, #tpu.memory_space<hbm>>
        tpu.enqueue_dma source(%dma_start3A_58 : memref<128xi32, #tpu.memory_space<hbm>>) target(%arg8 : memref<128xi32, #tpu.memory_space<vmem>>) target_semaphore(%run_scoped3A_56 : memref<!tpu.dma_semaphore, #tpu.memory_space<semaphore_mem>>)
        %dma_wait3A_59 = tpu.memref_slice %arg4[%mul3A_41] : memref<163840xi32, #tpu.memory_space<hbm>> -> memref<128xi32, #tpu.memory_space<hbm>>
        %dma_wait3A_60 = tpu.memref_slice %arg4[%mul3A_41] : memref<163840xi32, #tpu.memory_space<hbm>> -> memref<128xi32, #tpu.memory_space<hbm>>
        tpu.wait_dma2 semaphore(%run_scoped3A_56 : memref<!tpu.dma_semaphore, #tpu.memory_space<semaphore_mem>>) src(%dma_wait3A_60 : memref<128xi32, #tpu.memory_space<hbm>>) dst(%arg8 : memref<128xi32, #tpu.memory_space<vmem>>)
        tpu.yield
      }) : () -> ()
      %dma_start3A_42 = arith.constant 0 : i32
      %dma_start3A_43 = arith.constant 0 : i32
      %dma_start3A_44 = tpu.memref_slice %arg2[%dma_start3A_42, %dma_start3A_43] : memref<10240x128xf32, #tpu.memory_space<hbm>> -> memref<10240x128xf32, #tpu.memory_space<hbm>>
      tpu.enqueue_indirect_dma source(%dma_start3A_44 : memref<10240x128xf32, #tpu.memory_space<hbm>>) target(%arg11 : memref<128x128xf32, #tpu.memory_space<vmem>>) offsets(%arg8 : memref<128xi32, #tpu.memory_space<vmem>>) semaphore(%arg14 : memref<!tpu.dma_semaphore, #tpu.memory_space<semaphore_mem>>)
      %scan3A = arith.constant 0 : i32
      %scan3A_45 = arith.constant 0 : i32
      %scan3A_46 = arith.constant 39 : i32
      %scan3A_47 = arith.addi %scan3A_45, %scan3A_46 : i32
      %scan3A_48 = arith.constant 1 : i32
      scf.for %scan3A_56 = %scan3A_45 to %scan3A_47 step %scan3A_48  : i32 {
        %mul3A_57 = arith.constant 2 : i32
        %mul3A_58 = arith.muli %mul3A_57, %scan3A_56 : i32
        %dma_wait3A_59 = arith.constant 0 : i32
        %dma_wait3A_60 = arith.constant 0 : i32
        %dma_wait3A_61 = tpu.memref_slice %arg2[%dma_wait3A_59, %dma_wait3A_60] : memref<10240x128xf32, #tpu.memory_space<hbm>> -> memref<10240x128xf32, #tpu.memory_space<hbm>>
        tpu.wait_indirect_dma semaphore(%arg13 : memref<!tpu.dma_semaphore, #tpu.memory_space<semaphore_mem>>) src(%dma_wait3A_61 : memref<10240x128xf32, #tpu.memory_space<hbm>>) dst(%arg10 : memref<128x128xf32, #tpu.memory_space<vmem>>)
        "tpu.region"() ({
          %run_scoped3A_87 = tpu.sem_alloc : memref<!tpu.dma_semaphore, #tpu.memory_space<semaphore_mem>>
          %dma_start3A_88 = arith.constant 0 : i32
          %dma_start3A_89 = tpu.memref_slice %arg9[%mul3A_58, %dma_start3A_88] : memref<80x128xi32, #tpu.memory_space<vmem>> -> memref<1x128xi32, #tpu.memory_space<vmem>>
          %dma_start3A_90 = tpu.memref_squeeze %dma_start3A_89 : memref<1x128xi32, #tpu.memory_space<vmem>> -> memref<128xi32, #tpu.memory_space<vmem>>
          %dma_start3A_91 = arith.constant 0 : i32
          %dma_start3A_92 = arith.constant 0 : i32
          %dma_start3A_93 = tpu.memref_slice %arg12[%dma_start3A_91, %dma_start3A_92] : memref<10248x128xf32, #tpu.memory_space<vmem_shared>> -> memref<10248x128xf32, #tpu.memory_space<vmem_shared>>
          tpu.enqueue_indirect_dma source(%arg10 : memref<128x128xf32, #tpu.memory_space<vmem>>) target(%dma_start3A_93 : memref<10248x128xf32, #tpu.memory_space<vmem_shared>>) offsets(%dma_start3A_90 : memref<128xi32, #tpu.memory_space<vmem>>) semaphore(%run_scoped3A_87 : memref<!tpu.dma_semaphore, #tpu.memory_space<semaphore_mem>>) {add = true}
          %dma_wait3A_94 = arith.constant 0 : i32
          %dma_wait3A_95 = tpu.memref_slice %arg9[%mul3A_58, %dma_wait3A_94] : memref<80x128xi32, #tpu.memory_space<vmem>> -> memref<1x128xi32, #tpu.memory_space<vmem>>
          %dma_wait3A_96 = tpu.memref_squeeze %dma_wait3A_95 : memref<1x128xi32, #tpu.memory_space<vmem>> -> memref<128xi32, #tpu.memory_space<vmem>>
          %dma_wait3A_97 = arith.constant 0 : i32
          %dma_wait3A_98 = arith.constant 0 : i32
          %dma_wait3A_99 = tpu.memref_slice %arg12[%dma_wait3A_97, %dma_wait3A_98] : memref<10248x128xf32, #tpu.memory_space<vmem_shared>> -> memref<10248x128xf32, #tpu.memory_space<vmem_shared>>
          tpu.wait_indirect_dma semaphore(%run_scoped3A_87 : memref<!tpu.dma_semaphore, #tpu.memory_space<semaphore_mem>>) src(%arg10 : memref<128x128xf32, #tpu.memory_space<vmem>>) dst(%dma_wait3A_99 : memref<10248x128xf32, #tpu.memory_space<vmem_shared>>)
          tpu.yield
        }) : () -> ()
        %add3A_62 = arith.constant 2 : i32
        %add3A_63 = arith.addi %mul3A_58, %add3A_62 : i32
        %mul3A_64 = arith.constant 80 : i32
        %mul3A_65 = arith.muli %arg1, %mul3A_64 : i32
        %add3A_66 = arith.addi %mul3A_65, %add3A_63 : i32
        %mul3A_67 = arith.constant 128 : i32
        %mul3A_68 = arith.muli %add3A_66, %mul3A_67 : i32
        "tpu.region"() ({
          %run_scoped3A_87 = tpu.sem_alloc : memref<!tpu.dma_semaphore, #tpu.memory_space<semaphore_mem>>
          %dma_start3A_88 = tpu.memref_slice %arg4[%mul3A_68] : memref<163840xi32, #tpu.memory_space<hbm>> -> memref<128xi32, #tpu.memory_space<hbm>>
          %dma_start3A_89 = tpu.memref_slice %arg4[%mul3A_68] : memref<163840xi32, #tpu.memory_space<hbm>> -> memref<128xi32, #tpu.memory_space<hbm>>
          tpu.enqueue_dma source(%dma_start3A_89 : memref<128xi32, #tpu.memory_space<hbm>>) target(%arg7 : memref<128xi32, #tpu.memory_space<vmem>>) target_semaphore(%run_scoped3A_87 : memref<!tpu.dma_semaphore, #tpu.memory_space<semaphore_mem>>)
          %dma_wait3A_90 = tpu.memref_slice %arg4[%mul3A_68] : memref<163840xi32, #tpu.memory_space<hbm>> -> memref<128xi32, #tpu.memory_space<hbm>>
          %dma_wait3A_91 = tpu.memref_slice %arg4[%mul3A_68] : memref<163840xi32, #tpu.memory_space<hbm>> -> memref<128xi32, #tpu.memory_space<hbm>>
          tpu.wait_dma2 semaphore(%run_scoped3A_87 : memref<!tpu.dma_semaphore, #tpu.memory_space<semaphore_mem>>) src(%dma_wait3A_91 : memref<128xi32, #tpu.memory_space<hbm>>) dst(%arg7 : memref<128xi32, #tpu.memory_space<vmem>>)
          tpu.yield
        }) : () -> ()
        %dma_start3A_69 = arith.constant 0 : i32
        %dma_start3A_70 = arith.constant 0 : i32
        %dma_start3A_71 = tpu.memref_slice %arg2[%dma_start3A_69, %dma_start3A_70] : memref<10240x128xf32, #tpu.memory_space<hbm>> -> memref<10240x128xf32, #tpu.memory_space<hbm>>
        tpu.enqueue_indirect_dma source(%dma_start3A_71 : memref<10240x128xf32, #tpu.memory_space<hbm>>) target(%arg10 : memref<128x128xf32, #tpu.memory_space<vmem>>) offsets(%arg7 : memref<128xi32, #tpu.memory_space<vmem>>) semaphore(%arg13 : memref<!tpu.dma_semaphore, #tpu.memory_space<semaphore_mem>>)
        %add3A_72 = arith.constant 1 : i32
        %add3A_73 = arith.addi %mul3A_58, %add3A_72 : i32
        %dma_wait3A_74 = arith.constant 0 : i32
        %dma_wait3A_75 = arith.constant 0 : i32
        %dma_wait3A_76 = tpu.memref_slice %arg2[%dma_wait3A_74, %dma_wait3A_75] : memref<10240x128xf32, #tpu.memory_space<hbm>> -> memref<10240x128xf32, #tpu.memory_space<hbm>>
        tpu.wait_indirect_dma semaphore(%arg14 : memref<!tpu.dma_semaphore, #tpu.memory_space<semaphore_mem>>) src(%dma_wait3A_76 : memref<10240x128xf32, #tpu.memory_space<hbm>>) dst(%arg11 : memref<128x128xf32, #tpu.memory_space<vmem>>)
        "tpu.region"() ({
          %run_scoped3A_87 = tpu.sem_alloc : memref<!tpu.dma_semaphore, #tpu.memory_space<semaphore_mem>>
          %dma_start3A_88 = arith.constant 0 : i32
          %dma_start3A_89 = tpu.memref_slice %arg9[%add3A_73, %dma_start3A_88] : memref<80x128xi32, #tpu.memory_space<vmem>> -> memref<1x128xi32, #tpu.memory_space<vmem>>
          %dma_start3A_90 = tpu.memref_squeeze %dma_start3A_89 : memref<1x128xi32, #tpu.memory_space<vmem>> -> memref<128xi32, #tpu.memory_space<vmem>>
          %dma_start3A_91 = arith.constant 0 : i32
          %dma_start3A_92 = arith.constant 0 : i32
          %dma_start3A_93 = tpu.memref_slice %arg12[%dma_start3A_91, %dma_start3A_92] : memref<10248x128xf32, #tpu.memory_space<vmem_shared>> -> memref<10248x128xf32, #tpu.memory_space<vmem_shared>>
          tpu.enqueue_indirect_dma source(%arg11 : memref<128x128xf32, #tpu.memory_space<vmem>>) target(%dma_start3A_93 : memref<10248x128xf32, #tpu.memory_space<vmem_shared>>) offsets(%dma_start3A_90 : memref<128xi32, #tpu.memory_space<vmem>>) semaphore(%run_scoped3A_87 : memref<!tpu.dma_semaphore, #tpu.memory_space<semaphore_mem>>) {add = true}
          %dma_wait3A_94 = arith.constant 0 : i32
          %dma_wait3A_95 = tpu.memref_slice %arg9[%add3A_73, %dma_wait3A_94] : memref<80x128xi32, #tpu.memory_space<vmem>> -> memref<1x128xi32, #tpu.memory_space<vmem>>
          %dma_wait3A_96 = tpu.memref_squeeze %dma_wait3A_95 : memref<1x128xi32, #tpu.memory_space<vmem>> -> memref<128xi32, #tpu.memory_space<vmem>>
          %dma_wait3A_97 = arith.constant 0 : i32
          %dma_wait3A_98 = arith.constant 0 : i32
          %dma_wait3A_99 = tpu.memref_slice %arg12[%dma_wait3A_97, %dma_wait3A_98] : memref<10248x128xf32, #tpu.memory_space<vmem_shared>> -> memref<10248x128xf32, #tpu.memory_space<vmem_shared>>
          tpu.wait_indirect_dma semaphore(%run_scoped3A_87 : memref<!tpu.dma_semaphore, #tpu.memory_space<semaphore_mem>>) src(%arg11 : memref<128x128xf32, #tpu.memory_space<vmem>>) dst(%dma_wait3A_99 : memref<10248x128xf32, #tpu.memory_space<vmem_shared>>)
          tpu.yield
        }) : () -> ()
        %add3A_77 = arith.constant 3 : i32
        %add3A_78 = arith.addi %mul3A_58, %add3A_77 : i32
        %mul3A_79 = arith.constant 80 : i32
        %mul3A_80 = arith.muli %arg1, %mul3A_79 : i32
        %add3A_81 = arith.addi %mul3A_80, %add3A_78 : i32
        %mul3A_82 = arith.constant 128 : i32
        %mul3A_83 = arith.muli %add3A_81, %mul3A_82 : i32
        "tpu.region"() ({
          %run_scoped3A_87 = tpu.sem_alloc : memref<!tpu.dma_semaphore, #tpu.memory_space<semaphore_mem>>
          %dma_start3A_88 = tpu.memref_slice %arg4[%mul3A_83] : memref<163840xi32, #tpu.memory_space<hbm>> -> memref<128xi32, #tpu.memory_space<hbm>>
          %dma_start3A_89 = tpu.memref_slice %arg4[%mul3A_83] : memref<163840xi32, #tpu.memory_space<hbm>> -> memref<128xi32, #tpu.memory_space<hbm>>
          tpu.enqueue_dma source(%dma_start3A_89 : memref<128xi32, #tpu.memory_space<hbm>>) target(%arg8 : memref<128xi32, #tpu.memory_space<vmem>>) target_semaphore(%run_scoped3A_87 : memref<!tpu.dma_semaphore, #tpu.memory_space<semaphore_mem>>)
          %dma_wait3A_90 = tpu.memref_slice %arg4[%mul3A_83] : memref<163840xi32, #tpu.memory_space<hbm>> -> memref<128xi32, #tpu.memory_space<hbm>>
          %dma_wait3A_91 = tpu.memref_slice %arg4[%mul3A_83] : memref<163840xi32, #tpu.memory_space<hbm>> -> memref<128xi32, #tpu.memory_space<hbm>>
          tpu.wait_dma2 semaphore(%run_scoped3A_87 : memref<!tpu.dma_semaphore, #tpu.memory_space<semaphore_mem>>) src(%dma_wait3A_91 : memref<128xi32, #tpu.memory_space<hbm>>) dst(%arg8 : memref<128xi32, #tpu.memory_space<vmem>>)
          tpu.yield
        }) : () -> ()
        %dma_start3A_84 = arith.constant 0 : i32
        %dma_start3A_85 = arith.constant 0 : i32
        %dma_start3A_86 = tpu.memref_slice %arg2[%dma_start3A_84, %dma_start3A_85] : memref<10240x128xf32, #tpu.memory_space<hbm>> -> memref<10240x128xf32, #tpu.memory_space<hbm>>
        tpu.enqueue_indirect_dma source(%dma_start3A_86 : memref<10240x128xf32, #tpu.memory_space<hbm>>) target(%arg11 : memref<128x128xf32, #tpu.memory_space<vmem>>) offsets(%arg8 : memref<128xi32, #tpu.memory_space<vmem>>) semaphore(%arg14 : memref<!tpu.dma_semaphore, #tpu.memory_space<semaphore_mem>>)
      }
      %scan3A_49 = arith.constant 39 : i32
      %dma_wait3A = arith.constant 0 : i32
      %dma_wait3A_50 = arith.constant 0 : i32
      %dma_wait3A_51 = tpu.memref_slice %arg2[%dma_wait3A, %dma_wait3A_50] : memref<10240x128xf32, #tpu.memory_space<hbm>> -> memref<10240x128xf32, #tpu.memory_space<hbm>>
      tpu.wait_indirect_dma semaphore(%arg13 : memref<!tpu.dma_semaphore, #tpu.memory_space<semaphore_mem>>) src(%dma_wait3A_51 : memref<10240x128xf32, #tpu.memory_space<hbm>>) dst(%arg10 : memref<128x128xf32, #tpu.memory_space<vmem>>)
      %run_scoped3A = arith.constant 78 : i32
      "tpu.region"() ({
        %run_scoped3A_56 = tpu.sem_alloc : memref<!tpu.dma_semaphore, #tpu.memory_space<semaphore_mem>>
        %dma_start3A_57 = arith.constant 0 : i32
        %dma_start3A_58 = tpu.memref_slice %arg9[%run_scoped3A, %dma_start3A_57] : memref<80x128xi32, #tpu.memory_space<vmem>> -> memref<1x128xi32, #tpu.memory_space<vmem>>
        %dma_start3A_59 = tpu.memref_squeeze %dma_start3A_58 : memref<1x128xi32, #tpu.memory_space<vmem>> -> memref<128xi32, #tpu.memory_space<vmem>>
        %dma_start3A_60 = arith.constant 0 : i32
        %dma_start3A_61 = arith.constant 0 : i32
        %dma_start3A_62 = tpu.memref_slice %arg12[%dma_start3A_60, %dma_start3A_61] : memref<10248x128xf32, #tpu.memory_space<vmem_shared>> -> memref<10248x128xf32, #tpu.memory_space<vmem_shared>>
        tpu.enqueue_indirect_dma source(%arg10 : memref<128x128xf32, #tpu.memory_space<vmem>>) target(%dma_start3A_62 : memref<10248x128xf32, #tpu.memory_space<vmem_shared>>) offsets(%dma_start3A_59 : memref<128xi32, #tpu.memory_space<vmem>>) semaphore(%run_scoped3A_56 : memref<!tpu.dma_semaphore, #tpu.memory_space<semaphore_mem>>) {add = true}
        %dma_wait3A_63 = arith.constant 0 : i32
        %dma_wait3A_64 = tpu.memref_slice %arg9[%run_scoped3A, %dma_wait3A_63] : memref<80x128xi32, #tpu.memory_space<vmem>> -> memref<1x128xi32, #tpu.memory_space<vmem>>
        %dma_wait3A_65 = tpu.memref_squeeze %dma_wait3A_64 : memref<1x128xi32, #tpu.memory_space<vmem>> -> memref<128xi32, #tpu.memory_space<vmem>>
        %dma_wait3A_66 = arith.constant 0 : i32
        %dma_wait3A_67 = arith.constant 0 : i32
        %dma_wait3A_68 = tpu.memref_slice %arg12[%dma_wait3A_66, %dma_wait3A_67] : memref<10248x128xf32, #tpu.memory_space<vmem_shared>> -> memref<10248x128xf32, #tpu.memory_space<vmem_shared>>
        tpu.wait_indirect_dma semaphore(%run_scoped3A_56 : memref<!tpu.dma_semaphore, #tpu.memory_space<semaphore_mem>>) src(%arg10 : memref<128x128xf32, #tpu.memory_space<vmem>>) dst(%dma_wait3A_68 : memref<10248x128xf32, #tpu.memory_space<vmem_shared>>)
        tpu.yield
      }) : () -> ()
      %dma_wait3A_52 = arith.constant 0 : i32
      %dma_wait3A_53 = arith.constant 0 : i32
      %dma_wait3A_54 = tpu.memref_slice %arg2[%dma_wait3A_52, %dma_wait3A_53] : memref<10240x128xf32, #tpu.memory_space<hbm>> -> memref<10240x128xf32, #tpu.memory_space<hbm>>
      tpu.wait_indirect_dma semaphore(%arg14 : memref<!tpu.dma_semaphore, #tpu.memory_space<semaphore_mem>>) src(%dma_wait3A_54 : memref<10240x128xf32, #tpu.memory_space<hbm>>) dst(%arg11 : memref<128x128xf32, #tpu.memory_space<vmem>>)
      %run_scoped3A_55 = arith.constant 79 : i32
      "tpu.region"() ({
        %run_scoped3A_56 = tpu.sem_alloc : memref<!tpu.dma_semaphore, #tpu.memory_space<semaphore_mem>>
        %dma_start3A_57 = arith.constant 0 : i32
        %dma_start3A_58 = tpu.memref_slice %arg9[%run_scoped3A_55, %dma_start3A_57] : memref<80x128xi32, #tpu.memory_space<vmem>> -> memref<1x128xi32, #tpu.memory_space<vmem>>
        %dma_start3A_59 = tpu.memref_squeeze %dma_start3A_58 : memref<1x128xi32, #tpu.memory_space<vmem>> -> memref<128xi32, #tpu.memory_space<vmem>>
        %dma_start3A_60 = arith.constant 0 : i32
        %dma_start3A_61 = arith.constant 0 : i32
        %dma_start3A_62 = tpu.memref_slice %arg12[%dma_start3A_60, %dma_start3A_61] : memref<10248x128xf32, #tpu.memory_space<vmem_shared>> -> memref<10248x128xf32, #tpu.memory_space<vmem_shared>>
        tpu.enqueue_indirect_dma source(%arg11 : memref<128x128xf32, #tpu.memory_space<vmem>>) target(%dma_start3A_62 : memref<10248x128xf32, #tpu.memory_space<vmem_shared>>) offsets(%dma_start3A_59 : memref<128xi32, #tpu.memory_space<vmem>>) semaphore(%run_scoped3A_56 : memref<!tpu.dma_semaphore, #tpu.memory_space<semaphore_mem>>) {add = true}
        %dma_wait3A_63 = arith.constant 0 : i32
        %dma_wait3A_64 = tpu.memref_slice %arg9[%run_scoped3A_55, %dma_wait3A_63] : memref<80x128xi32, #tpu.memory_space<vmem>> -> memref<1x128xi32, #tpu.memory_space<vmem>>
        %dma_wait3A_65 = tpu.memref_squeeze %dma_wait3A_64 : memref<1x128xi32, #tpu.memory_space<vmem>> -> memref<128xi32, #tpu.memory_space<vmem>>
        %dma_wait3A_66 = arith.constant 0 : i32
        %dma_wait3A_67 = arith.constant 0 : i32
        %dma_wait3A_68 = tpu.memref_slice %arg12[%dma_wait3A_66, %dma_wait3A_67] : memref<10248x128xf32, #tpu.memory_space<vmem_shared>> -> memref<10248x128xf32, #tpu.memory_space<vmem_shared>>
        tpu.wait_indirect_dma semaphore(%run_scoped3A_56 : memref<!tpu.dma_semaphore, #tpu.memory_space<semaphore_mem>>) src(%arg11 : memref<128x128xf32, #tpu.memory_space<vmem>>) dst(%dma_wait3A_68 : memref<10248x128xf32, #tpu.memory_space<vmem_shared>>)
        tpu.yield
      }) : () -> ()
    } else {
    }
    %eq3A_13 = arith.constant 1 : i32
    %eq3A_14 = arith.cmpi eq, %arg0, %eq3A_13 : i32
    %convert_element_type3A_15 = arith.extui %eq3A_14 : i1 to i32
    %cond3A_16 = arith.constant 0 : i32
    %cond3A_17 = arith.cmpi ne, %convert_element_type3A_15, %cond3A_16 : i32
    scf.if %cond3A_17 {
      %mul3A_28 = arith.constant 80 : i32
      %mul3A_29 = arith.muli %arg1, %mul3A_28 : i32
      %add3A_30 = arith.constant 0 : i32
      %add3A_31 = arith.addi %mul3A_29, %add3A_30 : i32
      %mul3A_32 = arith.constant 128 : i32
      %mul3A_33 = arith.muli %add3A_31, %mul3A_32 : i32
      "tpu.region"() ({
        %run_scoped3A_56 = tpu.sem_alloc : memref<!tpu.dma_semaphore, #tpu.memory_space<semaphore_mem>>
        %dma_start3A_57 = tpu.memref_slice %arg4[%mul3A_33] : memref<163840xi32, #tpu.memory_space<hbm>> -> memref<128xi32, #tpu.memory_space<hbm>>
        %dma_start3A_58 = tpu.memref_slice %arg4[%mul3A_33] : memref<163840xi32, #tpu.memory_space<hbm>> -> memref<128xi32, #tpu.memory_space<hbm>>
        tpu.enqueue_dma source(%dma_start3A_58 : memref<128xi32, #tpu.memory_space<hbm>>) target(%arg7 : memref<128xi32, #tpu.memory_space<vmem>>) target_semaphore(%run_scoped3A_56 : memref<!tpu.dma_semaphore, #tpu.memory_space<semaphore_mem>>)
        %dma_wait3A_59 = tpu.memref_slice %arg4[%mul3A_33] : memref<163840xi32, #tpu.memory_space<hbm>> -> memref<128xi32, #tpu.memory_space<hbm>>
        %dma_wait3A_60 = tpu.memref_slice %arg4[%mul3A_33] : memref<163840xi32, #tpu.memory_space<hbm>> -> memref<128xi32, #tpu.memory_space<hbm>>
        tpu.wait_dma2 semaphore(%run_scoped3A_56 : memref<!tpu.dma_semaphore, #tpu.memory_space<semaphore_mem>>) src(%dma_wait3A_60 : memref<128xi32, #tpu.memory_space<hbm>>) dst(%arg7 : memref<128xi32, #tpu.memory_space<vmem>>)
        tpu.yield
      }) : () -> ()
      %dma_start3A = arith.constant 0 : i32
      %dma_start3A_34 = arith.constant 0 : i32
      %dma_start3A_35 = tpu.memref_slice %arg3[%dma_start3A, %dma_start3A_34] : memref<10240x128xf32, #tpu.memory_space<hbm>> -> memref<10240x128xf32, #tpu.memory_space<hbm>>
      tpu.enqueue_indirect_dma source(%dma_start3A_35 : memref<10240x128xf32, #tpu.memory_space<hbm>>) target(%arg10 : memref<128x128xf32, #tpu.memory_space<vmem>>) offsets(%arg7 : memref<128xi32, #tpu.memory_space<vmem>>) semaphore(%arg13 : memref<!tpu.dma_semaphore, #tpu.memory_space<semaphore_mem>>)
      %mul3A_36 = arith.constant 80 : i32
      %mul3A_37 = arith.muli %arg1, %mul3A_36 : i32
      %add3A_38 = arith.constant 1 : i32
      %add3A_39 = arith.addi %mul3A_37, %add3A_38 : i32
      %mul3A_40 = arith.constant 128 : i32
      %mul3A_41 = arith.muli %add3A_39, %mul3A_40 : i32
      "tpu.region"() ({
        %run_scoped3A_56 = tpu.sem_alloc : memref<!tpu.dma_semaphore, #tpu.memory_space<semaphore_mem>>
        %dma_start3A_57 = tpu.memref_slice %arg4[%mul3A_41] : memref<163840xi32, #tpu.memory_space<hbm>> -> memref<128xi32, #tpu.memory_space<hbm>>
        %dma_start3A_58 = tpu.memref_slice %arg4[%mul3A_41] : memref<163840xi32, #tpu.memory_space<hbm>> -> memref<128xi32, #tpu.memory_space<hbm>>
        tpu.enqueue_dma source(%dma_start3A_58 : memref<128xi32, #tpu.memory_space<hbm>>) target(%arg8 : memref<128xi32, #tpu.memory_space<vmem>>) target_semaphore(%run_scoped3A_56 : memref<!tpu.dma_semaphore, #tpu.memory_space<semaphore_mem>>)
        %dma_wait3A_59 = tpu.memref_slice %arg4[%mul3A_41] : memref<163840xi32, #tpu.memory_space<hbm>> -> memref<128xi32, #tpu.memory_space<hbm>>
        %dma_wait3A_60 = tpu.memref_slice %arg4[%mul3A_41] : memref<163840xi32, #tpu.memory_space<hbm>> -> memref<128xi32, #tpu.memory_space<hbm>>
        tpu.wait_dma2 semaphore(%run_scoped3A_56 : memref<!tpu.dma_semaphore, #tpu.memory_space<semaphore_mem>>) src(%dma_wait3A_60 : memref<128xi32, #tpu.memory_space<hbm>>) dst(%arg8 : memref<128xi32, #tpu.memory_space<vmem>>)
        tpu.yield
      }) : () -> ()
      %dma_start3A_42 = arith.constant 0 : i32
      %dma_start3A_43 = arith.constant 0 : i32
      %dma_start3A_44 = tpu.memref_slice %arg3[%dma_start3A_42, %dma_start3A_43] : memref<10240x128xf32, #tpu.memory_space<hbm>> -> memref<10240x128xf32, #tpu.memory_space<hbm>>
      tpu.enqueue_indirect_dma source(%dma_start3A_44 : memref<10240x128xf32, #tpu.memory_space<hbm>>) target(%arg11 : memref<128x128xf32, #tpu.memory_space<vmem>>) offsets(%arg8 : memref<128xi32, #tpu.memory_space<vmem>>) semaphore(%arg14 : memref<!tpu.dma_semaphore, #tpu.memory_space<semaphore_mem>>)
      %scan3A = arith.constant 0 : i32
      %scan3A_45 = arith.constant 0 : i32
      %scan3A_46 = arith.constant 39 : i32
      %scan3A_47 = arith.addi %scan3A_45, %scan3A_46 : i32
      %scan3A_48 = arith.constant 1 : i32
      scf.for %scan3A_56 = %scan3A_45 to %scan3A_47 step %scan3A_48  : i32 {
        %mul3A_57 = arith.constant 2 : i32
        %mul3A_58 = arith.muli %mul3A_57, %scan3A_56 : i32
        %dma_wait3A_59 = arith.constant 0 : i32
        %dma_wait3A_60 = arith.constant 0 : i32
        %dma_wait3A_61 = tpu.memref_slice %arg3[%dma_wait3A_59, %dma_wait3A_60] : memref<10240x128xf32, #tpu.memory_space<hbm>> -> memref<10240x128xf32, #tpu.memory_space<hbm>>
        tpu.wait_indirect_dma semaphore(%arg13 : memref<!tpu.dma_semaphore, #tpu.memory_space<semaphore_mem>>) src(%dma_wait3A_61 : memref<10240x128xf32, #tpu.memory_space<hbm>>) dst(%arg10 : memref<128x128xf32, #tpu.memory_space<vmem>>)
        "tpu.region"() ({
          %run_scoped3A_87 = tpu.sem_alloc : memref<!tpu.dma_semaphore, #tpu.memory_space<semaphore_mem>>
          %dma_start3A_88 = arith.constant 0 : i32
          %dma_start3A_89 = tpu.memref_slice %arg9[%mul3A_58, %dma_start3A_88] : memref<80x128xi32, #tpu.memory_space<vmem>> -> memref<1x128xi32, #tpu.memory_space<vmem>>
          %dma_start3A_90 = tpu.memref_squeeze %dma_start3A_89 : memref<1x128xi32, #tpu.memory_space<vmem>> -> memref<128xi32, #tpu.memory_space<vmem>>
          %dma_start3A_91 = arith.constant 0 : i32
          %dma_start3A_92 = arith.constant 0 : i32
          %dma_start3A_93 = tpu.memref_slice %arg12[%dma_start3A_91, %dma_start3A_92] : memref<10248x128xf32, #tpu.memory_space<vmem_shared>> -> memref<10248x128xf32, #tpu.memory_space<vmem_shared>>
          tpu.enqueue_indirect_dma source(%arg10 : memref<128x128xf32, #tpu.memory_space<vmem>>) target(%dma_start3A_93 : memref<10248x128xf32, #tpu.memory_space<vmem_shared>>) offsets(%dma_start3A_90 : memref<128xi32, #tpu.memory_space<vmem>>) semaphore(%run_scoped3A_87 : memref<!tpu.dma_semaphore, #tpu.memory_space<semaphore_mem>>) {add = true}
          %dma_wait3A_94 = arith.constant 0 : i32
          %dma_wait3A_95 = tpu.memref_slice %arg9[%mul3A_58, %dma_wait3A_94] : memref<80x128xi32, #tpu.memory_space<vmem>> -> memref<1x128xi32, #tpu.memory_space<vmem>>
          %dma_wait3A_96 = tpu.memref_squeeze %dma_wait3A_95 : memref<1x128xi32, #tpu.memory_space<vmem>> -> memref<128xi32, #tpu.memory_space<vmem>>
          %dma_wait3A_97 = arith.constant 0 : i32
          %dma_wait3A_98 = arith.constant 0 : i32
          %dma_wait3A_99 = tpu.memref_slice %arg12[%dma_wait3A_97, %dma_wait3A_98] : memref<10248x128xf32, #tpu.memory_space<vmem_shared>> -> memref<10248x128xf32, #tpu.memory_space<vmem_shared>>
          tpu.wait_indirect_dma semaphore(%run_scoped3A_87 : memref<!tpu.dma_semaphore, #tpu.memory_space<semaphore_mem>>) src(%arg10 : memref<128x128xf32, #tpu.memory_space<vmem>>) dst(%dma_wait3A_99 : memref<10248x128xf32, #tpu.memory_space<vmem_shared>>)
          tpu.yield
        }) : () -> ()
        %add3A_62 = arith.constant 2 : i32
        %add3A_63 = arith.addi %mul3A_58, %add3A_62 : i32
        %mul3A_64 = arith.constant 80 : i32
        %mul3A_65 = arith.muli %arg1, %mul3A_64 : i32
        %add3A_66 = arith.addi %mul3A_65, %add3A_63 : i32
        %mul3A_67 = arith.constant 128 : i32
        %mul3A_68 = arith.muli %add3A_66, %mul3A_67 : i32
        "tpu.region"() ({
          %run_scoped3A_87 = tpu.sem_alloc : memref<!tpu.dma_semaphore, #tpu.memory_space<semaphore_mem>>
          %dma_start3A_88 = tpu.memref_slice %arg4[%mul3A_68] : memref<163840xi32, #tpu.memory_space<hbm>> -> memref<128xi32, #tpu.memory_space<hbm>>
          %dma_start3A_89 = tpu.memref_slice %arg4[%mul3A_68] : memref<163840xi32, #tpu.memory_space<hbm>> -> memref<128xi32, #tpu.memory_space<hbm>>
          tpu.enqueue_dma source(%dma_start3A_89 : memref<128xi32, #tpu.memory_space<hbm>>) target(%arg7 : memref<128xi32, #tpu.memory_space<vmem>>) target_semaphore(%run_scoped3A_87 : memref<!tpu.dma_semaphore, #tpu.memory_space<semaphore_mem>>)
          %dma_wait3A_90 = tpu.memref_slice %arg4[%mul3A_68] : memref<163840xi32, #tpu.memory_space<hbm>> -> memref<128xi32, #tpu.memory_space<hbm>>
          %dma_wait3A_91 = tpu.memref_slice %arg4[%mul3A_68] : memref<163840xi32, #tpu.memory_space<hbm>> -> memref<128xi32, #tpu.memory_space<hbm>>
          tpu.wait_dma2 semaphore(%run_scoped3A_87 : memref<!tpu.dma_semaphore, #tpu.memory_space<semaphore_mem>>) src(%dma_wait3A_91 : memref<128xi32, #tpu.memory_space<hbm>>) dst(%arg7 : memref<128xi32, #tpu.memory_space<vmem>>)
          tpu.yield
        }) : () -> ()
        %dma_start3A_69 = arith.constant 0 : i32
        %dma_start3A_70 = arith.constant 0 : i32
        %dma_start3A_71 = tpu.memref_slice %arg3[%dma_start3A_69, %dma_start3A_70] : memref<10240x128xf32, #tpu.memory_space<hbm>> -> memref<10240x128xf32, #tpu.memory_space<hbm>>
        tpu.enqueue_indirect_dma source(%dma_start3A_71 : memref<10240x128xf32, #tpu.memory_space<hbm>>) target(%arg10 : memref<128x128xf32, #tpu.memory_space<vmem>>) offsets(%arg7 : memref<128xi32, #tpu.memory_space<vmem>>) semaphore(%arg13 : memref<!tpu.dma_semaphore, #tpu.memory_space<semaphore_mem>>)
        %add3A_72 = arith.constant 1 : i32
        %add3A_73 = arith.addi %mul3A_58, %add3A_72 : i32
        %dma_wait3A_74 = arith.constant 0 : i32
        %dma_wait3A_75 = arith.constant 0 : i32
        %dma_wait3A_76 = tpu.memref_slice %arg3[%dma_wait3A_74, %dma_wait3A_75] : memref<10240x128xf32, #tpu.memory_space<hbm>> -> memref<10240x128xf32, #tpu.memory_space<hbm>>
        tpu.wait_indirect_dma semaphore(%arg14 : memref<!tpu.dma_semaphore, #tpu.memory_space<semaphore_mem>>) src(%dma_wait3A_76 : memref<10240x128xf32, #tpu.memory_space<hbm>>) dst(%arg11 : memref<128x128xf32, #tpu.memory_space<vmem>>)
        "tpu.region"() ({
          %run_scoped3A_87 = tpu.sem_alloc : memref<!tpu.dma_semaphore, #tpu.memory_space<semaphore_mem>>
          %dma_start3A_88 = arith.constant 0 : i32
          %dma_start3A_89 = tpu.memref_slice %arg9[%add3A_73, %dma_start3A_88] : memref<80x128xi32, #tpu.memory_space<vmem>> -> memref<1x128xi32, #tpu.memory_space<vmem>>
          %dma_start3A_90 = tpu.memref_squeeze %dma_start3A_89 : memref<1x128xi32, #tpu.memory_space<vmem>> -> memref<128xi32, #tpu.memory_space<vmem>>
          %dma_start3A_91 = arith.constant 0 : i32
          %dma_start3A_92 = arith.constant 0 : i32
          %dma_start3A_93 = tpu.memref_slice %arg12[%dma_start3A_91, %dma_start3A_92] : memref<10248x128xf32, #tpu.memory_space<vmem_shared>> -> memref<10248x128xf32, #tpu.memory_space<vmem_shared>>
          tpu.enqueue_indirect_dma source(%arg11 : memref<128x128xf32, #tpu.memory_space<vmem>>) target(%dma_start3A_93 : memref<10248x128xf32, #tpu.memory_space<vmem_shared>>) offsets(%dma_start3A_90 : memref<128xi32, #tpu.memory_space<vmem>>) semaphore(%run_scoped3A_87 : memref<!tpu.dma_semaphore, #tpu.memory_space<semaphore_mem>>) {add = true}
          %dma_wait3A_94 = arith.constant 0 : i32
          %dma_wait3A_95 = tpu.memref_slice %arg9[%add3A_73, %dma_wait3A_94] : memref<80x128xi32, #tpu.memory_space<vmem>> -> memref<1x128xi32, #tpu.memory_space<vmem>>
          %dma_wait3A_96 = tpu.memref_squeeze %dma_wait3A_95 : memref<1x128xi32, #tpu.memory_space<vmem>> -> memref<128xi32, #tpu.memory_space<vmem>>
          %dma_wait3A_97 = arith.constant 0 : i32
          %dma_wait3A_98 = arith.constant 0 : i32
          %dma_wait3A_99 = tpu.memref_slice %arg12[%dma_wait3A_97, %dma_wait3A_98] : memref<10248x128xf32, #tpu.memory_space<vmem_shared>> -> memref<10248x128xf32, #tpu.memory_space<vmem_shared>>
          tpu.wait_indirect_dma semaphore(%run_scoped3A_87 : memref<!tpu.dma_semaphore, #tpu.memory_space<semaphore_mem>>) src(%arg11 : memref<128x128xf32, #tpu.memory_space<vmem>>) dst(%dma_wait3A_99 : memref<10248x128xf32, #tpu.memory_space<vmem_shared>>)
          tpu.yield
        }) : () -> ()
        %add3A_77 = arith.constant 3 : i32
        %add3A_78 = arith.addi %mul3A_58, %add3A_77 : i32
        %mul3A_79 = arith.constant 80 : i32
        %mul3A_80 = arith.muli %arg1, %mul3A_79 : i32
        %add3A_81 = arith.addi %mul3A_80, %add3A_78 : i32
        %mul3A_82 = arith.constant 128 : i32
        %mul3A_83 = arith.muli %add3A_81, %mul3A_82 : i32
        "tpu.region"() ({
          %run_scoped3A_87 = tpu.sem_alloc : memref<!tpu.dma_semaphore, #tpu.memory_space<semaphore_mem>>
          %dma_start3A_88 = tpu.memref_slice %arg4[%mul3A_83] : memref<163840xi32, #tpu.memory_space<hbm>> -> memref<128xi32, #tpu.memory_space<hbm>>
          %dma_start3A_89 = tpu.memref_slice %arg4[%mul3A_83] : memref<163840xi32, #tpu.memory_space<hbm>> -> memref<128xi32, #tpu.memory_space<hbm>>
          tpu.enqueue_dma source(%dma_start3A_89 : memref<128xi32, #tpu.memory_space<hbm>>) target(%arg8 : memref<128xi32, #tpu.memory_space<vmem>>) target_semaphore(%run_scoped3A_87 : memref<!tpu.dma_semaphore, #tpu.memory_space<semaphore_mem>>)
          %dma_wait3A_90 = tpu.memref_slice %arg4[%mul3A_83] : memref<163840xi32, #tpu.memory_space<hbm>> -> memref<128xi32, #tpu.memory_space<hbm>>
          %dma_wait3A_91 = tpu.memref_slice %arg4[%mul3A_83] : memref<163840xi32, #tpu.memory_space<hbm>> -> memref<128xi32, #tpu.memory_space<hbm>>
          tpu.wait_dma2 semaphore(%run_scoped3A_87 : memref<!tpu.dma_semaphore, #tpu.memory_space<semaphore_mem>>) src(%dma_wait3A_91 : memref<128xi32, #tpu.memory_space<hbm>>) dst(%arg8 : memref<128xi32, #tpu.memory_space<vmem>>)
          tpu.yield
        }) : () -> ()
        %dma_start3A_84 = arith.constant 0 : i32
        %dma_start3A_85 = arith.constant 0 : i32
        %dma_start3A_86 = tpu.memref_slice %arg3[%dma_start3A_84, %dma_start3A_85] : memref<10240x128xf32, #tpu.memory_space<hbm>> -> memref<10240x128xf32, #tpu.memory_space<hbm>>
        tpu.enqueue_indirect_dma source(%dma_start3A_86 : memref<10240x128xf32, #tpu.memory_space<hbm>>) target(%arg11 : memref<128x128xf32, #tpu.memory_space<vmem>>) offsets(%arg8 : memref<128xi32, #tpu.memory_space<vmem>>) semaphore(%arg14 : memref<!tpu.dma_semaphore, #tpu.memory_space<semaphore_mem>>)
      }
      %scan3A_49 = arith.constant 39 : i32
      %dma_wait3A = arith.constant 0 : i32
      %dma_wait3A_50 = arith.constant 0 : i32
      %dma_wait3A_51 = tpu.memref_slice %arg3[%dma_wait3A, %dma_wait3A_50] : memref<10240x128xf32, #tpu.memory_space<hbm>> -> memref<10240x128xf32, #tpu.memory_space<hbm>>
      tpu.wait_indirect_dma semaphore(%arg13 : memref<!tpu.dma_semaphore, #tpu.memory_space<semaphore_mem>>) src(%dma_wait3A_51 : memref<10240x128xf32, #tpu.memory_space<hbm>>) dst(%arg10 : memref<128x128xf32, #tpu.memory_space<vmem>>)
      %run_scoped3A = arith.constant 78 : i32
      "tpu.region"() ({
        %run_scoped3A_56 = tpu.sem_alloc : memref<!tpu.dma_semaphore, #tpu.memory_space<semaphore_mem>>
        %dma_start3A_57 = arith.constant 0 : i32
        %dma_start3A_58 = tpu.memref_slice %arg9[%run_scoped3A, %dma_start3A_57] : memref<80x128xi32, #tpu.memory_space<vmem>> -> memref<1x128xi32, #tpu.memory_space<vmem>>
        %dma_start3A_59 = tpu.memref_squeeze %dma_start3A_58 : memref<1x128xi32, #tpu.memory_space<vmem>> -> memref<128xi32, #tpu.memory_space<vmem>>
        %dma_start3A_60 = arith.constant 0 : i32
        %dma_start3A_61 = arith.constant 0 : i32
        %dma_start3A_62 = tpu.memref_slice %arg12[%dma_start3A_60, %dma_start3A_61] : memref<10248x128xf32, #tpu.memory_space<vmem_shared>> -> memref<10248x128xf32, #tpu.memory_space<vmem_shared>>
        tpu.enqueue_indirect_dma source(%arg10 : memref<128x128xf32, #tpu.memory_space<vmem>>) target(%dma_start3A_62 : memref<10248x128xf32, #tpu.memory_space<vmem_shared>>) offsets(%dma_start3A_59 : memref<128xi32, #tpu.memory_space<vmem>>) semaphore(%run_scoped3A_56 : memref<!tpu.dma_semaphore, #tpu.memory_space<semaphore_mem>>) {add = true}
        %dma_wait3A_63 = arith.constant 0 : i32
        %dma_wait3A_64 = tpu.memref_slice %arg9[%run_scoped3A, %dma_wait3A_63] : memref<80x128xi32, #tpu.memory_space<vmem>> -> memref<1x128xi32, #tpu.memory_space<vmem>>
        %dma_wait3A_65 = tpu.memref_squeeze %dma_wait3A_64 : memref<1x128xi32, #tpu.memory_space<vmem>> -> memref<128xi32, #tpu.memory_space<vmem>>
        %dma_wait3A_66 = arith.constant 0 : i32
        %dma_wait3A_67 = arith.constant 0 : i32
        %dma_wait3A_68 = tpu.memref_slice %arg12[%dma_wait3A_66, %dma_wait3A_67] : memref<10248x128xf32, #tpu.memory_space<vmem_shared>> -> memref<10248x128xf32, #tpu.memory_space<vmem_shared>>
        tpu.wait_indirect_dma semaphore(%run_scoped3A_56 : memref<!tpu.dma_semaphore, #tpu.memory_space<semaphore_mem>>) src(%arg10 : memref<128x128xf32, #tpu.memory_space<vmem>>) dst(%dma_wait3A_68 : memref<10248x128xf32, #tpu.memory_space<vmem_shared>>)
        tpu.yield
      }) : () -> ()
      %dma_wait3A_52 = arith.constant 0 : i32
      %dma_wait3A_53 = arith.constant 0 : i32
      %dma_wait3A_54 = tpu.memref_slice %arg3[%dma_wait3A_52, %dma_wait3A_53] : memref<10240x128xf32, #tpu.memory_space<hbm>> -> memref<10240x128xf32, #tpu.memory_space<hbm>>
      tpu.wait_indirect_dma semaphore(%arg14 : memref<!tpu.dma_semaphore, #tpu.memory_space<semaphore_mem>>) src(%dma_wait3A_54 : memref<10240x128xf32, #tpu.memory_space<hbm>>) dst(%arg11 : memref<128x128xf32, #tpu.memory_space<vmem>>)
      %run_scoped3A_55 = arith.constant 79 : i32
      "tpu.region"() ({
        %run_scoped3A_56 = tpu.sem_alloc : memref<!tpu.dma_semaphore, #tpu.memory_space<semaphore_mem>>
        %dma_start3A_57 = arith.constant 0 : i32
        %dma_start3A_58 = tpu.memref_slice %arg9[%run_scoped3A_55, %dma_start3A_57] : memref<80x128xi32, #tpu.memory_space<vmem>> -> memref<1x128xi32, #tpu.memory_space<vmem>>
        %dma_start3A_59 = tpu.memref_squeeze %dma_start3A_58 : memref<1x128xi32, #tpu.memory_space<vmem>> -> memref<128xi32, #tpu.memory_space<vmem>>
        %dma_start3A_60 = arith.constant 0 : i32
        %dma_start3A_61 = arith.constant 0 : i32
        %dma_start3A_62 = tpu.memref_slice %arg12[%dma_start3A_60, %dma_start3A_61] : memref<10248x128xf32, #tpu.memory_space<vmem_shared>> -> memref<10248x128xf32, #tpu.memory_space<vmem_shared>>
        tpu.enqueue_indirect_dma source(%arg11 : memref<128x128xf32, #tpu.memory_space<vmem>>) target(%dma_start3A_62 : memref<10248x128xf32, #tpu.memory_space<vmem_shared>>) offsets(%dma_start3A_59 : memref<128xi32, #tpu.memory_space<vmem>>) semaphore(%run_scoped3A_56 : memref<!tpu.dma_semaphore, #tpu.memory_space<semaphore_mem>>) {add = true}
        %dma_wait3A_63 = arith.constant 0 : i32
        %dma_wait3A_64 = tpu.memref_slice %arg9[%run_scoped3A_55, %dma_wait3A_63] : memref<80x128xi32, #tpu.memory_space<vmem>> -> memref<1x128xi32, #tpu.memory_space<vmem>>
        %dma_wait3A_65 = tpu.memref_squeeze %dma_wait3A_64 : memref<1x128xi32, #tpu.memory_space<vmem>> -> memref<128xi32, #tpu.memory_space<vmem>>
        %dma_wait3A_66 = arith.constant 0 : i32
        %dma_wait3A_67 = arith.constant 0 : i32
        %dma_wait3A_68 = tpu.memref_slice %arg12[%dma_wait3A_66, %dma_wait3A_67] : memref<10248x128xf32, #tpu.memory_space<vmem_shared>> -> memref<10248x128xf32, #tpu.memory_space<vmem_shared>>
        tpu.wait_indirect_dma semaphore(%run_scoped3A_56 : memref<!tpu.dma_semaphore, #tpu.memory_space<semaphore_mem>>) src(%arg11 : memref<128x128xf32, #tpu.memory_space<vmem>>) dst(%dma_wait3A_68 : memref<10248x128xf32, #tpu.memory_space<vmem_shared>>)
        tpu.yield
      }) : () -> ()
    } else {
    }
    %barrier3A_18 = arith.constant 0 : index
    tpu.barrier barrier_id(%barrier3A_18)
    %add3A = arith.constant 0 : i32
    %add3A_19 = arith.addi %mul3A_0, %add3A : i32
    "tpu.region"() ({
      %run_scoped3A = tpu.sem_alloc : memref<!tpu.dma_semaphore, #tpu.memory_space<semaphore_mem>>
      %dma_start3A = arith.constant 0 : i32
      %dma_start3A_28 = arith.constant 0 : i32
      %dma_start3A_29 = tpu.memref_slice %arg6[%arg0, %dma_start3A, %dma_start3A_28] : memref<2x10240x128xf32, #tpu.memory_space<hbm>> -> memref<1x10240x128xf32, #tpu.memory_space<hbm>>
      %dma_start3A_30 = tpu.memref_squeeze %dma_start3A_29 : memref<1x10240x128xf32, #tpu.memory_space<hbm>> -> memref<10240x128xf32, #tpu.memory_space<hbm>>
      %dma_start3A_31 = arith.constant 0 : i32
      %dma_start3A_32 = tpu.memref_slice %dma_start3A_30[%add3A_19, %dma_start3A_31] : memref<10240x128xf32, #tpu.memory_space<hbm>> -> memref<128x128xf32, #tpu.memory_space<hbm>>
      %dma_start3A_33 = arith.constant 0 : i32
      %dma_start3A_34 = tpu.memref_slice %arg12[%add3A_19, %dma_start3A_33] : memref<10248x128xf32, #tpu.memory_space<vmem_shared>> -> memref<128x128xf32, #tpu.memory_space<vmem_shared>>
      tpu.enqueue_dma source(%dma_start3A_34 : memref<128x128xf32, #tpu.memory_space<vmem_shared>>) target(%dma_start3A_32 : memref<128x128xf32, #tpu.memory_space<hbm>>) target_semaphore(%run_scoped3A : memref<!tpu.dma_semaphore, #tpu.memory_space<semaphore_mem>>)
      %dma_wait3A = arith.constant 0 : i32
      %dma_wait3A_35 = arith.constant 0 : i32
      %dma_wait3A_36 = tpu.memref_slice %arg6[%arg0, %dma_wait3A, %dma_wait3A_35] : memref<2x10240x128xf32, #tpu.memory_space<hbm>> -> memref<1x10240x128xf32, #tpu.memory_space<hbm>>
      %dma_wait3A_37 = tpu.memref_squeeze %dma_wait3A_36 : memref<1x10240x128xf32, #tpu.memory_space<hbm>> -> memref<10240x128xf32, #tpu.memory_space<hbm>>
      %dma_wait3A_38 = arith.constant 0 : i32
      %dma_wait3A_39 = tpu.memref_slice %dma_wait3A_37[%add3A_19, %dma_wait3A_38] : memref<10240x128xf32, #tpu.memory_space<hbm>> -> memref<128x128xf32, #tpu.memory_space<hbm>>
      %dma_wait3A_40 = arith.constant 0 : i32
      %dma_wait3A_41 = tpu.memref_slice %arg12[%add3A_19, %dma_wait3A_40] : memref<10248x128xf32, #tpu.memory_space<vmem_shared>> -> memref<128x128xf32, #tpu.memory_space<vmem_shared>>
      tpu.wait_dma2 semaphore(%run_scoped3A : memref<!tpu.dma_semaphore, #tpu.memory_space<semaphore_mem>>) src(%dma_wait3A_41 : memref<128x128xf32, #tpu.memory_space<vmem_shared>>) dst(%dma_wait3A_39 : memref<128x128xf32, #tpu.memory_space<hbm>>)
      tpu.yield
    }) : () -> ()
    %add3A_20 = arith.constant 128 : i32
    %add3A_21 = arith.addi %mul3A_0, %add3A_20 : i32
    "tpu.region"() ({
      %run_scoped3A = tpu.sem_alloc : memref<!tpu.dma_semaphore, #tpu.memory_space<semaphore_mem>>
      %dma_start3A = arith.constant 0 : i32
      %dma_start3A_28 = arith.constant 0 : i32
      %dma_start3A_29 = tpu.memref_slice %arg6[%arg0, %dma_start3A, %dma_start3A_28] : memref<2x10240x128xf32, #tpu.memory_space<hbm>> -> memref<1x10240x128xf32, #tpu.memory_space<hbm>>
      %dma_start3A_30 = tpu.memref_squeeze %dma_start3A_29 : memref<1x10240x128xf32, #tpu.memory_space<hbm>> -> memref<10240x128xf32, #tpu.memory_space<hbm>>
      %dma_start3A_31 = arith.constant 0 : i32
      %dma_start3A_32 = tpu.memref_slice %dma_start3A_30[%add3A_21, %dma_start3A_31] : memref<10240x128xf32, #tpu.memory_space<hbm>> -> memref<128x128xf32, #tpu.memory_space<hbm>>
      %dma_start3A_33 = arith.constant 0 : i32
      %dma_start3A_34 = tpu.memref_slice %arg12[%add3A_21, %dma_start3A_33] : memref<10248x128xf32, #tpu.memory_space<vmem_shared>> -> memref<128x128xf32, #tpu.memory_space<vmem_shared>>
      tpu.enqueue_dma source(%dma_start3A_34 : memref<128x128xf32, #tpu.memory_space<vmem_shared>>) target(%dma_start3A_32 : memref<128x128xf32, #tpu.memory_space<hbm>>) target_semaphore(%run_scoped3A : memref<!tpu.dma_semaphore, #tpu.memory_space<semaphore_mem>>)
      %dma_wait3A = arith.constant 0 : i32
      %dma_wait3A_35 = arith.constant 0 : i32
      %dma_wait3A_36 = tpu.memref_slice %arg6[%arg0, %dma_wait3A, %dma_wait3A_35] : memref<2x10240x128xf32, #tpu.memory_space<hbm>> -> memref<1x10240x128xf32, #tpu.memory_space<hbm>>
      %dma_wait3A_37 = tpu.memref_squeeze %dma_wait3A_36 : memref<1x10240x128xf32, #tpu.memory_space<hbm>> -> memref<10240x128xf32, #tpu.memory_space<hbm>>
      %dma_wait3A_38 = arith.constant 0 : i32
      %dma_wait3A_39 = tpu.memref_slice %dma_wait3A_37[%add3A_21, %dma_wait3A_38] : memref<10240x128xf32, #tpu.memory_space<hbm>> -> memref<128x128xf32, #tpu.memory_space<hbm>>
      %dma_wait3A_40 = arith.constant 0 : i32
      %dma_wait3A_41 = tpu.memref_slice %arg12[%add3A_21, %dma_wait3A_40] : memref<10248x128xf32, #tpu.memory_space<vmem_shared>> -> memref<128x128xf32, #tpu.memory_space<vmem_shared>>
      tpu.wait_dma2 semaphore(%run_scoped3A : memref<!tpu.dma_semaphore, #tpu.memory_space<semaphore_mem>>) src(%dma_wait3A_41 : memref<128x128xf32, #tpu.memory_space<vmem_shared>>) dst(%dma_wait3A_39 : memref<128x128xf32, #tpu.memory_space<hbm>>)
      tpu.yield
    }) : () -> ()
    %add3A_22 = arith.constant 256 : i32
    %add3A_23 = arith.addi %mul3A_0, %add3A_22 : i32
    "tpu.region"() ({
      %run_scoped3A = tpu.sem_alloc : memref<!tpu.dma_semaphore, #tpu.memory_space<semaphore_mem>>
      %dma_start3A = arith.constant 0 : i32
      %dma_start3A_28 = arith.constant 0 : i32
      %dma_start3A_29 = tpu.memref_slice %arg6[%arg0, %dma_start3A, %dma_start3A_28] : memref<2x10240x128xf32, #tpu.memory_space<hbm>> -> memref<1x10240x128xf32, #tpu.memory_space<hbm>>
      %dma_start3A_30 = tpu.memref_squeeze %dma_start3A_29 : memref<1x10240x128xf32, #tpu.memory_space<hbm>> -> memref<10240x128xf32, #tpu.memory_space<hbm>>
      %dma_start3A_31 = arith.constant 0 : i32
      %dma_start3A_32 = tpu.memref_slice %dma_start3A_30[%add3A_23, %dma_start3A_31] : memref<10240x128xf32, #tpu.memory_space<hbm>> -> memref<128x128xf32, #tpu.memory_space<hbm>>
      %dma_start3A_33 = arith.constant 0 : i32
      %dma_start3A_34 = tpu.memref_slice %arg12[%add3A_23, %dma_start3A_33] : memref<10248x128xf32, #tpu.memory_space<vmem_shared>> -> memref<128x128xf32, #tpu.memory_space<vmem_shared>>
      tpu.enqueue_dma source(%dma_start3A_34 : memref<128x128xf32, #tpu.memory_space<vmem_shared>>) target(%dma_start3A_32 : memref<128x128xf32, #tpu.memory_space<hbm>>) target_semaphore(%run_scoped3A : memref<!tpu.dma_semaphore, #tpu.memory_space<semaphore_mem>>)
      %dma_wait3A = arith.constant 0 : i32
      %dma_wait3A_35 = arith.constant 0 : i32
      %dma_wait3A_36 = tpu.memref_slice %arg6[%arg0, %dma_wait3A, %dma_wait3A_35] : memref<2x10240x128xf32, #tpu.memory_space<hbm>> -> memref<1x10240x128xf32, #tpu.memory_space<hbm>>
      %dma_wait3A_37 = tpu.memref_squeeze %dma_wait3A_36 : memref<1x10240x128xf32, #tpu.memory_space<hbm>> -> memref<10240x128xf32, #tpu.memory_space<hbm>>
      %dma_wait3A_38 = arith.constant 0 : i32
      %dma_wait3A_39 = tpu.memref_slice %dma_wait3A_37[%add3A_23, %dma_wait3A_38] : memref<10240x128xf32, #tpu.memory_space<hbm>> -> memref<128x128xf32, #tpu.memory_space<hbm>>
      %dma_wait3A_40 = arith.constant 0 : i32
      %dma_wait3A_41 = tpu.memref_slice %arg12[%add3A_23, %dma_wait3A_40] : memref<10248x128xf32, #tpu.memory_space<vmem_shared>> -> memref<128x128xf32, #tpu.memory_space<vmem_shared>>
      tpu.wait_dma2 semaphore(%run_scoped3A : memref<!tpu.dma_semaphore, #tpu.memory_space<semaphore_mem>>) src(%dma_wait3A_41 : memref<128x128xf32, #tpu.memory_space<vmem_shared>>) dst(%dma_wait3A_39 : memref<128x128xf32, #tpu.memory_space<hbm>>)
      tpu.yield
    }) : () -> ()
    %add3A_24 = arith.constant 384 : i32
    %add3A_25 = arith.addi %mul3A_0, %add3A_24 : i32
    "tpu.region"() ({
      %run_scoped3A = tpu.sem_alloc : memref<!tpu.dma_semaphore, #tpu.memory_space<semaphore_mem>>
      %dma_start3A = arith.constant 0 : i32
      %dma_start3A_28 = arith.constant 0 : i32
      %dma_start3A_29 = tpu.memref_slice %arg6[%arg0, %dma_start3A, %dma_start3A_28] : memref<2x10240x128xf32, #tpu.memory_space<hbm>> -> memref<1x10240x128xf32, #tpu.memory_space<hbm>>
      %dma_start3A_30 = tpu.memref_squeeze %dma_start3A_29 : memref<1x10240x128xf32, #tpu.memory_space<hbm>> -> memref<10240x128xf32, #tpu.memory_space<hbm>>
      %dma_start3A_31 = arith.constant 0 : i32
      %dma_start3A_32 = tpu.memref_slice %dma_start3A_30[%add3A_25, %dma_start3A_31] : memref<10240x128xf32, #tpu.memory_space<hbm>> -> memref<128x128xf32, #tpu.memory_space<hbm>>
      %dma_start3A_33 = arith.constant 0 : i32
      %dma_start3A_34 = tpu.memref_slice %arg12[%add3A_25, %dma_start3A_33] : memref<10248x128xf32, #tpu.memory_space<vmem_shared>> -> memref<128x128xf32, #tpu.memory_space<vmem_shared>>
      tpu.enqueue_dma source(%dma_start3A_34 : memref<128x128xf32, #tpu.memory_space<vmem_shared>>) target(%dma_start3A_32 : memref<128x128xf32, #tpu.memory_space<hbm>>) target_semaphore(%run_scoped3A : memref<!tpu.dma_semaphore, #tpu.memory_space<semaphore_mem>>)
      %dma_wait3A = arith.constant 0 : i32
      %dma_wait3A_35 = arith.constant 0 : i32
      %dma_wait3A_36 = tpu.memref_slice %arg6[%arg0, %dma_wait3A, %dma_wait3A_35] : memref<2x10240x128xf32, #tpu.memory_space<hbm>> -> memref<1x10240x128xf32, #tpu.memory_space<hbm>>
      %dma_wait3A_37 = tpu.memref_squeeze %dma_wait3A_36 : memref<1x10240x128xf32, #tpu.memory_space<hbm>> -> memref<10240x128xf32, #tpu.memory_space<hbm>>
      %dma_wait3A_38 = arith.constant 0 : i32
      %dma_wait3A_39 = tpu.memref_slice %dma_wait3A_37[%add3A_25, %dma_wait3A_38] : memref<10240x128xf32, #tpu.memory_space<hbm>> -> memref<128x128xf32, #tpu.memory_space<hbm>>
      %dma_wait3A_40 = arith.constant 0 : i32
      %dma_wait3A_41 = tpu.memref_slice %arg12[%add3A_25, %dma_wait3A_40] : memref<10248x128xf32, #tpu.memory_space<vmem_shared>> -> memref<128x128xf32, #tpu.memory_space<vmem_shared>>
      tpu.wait_dma2 semaphore(%run_scoped3A : memref<!tpu.dma_semaphore, #tpu.memory_space<semaphore_mem>>) src(%dma_wait3A_41 : memref<128x128xf32, #tpu.memory_space<vmem_shared>>) dst(%dma_wait3A_39 : memref<128x128xf32, #tpu.memory_space<hbm>>)
      tpu.yield
    }) : () -> ()
    %add3A_26 = arith.constant 512 : i32
    %add3A_27 = arith.addi %mul3A_0, %add3A_26 : i32
    "tpu.region"() ({
      %run_scoped3A = tpu.sem_alloc : memref<!tpu.dma_semaphore, #tpu.memory_space<semaphore_mem>>
      %dma_start3A = arith.constant 0 : i32
      %dma_start3A_28 = arith.constant 0 : i32
      %dma_start3A_29 = tpu.memref_slice %arg6[%arg0, %dma_start3A, %dma_start3A_28] : memref<2x10240x128xf32, #tpu.memory_space<hbm>> -> memref<1x10240x128xf32, #tpu.memory_space<hbm>>
      %dma_start3A_30 = tpu.memref_squeeze %dma_start3A_29 : memref<1x10240x128xf32, #tpu.memory_space<hbm>> -> memref<10240x128xf32, #tpu.memory_space<hbm>>
      %dma_start3A_31 = arith.constant 0 : i32
      %dma_start3A_32 = tpu.memref_slice %dma_start3A_30[%add3A_27, %dma_start3A_31] : memref<10240x128xf32, #tpu.memory_space<hbm>> -> memref<128x128xf32, #tpu.memory_space<hbm>>
      %dma_start3A_33 = arith.constant 0 : i32
      %dma_start3A_34 = tpu.memref_slice %arg12[%add3A_27, %dma_start3A_33] : memref<10248x128xf32, #tpu.memory_space<vmem_shared>> -> memref<128x128xf32, #tpu.memory_space<vmem_shared>>
      tpu.enqueue_dma source(%dma_start3A_34 : memref<128x128xf32, #tpu.memory_space<vmem_shared>>) target(%dma_start3A_32 : memref<128x128xf32, #tpu.memory_space<hbm>>) target_semaphore(%run_scoped3A : memref<!tpu.dma_semaphore, #tpu.memory_space<semaphore_mem>>)
      %dma_wait3A = arith.constant 0 : i32
      %dma_wait3A_35 = arith.constant 0 : i32
      %dma_wait3A_36 = tpu.memref_slice %arg6[%arg0, %dma_wait3A, %dma_wait3A_35] : memref<2x10240x128xf32, #tpu.memory_space<hbm>> -> memref<1x10240x128xf32, #tpu.memory_space<hbm>>
      %dma_wait3A_37 = tpu.memref_squeeze %dma_wait3A_36 : memref<1x10240x128xf32, #tpu.memory_space<hbm>> -> memref<10240x128xf32, #tpu.memory_space<hbm>>
      %dma_wait3A_38 = arith.constant 0 : i32
      %dma_wait3A_39 = tpu.memref_slice %dma_wait3A_37[%add3A_27, %dma_wait3A_38] : memref<10240x128xf32, #tpu.memory_space<hbm>> -> memref<128x128xf32, #tpu.memory_space<hbm>>
      %dma_wait3A_40 = arith.constant 0 : i32
      %dma_wait3A_41 = tpu.memref_slice %arg12[%add3A_27, %dma_wait3A_40] : memref<10248x128xf32, #tpu.memory_space<vmem_shared>> -> memref<128x128xf32, #tpu.memory_space<vmem_shared>>
      tpu.wait_dma2 semaphore(%run_scoped3A : memref<!tpu.dma_semaphore, #tpu.memory_space<semaphore_mem>>) src(%dma_wait3A_41 : memref<128x128xf32, #tpu.memory_space<vmem_shared>>) dst(%dma_wait3A_39 : memref<128x128xf32, #tpu.memory_space<hbm>>)
      tpu.yield
    }) : () -> ()
    return
  }
}

#map = affine_map<(d0, d1) -> (0, 0)>
#map1 = affine_map<(d0, d1) -> (0)>
#map2 = affine_map<(d0, d1) -> (0, 0, 0)>
module attributes {stable_mosaic.version = 14 : i64} {
  func.func @edge_kernel(%arg0: i32, %arg1: i32, %arg2: memref<10240x128xf32, #tpu.memory_space<hbm>>, %arg3: memref<10240x128xf32, #tpu.memory_space<hbm>>, %arg4: memref<163840xi32, #tpu.memory_space<hbm>>, %arg5: memref<16x80x128xi32, #tpu.memory_space<hbm>>, %arg6: memref<2x10240x128xf32, #tpu.memory_space<hbm>>, %arg7: memref<128xi32, #tpu.memory_space<vmem>>, %arg8: memref<128xi32, #tpu.memory_space<vmem>>, %arg9: memref<80x128xi32, #tpu.memory_space<vmem>>, %arg10: memref<128x128xf32, #tpu.memory_space<vmem>>, %arg11: memref<128x128xf32, #tpu.memory_space<vmem>>, %arg12: memref<10248x128xf32, #tpu.memory_space<vmem_shared>>, %arg13: memref<!tpu.dma_semaphore, #tpu.memory_space<semaphore_mem>>, %arg14: memref<!tpu.dma_semaphore, #tpu.memory_space<semaphore_mem>>) attributes {dimension_semantics = [#tpu.dimension_semantics<core_parallel>, #tpu.dimension_semantics<subcore_parallel>], iteration_bounds = array<i64: 2, 16>, scalar_prefetch = 0 : i64, scratch_operands = 8 : i64, tpu.core_type = #tpu.core_type<sc_vector_subcore>, window_params = [{transform_indices = #map}, {transform_indices = #map}, {transform_indices = #map1}, {transform_indices = #map2}, {transform_indices = #map2}]} {
    %mul3A = arith.constant 640 : i32
    %mul3A_0 = arith.muli %arg1, %mul3A : i32
    %eq3A = arith.constant 0 : i32
    %eq3A_1 = arith.cmpi eq, %arg0, %eq3A : i32
    %convert_element_type3A = arith.extui %eq3A_1 : i1 to i32
    %cond3A = arith.constant 0 : i32
    %cond3A_2 = arith.cmpi ne, %convert_element_type3A, %cond3A : i32
    scf.if %cond3A_2 {
      %add3A_28 = arith.constant 0 : i32
      %add3A_29 = arith.addi %mul3A_0, %add3A_28 : i32
      "tpu.region"() ({
        %run_scoped3A = tpu.sem_alloc : memref<!tpu.dma_semaphore, #tpu.memory_space<semaphore_mem>>
        %dma_start3A = arith.constant 0 : i32
        %dma_start3A_38 = tpu.memref_slice %arg12[%add3A_29, %dma_start3A] : memref<10248x128xf32, #tpu.memory_space<vmem_shared>> -> memref<128x128xf32, #tpu.memory_space<vmem_shared>>
        %dma_start3A_39 = arith.constant 0 : i32
        %dma_start3A_40 = tpu.memref_slice %arg2[%add3A_29, %dma_start3A_39] : memref<10240x128xf32, #tpu.memory_space<hbm>> -> memref<128x128xf32, #tpu.memory_space<hbm>>
        tpu.enqueue_dma source(%dma_start3A_40 : memref<128x128xf32, #tpu.memory_space<hbm>>) target(%dma_start3A_38 : memref<128x128xf32, #tpu.memory_space<vmem_shared>>) target_semaphore(%run_scoped3A : memref<!tpu.dma_semaphore, #tpu.memory_space<semaphore_mem>>)
        %dma_wait3A = arith.constant 0 : i32
        %dma_wait3A_41 = tpu.memref_slice %arg12[%add3A_29, %dma_wait3A] : memref<10248x128xf32, #tpu.memory_space<vmem_shared>> -> memref<128x128xf32, #tpu.memory_space<vmem_shared>>
        %dma_wait3A_42 = arith.constant 0 : i32
        %dma_wait3A_43 = tpu.memref_slice %arg2[%add3A_29, %dma_wait3A_42] : memref<10240x128xf32, #tpu.memory_space<hbm>> -> memref<128x128xf32, #tpu.memory_space<hbm>>
        tpu.wait_dma2 semaphore(%run_scoped3A : memref<!tpu.dma_semaphore, #tpu.memory_space<semaphore_mem>>) src(%dma_wait3A_43 : memref<128x128xf32, #tpu.memory_space<hbm>>) dst(%dma_wait3A_41 : memref<128x128xf32, #tpu.memory_space<vmem_shared>>)
        tpu.yield
      }) : () -> ()
      %add3A_30 = arith.constant 128 : i32
      %add3A_31 = arith.addi %mul3A_0, %add3A_30 : i32
      "tpu.region"() ({
        %run_scoped3A = tpu.sem_alloc : memref<!tpu.dma_semaphore, #tpu.memory_space<semaphore_mem>>
        %dma_start3A = arith.constant 0 : i32
        %dma_start3A_38 = tpu.memref_slice %arg12[%add3A_31, %dma_start3A] : memref<10248x128xf32, #tpu.memory_space<vmem_shared>> -> memref<128x128xf32, #tpu.memory_space<vmem_shared>>
        %dma_start3A_39 = arith.constant 0 : i32
        %dma_start3A_40 = tpu.memref_slice %arg2[%add3A_31, %dma_start3A_39] : memref<10240x128xf32, #tpu.memory_space<hbm>> -> memref<128x128xf32, #tpu.memory_space<hbm>>
        tpu.enqueue_dma source(%dma_start3A_40 : memref<128x128xf32, #tpu.memory_space<hbm>>) target(%dma_start3A_38 : memref<128x128xf32, #tpu.memory_space<vmem_shared>>) target_semaphore(%run_scoped3A : memref<!tpu.dma_semaphore, #tpu.memory_space<semaphore_mem>>)
        %dma_wait3A = arith.constant 0 : i32
        %dma_wait3A_41 = tpu.memref_slice %arg12[%add3A_31, %dma_wait3A] : memref<10248x128xf32, #tpu.memory_space<vmem_shared>> -> memref<128x128xf32, #tpu.memory_space<vmem_shared>>
        %dma_wait3A_42 = arith.constant 0 : i32
        %dma_wait3A_43 = tpu.memref_slice %arg2[%add3A_31, %dma_wait3A_42] : memref<10240x128xf32, #tpu.memory_space<hbm>> -> memref<128x128xf32, #tpu.memory_space<hbm>>
        tpu.wait_dma2 semaphore(%run_scoped3A : memref<!tpu.dma_semaphore, #tpu.memory_space<semaphore_mem>>) src(%dma_wait3A_43 : memref<128x128xf32, #tpu.memory_space<hbm>>) dst(%dma_wait3A_41 : memref<128x128xf32, #tpu.memory_space<vmem_shared>>)
        tpu.yield
      }) : () -> ()
      %add3A_32 = arith.constant 256 : i32
      %add3A_33 = arith.addi %mul3A_0, %add3A_32 : i32
      "tpu.region"() ({
        %run_scoped3A = tpu.sem_alloc : memref<!tpu.dma_semaphore, #tpu.memory_space<semaphore_mem>>
        %dma_start3A = arith.constant 0 : i32
        %dma_start3A_38 = tpu.memref_slice %arg12[%add3A_33, %dma_start3A] : memref<10248x128xf32, #tpu.memory_space<vmem_shared>> -> memref<128x128xf32, #tpu.memory_space<vmem_shared>>
        %dma_start3A_39 = arith.constant 0 : i32
        %dma_start3A_40 = tpu.memref_slice %arg2[%add3A_33, %dma_start3A_39] : memref<10240x128xf32, #tpu.memory_space<hbm>> -> memref<128x128xf32, #tpu.memory_space<hbm>>
        tpu.enqueue_dma source(%dma_start3A_40 : memref<128x128xf32, #tpu.memory_space<hbm>>) target(%dma_start3A_38 : memref<128x128xf32, #tpu.memory_space<vmem_shared>>) target_semaphore(%run_scoped3A : memref<!tpu.dma_semaphore, #tpu.memory_space<semaphore_mem>>)
        %dma_wait3A = arith.constant 0 : i32
        %dma_wait3A_41 = tpu.memref_slice %arg12[%add3A_33, %dma_wait3A] : memref<10248x128xf32, #tpu.memory_space<vmem_shared>> -> memref<128x128xf32, #tpu.memory_space<vmem_shared>>
        %dma_wait3A_42 = arith.constant 0 : i32
        %dma_wait3A_43 = tpu.memref_slice %arg2[%add3A_33, %dma_wait3A_42] : memref<10240x128xf32, #tpu.memory_space<hbm>> -> memref<128x128xf32, #tpu.memory_space<hbm>>
        tpu.wait_dma2 semaphore(%run_scoped3A : memref<!tpu.dma_semaphore, #tpu.memory_space<semaphore_mem>>) src(%dma_wait3A_43 : memref<128x128xf32, #tpu.memory_space<hbm>>) dst(%dma_wait3A_41 : memref<128x128xf32, #tpu.memory_space<vmem_shared>>)
        tpu.yield
      }) : () -> ()
      %add3A_34 = arith.constant 384 : i32
      %add3A_35 = arith.addi %mul3A_0, %add3A_34 : i32
      "tpu.region"() ({
        %run_scoped3A = tpu.sem_alloc : memref<!tpu.dma_semaphore, #tpu.memory_space<semaphore_mem>>
        %dma_start3A = arith.constant 0 : i32
        %dma_start3A_38 = tpu.memref_slice %arg12[%add3A_35, %dma_start3A] : memref<10248x128xf32, #tpu.memory_space<vmem_shared>> -> memref<128x128xf32, #tpu.memory_space<vmem_shared>>
        %dma_start3A_39 = arith.constant 0 : i32
        %dma_start3A_40 = tpu.memref_slice %arg2[%add3A_35, %dma_start3A_39] : memref<10240x128xf32, #tpu.memory_space<hbm>> -> memref<128x128xf32, #tpu.memory_space<hbm>>
        tpu.enqueue_dma source(%dma_start3A_40 : memref<128x128xf32, #tpu.memory_space<hbm>>) target(%dma_start3A_38 : memref<128x128xf32, #tpu.memory_space<vmem_shared>>) target_semaphore(%run_scoped3A : memref<!tpu.dma_semaphore, #tpu.memory_space<semaphore_mem>>)
        %dma_wait3A = arith.constant 0 : i32
        %dma_wait3A_41 = tpu.memref_slice %arg12[%add3A_35, %dma_wait3A] : memref<10248x128xf32, #tpu.memory_space<vmem_shared>> -> memref<128x128xf32, #tpu.memory_space<vmem_shared>>
        %dma_wait3A_42 = arith.constant 0 : i32
        %dma_wait3A_43 = tpu.memref_slice %arg2[%add3A_35, %dma_wait3A_42] : memref<10240x128xf32, #tpu.memory_space<hbm>> -> memref<128x128xf32, #tpu.memory_space<hbm>>
        tpu.wait_dma2 semaphore(%run_scoped3A : memref<!tpu.dma_semaphore, #tpu.memory_space<semaphore_mem>>) src(%dma_wait3A_43 : memref<128x128xf32, #tpu.memory_space<hbm>>) dst(%dma_wait3A_41 : memref<128x128xf32, #tpu.memory_space<vmem_shared>>)
        tpu.yield
      }) : () -> ()
      %add3A_36 = arith.constant 512 : i32
      %add3A_37 = arith.addi %mul3A_0, %add3A_36 : i32
      "tpu.region"() ({
        %run_scoped3A = tpu.sem_alloc : memref<!tpu.dma_semaphore, #tpu.memory_space<semaphore_mem>>
        %dma_start3A = arith.constant 0 : i32
        %dma_start3A_38 = tpu.memref_slice %arg12[%add3A_37, %dma_start3A] : memref<10248x128xf32, #tpu.memory_space<vmem_shared>> -> memref<128x128xf32, #tpu.memory_space<vmem_shared>>
        %dma_start3A_39 = arith.constant 0 : i32
        %dma_start3A_40 = tpu.memref_slice %arg2[%add3A_37, %dma_start3A_39] : memref<10240x128xf32, #tpu.memory_space<hbm>> -> memref<128x128xf32, #tpu.memory_space<hbm>>
        tpu.enqueue_dma source(%dma_start3A_40 : memref<128x128xf32, #tpu.memory_space<hbm>>) target(%dma_start3A_38 : memref<128x128xf32, #tpu.memory_space<vmem_shared>>) target_semaphore(%run_scoped3A : memref<!tpu.dma_semaphore, #tpu.memory_space<semaphore_mem>>)
        %dma_wait3A = arith.constant 0 : i32
        %dma_wait3A_41 = tpu.memref_slice %arg12[%add3A_37, %dma_wait3A] : memref<10248x128xf32, #tpu.memory_space<vmem_shared>> -> memref<128x128xf32, #tpu.memory_space<vmem_shared>>
        %dma_wait3A_42 = arith.constant 0 : i32
        %dma_wait3A_43 = tpu.memref_slice %arg2[%add3A_37, %dma_wait3A_42] : memref<10240x128xf32, #tpu.memory_space<hbm>> -> memref<128x128xf32, #tpu.memory_space<hbm>>
        tpu.wait_dma2 semaphore(%run_scoped3A : memref<!tpu.dma_semaphore, #tpu.memory_space<semaphore_mem>>) src(%dma_wait3A_43 : memref<128x128xf32, #tpu.memory_space<hbm>>) dst(%dma_wait3A_41 : memref<128x128xf32, #tpu.memory_space<vmem_shared>>)
        tpu.yield
      }) : () -> ()
    } else {
    }
    %eq3A_3 = arith.constant 1 : i32
    %eq3A_4 = arith.cmpi eq, %arg0, %eq3A_3 : i32
    %convert_element_type3A_5 = arith.extui %eq3A_4 : i1 to i32
    %cond3A_6 = arith.constant 0 : i32
    %cond3A_7 = arith.cmpi ne, %convert_element_type3A_5, %cond3A_6 : i32
    scf.if %cond3A_7 {
      %add3A_28 = arith.constant 0 : i32
      %add3A_29 = arith.addi %mul3A_0, %add3A_28 : i32
      "tpu.region"() ({
        %run_scoped3A = tpu.sem_alloc : memref<!tpu.dma_semaphore, #tpu.memory_space<semaphore_mem>>
        %dma_start3A = arith.constant 0 : i32
        %dma_start3A_38 = tpu.memref_slice %arg12[%add3A_29, %dma_start3A] : memref<10248x128xf32, #tpu.memory_space<vmem_shared>> -> memref<128x128xf32, #tpu.memory_space<vmem_shared>>
        %dma_start3A_39 = arith.constant 0 : i32
        %dma_start3A_40 = tpu.memref_slice %arg3[%add3A_29, %dma_start3A_39] : memref<10240x128xf32, #tpu.memory_space<hbm>> -> memref<128x128xf32, #tpu.memory_space<hbm>>
        tpu.enqueue_dma source(%dma_start3A_40 : memref<128x128xf32, #tpu.memory_space<hbm>>) target(%dma_start3A_38 : memref<128x128xf32, #tpu.memory_space<vmem_shared>>) target_semaphore(%run_scoped3A : memref<!tpu.dma_semaphore, #tpu.memory_space<semaphore_mem>>)
        %dma_wait3A = arith.constant 0 : i32
        %dma_wait3A_41 = tpu.memref_slice %arg12[%add3A_29, %dma_wait3A] : memref<10248x128xf32, #tpu.memory_space<vmem_shared>> -> memref<128x128xf32, #tpu.memory_space<vmem_shared>>
        %dma_wait3A_42 = arith.constant 0 : i32
        %dma_wait3A_43 = tpu.memref_slice %arg3[%add3A_29, %dma_wait3A_42] : memref<10240x128xf32, #tpu.memory_space<hbm>> -> memref<128x128xf32, #tpu.memory_space<hbm>>
        tpu.wait_dma2 semaphore(%run_scoped3A : memref<!tpu.dma_semaphore, #tpu.memory_space<semaphore_mem>>) src(%dma_wait3A_43 : memref<128x128xf32, #tpu.memory_space<hbm>>) dst(%dma_wait3A_41 : memref<128x128xf32, #tpu.memory_space<vmem_shared>>)
        tpu.yield
      }) : () -> ()
      %add3A_30 = arith.constant 128 : i32
      %add3A_31 = arith.addi %mul3A_0, %add3A_30 : i32
      "tpu.region"() ({
        %run_scoped3A = tpu.sem_alloc : memref<!tpu.dma_semaphore, #tpu.memory_space<semaphore_mem>>
        %dma_start3A = arith.constant 0 : i32
        %dma_start3A_38 = tpu.memref_slice %arg12[%add3A_31, %dma_start3A] : memref<10248x128xf32, #tpu.memory_space<vmem_shared>> -> memref<128x128xf32, #tpu.memory_space<vmem_shared>>
        %dma_start3A_39 = arith.constant 0 : i32
        %dma_start3A_40 = tpu.memref_slice %arg3[%add3A_31, %dma_start3A_39] : memref<10240x128xf32, #tpu.memory_space<hbm>> -> memref<128x128xf32, #tpu.memory_space<hbm>>
        tpu.enqueue_dma source(%dma_start3A_40 : memref<128x128xf32, #tpu.memory_space<hbm>>) target(%dma_start3A_38 : memref<128x128xf32, #tpu.memory_space<vmem_shared>>) target_semaphore(%run_scoped3A : memref<!tpu.dma_semaphore, #tpu.memory_space<semaphore_mem>>)
        %dma_wait3A = arith.constant 0 : i32
        %dma_wait3A_41 = tpu.memref_slice %arg12[%add3A_31, %dma_wait3A] : memref<10248x128xf32, #tpu.memory_space<vmem_shared>> -> memref<128x128xf32, #tpu.memory_space<vmem_shared>>
        %dma_wait3A_42 = arith.constant 0 : i32
        %dma_wait3A_43 = tpu.memref_slice %arg3[%add3A_31, %dma_wait3A_42] : memref<10240x128xf32, #tpu.memory_space<hbm>> -> memref<128x128xf32, #tpu.memory_space<hbm>>
        tpu.wait_dma2 semaphore(%run_scoped3A : memref<!tpu.dma_semaphore, #tpu.memory_space<semaphore_mem>>) src(%dma_wait3A_43 : memref<128x128xf32, #tpu.memory_space<hbm>>) dst(%dma_wait3A_41 : memref<128x128xf32, #tpu.memory_space<vmem_shared>>)
        tpu.yield
      }) : () -> ()
      %add3A_32 = arith.constant 256 : i32
      %add3A_33 = arith.addi %mul3A_0, %add3A_32 : i32
      "tpu.region"() ({
        %run_scoped3A = tpu.sem_alloc : memref<!tpu.dma_semaphore, #tpu.memory_space<semaphore_mem>>
        %dma_start3A = arith.constant 0 : i32
        %dma_start3A_38 = tpu.memref_slice %arg12[%add3A_33, %dma_start3A] : memref<10248x128xf32, #tpu.memory_space<vmem_shared>> -> memref<128x128xf32, #tpu.memory_space<vmem_shared>>
        %dma_start3A_39 = arith.constant 0 : i32
        %dma_start3A_40 = tpu.memref_slice %arg3[%add3A_33, %dma_start3A_39] : memref<10240x128xf32, #tpu.memory_space<hbm>> -> memref<128x128xf32, #tpu.memory_space<hbm>>
        tpu.enqueue_dma source(%dma_start3A_40 : memref<128x128xf32, #tpu.memory_space<hbm>>) target(%dma_start3A_38 : memref<128x128xf32, #tpu.memory_space<vmem_shared>>) target_semaphore(%run_scoped3A : memref<!tpu.dma_semaphore, #tpu.memory_space<semaphore_mem>>)
        %dma_wait3A = arith.constant 0 : i32
        %dma_wait3A_41 = tpu.memref_slice %arg12[%add3A_33, %dma_wait3A] : memref<10248x128xf32, #tpu.memory_space<vmem_shared>> -> memref<128x128xf32, #tpu.memory_space<vmem_shared>>
        %dma_wait3A_42 = arith.constant 0 : i32
        %dma_wait3A_43 = tpu.memref_slice %arg3[%add3A_33, %dma_wait3A_42] : memref<10240x128xf32, #tpu.memory_space<hbm>> -> memref<128x128xf32, #tpu.memory_space<hbm>>
        tpu.wait_dma2 semaphore(%run_scoped3A : memref<!tpu.dma_semaphore, #tpu.memory_space<semaphore_mem>>) src(%dma_wait3A_43 : memref<128x128xf32, #tpu.memory_space<hbm>>) dst(%dma_wait3A_41 : memref<128x128xf32, #tpu.memory_space<vmem_shared>>)
        tpu.yield
      }) : () -> ()
      %add3A_34 = arith.constant 384 : i32
      %add3A_35 = arith.addi %mul3A_0, %add3A_34 : i32
      "tpu.region"() ({
        %run_scoped3A = tpu.sem_alloc : memref<!tpu.dma_semaphore, #tpu.memory_space<semaphore_mem>>
        %dma_start3A = arith.constant 0 : i32
        %dma_start3A_38 = tpu.memref_slice %arg12[%add3A_35, %dma_start3A] : memref<10248x128xf32, #tpu.memory_space<vmem_shared>> -> memref<128x128xf32, #tpu.memory_space<vmem_shared>>
        %dma_start3A_39 = arith.constant 0 : i32
        %dma_start3A_40 = tpu.memref_slice %arg3[%add3A_35, %dma_start3A_39] : memref<10240x128xf32, #tpu.memory_space<hbm>> -> memref<128x128xf32, #tpu.memory_space<hbm>>
        tpu.enqueue_dma source(%dma_start3A_40 : memref<128x128xf32, #tpu.memory_space<hbm>>) target(%dma_start3A_38 : memref<128x128xf32, #tpu.memory_space<vmem_shared>>) target_semaphore(%run_scoped3A : memref<!tpu.dma_semaphore, #tpu.memory_space<semaphore_mem>>)
        %dma_wait3A = arith.constant 0 : i32
        %dma_wait3A_41 = tpu.memref_slice %arg12[%add3A_35, %dma_wait3A] : memref<10248x128xf32, #tpu.memory_space<vmem_shared>> -> memref<128x128xf32, #tpu.memory_space<vmem_shared>>
        %dma_wait3A_42 = arith.constant 0 : i32
        %dma_wait3A_43 = tpu.memref_slice %arg3[%add3A_35, %dma_wait3A_42] : memref<10240x128xf32, #tpu.memory_space<hbm>> -> memref<128x128xf32, #tpu.memory_space<hbm>>
        tpu.wait_dma2 semaphore(%run_scoped3A : memref<!tpu.dma_semaphore, #tpu.memory_space<semaphore_mem>>) src(%dma_wait3A_43 : memref<128x128xf32, #tpu.memory_space<hbm>>) dst(%dma_wait3A_41 : memref<128x128xf32, #tpu.memory_space<vmem_shared>>)
        tpu.yield
      }) : () -> ()
      %add3A_36 = arith.constant 512 : i32
      %add3A_37 = arith.addi %mul3A_0, %add3A_36 : i32
      "tpu.region"() ({
        %run_scoped3A = tpu.sem_alloc : memref<!tpu.dma_semaphore, #tpu.memory_space<semaphore_mem>>
        %dma_start3A = arith.constant 0 : i32
        %dma_start3A_38 = tpu.memref_slice %arg12[%add3A_37, %dma_start3A] : memref<10248x128xf32, #tpu.memory_space<vmem_shared>> -> memref<128x128xf32, #tpu.memory_space<vmem_shared>>
        %dma_start3A_39 = arith.constant 0 : i32
        %dma_start3A_40 = tpu.memref_slice %arg3[%add3A_37, %dma_start3A_39] : memref<10240x128xf32, #tpu.memory_space<hbm>> -> memref<128x128xf32, #tpu.memory_space<hbm>>
        tpu.enqueue_dma source(%dma_start3A_40 : memref<128x128xf32, #tpu.memory_space<hbm>>) target(%dma_start3A_38 : memref<128x128xf32, #tpu.memory_space<vmem_shared>>) target_semaphore(%run_scoped3A : memref<!tpu.dma_semaphore, #tpu.memory_space<semaphore_mem>>)
        %dma_wait3A = arith.constant 0 : i32
        %dma_wait3A_41 = tpu.memref_slice %arg12[%add3A_37, %dma_wait3A] : memref<10248x128xf32, #tpu.memory_space<vmem_shared>> -> memref<128x128xf32, #tpu.memory_space<vmem_shared>>
        %dma_wait3A_42 = arith.constant 0 : i32
        %dma_wait3A_43 = tpu.memref_slice %arg3[%add3A_37, %dma_wait3A_42] : memref<10240x128xf32, #tpu.memory_space<hbm>> -> memref<128x128xf32, #tpu.memory_space<hbm>>
        tpu.wait_dma2 semaphore(%run_scoped3A : memref<!tpu.dma_semaphore, #tpu.memory_space<semaphore_mem>>) src(%dma_wait3A_43 : memref<128x128xf32, #tpu.memory_space<hbm>>) dst(%dma_wait3A_41 : memref<128x128xf32, #tpu.memory_space<vmem_shared>>)
        tpu.yield
      }) : () -> ()
    } else {
    }
    "tpu.region"() ({
      %run_scoped3A = tpu.sem_alloc : memref<!tpu.dma_semaphore, #tpu.memory_space<semaphore_mem>>
      %dma_start3A = arith.constant 0 : i32
      %dma_start3A_28 = arith.constant 0 : i32
      %dma_start3A_29 = tpu.memref_slice %arg5[%arg1, %dma_start3A, %dma_start3A_28] : memref<16x80x128xi32, #tpu.memory_space<hbm>> -> memref<1x80x128xi32, #tpu.memory_space<hbm>>
      %dma_start3A_30 = tpu.memref_squeeze %dma_start3A_29 : memref<1x80x128xi32, #tpu.memory_space<hbm>> -> memref<80x128xi32, #tpu.memory_space<hbm>>
      %dma_start3A_31 = arith.constant 0 : i32
      %dma_start3A_32 = arith.constant 0 : i32
      %dma_start3A_33 = tpu.memref_slice %arg5[%arg1, %dma_start3A_31, %dma_start3A_32] : memref<16x80x128xi32, #tpu.memory_space<hbm>> -> memref<1x80x128xi32, #tpu.memory_space<hbm>>
      %dma_start3A_34 = tpu.memref_squeeze %dma_start3A_33 : memref<1x80x128xi32, #tpu.memory_space<hbm>> -> memref<80x128xi32, #tpu.memory_space<hbm>>
      tpu.enqueue_dma source(%dma_start3A_34 : memref<80x128xi32, #tpu.memory_space<hbm>>) target(%arg9 : memref<80x128xi32, #tpu.memory_space<vmem>>) target_semaphore(%run_scoped3A : memref<!tpu.dma_semaphore, #tpu.memory_space<semaphore_mem>>)
      %dma_wait3A = arith.constant 0 : i32
      %dma_wait3A_35 = arith.constant 0 : i32
      %dma_wait3A_36 = tpu.memref_slice %arg5[%arg1, %dma_wait3A, %dma_wait3A_35] : memref<16x80x128xi32, #tpu.memory_space<hbm>> -> memref<1x80x128xi32, #tpu.memory_space<hbm>>
      %dma_wait3A_37 = tpu.memref_squeeze %dma_wait3A_36 : memref<1x80x128xi32, #tpu.memory_space<hbm>> -> memref<80x128xi32, #tpu.memory_space<hbm>>
      %dma_wait3A_38 = arith.constant 0 : i32
      %dma_wait3A_39 = arith.constant 0 : i32
      %dma_wait3A_40 = tpu.memref_slice %arg5[%arg1, %dma_wait3A_38, %dma_wait3A_39] : memref<16x80x128xi32, #tpu.memory_space<hbm>> -> memref<1x80x128xi32, #tpu.memory_space<hbm>>
      %dma_wait3A_41 = tpu.memref_squeeze %dma_wait3A_40 : memref<1x80x128xi32, #tpu.memory_space<hbm>> -> memref<80x128xi32, #tpu.memory_space<hbm>>
      tpu.wait_dma2 semaphore(%run_scoped3A : memref<!tpu.dma_semaphore, #tpu.memory_space<semaphore_mem>>) src(%dma_wait3A_41 : memref<80x128xi32, #tpu.memory_space<hbm>>) dst(%arg9 : memref<80x128xi32, #tpu.memory_space<vmem>>)
      tpu.yield
    }) : () -> ()
    %barrier3A = arith.constant 0 : index
    tpu.barrier barrier_id(%barrier3A)
    %eq3A_8 = arith.constant 0 : i32
    %eq3A_9 = arith.cmpi eq, %arg0, %eq3A_8 : i32
    %convert_element_type3A_10 = arith.extui %eq3A_9 : i1 to i32
    %cond3A_11 = arith.constant 0 : i32
    %cond3A_12 = arith.cmpi ne, %convert_element_type3A_10, %cond3A_11 : i32
    scf.if %cond3A_12 {
      %mul3A_28 = arith.constant 80 : i32
      %mul3A_29 = arith.muli %arg1, %mul3A_28 : i32
      %add3A_30 = arith.constant 0 : i32
      %add3A_31 = arith.addi %mul3A_29, %add3A_30 : i32
      %mul3A_32 = arith.constant 128 : i32
      %mul3A_33 = arith.muli %add3A_31, %mul3A_32 : i32
      "tpu.region"() ({
        %run_scoped3A_56 = tpu.sem_alloc : memref<!tpu.dma_semaphore, #tpu.memory_space<semaphore_mem>>
        %dma_start3A_57 = tpu.memref_slice %arg4[%mul3A_33] : memref<163840xi32, #tpu.memory_space<hbm>> -> memref<128xi32, #tpu.memory_space<hbm>>
        %dma_start3A_58 = tpu.memref_slice %arg4[%mul3A_33] : memref<163840xi32, #tpu.memory_space<hbm>> -> memref<128xi32, #tpu.memory_space<hbm>>
        tpu.enqueue_dma source(%dma_start3A_58 : memref<128xi32, #tpu.memory_space<hbm>>) target(%arg7 : memref<128xi32, #tpu.memory_space<vmem>>) target_semaphore(%run_scoped3A_56 : memref<!tpu.dma_semaphore, #tpu.memory_space<semaphore_mem>>)
        %dma_wait3A_59 = tpu.memref_slice %arg4[%mul3A_33] : memref<163840xi32, #tpu.memory_space<hbm>> -> memref<128xi32, #tpu.memory_space<hbm>>
        %dma_wait3A_60 = tpu.memref_slice %arg4[%mul3A_33] : memref<163840xi32, #tpu.memory_space<hbm>> -> memref<128xi32, #tpu.memory_space<hbm>>
        tpu.wait_dma2 semaphore(%run_scoped3A_56 : memref<!tpu.dma_semaphore, #tpu.memory_space<semaphore_mem>>) src(%dma_wait3A_60 : memref<128xi32, #tpu.memory_space<hbm>>) dst(%arg7 : memref<128xi32, #tpu.memory_space<vmem>>)
        tpu.yield
      }) : () -> ()
      %dma_start3A = arith.constant 0 : i32
      %dma_start3A_34 = arith.constant 0 : i32
      %dma_start3A_35 = tpu.memref_slice %arg2[%dma_start3A, %dma_start3A_34] : memref<10240x128xf32, #tpu.memory_space<hbm>> -> memref<10240x128xf32, #tpu.memory_space<hbm>>
      tpu.enqueue_indirect_dma source(%dma_start3A_35 : memref<10240x128xf32, #tpu.memory_space<hbm>>) target(%arg10 : memref<128x128xf32, #tpu.memory_space<vmem>>) offsets(%arg7 : memref<128xi32, #tpu.memory_space<vmem>>) semaphore(%arg13 : memref<!tpu.dma_semaphore, #tpu.memory_space<semaphore_mem>>)
      %mul3A_36 = arith.constant 80 : i32
      %mul3A_37 = arith.muli %arg1, %mul3A_36 : i32
      %add3A_38 = arith.constant 1 : i32
      %add3A_39 = arith.addi %mul3A_37, %add3A_38 : i32
      %mul3A_40 = arith.constant 128 : i32
      %mul3A_41 = arith.muli %add3A_39, %mul3A_40 : i32
      "tpu.region"() ({
        %run_scoped3A_56 = tpu.sem_alloc : memref<!tpu.dma_semaphore, #tpu.memory_space<semaphore_mem>>
        %dma_start3A_57 = tpu.memref_slice %arg4[%mul3A_41] : memref<163840xi32, #tpu.memory_space<hbm>> -> memref<128xi32, #tpu.memory_space<hbm>>
        %dma_start3A_58 = tpu.memref_slice %arg4[%mul3A_41] : memref<163840xi32, #tpu.memory_space<hbm>> -> memref<128xi32, #tpu.memory_space<hbm>>
        tpu.enqueue_dma source(%dma_start3A_58 : memref<128xi32, #tpu.memory_space<hbm>>) target(%arg8 : memref<128xi32, #tpu.memory_space<vmem>>) target_semaphore(%run_scoped3A_56 : memref<!tpu.dma_semaphore, #tpu.memory_space<semaphore_mem>>)
        %dma_wait3A_59 = tpu.memref_slice %arg4[%mul3A_41] : memref<163840xi32, #tpu.memory_space<hbm>> -> memref<128xi32, #tpu.memory_space<hbm>>
        %dma_wait3A_60 = tpu.memref_slice %arg4[%mul3A_41] : memref<163840xi32, #tpu.memory_space<hbm>> -> memref<128xi32, #tpu.memory_space<hbm>>
        tpu.wait_dma2 semaphore(%run_scoped3A_56 : memref<!tpu.dma_semaphore, #tpu.memory_space<semaphore_mem>>) src(%dma_wait3A_60 : memref<128xi32, #tpu.memory_space<hbm>>) dst(%arg8 : memref<128xi32, #tpu.memory_space<vmem>>)
        tpu.yield
      }) : () -> ()
      %dma_start3A_42 = arith.constant 0 : i32
      %dma_start3A_43 = arith.constant 0 : i32
      %dma_start3A_44 = tpu.memref_slice %arg2[%dma_start3A_42, %dma_start3A_43] : memref<10240x128xf32, #tpu.memory_space<hbm>> -> memref<10240x128xf32, #tpu.memory_space<hbm>>
      tpu.enqueue_indirect_dma source(%dma_start3A_44 : memref<10240x128xf32, #tpu.memory_space<hbm>>) target(%arg11 : memref<128x128xf32, #tpu.memory_space<vmem>>) offsets(%arg8 : memref<128xi32, #tpu.memory_space<vmem>>) semaphore(%arg14 : memref<!tpu.dma_semaphore, #tpu.memory_space<semaphore_mem>>)
      %scan3A = arith.constant 0 : i32
      %scan3A_45 = arith.constant 0 : i32
      %scan3A_46 = arith.constant 39 : i32
      %scan3A_47 = arith.addi %scan3A_45, %scan3A_46 : i32
      %scan3A_48 = arith.constant 1 : i32
      scf.for %scan3A_56 = %scan3A_45 to %scan3A_47 step %scan3A_48  : i32 {
        %mul3A_57 = arith.constant 2 : i32
        %mul3A_58 = arith.muli %mul3A_57, %scan3A_56 : i32
        %dma_wait3A_59 = arith.constant 0 : i32
        %dma_wait3A_60 = arith.constant 0 : i32
        %dma_wait3A_61 = tpu.memref_slice %arg2[%dma_wait3A_59, %dma_wait3A_60] : memref<10240x128xf32, #tpu.memory_space<hbm>> -> memref<10240x128xf32, #tpu.memory_space<hbm>>
        tpu.wait_indirect_dma semaphore(%arg13 : memref<!tpu.dma_semaphore, #tpu.memory_space<semaphore_mem>>) src(%dma_wait3A_61 : memref<10240x128xf32, #tpu.memory_space<hbm>>) dst(%arg10 : memref<128x128xf32, #tpu.memory_space<vmem>>)
        "tpu.region"() ({
          %run_scoped3A_87 = tpu.sem_alloc : memref<!tpu.dma_semaphore, #tpu.memory_space<semaphore_mem>>
          %dma_start3A_88 = arith.constant 0 : i32
          %dma_start3A_89 = tpu.memref_slice %arg9[%mul3A_58, %dma_start3A_88] : memref<80x128xi32, #tpu.memory_space<vmem>> -> memref<1x128xi32, #tpu.memory_space<vmem>>
          %dma_start3A_90 = tpu.memref_squeeze %dma_start3A_89 : memref<1x128xi32, #tpu.memory_space<vmem>> -> memref<128xi32, #tpu.memory_space<vmem>>
          %dma_start3A_91 = arith.constant 0 : i32
          %dma_start3A_92 = arith.constant 0 : i32
          %dma_start3A_93 = tpu.memref_slice %arg12[%dma_start3A_91, %dma_start3A_92] : memref<10248x128xf32, #tpu.memory_space<vmem_shared>> -> memref<10248x128xf32, #tpu.memory_space<vmem_shared>>
          tpu.enqueue_indirect_dma source(%arg10 : memref<128x128xf32, #tpu.memory_space<vmem>>) target(%dma_start3A_93 : memref<10248x128xf32, #tpu.memory_space<vmem_shared>>) offsets(%dma_start3A_90 : memref<128xi32, #tpu.memory_space<vmem>>) semaphore(%run_scoped3A_87 : memref<!tpu.dma_semaphore, #tpu.memory_space<semaphore_mem>>) {add = true}
          %dma_wait3A_94 = arith.constant 0 : i32
          %dma_wait3A_95 = tpu.memref_slice %arg9[%mul3A_58, %dma_wait3A_94] : memref<80x128xi32, #tpu.memory_space<vmem>> -> memref<1x128xi32, #tpu.memory_space<vmem>>
          %dma_wait3A_96 = tpu.memref_squeeze %dma_wait3A_95 : memref<1x128xi32, #tpu.memory_space<vmem>> -> memref<128xi32, #tpu.memory_space<vmem>>
          %dma_wait3A_97 = arith.constant 0 : i32
          %dma_wait3A_98 = arith.constant 0 : i32
          %dma_wait3A_99 = tpu.memref_slice %arg12[%dma_wait3A_97, %dma_wait3A_98] : memref<10248x128xf32, #tpu.memory_space<vmem_shared>> -> memref<10248x128xf32, #tpu.memory_space<vmem_shared>>
          tpu.wait_indirect_dma semaphore(%run_scoped3A_87 : memref<!tpu.dma_semaphore, #tpu.memory_space<semaphore_mem>>) src(%arg10 : memref<128x128xf32, #tpu.memory_space<vmem>>) dst(%dma_wait3A_99 : memref<10248x128xf32, #tpu.memory_space<vmem_shared>>)
          tpu.yield
        }) : () -> ()
        %add3A_62 = arith.constant 2 : i32
        %add3A_63 = arith.addi %mul3A_58, %add3A_62 : i32
        %mul3A_64 = arith.constant 80 : i32
        %mul3A_65 = arith.muli %arg1, %mul3A_64 : i32
        %add3A_66 = arith.addi %mul3A_65, %add3A_63 : i32
        %mul3A_67 = arith.constant 128 : i32
        %mul3A_68 = arith.muli %add3A_66, %mul3A_67 : i32
        "tpu.region"() ({
          %run_scoped3A_87 = tpu.sem_alloc : memref<!tpu.dma_semaphore, #tpu.memory_space<semaphore_mem>>
          %dma_start3A_88 = tpu.memref_slice %arg4[%mul3A_68] : memref<163840xi32, #tpu.memory_space<hbm>> -> memref<128xi32, #tpu.memory_space<hbm>>
          %dma_start3A_89 = tpu.memref_slice %arg4[%mul3A_68] : memref<163840xi32, #tpu.memory_space<hbm>> -> memref<128xi32, #tpu.memory_space<hbm>>
          tpu.enqueue_dma source(%dma_start3A_89 : memref<128xi32, #tpu.memory_space<hbm>>) target(%arg7 : memref<128xi32, #tpu.memory_space<vmem>>) target_semaphore(%run_scoped3A_87 : memref<!tpu.dma_semaphore, #tpu.memory_space<semaphore_mem>>)
          %dma_wait3A_90 = tpu.memref_slice %arg4[%mul3A_68] : memref<163840xi32, #tpu.memory_space<hbm>> -> memref<128xi32, #tpu.memory_space<hbm>>
          %dma_wait3A_91 = tpu.memref_slice %arg4[%mul3A_68] : memref<163840xi32, #tpu.memory_space<hbm>> -> memref<128xi32, #tpu.memory_space<hbm>>
          tpu.wait_dma2 semaphore(%run_scoped3A_87 : memref<!tpu.dma_semaphore, #tpu.memory_space<semaphore_mem>>) src(%dma_wait3A_91 : memref<128xi32, #tpu.memory_space<hbm>>) dst(%arg7 : memref<128xi32, #tpu.memory_space<vmem>>)
          tpu.yield
        }) : () -> ()
        %dma_start3A_69 = arith.constant 0 : i32
        %dma_start3A_70 = arith.constant 0 : i32
        %dma_start3A_71 = tpu.memref_slice %arg2[%dma_start3A_69, %dma_start3A_70] : memref<10240x128xf32, #tpu.memory_space<hbm>> -> memref<10240x128xf32, #tpu.memory_space<hbm>>
        tpu.enqueue_indirect_dma source(%dma_start3A_71 : memref<10240x128xf32, #tpu.memory_space<hbm>>) target(%arg10 : memref<128x128xf32, #tpu.memory_space<vmem>>) offsets(%arg7 : memref<128xi32, #tpu.memory_space<vmem>>) semaphore(%arg13 : memref<!tpu.dma_semaphore, #tpu.memory_space<semaphore_mem>>)
        %add3A_72 = arith.constant 1 : i32
        %add3A_73 = arith.addi %mul3A_58, %add3A_72 : i32
        %dma_wait3A_74 = arith.constant 0 : i32
        %dma_wait3A_75 = arith.constant 0 : i32
        %dma_wait3A_76 = tpu.memref_slice %arg2[%dma_wait3A_74, %dma_wait3A_75] : memref<10240x128xf32, #tpu.memory_space<hbm>> -> memref<10240x128xf32, #tpu.memory_space<hbm>>
        tpu.wait_indirect_dma semaphore(%arg14 : memref<!tpu.dma_semaphore, #tpu.memory_space<semaphore_mem>>) src(%dma_wait3A_76 : memref<10240x128xf32, #tpu.memory_space<hbm>>) dst(%arg11 : memref<128x128xf32, #tpu.memory_space<vmem>>)
        "tpu.region"() ({
          %run_scoped3A_87 = tpu.sem_alloc : memref<!tpu.dma_semaphore, #tpu.memory_space<semaphore_mem>>
          %dma_start3A_88 = arith.constant 0 : i32
          %dma_start3A_89 = tpu.memref_slice %arg9[%add3A_73, %dma_start3A_88] : memref<80x128xi32, #tpu.memory_space<vmem>> -> memref<1x128xi32, #tpu.memory_space<vmem>>
          %dma_start3A_90 = tpu.memref_squeeze %dma_start3A_89 : memref<1x128xi32, #tpu.memory_space<vmem>> -> memref<128xi32, #tpu.memory_space<vmem>>
          %dma_start3A_91 = arith.constant 0 : i32
          %dma_start3A_92 = arith.constant 0 : i32
          %dma_start3A_93 = tpu.memref_slice %arg12[%dma_start3A_91, %dma_start3A_92] : memref<10248x128xf32, #tpu.memory_space<vmem_shared>> -> memref<10248x128xf32, #tpu.memory_space<vmem_shared>>
          tpu.enqueue_indirect_dma source(%arg11 : memref<128x128xf32, #tpu.memory_space<vmem>>) target(%dma_start3A_93 : memref<10248x128xf32, #tpu.memory_space<vmem_shared>>) offsets(%dma_start3A_90 : memref<128xi32, #tpu.memory_space<vmem>>) semaphore(%run_scoped3A_87 : memref<!tpu.dma_semaphore, #tpu.memory_space<semaphore_mem>>) {add = true}
          %dma_wait3A_94 = arith.constant 0 : i32
          %dma_wait3A_95 = tpu.memref_slice %arg9[%add3A_73, %dma_wait3A_94] : memref<80x128xi32, #tpu.memory_space<vmem>> -> memref<1x128xi32, #tpu.memory_space<vmem>>
          %dma_wait3A_96 = tpu.memref_squeeze %dma_wait3A_95 : memref<1x128xi32, #tpu.memory_space<vmem>> -> memref<128xi32, #tpu.memory_space<vmem>>
          %dma_wait3A_97 = arith.constant 0 : i32
          %dma_wait3A_98 = arith.constant 0 : i32
          %dma_wait3A_99 = tpu.memref_slice %arg12[%dma_wait3A_97, %dma_wait3A_98] : memref<10248x128xf32, #tpu.memory_space<vmem_shared>> -> memref<10248x128xf32, #tpu.memory_space<vmem_shared>>
          tpu.wait_indirect_dma semaphore(%run_scoped3A_87 : memref<!tpu.dma_semaphore, #tpu.memory_space<semaphore_mem>>) src(%arg11 : memref<128x128xf32, #tpu.memory_space<vmem>>) dst(%dma_wait3A_99 : memref<10248x128xf32, #tpu.memory_space<vmem_shared>>)
          tpu.yield
        }) : () -> ()
        %add3A_77 = arith.constant 3 : i32
        %add3A_78 = arith.addi %mul3A_58, %add3A_77 : i32
        %mul3A_79 = arith.constant 80 : i32
        %mul3A_80 = arith.muli %arg1, %mul3A_79 : i32
        %add3A_81 = arith.addi %mul3A_80, %add3A_78 : i32
        %mul3A_82 = arith.constant 128 : i32
        %mul3A_83 = arith.muli %add3A_81, %mul3A_82 : i32
        "tpu.region"() ({
          %run_scoped3A_87 = tpu.sem_alloc : memref<!tpu.dma_semaphore, #tpu.memory_space<semaphore_mem>>
          %dma_start3A_88 = tpu.memref_slice %arg4[%mul3A_83] : memref<163840xi32, #tpu.memory_space<hbm>> -> memref<128xi32, #tpu.memory_space<hbm>>
          %dma_start3A_89 = tpu.memref_slice %arg4[%mul3A_83] : memref<163840xi32, #tpu.memory_space<hbm>> -> memref<128xi32, #tpu.memory_space<hbm>>
          tpu.enqueue_dma source(%dma_start3A_89 : memref<128xi32, #tpu.memory_space<hbm>>) target(%arg8 : memref<128xi32, #tpu.memory_space<vmem>>) target_semaphore(%run_scoped3A_87 : memref<!tpu.dma_semaphore, #tpu.memory_space<semaphore_mem>>)
          %dma_wait3A_90 = tpu.memref_slice %arg4[%mul3A_83] : memref<163840xi32, #tpu.memory_space<hbm>> -> memref<128xi32, #tpu.memory_space<hbm>>
          %dma_wait3A_91 = tpu.memref_slice %arg4[%mul3A_83] : memref<163840xi32, #tpu.memory_space<hbm>> -> memref<128xi32, #tpu.memory_space<hbm>>
          tpu.wait_dma2 semaphore(%run_scoped3A_87 : memref<!tpu.dma_semaphore, #tpu.memory_space<semaphore_mem>>) src(%dma_wait3A_91 : memref<128xi32, #tpu.memory_space<hbm>>) dst(%arg8 : memref<128xi32, #tpu.memory_space<vmem>>)
          tpu.yield
        }) : () -> ()
        %dma_start3A_84 = arith.constant 0 : i32
        %dma_start3A_85 = arith.constant 0 : i32
        %dma_start3A_86 = tpu.memref_slice %arg2[%dma_start3A_84, %dma_start3A_85] : memref<10240x128xf32, #tpu.memory_space<hbm>> -> memref<10240x128xf32, #tpu.memory_space<hbm>>
        tpu.enqueue_indirect_dma source(%dma_start3A_86 : memref<10240x128xf32, #tpu.memory_space<hbm>>) target(%arg11 : memref<128x128xf32, #tpu.memory_space<vmem>>) offsets(%arg8 : memref<128xi32, #tpu.memory_space<vmem>>) semaphore(%arg14 : memref<!tpu.dma_semaphore, #tpu.memory_space<semaphore_mem>>)
      }
      %scan3A_49 = arith.constant 39 : i32
      %dma_wait3A = arith.constant 0 : i32
      %dma_wait3A_50 = arith.constant 0 : i32
      %dma_wait3A_51 = tpu.memref_slice %arg2[%dma_wait3A, %dma_wait3A_50] : memref<10240x128xf32, #tpu.memory_space<hbm>> -> memref<10240x128xf32, #tpu.memory_space<hbm>>
      tpu.wait_indirect_dma semaphore(%arg13 : memref<!tpu.dma_semaphore, #tpu.memory_space<semaphore_mem>>) src(%dma_wait3A_51 : memref<10240x128xf32, #tpu.memory_space<hbm>>) dst(%arg10 : memref<128x128xf32, #tpu.memory_space<vmem>>)
      %run_scoped3A = arith.constant 78 : i32
      "tpu.region"() ({
        %run_scoped3A_56 = tpu.sem_alloc : memref<!tpu.dma_semaphore, #tpu.memory_space<semaphore_mem>>
        %dma_start3A_57 = arith.constant 0 : i32
        %dma_start3A_58 = tpu.memref_slice %arg9[%run_scoped3A, %dma_start3A_57] : memref<80x128xi32, #tpu.memory_space<vmem>> -> memref<1x128xi32, #tpu.memory_space<vmem>>
        %dma_start3A_59 = tpu.memref_squeeze %dma_start3A_58 : memref<1x128xi32, #tpu.memory_space<vmem>> -> memref<128xi32, #tpu.memory_space<vmem>>
        %dma_start3A_60 = arith.constant 0 : i32
        %dma_start3A_61 = arith.constant 0 : i32
        %dma_start3A_62 = tpu.memref_slice %arg12[%dma_start3A_60, %dma_start3A_61] : memref<10248x128xf32, #tpu.memory_space<vmem_shared>> -> memref<10248x128xf32, #tpu.memory_space<vmem_shared>>
        tpu.enqueue_indirect_dma source(%arg10 : memref<128x128xf32, #tpu.memory_space<vmem>>) target(%dma_start3A_62 : memref<10248x128xf32, #tpu.memory_space<vmem_shared>>) offsets(%dma_start3A_59 : memref<128xi32, #tpu.memory_space<vmem>>) semaphore(%run_scoped3A_56 : memref<!tpu.dma_semaphore, #tpu.memory_space<semaphore_mem>>) {add = true}
        %dma_wait3A_63 = arith.constant 0 : i32
        %dma_wait3A_64 = tpu.memref_slice %arg9[%run_scoped3A, %dma_wait3A_63] : memref<80x128xi32, #tpu.memory_space<vmem>> -> memref<1x128xi32, #tpu.memory_space<vmem>>
        %dma_wait3A_65 = tpu.memref_squeeze %dma_wait3A_64 : memref<1x128xi32, #tpu.memory_space<vmem>> -> memref<128xi32, #tpu.memory_space<vmem>>
        %dma_wait3A_66 = arith.constant 0 : i32
        %dma_wait3A_67 = arith.constant 0 : i32
        %dma_wait3A_68 = tpu.memref_slice %arg12[%dma_wait3A_66, %dma_wait3A_67] : memref<10248x128xf32, #tpu.memory_space<vmem_shared>> -> memref<10248x128xf32, #tpu.memory_space<vmem_shared>>
        tpu.wait_indirect_dma semaphore(%run_scoped3A_56 : memref<!tpu.dma_semaphore, #tpu.memory_space<semaphore_mem>>) src(%arg10 : memref<128x128xf32, #tpu.memory_space<vmem>>) dst(%dma_wait3A_68 : memref<10248x128xf32, #tpu.memory_space<vmem_shared>>)
        tpu.yield
      }) : () -> ()
      %dma_wait3A_52 = arith.constant 0 : i32
      %dma_wait3A_53 = arith.constant 0 : i32
      %dma_wait3A_54 = tpu.memref_slice %arg2[%dma_wait3A_52, %dma_wait3A_53] : memref<10240x128xf32, #tpu.memory_space<hbm>> -> memref<10240x128xf32, #tpu.memory_space<hbm>>
      tpu.wait_indirect_dma semaphore(%arg14 : memref<!tpu.dma_semaphore, #tpu.memory_space<semaphore_mem>>) src(%dma_wait3A_54 : memref<10240x128xf32, #tpu.memory_space<hbm>>) dst(%arg11 : memref<128x128xf32, #tpu.memory_space<vmem>>)
      %run_scoped3A_55 = arith.constant 79 : i32
      "tpu.region"() ({
        %run_scoped3A_56 = tpu.sem_alloc : memref<!tpu.dma_semaphore, #tpu.memory_space<semaphore_mem>>
        %dma_start3A_57 = arith.constant 0 : i32
        %dma_start3A_58 = tpu.memref_slice %arg9[%run_scoped3A_55, %dma_start3A_57] : memref<80x128xi32, #tpu.memory_space<vmem>> -> memref<1x128xi32, #tpu.memory_space<vmem>>
        %dma_start3A_59 = tpu.memref_squeeze %dma_start3A_58 : memref<1x128xi32, #tpu.memory_space<vmem>> -> memref<128xi32, #tpu.memory_space<vmem>>
        %dma_start3A_60 = arith.constant 0 : i32
        %dma_start3A_61 = arith.constant 0 : i32
        %dma_start3A_62 = tpu.memref_slice %arg12[%dma_start3A_60, %dma_start3A_61] : memref<10248x128xf32, #tpu.memory_space<vmem_shared>> -> memref<10248x128xf32, #tpu.memory_space<vmem_shared>>
        tpu.enqueue_indirect_dma source(%arg11 : memref<128x128xf32, #tpu.memory_space<vmem>>) target(%dma_start3A_62 : memref<10248x128xf32, #tpu.memory_space<vmem_shared>>) offsets(%dma_start3A_59 : memref<128xi32, #tpu.memory_space<vmem>>) semaphore(%run_scoped3A_56 : memref<!tpu.dma_semaphore, #tpu.memory_space<semaphore_mem>>) {add = true}
        %dma_wait3A_63 = arith.constant 0 : i32
        %dma_wait3A_64 = tpu.memref_slice %arg9[%run_scoped3A_55, %dma_wait3A_63] : memref<80x128xi32, #tpu.memory_space<vmem>> -> memref<1x128xi32, #tpu.memory_space<vmem>>
        %dma_wait3A_65 = tpu.memref_squeeze %dma_wait3A_64 : memref<1x128xi32, #tpu.memory_space<vmem>> -> memref<128xi32, #tpu.memory_space<vmem>>
        %dma_wait3A_66 = arith.constant 0 : i32
        %dma_wait3A_67 = arith.constant 0 : i32
        %dma_wait3A_68 = tpu.memref_slice %arg12[%dma_wait3A_66, %dma_wait3A_67] : memref<10248x128xf32, #tpu.memory_space<vmem_shared>> -> memref<10248x128xf32, #tpu.memory_space<vmem_shared>>
        tpu.wait_indirect_dma semaphore(%run_scoped3A_56 : memref<!tpu.dma_semaphore, #tpu.memory_space<semaphore_mem>>) src(%arg11 : memref<128x128xf32, #tpu.memory_space<vmem>>) dst(%dma_wait3A_68 : memref<10248x128xf32, #tpu.memory_space<vmem_shared>>)
        tpu.yield
      }) : () -> ()
    } else {
    }
    %eq3A_13 = arith.constant 1 : i32
    %eq3A_14 = arith.cmpi eq, %arg0, %eq3A_13 : i32
    %convert_element_type3A_15 = arith.extui %eq3A_14 : i1 to i32
    %cond3A_16 = arith.constant 0 : i32
    %cond3A_17 = arith.cmpi ne, %convert_element_type3A_15, %cond3A_16 : i32
    scf.if %cond3A_17 {
      %mul3A_28 = arith.constant 80 : i32
      %mul3A_29 = arith.muli %arg1, %mul3A_28 : i32
      %add3A_30 = arith.constant 0 : i32
      %add3A_31 = arith.addi %mul3A_29, %add3A_30 : i32
      %mul3A_32 = arith.constant 128 : i32
      %mul3A_33 = arith.muli %add3A_31, %mul3A_32 : i32
      "tpu.region"() ({
        %run_scoped3A_56 = tpu.sem_alloc : memref<!tpu.dma_semaphore, #tpu.memory_space<semaphore_mem>>
        %dma_start3A_57 = tpu.memref_slice %arg4[%mul3A_33] : memref<163840xi32, #tpu.memory_space<hbm>> -> memref<128xi32, #tpu.memory_space<hbm>>
        %dma_start3A_58 = tpu.memref_slice %arg4[%mul3A_33] : memref<163840xi32, #tpu.memory_space<hbm>> -> memref<128xi32, #tpu.memory_space<hbm>>
        tpu.enqueue_dma source(%dma_start3A_58 : memref<128xi32, #tpu.memory_space<hbm>>) target(%arg7 : memref<128xi32, #tpu.memory_space<vmem>>) target_semaphore(%run_scoped3A_56 : memref<!tpu.dma_semaphore, #tpu.memory_space<semaphore_mem>>)
        %dma_wait3A_59 = tpu.memref_slice %arg4[%mul3A_33] : memref<163840xi32, #tpu.memory_space<hbm>> -> memref<128xi32, #tpu.memory_space<hbm>>
        %dma_wait3A_60 = tpu.memref_slice %arg4[%mul3A_33] : memref<163840xi32, #tpu.memory_space<hbm>> -> memref<128xi32, #tpu.memory_space<hbm>>
        tpu.wait_dma2 semaphore(%run_scoped3A_56 : memref<!tpu.dma_semaphore, #tpu.memory_space<semaphore_mem>>) src(%dma_wait3A_60 : memref<128xi32, #tpu.memory_space<hbm>>) dst(%arg7 : memref<128xi32, #tpu.memory_space<vmem>>)
        tpu.yield
      }) : () -> ()
      %dma_start3A = arith.constant 0 : i32
      %dma_start3A_34 = arith.constant 0 : i32
      %dma_start3A_35 = tpu.memref_slice %arg3[%dma_start3A, %dma_start3A_34] : memref<10240x128xf32, #tpu.memory_space<hbm>> -> memref<10240x128xf32, #tpu.memory_space<hbm>>
      tpu.enqueue_indirect_dma source(%dma_start3A_35 : memref<10240x128xf32, #tpu.memory_space<hbm>>) target(%arg10 : memref<128x128xf32, #tpu.memory_space<vmem>>) offsets(%arg7 : memref<128xi32, #tpu.memory_space<vmem>>) semaphore(%arg13 : memref<!tpu.dma_semaphore, #tpu.memory_space<semaphore_mem>>)
      %mul3A_36 = arith.constant 80 : i32
      %mul3A_37 = arith.muli %arg1, %mul3A_36 : i32
      %add3A_38 = arith.constant 1 : i32
      %add3A_39 = arith.addi %mul3A_37, %add3A_38 : i32
      %mul3A_40 = arith.constant 128 : i32
      %mul3A_41 = arith.muli %add3A_39, %mul3A_40 : i32
      "tpu.region"() ({
        %run_scoped3A_56 = tpu.sem_alloc : memref<!tpu.dma_semaphore, #tpu.memory_space<semaphore_mem>>
        %dma_start3A_57 = tpu.memref_slice %arg4[%mul3A_41] : memref<163840xi32, #tpu.memory_space<hbm>> -> memref<128xi32, #tpu.memory_space<hbm>>
        %dma_start3A_58 = tpu.memref_slice %arg4[%mul3A_41] : memref<163840xi32, #tpu.memory_space<hbm>> -> memref<128xi32, #tpu.memory_space<hbm>>
        tpu.enqueue_dma source(%dma_start3A_58 : memref<128xi32, #tpu.memory_space<hbm>>) target(%arg8 : memref<128xi32, #tpu.memory_space<vmem>>) target_semaphore(%run_scoped3A_56 : memref<!tpu.dma_semaphore, #tpu.memory_space<semaphore_mem>>)
        %dma_wait3A_59 = tpu.memref_slice %arg4[%mul3A_41] : memref<163840xi32, #tpu.memory_space<hbm>> -> memref<128xi32, #tpu.memory_space<hbm>>
        %dma_wait3A_60 = tpu.memref_slice %arg4[%mul3A_41] : memref<163840xi32, #tpu.memory_space<hbm>> -> memref<128xi32, #tpu.memory_space<hbm>>
        tpu.wait_dma2 semaphore(%run_scoped3A_56 : memref<!tpu.dma_semaphore, #tpu.memory_space<semaphore_mem>>) src(%dma_wait3A_60 : memref<128xi32, #tpu.memory_space<hbm>>) dst(%arg8 : memref<128xi32, #tpu.memory_space<vmem>>)
        tpu.yield
      }) : () -> ()
      %dma_start3A_42 = arith.constant 0 : i32
      %dma_start3A_43 = arith.constant 0 : i32
      %dma_start3A_44 = tpu.memref_slice %arg3[%dma_start3A_42, %dma_start3A_43] : memref<10240x128xf32, #tpu.memory_space<hbm>> -> memref<10240x128xf32, #tpu.memory_space<hbm>>
      tpu.enqueue_indirect_dma source(%dma_start3A_44 : memref<10240x128xf32, #tpu.memory_space<hbm>>) target(%arg11 : memref<128x128xf32, #tpu.memory_space<vmem>>) offsets(%arg8 : memref<128xi32, #tpu.memory_space<vmem>>) semaphore(%arg14 : memref<!tpu.dma_semaphore, #tpu.memory_space<semaphore_mem>>)
      %scan3A = arith.constant 0 : i32
      %scan3A_45 = arith.constant 0 : i32
      %scan3A_46 = arith.constant 39 : i32
      %scan3A_47 = arith.addi %scan3A_45, %scan3A_46 : i32
      %scan3A_48 = arith.constant 1 : i32
      scf.for %scan3A_56 = %scan3A_45 to %scan3A_47 step %scan3A_48  : i32 {
        %mul3A_57 = arith.constant 2 : i32
        %mul3A_58 = arith.muli %mul3A_57, %scan3A_56 : i32
        %dma_wait3A_59 = arith.constant 0 : i32
        %dma_wait3A_60 = arith.constant 0 : i32
        %dma_wait3A_61 = tpu.memref_slice %arg3[%dma_wait3A_59, %dma_wait3A_60] : memref<10240x128xf32, #tpu.memory_space<hbm>> -> memref<10240x128xf32, #tpu.memory_space<hbm>>
        tpu.wait_indirect_dma semaphore(%arg13 : memref<!tpu.dma_semaphore, #tpu.memory_space<semaphore_mem>>) src(%dma_wait3A_61 : memref<10240x128xf32, #tpu.memory_space<hbm>>) dst(%arg10 : memref<128x128xf32, #tpu.memory_space<vmem>>)
        "tpu.region"() ({
          %run_scoped3A_87 = tpu.sem_alloc : memref<!tpu.dma_semaphore, #tpu.memory_space<semaphore_mem>>
          %dma_start3A_88 = arith.constant 0 : i32
          %dma_start3A_89 = tpu.memref_slice %arg9[%mul3A_58, %dma_start3A_88] : memref<80x128xi32, #tpu.memory_space<vmem>> -> memref<1x128xi32, #tpu.memory_space<vmem>>
          %dma_start3A_90 = tpu.memref_squeeze %dma_start3A_89 : memref<1x128xi32, #tpu.memory_space<vmem>> -> memref<128xi32, #tpu.memory_space<vmem>>
          %dma_start3A_91 = arith.constant 0 : i32
          %dma_start3A_92 = arith.constant 0 : i32
          %dma_start3A_93 = tpu.memref_slice %arg12[%dma_start3A_91, %dma_start3A_92] : memref<10248x128xf32, #tpu.memory_space<vmem_shared>> -> memref<10248x128xf32, #tpu.memory_space<vmem_shared>>
          tpu.enqueue_indirect_dma source(%arg10 : memref<128x128xf32, #tpu.memory_space<vmem>>) target(%dma_start3A_93 : memref<10248x128xf32, #tpu.memory_space<vmem_shared>>) offsets(%dma_start3A_90 : memref<128xi32, #tpu.memory_space<vmem>>) semaphore(%run_scoped3A_87 : memref<!tpu.dma_semaphore, #tpu.memory_space<semaphore_mem>>) {add = true}
          %dma_wait3A_94 = arith.constant 0 : i32
          %dma_wait3A_95 = tpu.memref_slice %arg9[%mul3A_58, %dma_wait3A_94] : memref<80x128xi32, #tpu.memory_space<vmem>> -> memref<1x128xi32, #tpu.memory_space<vmem>>
          %dma_wait3A_96 = tpu.memref_squeeze %dma_wait3A_95 : memref<1x128xi32, #tpu.memory_space<vmem>> -> memref<128xi32, #tpu.memory_space<vmem>>
          %dma_wait3A_97 = arith.constant 0 : i32
          %dma_wait3A_98 = arith.constant 0 : i32
          %dma_wait3A_99 = tpu.memref_slice %arg12[%dma_wait3A_97, %dma_wait3A_98] : memref<10248x128xf32, #tpu.memory_space<vmem_shared>> -> memref<10248x128xf32, #tpu.memory_space<vmem_shared>>
          tpu.wait_indirect_dma semaphore(%run_scoped3A_87 : memref<!tpu.dma_semaphore, #tpu.memory_space<semaphore_mem>>) src(%arg10 : memref<128x128xf32, #tpu.memory_space<vmem>>) dst(%dma_wait3A_99 : memref<10248x128xf32, #tpu.memory_space<vmem_shared>>)
          tpu.yield
        }) : () -> ()
        %add3A_62 = arith.constant 2 : i32
        %add3A_63 = arith.addi %mul3A_58, %add3A_62 : i32
        %mul3A_64 = arith.constant 80 : i32
        %mul3A_65 = arith.muli %arg1, %mul3A_64 : i32
        %add3A_66 = arith.addi %mul3A_65, %add3A_63 : i32
        %mul3A_67 = arith.constant 128 : i32
        %mul3A_68 = arith.muli %add3A_66, %mul3A_67 : i32
        "tpu.region"() ({
          %run_scoped3A_87 = tpu.sem_alloc : memref<!tpu.dma_semaphore, #tpu.memory_space<semaphore_mem>>
          %dma_start3A_88 = tpu.memref_slice %arg4[%mul3A_68] : memref<163840xi32, #tpu.memory_space<hbm>> -> memref<128xi32, #tpu.memory_space<hbm>>
          %dma_start3A_89 = tpu.memref_slice %arg4[%mul3A_68] : memref<163840xi32, #tpu.memory_space<hbm>> -> memref<128xi32, #tpu.memory_space<hbm>>
          tpu.enqueue_dma source(%dma_start3A_89 : memref<128xi32, #tpu.memory_space<hbm>>) target(%arg7 : memref<128xi32, #tpu.memory_space<vmem>>) target_semaphore(%run_scoped3A_87 : memref<!tpu.dma_semaphore, #tpu.memory_space<semaphore_mem>>)
          %dma_wait3A_90 = tpu.memref_slice %arg4[%mul3A_68] : memref<163840xi32, #tpu.memory_space<hbm>> -> memref<128xi32, #tpu.memory_space<hbm>>
          %dma_wait3A_91 = tpu.memref_slice %arg4[%mul3A_68] : memref<163840xi32, #tpu.memory_space<hbm>> -> memref<128xi32, #tpu.memory_space<hbm>>
          tpu.wait_dma2 semaphore(%run_scoped3A_87 : memref<!tpu.dma_semaphore, #tpu.memory_space<semaphore_mem>>) src(%dma_wait3A_91 : memref<128xi32, #tpu.memory_space<hbm>>) dst(%arg7 : memref<128xi32, #tpu.memory_space<vmem>>)
          tpu.yield
        }) : () -> ()
        %dma_start3A_69 = arith.constant 0 : i32
        %dma_start3A_70 = arith.constant 0 : i32
        %dma_start3A_71 = tpu.memref_slice %arg3[%dma_start3A_69, %dma_start3A_70] : memref<10240x128xf32, #tpu.memory_space<hbm>> -> memref<10240x128xf32, #tpu.memory_space<hbm>>
        tpu.enqueue_indirect_dma source(%dma_start3A_71 : memref<10240x128xf32, #tpu.memory_space<hbm>>) target(%arg10 : memref<128x128xf32, #tpu.memory_space<vmem>>) offsets(%arg7 : memref<128xi32, #tpu.memory_space<vmem>>) semaphore(%arg13 : memref<!tpu.dma_semaphore, #tpu.memory_space<semaphore_mem>>)
        %add3A_72 = arith.constant 1 : i32
        %add3A_73 = arith.addi %mul3A_58, %add3A_72 : i32
        %dma_wait3A_74 = arith.constant 0 : i32
        %dma_wait3A_75 = arith.constant 0 : i32
        %dma_wait3A_76 = tpu.memref_slice %arg3[%dma_wait3A_74, %dma_wait3A_75] : memref<10240x128xf32, #tpu.memory_space<hbm>> -> memref<10240x128xf32, #tpu.memory_space<hbm>>
        tpu.wait_indirect_dma semaphore(%arg14 : memref<!tpu.dma_semaphore, #tpu.memory_space<semaphore_mem>>) src(%dma_wait3A_76 : memref<10240x128xf32, #tpu.memory_space<hbm>>) dst(%arg11 : memref<128x128xf32, #tpu.memory_space<vmem>>)
        "tpu.region"() ({
          %run_scoped3A_87 = tpu.sem_alloc : memref<!tpu.dma_semaphore, #tpu.memory_space<semaphore_mem>>
          %dma_start3A_88 = arith.constant 0 : i32
          %dma_start3A_89 = tpu.memref_slice %arg9[%add3A_73, %dma_start3A_88] : memref<80x128xi32, #tpu.memory_space<vmem>> -> memref<1x128xi32, #tpu.memory_space<vmem>>
          %dma_start3A_90 = tpu.memref_squeeze %dma_start3A_89 : memref<1x128xi32, #tpu.memory_space<vmem>> -> memref<128xi32, #tpu.memory_space<vmem>>
          %dma_start3A_91 = arith.constant 0 : i32
          %dma_start3A_92 = arith.constant 0 : i32
          %dma_start3A_93 = tpu.memref_slice %arg12[%dma_start3A_91, %dma_start3A_92] : memref<10248x128xf32, #tpu.memory_space<vmem_shared>> -> memref<10248x128xf32, #tpu.memory_space<vmem_shared>>
          tpu.enqueue_indirect_dma source(%arg11 : memref<128x128xf32, #tpu.memory_space<vmem>>) target(%dma_start3A_93 : memref<10248x128xf32, #tpu.memory_space<vmem_shared>>) offsets(%dma_start3A_90 : memref<128xi32, #tpu.memory_space<vmem>>) semaphore(%run_scoped3A_87 : memref<!tpu.dma_semaphore, #tpu.memory_space<semaphore_mem>>) {add = true}
          %dma_wait3A_94 = arith.constant 0 : i32
          %dma_wait3A_95 = tpu.memref_slice %arg9[%add3A_73, %dma_wait3A_94] : memref<80x128xi32, #tpu.memory_space<vmem>> -> memref<1x128xi32, #tpu.memory_space<vmem>>
          %dma_wait3A_96 = tpu.memref_squeeze %dma_wait3A_95 : memref<1x128xi32, #tpu.memory_space<vmem>> -> memref<128xi32, #tpu.memory_space<vmem>>
          %dma_wait3A_97 = arith.constant 0 : i32
          %dma_wait3A_98 = arith.constant 0 : i32
          %dma_wait3A_99 = tpu.memref_slice %arg12[%dma_wait3A_97, %dma_wait3A_98] : memref<10248x128xf32, #tpu.memory_space<vmem_shared>> -> memref<10248x128xf32, #tpu.memory_space<vmem_shared>>
          tpu.wait_indirect_dma semaphore(%run_scoped3A_87 : memref<!tpu.dma_semaphore, #tpu.memory_space<semaphore_mem>>) src(%arg11 : memref<128x128xf32, #tpu.memory_space<vmem>>) dst(%dma_wait3A_99 : memref<10248x128xf32, #tpu.memory_space<vmem_shared>>)
          tpu.yield
        }) : () -> ()
        %add3A_77 = arith.constant 3 : i32
        %add3A_78 = arith.addi %mul3A_58, %add3A_77 : i32
        %mul3A_79 = arith.constant 80 : i32
        %mul3A_80 = arith.muli %arg1, %mul3A_79 : i32
        %add3A_81 = arith.addi %mul3A_80, %add3A_78 : i32
        %mul3A_82 = arith.constant 128 : i32
        %mul3A_83 = arith.muli %add3A_81, %mul3A_82 : i32
        "tpu.region"() ({
          %run_scoped3A_87 = tpu.sem_alloc : memref<!tpu.dma_semaphore, #tpu.memory_space<semaphore_mem>>
          %dma_start3A_88 = tpu.memref_slice %arg4[%mul3A_83] : memref<163840xi32, #tpu.memory_space<hbm>> -> memref<128xi32, #tpu.memory_space<hbm>>
          %dma_start3A_89 = tpu.memref_slice %arg4[%mul3A_83] : memref<163840xi32, #tpu.memory_space<hbm>> -> memref<128xi32, #tpu.memory_space<hbm>>
          tpu.enqueue_dma source(%dma_start3A_89 : memref<128xi32, #tpu.memory_space<hbm>>) target(%arg8 : memref<128xi32, #tpu.memory_space<vmem>>) target_semaphore(%run_scoped3A_87 : memref<!tpu.dma_semaphore, #tpu.memory_space<semaphore_mem>>)
          %dma_wait3A_90 = tpu.memref_slice %arg4[%mul3A_83] : memref<163840xi32, #tpu.memory_space<hbm>> -> memref<128xi32, #tpu.memory_space<hbm>>
          %dma_wait3A_91 = tpu.memref_slice %arg4[%mul3A_83] : memref<163840xi32, #tpu.memory_space<hbm>> -> memref<128xi32, #tpu.memory_space<hbm>>
          tpu.wait_dma2 semaphore(%run_scoped3A_87 : memref<!tpu.dma_semaphore, #tpu.memory_space<semaphore_mem>>) src(%dma_wait3A_91 : memref<128xi32, #tpu.memory_space<hbm>>) dst(%arg8 : memref<128xi32, #tpu.memory_space<vmem>>)
          tpu.yield
        }) : () -> ()
        %dma_start3A_84 = arith.constant 0 : i32
        %dma_start3A_85 = arith.constant 0 : i32
        %dma_start3A_86 = tpu.memref_slice %arg3[%dma_start3A_84, %dma_start3A_85] : memref<10240x128xf32, #tpu.memory_space<hbm>> -> memref<10240x128xf32, #tpu.memory_space<hbm>>
        tpu.enqueue_indirect_dma source(%dma_start3A_86 : memref<10240x128xf32, #tpu.memory_space<hbm>>) target(%arg11 : memref<128x128xf32, #tpu.memory_space<vmem>>) offsets(%arg8 : memref<128xi32, #tpu.memory_space<vmem>>) semaphore(%arg14 : memref<!tpu.dma_semaphore, #tpu.memory_space<semaphore_mem>>)
      }
      %scan3A_49 = arith.constant 39 : i32
      %dma_wait3A = arith.constant 0 : i32
      %dma_wait3A_50 = arith.constant 0 : i32
      %dma_wait3A_51 = tpu.memref_slice %arg3[%dma_wait3A, %dma_wait3A_50] : memref<10240x128xf32, #tpu.memory_space<hbm>> -> memref<10240x128xf32, #tpu.memory_space<hbm>>
      tpu.wait_indirect_dma semaphore(%arg13 : memref<!tpu.dma_semaphore, #tpu.memory_space<semaphore_mem>>) src(%dma_wait3A_51 : memref<10240x128xf32, #tpu.memory_space<hbm>>) dst(%arg10 : memref<128x128xf32, #tpu.memory_space<vmem>>)
      %run_scoped3A = arith.constant 78 : i32
      "tpu.region"() ({
        %run_scoped3A_56 = tpu.sem_alloc : memref<!tpu.dma_semaphore, #tpu.memory_space<semaphore_mem>>
        %dma_start3A_57 = arith.constant 0 : i32
        %dma_start3A_58 = tpu.memref_slice %arg9[%run_scoped3A, %dma_start3A_57] : memref<80x128xi32, #tpu.memory_space<vmem>> -> memref<1x128xi32, #tpu.memory_space<vmem>>
        %dma_start3A_59 = tpu.memref_squeeze %dma_start3A_58 : memref<1x128xi32, #tpu.memory_space<vmem>> -> memref<128xi32, #tpu.memory_space<vmem>>
        %dma_start3A_60 = arith.constant 0 : i32
        %dma_start3A_61 = arith.constant 0 : i32
        %dma_start3A_62 = tpu.memref_slice %arg12[%dma_start3A_60, %dma_start3A_61] : memref<10248x128xf32, #tpu.memory_space<vmem_shared>> -> memref<10248x128xf32, #tpu.memory_space<vmem_shared>>
        tpu.enqueue_indirect_dma source(%arg10 : memref<128x128xf32, #tpu.memory_space<vmem>>) target(%dma_start3A_62 : memref<10248x128xf32, #tpu.memory_space<vmem_shared>>) offsets(%dma_start3A_59 : memref<128xi32, #tpu.memory_space<vmem>>) semaphore(%run_scoped3A_56 : memref<!tpu.dma_semaphore, #tpu.memory_space<semaphore_mem>>) {add = true}
        %dma_wait3A_63 = arith.constant 0 : i32
        %dma_wait3A_64 = tpu.memref_slice %arg9[%run_scoped3A, %dma_wait3A_63] : memref<80x128xi32, #tpu.memory_space<vmem>> -> memref<1x128xi32, #tpu.memory_space<vmem>>
        %dma_wait3A_65 = tpu.memref_squeeze %dma_wait3A_64 : memref<1x128xi32, #tpu.memory_space<vmem>> -> memref<128xi32, #tpu.memory_space<vmem>>
        %dma_wait3A_66 = arith.constant 0 : i32
        %dma_wait3A_67 = arith.constant 0 : i32
        %dma_wait3A_68 = tpu.memref_slice %arg12[%dma_wait3A_66, %dma_wait3A_67] : memref<10248x128xf32, #tpu.memory_space<vmem_shared>> -> memref<10248x128xf32, #tpu.memory_space<vmem_shared>>
        tpu.wait_indirect_dma semaphore(%run_scoped3A_56 : memref<!tpu.dma_semaphore, #tpu.memory_space<semaphore_mem>>) src(%arg10 : memref<128x128xf32, #tpu.memory_space<vmem>>) dst(%dma_wait3A_68 : memref<10248x128xf32, #tpu.memory_space<vmem_shared>>)
        tpu.yield
      }) : () -> ()
      %dma_wait3A_52 = arith.constant 0 : i32
      %dma_wait3A_53 = arith.constant 0 : i32
      %dma_wait3A_54 = tpu.memref_slice %arg3[%dma_wait3A_52, %dma_wait3A_53] : memref<10240x128xf32, #tpu.memory_space<hbm>> -> memref<10240x128xf32, #tpu.memory_space<hbm>>
      tpu.wait_indirect_dma semaphore(%arg14 : memref<!tpu.dma_semaphore, #tpu.memory_space<semaphore_mem>>) src(%dma_wait3A_54 : memref<10240x128xf32, #tpu.memory_space<hbm>>) dst(%arg11 : memref<128x128xf32, #tpu.memory_space<vmem>>)
      %run_scoped3A_55 = arith.constant 79 : i32
      "tpu.region"() ({
        %run_scoped3A_56 = tpu.sem_alloc : memref<!tpu.dma_semaphore, #tpu.memory_space<semaphore_mem>>
        %dma_start3A_57 = arith.constant 0 : i32
        %dma_start3A_58 = tpu.memref_slice %arg9[%run_scoped3A_55, %dma_start3A_57] : memref<80x128xi32, #tpu.memory_space<vmem>> -> memref<1x128xi32, #tpu.memory_space<vmem>>
        %dma_start3A_59 = tpu.memref_squeeze %dma_start3A_58 : memref<1x128xi32, #tpu.memory_space<vmem>> -> memref<128xi32, #tpu.memory_space<vmem>>
        %dma_start3A_60 = arith.constant 0 : i32
        %dma_start3A_61 = arith.constant 0 : i32
        %dma_start3A_62 = tpu.memref_slice %arg12[%dma_start3A_60, %dma_start3A_61] : memref<10248x128xf32, #tpu.memory_space<vmem_shared>> -> memref<10248x128xf32, #tpu.memory_space<vmem_shared>>
        tpu.enqueue_indirect_dma source(%arg11 : memref<128x128xf32, #tpu.memory_space<vmem>>) target(%dma_start3A_62 : memref<10248x128xf32, #tpu.memory_space<vmem_shared>>) offsets(%dma_start3A_59 : memref<128xi32, #tpu.memory_space<vmem>>) semaphore(%run_scoped3A_56 : memref<!tpu.dma_semaphore, #tpu.memory_space<semaphore_mem>>) {add = true}
        %dma_wait3A_63 = arith.constant 0 : i32
        %dma_wait3A_64 = tpu.memref_slice %arg9[%run_scoped3A_55, %dma_wait3A_63] : memref<80x128xi32, #tpu.memory_space<vmem>> -> memref<1x128xi32, #tpu.memory_space<vmem>>
        %dma_wait3A_65 = tpu.memref_squeeze %dma_wait3A_64 : memref<1x128xi32, #tpu.memory_space<vmem>> -> memref<128xi32, #tpu.memory_space<vmem>>
        %dma_wait3A_66 = arith.constant 0 : i32
        %dma_wait3A_67 = arith.constant 0 : i32
        %dma_wait3A_68 = tpu.memref_slice %arg12[%dma_wait3A_66, %dma_wait3A_67] : memref<10248x128xf32, #tpu.memory_space<vmem_shared>> -> memref<10248x128xf32, #tpu.memory_space<vmem_shared>>
        tpu.wait_indirect_dma semaphore(%run_scoped3A_56 : memref<!tpu.dma_semaphore, #tpu.memory_space<semaphore_mem>>) src(%arg11 : memref<128x128xf32, #tpu.memory_space<vmem>>) dst(%dma_wait3A_68 : memref<10248x128xf32, #tpu.memory_space<vmem_shared>>)
        tpu.yield
      }) : () -> ()
    } else {
    }
    %barrier3A_18 = arith.constant 0 : index
    tpu.barrier barrier_id(%barrier3A_18)
    %add3A = arith.constant 0 : i32
    %add3A_19 = arith.addi %mul3A_0, %add3A : i32
    "tpu.region"() ({
      %run_scoped3A = tpu.sem_alloc : memref<!tpu.dma_semaphore, #tpu.memory_space<semaphore_mem>>
      %dma_start3A = arith.constant 0 : i32
      %dma_start3A_28 = arith.constant 0 : i32
      %dma_start3A_29 = tpu.memref_slice %arg6[%arg0, %dma_start3A, %dma_start3A_28] : memref<2x10240x128xf32, #tpu.memory_space<hbm>> -> memref<1x10240x128xf32, #tpu.memory_space<hbm>>
      %dma_start3A_30 = tpu.memref_squeeze %dma_start3A_29 : memref<1x10240x128xf32, #tpu.memory_space<hbm>> -> memref<10240x128xf32, #tpu.memory_space<hbm>>
      %dma_start3A_31 = arith.constant 0 : i32
      %dma_start3A_32 = tpu.memref_slice %dma_start3A_30[%add3A_19, %dma_start3A_31] : memref<10240x128xf32, #tpu.memory_space<hbm>> -> memref<128x128xf32, #tpu.memory_space<hbm>>
      %dma_start3A_33 = arith.constant 0 : i32
      %dma_start3A_34 = tpu.memref_slice %arg12[%add3A_19, %dma_start3A_33] : memref<10248x128xf32, #tpu.memory_space<vmem_shared>> -> memref<128x128xf32, #tpu.memory_space<vmem_shared>>
      tpu.enqueue_dma source(%dma_start3A_34 : memref<128x128xf32, #tpu.memory_space<vmem_shared>>) target(%dma_start3A_32 : memref<128x128xf32, #tpu.memory_space<hbm>>) target_semaphore(%run_scoped3A : memref<!tpu.dma_semaphore, #tpu.memory_space<semaphore_mem>>)
      %dma_wait3A = arith.constant 0 : i32
      %dma_wait3A_35 = arith.constant 0 : i32
      %dma_wait3A_36 = tpu.memref_slice %arg6[%arg0, %dma_wait3A, %dma_wait3A_35] : memref<2x10240x128xf32, #tpu.memory_space<hbm>> -> memref<1x10240x128xf32, #tpu.memory_space<hbm>>
      %dma_wait3A_37 = tpu.memref_squeeze %dma_wait3A_36 : memref<1x10240x128xf32, #tpu.memory_space<hbm>> -> memref<10240x128xf32, #tpu.memory_space<hbm>>
      %dma_wait3A_38 = arith.constant 0 : i32
      %dma_wait3A_39 = tpu.memref_slice %dma_wait3A_37[%add3A_19, %dma_wait3A_38] : memref<10240x128xf32, #tpu.memory_space<hbm>> -> memref<128x128xf32, #tpu.memory_space<hbm>>
      %dma_wait3A_40 = arith.constant 0 : i32
      %dma_wait3A_41 = tpu.memref_slice %arg12[%add3A_19, %dma_wait3A_40] : memref<10248x128xf32, #tpu.memory_space<vmem_shared>> -> memref<128x128xf32, #tpu.memory_space<vmem_shared>>
      tpu.wait_dma2 semaphore(%run_scoped3A : memref<!tpu.dma_semaphore, #tpu.memory_space<semaphore_mem>>) src(%dma_wait3A_41 : memref<128x128xf32, #tpu.memory_space<vmem_shared>>) dst(%dma_wait3A_39 : memref<128x128xf32, #tpu.memory_space<hbm>>)
      tpu.yield
    }) : () -> ()
    %add3A_20 = arith.constant 128 : i32
    %add3A_21 = arith.addi %mul3A_0, %add3A_20 : i32
    "tpu.region"() ({
      %run_scoped3A = tpu.sem_alloc : memref<!tpu.dma_semaphore, #tpu.memory_space<semaphore_mem>>
      %dma_start3A = arith.constant 0 : i32
      %dma_start3A_28 = arith.constant 0 : i32
      %dma_start3A_29 = tpu.memref_slice %arg6[%arg0, %dma_start3A, %dma_start3A_28] : memref<2x10240x128xf32, #tpu.memory_space<hbm>> -> memref<1x10240x128xf32, #tpu.memory_space<hbm>>
      %dma_start3A_30 = tpu.memref_squeeze %dma_start3A_29 : memref<1x10240x128xf32, #tpu.memory_space<hbm>> -> memref<10240x128xf32, #tpu.memory_space<hbm>>
      %dma_start3A_31 = arith.constant 0 : i32
      %dma_start3A_32 = tpu.memref_slice %dma_start3A_30[%add3A_21, %dma_start3A_31] : memref<10240x128xf32, #tpu.memory_space<hbm>> -> memref<128x128xf32, #tpu.memory_space<hbm>>
      %dma_start3A_33 = arith.constant 0 : i32
      %dma_start3A_34 = tpu.memref_slice %arg12[%add3A_21, %dma_start3A_33] : memref<10248x128xf32, #tpu.memory_space<vmem_shared>> -> memref<128x128xf32, #tpu.memory_space<vmem_shared>>
      tpu.enqueue_dma source(%dma_start3A_34 : memref<128x128xf32, #tpu.memory_space<vmem_shared>>) target(%dma_start3A_32 : memref<128x128xf32, #tpu.memory_space<hbm>>) target_semaphore(%run_scoped3A : memref<!tpu.dma_semaphore, #tpu.memory_space<semaphore_mem>>)
      %dma_wait3A = arith.constant 0 : i32
      %dma_wait3A_35 = arith.constant 0 : i32
      %dma_wait3A_36 = tpu.memref_slice %arg6[%arg0, %dma_wait3A, %dma_wait3A_35] : memref<2x10240x128xf32, #tpu.memory_space<hbm>> -> memref<1x10240x128xf32, #tpu.memory_space<hbm>>
      %dma_wait3A_37 = tpu.memref_squeeze %dma_wait3A_36 : memref<1x10240x128xf32, #tpu.memory_space<hbm>> -> memref<10240x128xf32, #tpu.memory_space<hbm>>
      %dma_wait3A_38 = arith.constant 0 : i32
      %dma_wait3A_39 = tpu.memref_slice %dma_wait3A_37[%add3A_21, %dma_wait3A_38] : memref<10240x128xf32, #tpu.memory_space<hbm>> -> memref<128x128xf32, #tpu.memory_space<hbm>>
      %dma_wait3A_40 = arith.constant 0 : i32
      %dma_wait3A_41 = tpu.memref_slice %arg12[%add3A_21, %dma_wait3A_40] : memref<10248x128xf32, #tpu.memory_space<vmem_shared>> -> memref<128x128xf32, #tpu.memory_space<vmem_shared>>
      tpu.wait_dma2 semaphore(%run_scoped3A : memref<!tpu.dma_semaphore, #tpu.memory_space<semaphore_mem>>) src(%dma_wait3A_41 : memref<128x128xf32, #tpu.memory_space<vmem_shared>>) dst(%dma_wait3A_39 : memref<128x128xf32, #tpu.memory_space<hbm>>)
      tpu.yield
    }) : () -> ()
    %add3A_22 = arith.constant 256 : i32
    %add3A_23 = arith.addi %mul3A_0, %add3A_22 : i32
    "tpu.region"() ({
      %run_scoped3A = tpu.sem_alloc : memref<!tpu.dma_semaphore, #tpu.memory_space<semaphore_mem>>
      %dma_start3A = arith.constant 0 : i32
      %dma_start3A_28 = arith.constant 0 : i32
      %dma_start3A_29 = tpu.memref_slice %arg6[%arg0, %dma_start3A, %dma_start3A_28] : memref<2x10240x128xf32, #tpu.memory_space<hbm>> -> memref<1x10240x128xf32, #tpu.memory_space<hbm>>
      %dma_start3A_30 = tpu.memref_squeeze %dma_start3A_29 : memref<1x10240x128xf32, #tpu.memory_space<hbm>> -> memref<10240x128xf32, #tpu.memory_space<hbm>>
      %dma_start3A_31 = arith.constant 0 : i32
      %dma_start3A_32 = tpu.memref_slice %dma_start3A_30[%add3A_23, %dma_start3A_31] : memref<10240x128xf32, #tpu.memory_space<hbm>> -> memref<128x128xf32, #tpu.memory_space<hbm>>
      %dma_start3A_33 = arith.constant 0 : i32
      %dma_start3A_34 = tpu.memref_slice %arg12[%add3A_23, %dma_start3A_33] : memref<10248x128xf32, #tpu.memory_space<vmem_shared>> -> memref<128x128xf32, #tpu.memory_space<vmem_shared>>
      tpu.enqueue_dma source(%dma_start3A_34 : memref<128x128xf32, #tpu.memory_space<vmem_shared>>) target(%dma_start3A_32 : memref<128x128xf32, #tpu.memory_space<hbm>>) target_semaphore(%run_scoped3A : memref<!tpu.dma_semaphore, #tpu.memory_space<semaphore_mem>>)
      %dma_wait3A = arith.constant 0 : i32
      %dma_wait3A_35 = arith.constant 0 : i32
      %dma_wait3A_36 = tpu.memref_slice %arg6[%arg0, %dma_wait3A, %dma_wait3A_35] : memref<2x10240x128xf32, #tpu.memory_space<hbm>> -> memref<1x10240x128xf32, #tpu.memory_space<hbm>>
      %dma_wait3A_37 = tpu.memref_squeeze %dma_wait3A_36 : memref<1x10240x128xf32, #tpu.memory_space<hbm>> -> memref<10240x128xf32, #tpu.memory_space<hbm>>
      %dma_wait3A_38 = arith.constant 0 : i32
      %dma_wait3A_39 = tpu.memref_slice %dma_wait3A_37[%add3A_23, %dma_wait3A_38] : memref<10240x128xf32, #tpu.memory_space<hbm>> -> memref<128x128xf32, #tpu.memory_space<hbm>>
      %dma_wait3A_40 = arith.constant 0 : i32
      %dma_wait3A_41 = tpu.memref_slice %arg12[%add3A_23, %dma_wait3A_40] : memref<10248x128xf32, #tpu.memory_space<vmem_shared>> -> memref<128x128xf32, #tpu.memory_space<vmem_shared>>
      tpu.wait_dma2 semaphore(%run_scoped3A : memref<!tpu.dma_semaphore, #tpu.memory_space<semaphore_mem>>) src(%dma_wait3A_41 : memref<128x128xf32, #tpu.memory_space<vmem_shared>>) dst(%dma_wait3A_39 : memref<128x128xf32, #tpu.memory_space<hbm>>)
      tpu.yield
    }) : () -> ()
    %add3A_24 = arith.constant 384 : i32
    %add3A_25 = arith.addi %mul3A_0, %add3A_24 : i32
    "tpu.region"() ({
      %run_scoped3A = tpu.sem_alloc : memref<!tpu.dma_semaphore, #tpu.memory_space<semaphore_mem>>
      %dma_start3A = arith.constant 0 : i32
      %dma_start3A_28 = arith.constant 0 : i32
      %dma_start3A_29 = tpu.memref_slice %arg6[%arg0, %dma_start3A, %dma_start3A_28] : memref<2x10240x128xf32, #tpu.memory_space<hbm>> -> memref<1x10240x128xf32, #tpu.memory_space<hbm>>
      %dma_start3A_30 = tpu.memref_squeeze %dma_start3A_29 : memref<1x10240x128xf32, #tpu.memory_space<hbm>> -> memref<10240x128xf32, #tpu.memory_space<hbm>>
      %dma_start3A_31 = arith.constant 0 : i32
      %dma_start3A_32 = tpu.memref_slice %dma_start3A_30[%add3A_25, %dma_start3A_31] : memref<10240x128xf32, #tpu.memory_space<hbm>> -> memref<128x128xf32, #tpu.memory_space<hbm>>
      %dma_start3A_33 = arith.constant 0 : i32
      %dma_start3A_34 = tpu.memref_slice %arg12[%add3A_25, %dma_start3A_33] : memref<10248x128xf32, #tpu.memory_space<vmem_shared>> -> memref<128x128xf32, #tpu.memory_space<vmem_shared>>
      tpu.enqueue_dma source(%dma_start3A_34 : memref<128x128xf32, #tpu.memory_space<vmem_shared>>) target(%dma_start3A_32 : memref<128x128xf32, #tpu.memory_space<hbm>>) target_semaphore(%run_scoped3A : memref<!tpu.dma_semaphore, #tpu.memory_space<semaphore_mem>>)
      %dma_wait3A = arith.constant 0 : i32
      %dma_wait3A_35 = arith.constant 0 : i32
      %dma_wait3A_36 = tpu.memref_slice %arg6[%arg0, %dma_wait3A, %dma_wait3A_35] : memref<2x10240x128xf32, #tpu.memory_space<hbm>> -> memref<1x10240x128xf32, #tpu.memory_space<hbm>>
      %dma_wait3A_37 = tpu.memref_squeeze %dma_wait3A_36 : memref<1x10240x128xf32, #tpu.memory_space<hbm>> -> memref<10240x128xf32, #tpu.memory_space<hbm>>
      %dma_wait3A_38 = arith.constant 0 : i32
      %dma_wait3A_39 = tpu.memref_slice %dma_wait3A_37[%add3A_25, %dma_wait3A_38] : memref<10240x128xf32, #tpu.memory_space<hbm>> -> memref<128x128xf32, #tpu.memory_space<hbm>>
      %dma_wait3A_40 = arith.constant 0 : i32
      %dma_wait3A_41 = tpu.memref_slice %arg12[%add3A_25, %dma_wait3A_40] : memref<10248x128xf32, #tpu.memory_space<vmem_shared>> -> memref<128x128xf32, #tpu.memory_space<vmem_shared>>
      tpu.wait_dma2 semaphore(%run_scoped3A : memref<!tpu.dma_semaphore, #tpu.memory_space<semaphore_mem>>) src(%dma_wait3A_41 : memref<128x128xf32, #tpu.memory_space<vmem_shared>>) dst(%dma_wait3A_39 : memref<128x128xf32, #tpu.memory_space<hbm>>)
      tpu.yield
    }) : () -> ()
    %add3A_26 = arith.constant 512 : i32
    %add3A_27 = arith.addi %mul3A_0, %add3A_26 : i32
    "tpu.region"() ({
      %run_scoped3A = tpu.sem_alloc : memref<!tpu.dma_semaphore, #tpu.memory_space<semaphore_mem>>
      %dma_start3A = arith.constant 0 : i32
      %dma_start3A_28 = arith.constant 0 : i32
      %dma_start3A_29 = tpu.memref_slice %arg6[%arg0, %dma_start3A, %dma_start3A_28] : memref<2x10240x128xf32, #tpu.memory_space<hbm>> -> memref<1x10240x128xf32, #tpu.memory_space<hbm>>
      %dma_start3A_30 = tpu.memref_squeeze %dma_start3A_29 : memref<1x10240x128xf32, #tpu.memory_space<hbm>> -> memref<10240x128xf32, #tpu.memory_space<hbm>>
      %dma_start3A_31 = arith.constant 0 : i32
      %dma_start3A_32 = tpu.memref_slice %dma_start3A_30[%add3A_27, %dma_start3A_31] : memref<10240x128xf32, #tpu.memory_space<hbm>> -> memref<128x128xf32, #tpu.memory_space<hbm>>
      %dma_start3A_33 = arith.constant 0 : i32
      %dma_start3A_34 = tpu.memref_slice %arg12[%add3A_27, %dma_start3A_33] : memref<10248x128xf32, #tpu.memory_space<vmem_shared>> -> memref<128x128xf32, #tpu.memory_space<vmem_shared>>
      tpu.enqueue_dma source(%dma_start3A_34 : memref<128x128xf32, #tpu.memory_space<vmem_shared>>) target(%dma_start3A_32 : memref<128x128xf32, #tpu.memory_space<hbm>>) target_semaphore(%run_scoped3A : memref<!tpu.dma_semaphore, #tpu.memory_space<semaphore_mem>>)
      %dma_wait3A = arith.constant 0 : i32
      %dma_wait3A_35 = arith.constant 0 : i32
      %dma_wait3A_36 = tpu.memref_slice %arg6[%arg0, %dma_wait3A, %dma_wait3A_35] : memref<2x10240x128xf32, #tpu.memory_space<hbm>> -> memref<1x10240x128xf32, #tpu.memory_space<hbm>>
      %dma_wait3A_37 = tpu.memref_squeeze %dma_wait3A_36 : memref<1x10240x128xf32, #tpu.memory_space<hbm>> -> memref<10240x128xf32, #tpu.memory_space<hbm>>
      %dma_wait3A_38 = arith.constant 0 : i32
      %dma_wait3A_39 = tpu.memref_slice %dma_wait3A_37[%add3A_27, %dma_wait3A_38] : memref<10240x128xf32, #tpu.memory_space<hbm>> -> memref<128x128xf32, #tpu.memory_space<hbm>>
      %dma_wait3A_40 = arith.constant 0 : i32
      %dma_wait3A_41 = tpu.memref_slice %arg12[%add3A_27, %dma_wait3A_40] : memref<10248x128xf32, #tpu.memory_space<vmem_shared>> -> memref<128x128xf32, #tpu.memory_space<vmem_shared>>
      tpu.wait_dma2 semaphore(%run_scoped3A : memref<!tpu.dma_semaphore, #tpu.memory_space<semaphore_mem>>) src(%dma_wait3A_41 : memref<128x128xf32, #tpu.memory_space<vmem_shared>>) dst(%dma_wait3A_39 : memref<128x128xf32, #tpu.memory_space<hbm>>)
      tpu.yield
    }) : () -> ()
    return
  }
}

#map = affine_map<(d0, d1) -> (0, 0)>
#map1 = affine_map<(d0, d1) -> (0, 0, 0)>
module attributes {stable_mosaic.version = 14 : i64} {
  func.func @pool_kernel(%arg0: i32, %arg1: i32, %arg2: memref<10240x128xf32, #tpu.memory_space<hbm>>, %arg3: memref<10240x128xf32, #tpu.memory_space<hbm>>, %arg4: memref<16x5x128xi32, #tpu.memory_space<hbm>>, %arg5: memref<136x128xf32, #tpu.memory_space<hbm>>, %arg6: memref<128x128xf32, #tpu.memory_space<hbm>>, %arg7: memref<2x128x128xf32, #tpu.memory_space<hbm>>, %arg8: memref<128x128xf32, #tpu.memory_space<hbm>>, %arg9: memref<5x128xi32, #tpu.memory_space<vmem>>, %arg10: memref<128x128xf32, #tpu.memory_space<vmem>>, %arg11: memref<128x128xf32, #tpu.memory_space<vmem>>, %arg12: memref<136x128xf32, #tpu.memory_space<vmem_shared>>, %arg13: memref<136x128xf32, #tpu.memory_space<vmem_shared>>) attributes {dimension_semantics = [#tpu.dimension_semantics<core_parallel>, #tpu.dimension_semantics<subcore_parallel>], iteration_bounds = array<i64: 2, 16>, scalar_prefetch = 0 : i64, scratch_operands = 5 : i64, tpu.core_type = #tpu.core_type<sc_vector_subcore>, window_params = [{transform_indices = #map}, {transform_indices = #map}, {transform_indices = #map1}, {transform_indices = #map}, {transform_indices = #map}, {transform_indices = #map1}, {transform_indices = #map}]} {
    %eq3A = arith.constant 0 : i32
    %eq3A_0 = arith.cmpi eq, %arg1, %eq3A : i32
    %convert_element_type3A = arith.extui %eq3A_0 : i1 to i32
    %cond3A = arith.constant 0 : i32
    %cond3A_1 = arith.cmpi ne, %convert_element_type3A, %cond3A : i32
    scf.if %cond3A_1 {
      "tpu.region"() ({
        %run_scoped3A = tpu.sem_alloc : memref<!tpu.dma_semaphore, #tpu.memory_space<semaphore_mem>>
        tpu.enqueue_dma source(%arg5 : memref<136x128xf32, #tpu.memory_space<hbm>>) target(%arg12 : memref<136x128xf32, #tpu.memory_space<vmem_shared>>) target_semaphore(%run_scoped3A : memref<!tpu.dma_semaphore, #tpu.memory_space<semaphore_mem>>)
        tpu.wait_dma2 semaphore(%run_scoped3A : memref<!tpu.dma_semaphore, #tpu.memory_space<semaphore_mem>>) src(%arg5 : memref<136x128xf32, #tpu.memory_space<hbm>>) dst(%arg12 : memref<136x128xf32, #tpu.memory_space<vmem_shared>>)
        tpu.yield
      }) : () -> ()
      "tpu.region"() ({
        %run_scoped3A = tpu.sem_alloc : memref<!tpu.dma_semaphore, #tpu.memory_space<semaphore_mem>>
        tpu.enqueue_dma source(%arg5 : memref<136x128xf32, #tpu.memory_space<hbm>>) target(%arg13 : memref<136x128xf32, #tpu.memory_space<vmem_shared>>) target_semaphore(%run_scoped3A : memref<!tpu.dma_semaphore, #tpu.memory_space<semaphore_mem>>)
        tpu.wait_dma2 semaphore(%run_scoped3A : memref<!tpu.dma_semaphore, #tpu.memory_space<semaphore_mem>>) src(%arg5 : memref<136x128xf32, #tpu.memory_space<hbm>>) dst(%arg13 : memref<136x128xf32, #tpu.memory_space<vmem_shared>>)
        tpu.yield
      }) : () -> ()
    } else {
    }
    "tpu.region"() ({
      %run_scoped3A = tpu.sem_alloc : memref<!tpu.dma_semaphore, #tpu.memory_space<semaphore_mem>>
      %dma_start3A = arith.constant 0 : i32
      %dma_start3A_19 = arith.constant 0 : i32
      %dma_start3A_20 = tpu.memref_slice %arg4[%arg1, %dma_start3A, %dma_start3A_19] : memref<16x5x128xi32, #tpu.memory_space<hbm>> -> memref<1x5x128xi32, #tpu.memory_space<hbm>>
      %dma_start3A_21 = tpu.memref_squeeze %dma_start3A_20 : memref<1x5x128xi32, #tpu.memory_space<hbm>> -> memref<5x128xi32, #tpu.memory_space<hbm>>
      %dma_start3A_22 = arith.constant 0 : i32
      %dma_start3A_23 = arith.constant 0 : i32
      %dma_start3A_24 = tpu.memref_slice %arg4[%arg1, %dma_start3A_22, %dma_start3A_23] : memref<16x5x128xi32, #tpu.memory_space<hbm>> -> memref<1x5x128xi32, #tpu.memory_space<hbm>>
      %dma_start3A_25 = tpu.memref_squeeze %dma_start3A_24 : memref<1x5x128xi32, #tpu.memory_space<hbm>> -> memref<5x128xi32, #tpu.memory_space<hbm>>
      tpu.enqueue_dma source(%dma_start3A_25 : memref<5x128xi32, #tpu.memory_space<hbm>>) target(%arg9 : memref<5x128xi32, #tpu.memory_space<vmem>>) target_semaphore(%run_scoped3A : memref<!tpu.dma_semaphore, #tpu.memory_space<semaphore_mem>>)
      %dma_wait3A = arith.constant 0 : i32
      %dma_wait3A_26 = arith.constant 0 : i32
      %dma_wait3A_27 = tpu.memref_slice %arg4[%arg1, %dma_wait3A, %dma_wait3A_26] : memref<16x5x128xi32, #tpu.memory_space<hbm>> -> memref<1x5x128xi32, #tpu.memory_space<hbm>>
      %dma_wait3A_28 = tpu.memref_squeeze %dma_wait3A_27 : memref<1x5x128xi32, #tpu.memory_space<hbm>> -> memref<5x128xi32, #tpu.memory_space<hbm>>
      %dma_wait3A_29 = arith.constant 0 : i32
      %dma_wait3A_30 = arith.constant 0 : i32
      %dma_wait3A_31 = tpu.memref_slice %arg4[%arg1, %dma_wait3A_29, %dma_wait3A_30] : memref<16x5x128xi32, #tpu.memory_space<hbm>> -> memref<1x5x128xi32, #tpu.memory_space<hbm>>
      %dma_wait3A_32 = tpu.memref_squeeze %dma_wait3A_31 : memref<1x5x128xi32, #tpu.memory_space<hbm>> -> memref<5x128xi32, #tpu.memory_space<hbm>>
      tpu.wait_dma2 semaphore(%run_scoped3A : memref<!tpu.dma_semaphore, #tpu.memory_space<semaphore_mem>>) src(%dma_wait3A_32 : memref<5x128xi32, #tpu.memory_space<hbm>>) dst(%arg9 : memref<5x128xi32, #tpu.memory_space<vmem>>)
      tpu.yield
    }) : () -> ()
    "tpu.region"() ({
      %run_scoped3A = tpu.sem_alloc : memref<!tpu.dma_semaphore, #tpu.memory_space<semaphore_mem>>
      tpu.enqueue_dma source(%arg6 : memref<128x128xf32, #tpu.memory_space<hbm>>) target(%arg11 : memref<128x128xf32, #tpu.memory_space<vmem>>) target_semaphore(%run_scoped3A : memref<!tpu.dma_semaphore, #tpu.memory_space<semaphore_mem>>)
      tpu.wait_dma2 semaphore(%run_scoped3A : memref<!tpu.dma_semaphore, #tpu.memory_space<semaphore_mem>>) src(%arg6 : memref<128x128xf32, #tpu.memory_space<hbm>>) dst(%arg11 : memref<128x128xf32, #tpu.memory_space<vmem>>)
      tpu.yield
    }) : () -> ()
    %barrier3A = arith.constant 0 : index
    tpu.barrier barrier_id(%barrier3A)
    %eq3A_2 = arith.constant 0 : i32
    %eq3A_3 = arith.cmpi eq, %arg0, %eq3A_2 : i32
    %convert_element_type3A_4 = arith.extui %eq3A_3 : i1 to i32
    %cond3A_5 = arith.constant 0 : i32
    %cond3A_6 = arith.cmpi ne, %convert_element_type3A_4, %cond3A_5 : i32
    scf.if %cond3A_6 {
      %scan3A = arith.constant 0 : i32
      %scan3A_19 = arith.constant 0 : i32
      %scan3A_20 = arith.constant 5 : i32
      %scan3A_21 = arith.addi %scan3A_19, %scan3A_20 : i32
      %scan3A_22 = arith.constant 1 : i32
      scf.for %scan3A_24 = %scan3A_19 to %scan3A_21 step %scan3A_22  : i32 {
        %mul3A_25 = arith.constant 640 : i32
        %mul3A_26 = arith.muli %arg1, %mul3A_25 : i32
        %mul3A_27 = arith.constant 128 : i32
        %mul3A_28 = arith.muli %scan3A_24, %mul3A_27 : i32
        %add3A = arith.addi %mul3A_26, %mul3A_28 : i32
        "tpu.region"() ({
          %run_scoped3A = tpu.sem_alloc : memref<!tpu.dma_semaphore, #tpu.memory_space<semaphore_mem>>
          %dma_start3A = arith.constant 0 : i32
          %dma_start3A_29 = tpu.memref_slice %arg2[%add3A, %dma_start3A] : memref<10240x128xf32, #tpu.memory_space<hbm>> -> memref<128x128xf32, #tpu.memory_space<hbm>>
          %dma_start3A_30 = arith.constant 0 : i32
          %dma_start3A_31 = tpu.memref_slice %arg2[%add3A, %dma_start3A_30] : memref<10240x128xf32, #tpu.memory_space<hbm>> -> memref<128x128xf32, #tpu.memory_space<hbm>>
          tpu.enqueue_dma source(%dma_start3A_31 : memref<128x128xf32, #tpu.memory_space<hbm>>) target(%arg10 : memref<128x128xf32, #tpu.memory_space<vmem>>) target_semaphore(%run_scoped3A : memref<!tpu.dma_semaphore, #tpu.memory_space<semaphore_mem>>)
          %dma_wait3A = arith.constant 0 : i32
          %dma_wait3A_32 = tpu.memref_slice %arg2[%add3A, %dma_wait3A] : memref<10240x128xf32, #tpu.memory_space<hbm>> -> memref<128x128xf32, #tpu.memory_space<hbm>>
          %dma_wait3A_33 = arith.constant 0 : i32
          %dma_wait3A_34 = tpu.memref_slice %arg2[%add3A, %dma_wait3A_33] : memref<10240x128xf32, #tpu.memory_space<hbm>> -> memref<128x128xf32, #tpu.memory_space<hbm>>
          tpu.wait_dma2 semaphore(%run_scoped3A : memref<!tpu.dma_semaphore, #tpu.memory_space<semaphore_mem>>) src(%dma_wait3A_34 : memref<128x128xf32, #tpu.memory_space<hbm>>) dst(%arg10 : memref<128x128xf32, #tpu.memory_space<vmem>>)
          tpu.yield
        }) : () -> ()
        "tpu.region"() ({
          %run_scoped3A = tpu.sem_alloc : memref<!tpu.dma_semaphore, #tpu.memory_space<semaphore_mem>>
          %dma_start3A = arith.constant 0 : i32
          %dma_start3A_29 = tpu.memref_slice %arg9[%scan3A_24, %dma_start3A] : memref<5x128xi32, #tpu.memory_space<vmem>> -> memref<1x128xi32, #tpu.memory_space<vmem>>
          %dma_start3A_30 = tpu.memref_squeeze %dma_start3A_29 : memref<1x128xi32, #tpu.memory_space<vmem>> -> memref<128xi32, #tpu.memory_space<vmem>>
          %dma_start3A_31 = arith.constant 0 : i32
          %dma_start3A_32 = arith.constant 0 : i32
          %dma_start3A_33 = tpu.memref_slice %arg12[%dma_start3A_31, %dma_start3A_32] : memref<136x128xf32, #tpu.memory_space<vmem_shared>> -> memref<136x128xf32, #tpu.memory_space<vmem_shared>>
          tpu.enqueue_indirect_dma source(%arg10 : memref<128x128xf32, #tpu.memory_space<vmem>>) target(%dma_start3A_33 : memref<136x128xf32, #tpu.memory_space<vmem_shared>>) offsets(%dma_start3A_30 : memref<128xi32, #tpu.memory_space<vmem>>) semaphore(%run_scoped3A : memref<!tpu.dma_semaphore, #tpu.memory_space<semaphore_mem>>) {add = true}
          %dma_wait3A = arith.constant 0 : i32
          %dma_wait3A_34 = tpu.memref_slice %arg9[%scan3A_24, %dma_wait3A] : memref<5x128xi32, #tpu.memory_space<vmem>> -> memref<1x128xi32, #tpu.memory_space<vmem>>
          %dma_wait3A_35 = tpu.memref_squeeze %dma_wait3A_34 : memref<1x128xi32, #tpu.memory_space<vmem>> -> memref<128xi32, #tpu.memory_space<vmem>>
          %dma_wait3A_36 = arith.constant 0 : i32
          %dma_wait3A_37 = arith.constant 0 : i32
          %dma_wait3A_38 = tpu.memref_slice %arg12[%dma_wait3A_36, %dma_wait3A_37] : memref<136x128xf32, #tpu.memory_space<vmem_shared>> -> memref<136x128xf32, #tpu.memory_space<vmem_shared>>
          tpu.wait_indirect_dma semaphore(%run_scoped3A : memref<!tpu.dma_semaphore, #tpu.memory_space<semaphore_mem>>) src(%arg10 : memref<128x128xf32, #tpu.memory_space<vmem>>) dst(%dma_wait3A_38 : memref<136x128xf32, #tpu.memory_space<vmem_shared>>)
          tpu.yield
        }) : () -> ()
        "tpu.region"() ({
          %run_scoped3A = tpu.sem_alloc : memref<!tpu.dma_semaphore, #tpu.memory_space<semaphore_mem>>
          %dma_start3A = arith.constant 0 : i32
          %dma_start3A_29 = tpu.memref_slice %arg9[%scan3A_24, %dma_start3A] : memref<5x128xi32, #tpu.memory_space<vmem>> -> memref<1x128xi32, #tpu.memory_space<vmem>>
          %dma_start3A_30 = tpu.memref_squeeze %dma_start3A_29 : memref<1x128xi32, #tpu.memory_space<vmem>> -> memref<128xi32, #tpu.memory_space<vmem>>
          %dma_start3A_31 = arith.constant 0 : i32
          %dma_start3A_32 = arith.constant 0 : i32
          %dma_start3A_33 = tpu.memref_slice %arg13[%dma_start3A_31, %dma_start3A_32] : memref<136x128xf32, #tpu.memory_space<vmem_shared>> -> memref<136x128xf32, #tpu.memory_space<vmem_shared>>
          tpu.enqueue_indirect_dma source(%arg11 : memref<128x128xf32, #tpu.memory_space<vmem>>) target(%dma_start3A_33 : memref<136x128xf32, #tpu.memory_space<vmem_shared>>) offsets(%dma_start3A_30 : memref<128xi32, #tpu.memory_space<vmem>>) semaphore(%run_scoped3A : memref<!tpu.dma_semaphore, #tpu.memory_space<semaphore_mem>>) {add = true}
          %dma_wait3A = arith.constant 0 : i32
          %dma_wait3A_34 = tpu.memref_slice %arg9[%scan3A_24, %dma_wait3A] : memref<5x128xi32, #tpu.memory_space<vmem>> -> memref<1x128xi32, #tpu.memory_space<vmem>>
          %dma_wait3A_35 = tpu.memref_squeeze %dma_wait3A_34 : memref<1x128xi32, #tpu.memory_space<vmem>> -> memref<128xi32, #tpu.memory_space<vmem>>
          %dma_wait3A_36 = arith.constant 0 : i32
          %dma_wait3A_37 = arith.constant 0 : i32
          %dma_wait3A_38 = tpu.memref_slice %arg13[%dma_wait3A_36, %dma_wait3A_37] : memref<136x128xf32, #tpu.memory_space<vmem_shared>> -> memref<136x128xf32, #tpu.memory_space<vmem_shared>>
          tpu.wait_indirect_dma semaphore(%run_scoped3A : memref<!tpu.dma_semaphore, #tpu.memory_space<semaphore_mem>>) src(%arg11 : memref<128x128xf32, #tpu.memory_space<vmem>>) dst(%dma_wait3A_38 : memref<136x128xf32, #tpu.memory_space<vmem_shared>>)
          tpu.yield
        }) : () -> ()
      }
      %scan3A_23 = arith.constant 5 : i32
    } else {
    }
    %eq3A_7 = arith.constant 1 : i32
    %eq3A_8 = arith.cmpi eq, %arg0, %eq3A_7 : i32
    %convert_element_type3A_9 = arith.extui %eq3A_8 : i1 to i32
    %cond3A_10 = arith.constant 0 : i32
    %cond3A_11 = arith.cmpi ne, %convert_element_type3A_9, %cond3A_10 : i32
    scf.if %cond3A_11 {
      %scan3A = arith.constant 0 : i32
      %scan3A_19 = arith.constant 0 : i32
      %scan3A_20 = arith.constant 5 : i32
      %scan3A_21 = arith.addi %scan3A_19, %scan3A_20 : i32
      %scan3A_22 = arith.constant 1 : i32
      scf.for %scan3A_24 = %scan3A_19 to %scan3A_21 step %scan3A_22  : i32 {
        %mul3A_25 = arith.constant 640 : i32
        %mul3A_26 = arith.muli %arg1, %mul3A_25 : i32
        %mul3A_27 = arith.constant 128 : i32
        %mul3A_28 = arith.muli %scan3A_24, %mul3A_27 : i32
        %add3A = arith.addi %mul3A_26, %mul3A_28 : i32
        "tpu.region"() ({
          %run_scoped3A = tpu.sem_alloc : memref<!tpu.dma_semaphore, #tpu.memory_space<semaphore_mem>>
          %dma_start3A = arith.constant 0 : i32
          %dma_start3A_29 = tpu.memref_slice %arg3[%add3A, %dma_start3A] : memref<10240x128xf32, #tpu.memory_space<hbm>> -> memref<128x128xf32, #tpu.memory_space<hbm>>
          %dma_start3A_30 = arith.constant 0 : i32
          %dma_start3A_31 = tpu.memref_slice %arg3[%add3A, %dma_start3A_30] : memref<10240x128xf32, #tpu.memory_space<hbm>> -> memref<128x128xf32, #tpu.memory_space<hbm>>
          tpu.enqueue_dma source(%dma_start3A_31 : memref<128x128xf32, #tpu.memory_space<hbm>>) target(%arg10 : memref<128x128xf32, #tpu.memory_space<vmem>>) target_semaphore(%run_scoped3A : memref<!tpu.dma_semaphore, #tpu.memory_space<semaphore_mem>>)
          %dma_wait3A = arith.constant 0 : i32
          %dma_wait3A_32 = tpu.memref_slice %arg3[%add3A, %dma_wait3A] : memref<10240x128xf32, #tpu.memory_space<hbm>> -> memref<128x128xf32, #tpu.memory_space<hbm>>
          %dma_wait3A_33 = arith.constant 0 : i32
          %dma_wait3A_34 = tpu.memref_slice %arg3[%add3A, %dma_wait3A_33] : memref<10240x128xf32, #tpu.memory_space<hbm>> -> memref<128x128xf32, #tpu.memory_space<hbm>>
          tpu.wait_dma2 semaphore(%run_scoped3A : memref<!tpu.dma_semaphore, #tpu.memory_space<semaphore_mem>>) src(%dma_wait3A_34 : memref<128x128xf32, #tpu.memory_space<hbm>>) dst(%arg10 : memref<128x128xf32, #tpu.memory_space<vmem>>)
          tpu.yield
        }) : () -> ()
        "tpu.region"() ({
          %run_scoped3A = tpu.sem_alloc : memref<!tpu.dma_semaphore, #tpu.memory_space<semaphore_mem>>
          %dma_start3A = arith.constant 0 : i32
          %dma_start3A_29 = tpu.memref_slice %arg9[%scan3A_24, %dma_start3A] : memref<5x128xi32, #tpu.memory_space<vmem>> -> memref<1x128xi32, #tpu.memory_space<vmem>>
          %dma_start3A_30 = tpu.memref_squeeze %dma_start3A_29 : memref<1x128xi32, #tpu.memory_space<vmem>> -> memref<128xi32, #tpu.memory_space<vmem>>
          %dma_start3A_31 = arith.constant 0 : i32
          %dma_start3A_32 = arith.constant 0 : i32
          %dma_start3A_33 = tpu.memref_slice %arg12[%dma_start3A_31, %dma_start3A_32] : memref<136x128xf32, #tpu.memory_space<vmem_shared>> -> memref<136x128xf32, #tpu.memory_space<vmem_shared>>
          tpu.enqueue_indirect_dma source(%arg10 : memref<128x128xf32, #tpu.memory_space<vmem>>) target(%dma_start3A_33 : memref<136x128xf32, #tpu.memory_space<vmem_shared>>) offsets(%dma_start3A_30 : memref<128xi32, #tpu.memory_space<vmem>>) semaphore(%run_scoped3A : memref<!tpu.dma_semaphore, #tpu.memory_space<semaphore_mem>>) {add = true}
          %dma_wait3A = arith.constant 0 : i32
          %dma_wait3A_34 = tpu.memref_slice %arg9[%scan3A_24, %dma_wait3A] : memref<5x128xi32, #tpu.memory_space<vmem>> -> memref<1x128xi32, #tpu.memory_space<vmem>>
          %dma_wait3A_35 = tpu.memref_squeeze %dma_wait3A_34 : memref<1x128xi32, #tpu.memory_space<vmem>> -> memref<128xi32, #tpu.memory_space<vmem>>
          %dma_wait3A_36 = arith.constant 0 : i32
          %dma_wait3A_37 = arith.constant 0 : i32
          %dma_wait3A_38 = tpu.memref_slice %arg12[%dma_wait3A_36, %dma_wait3A_37] : memref<136x128xf32, #tpu.memory_space<vmem_shared>> -> memref<136x128xf32, #tpu.memory_space<vmem_shared>>
          tpu.wait_indirect_dma semaphore(%run_scoped3A : memref<!tpu.dma_semaphore, #tpu.memory_space<semaphore_mem>>) src(%arg10 : memref<128x128xf32, #tpu.memory_space<vmem>>) dst(%dma_wait3A_38 : memref<136x128xf32, #tpu.memory_space<vmem_shared>>)
          tpu.yield
        }) : () -> ()
        "tpu.region"() ({
          %run_scoped3A = tpu.sem_alloc : memref<!tpu.dma_semaphore, #tpu.memory_space<semaphore_mem>>
          %dma_start3A = arith.constant 0 : i32
          %dma_start3A_29 = tpu.memref_slice %arg9[%scan3A_24, %dma_start3A] : memref<5x128xi32, #tpu.memory_space<vmem>> -> memref<1x128xi32, #tpu.memory_space<vmem>>
          %dma_start3A_30 = tpu.memref_squeeze %dma_start3A_29 : memref<1x128xi32, #tpu.memory_space<vmem>> -> memref<128xi32, #tpu.memory_space<vmem>>
          %dma_start3A_31 = arith.constant 0 : i32
          %dma_start3A_32 = arith.constant 0 : i32
          %dma_start3A_33 = tpu.memref_slice %arg13[%dma_start3A_31, %dma_start3A_32] : memref<136x128xf32, #tpu.memory_space<vmem_shared>> -> memref<136x128xf32, #tpu.memory_space<vmem_shared>>
          tpu.enqueue_indirect_dma source(%arg11 : memref<128x128xf32, #tpu.memory_space<vmem>>) target(%dma_start3A_33 : memref<136x128xf32, #tpu.memory_space<vmem_shared>>) offsets(%dma_start3A_30 : memref<128xi32, #tpu.memory_space<vmem>>) semaphore(%run_scoped3A : memref<!tpu.dma_semaphore, #tpu.memory_space<semaphore_mem>>) {add = true}
          %dma_wait3A = arith.constant 0 : i32
          %dma_wait3A_34 = tpu.memref_slice %arg9[%scan3A_24, %dma_wait3A] : memref<5x128xi32, #tpu.memory_space<vmem>> -> memref<1x128xi32, #tpu.memory_space<vmem>>
          %dma_wait3A_35 = tpu.memref_squeeze %dma_wait3A_34 : memref<1x128xi32, #tpu.memory_space<vmem>> -> memref<128xi32, #tpu.memory_space<vmem>>
          %dma_wait3A_36 = arith.constant 0 : i32
          %dma_wait3A_37 = arith.constant 0 : i32
          %dma_wait3A_38 = tpu.memref_slice %arg13[%dma_wait3A_36, %dma_wait3A_37] : memref<136x128xf32, #tpu.memory_space<vmem_shared>> -> memref<136x128xf32, #tpu.memory_space<vmem_shared>>
          tpu.wait_indirect_dma semaphore(%run_scoped3A : memref<!tpu.dma_semaphore, #tpu.memory_space<semaphore_mem>>) src(%arg11 : memref<128x128xf32, #tpu.memory_space<vmem>>) dst(%dma_wait3A_38 : memref<136x128xf32, #tpu.memory_space<vmem_shared>>)
          tpu.yield
        }) : () -> ()
      }
      %scan3A_23 = arith.constant 5 : i32
    } else {
    }
    %barrier3A_12 = arith.constant 0 : index
    tpu.barrier barrier_id(%barrier3A_12)
    %mul3A = arith.constant 8 : i32
    %mul3A_13 = arith.muli %arg1, %mul3A : i32
    "tpu.region"() ({
      %run_scoped3A = tpu.sem_alloc : memref<!tpu.dma_semaphore, #tpu.memory_space<semaphore_mem>>
      %dma_start3A = arith.constant 0 : i32
      %dma_start3A_19 = arith.constant 0 : i32
      %dma_start3A_20 = tpu.memref_slice %arg7[%arg0, %dma_start3A, %dma_start3A_19] : memref<2x128x128xf32, #tpu.memory_space<hbm>> -> memref<1x128x128xf32, #tpu.memory_space<hbm>>
      %dma_start3A_21 = tpu.memref_squeeze %dma_start3A_20 : memref<1x128x128xf32, #tpu.memory_space<hbm>> -> memref<128x128xf32, #tpu.memory_space<hbm>>
      %dma_start3A_22 = arith.constant 0 : i32
      %dma_start3A_23 = tpu.memref_slice %dma_start3A_21[%mul3A_13, %dma_start3A_22] : memref<128x128xf32, #tpu.memory_space<hbm>> -> memref<8x128xf32, #tpu.memory_space<hbm>>
      %dma_start3A_24 = arith.constant 0 : i32
      %dma_start3A_25 = tpu.memref_slice %arg12[%mul3A_13, %dma_start3A_24] : memref<136x128xf32, #tpu.memory_space<vmem_shared>> -> memref<8x128xf32, #tpu.memory_space<vmem_shared>>
      tpu.enqueue_dma source(%dma_start3A_25 : memref<8x128xf32, #tpu.memory_space<vmem_shared>>) target(%dma_start3A_23 : memref<8x128xf32, #tpu.memory_space<hbm>>) target_semaphore(%run_scoped3A : memref<!tpu.dma_semaphore, #tpu.memory_space<semaphore_mem>>)
      %dma_wait3A = arith.constant 0 : i32
      %dma_wait3A_26 = arith.constant 0 : i32
      %dma_wait3A_27 = tpu.memref_slice %arg7[%arg0, %dma_wait3A, %dma_wait3A_26] : memref<2x128x128xf32, #tpu.memory_space<hbm>> -> memref<1x128x128xf32, #tpu.memory_space<hbm>>
      %dma_wait3A_28 = tpu.memref_squeeze %dma_wait3A_27 : memref<1x128x128xf32, #tpu.memory_space<hbm>> -> memref<128x128xf32, #tpu.memory_space<hbm>>
      %dma_wait3A_29 = arith.constant 0 : i32
      %dma_wait3A_30 = tpu.memref_slice %dma_wait3A_28[%mul3A_13, %dma_wait3A_29] : memref<128x128xf32, #tpu.memory_space<hbm>> -> memref<8x128xf32, #tpu.memory_space<hbm>>
      %dma_wait3A_31 = arith.constant 0 : i32
      %dma_wait3A_32 = tpu.memref_slice %arg12[%mul3A_13, %dma_wait3A_31] : memref<136x128xf32, #tpu.memory_space<vmem_shared>> -> memref<8x128xf32, #tpu.memory_space<vmem_shared>>
      tpu.wait_dma2 semaphore(%run_scoped3A : memref<!tpu.dma_semaphore, #tpu.memory_space<semaphore_mem>>) src(%dma_wait3A_32 : memref<8x128xf32, #tpu.memory_space<vmem_shared>>) dst(%dma_wait3A_30 : memref<8x128xf32, #tpu.memory_space<hbm>>)
      tpu.yield
    }) : () -> ()
    %eq3A_14 = arith.constant 0 : i32
    %eq3A_15 = arith.cmpi eq, %arg0, %eq3A_14 : i32
    %convert_element_type3A_16 = arith.extui %eq3A_15 : i1 to i32
    %cond3A_17 = arith.constant 0 : i32
    %cond3A_18 = arith.cmpi ne, %convert_element_type3A_16, %cond3A_17 : i32
    scf.if %cond3A_18 {
      "tpu.region"() ({
        %run_scoped3A = tpu.sem_alloc : memref<!tpu.dma_semaphore, #tpu.memory_space<semaphore_mem>>
        %dma_start3A = arith.constant 0 : i32
        %dma_start3A_19 = tpu.memref_slice %arg8[%mul3A_13, %dma_start3A] : memref<128x128xf32, #tpu.memory_space<hbm>> -> memref<8x128xf32, #tpu.memory_space<hbm>>
        %dma_start3A_20 = arith.constant 0 : i32
        %dma_start3A_21 = tpu.memref_slice %arg13[%mul3A_13, %dma_start3A_20] : memref<136x128xf32, #tpu.memory_space<vmem_shared>> -> memref<8x128xf32, #tpu.memory_space<vmem_shared>>
        tpu.enqueue_dma source(%dma_start3A_21 : memref<8x128xf32, #tpu.memory_space<vmem_shared>>) target(%dma_start3A_19 : memref<8x128xf32, #tpu.memory_space<hbm>>) target_semaphore(%run_scoped3A : memref<!tpu.dma_semaphore, #tpu.memory_space<semaphore_mem>>)
        %dma_wait3A = arith.constant 0 : i32
        %dma_wait3A_22 = tpu.memref_slice %arg8[%mul3A_13, %dma_wait3A] : memref<128x128xf32, #tpu.memory_space<hbm>> -> memref<8x128xf32, #tpu.memory_space<hbm>>
        %dma_wait3A_23 = arith.constant 0 : i32
        %dma_wait3A_24 = tpu.memref_slice %arg13[%mul3A_13, %dma_wait3A_23] : memref<136x128xf32, #tpu.memory_space<vmem_shared>> -> memref<8x128xf32, #tpu.memory_space<vmem_shared>>
        tpu.wait_dma2 semaphore(%run_scoped3A : memref<!tpu.dma_semaphore, #tpu.memory_space<semaphore_mem>>) src(%dma_wait3A_24 : memref<8x128xf32, #tpu.memory_space<vmem_shared>>) dst(%dma_wait3A_22 : memref<8x128xf32, #tpu.memory_space<hbm>>)
        tpu.yield
      }) : () -> ()
    } else {
    }
    return
  }
}

module attributes {stable_mosaic.version = 14 : i64} {
  func.func @_mlp_body(%arg0: i32, %arg1: memref<640x128xf32, #tpu.memory_space<vmem>>, %arg2: memref<640x128xf32, #tpu.memory_space<vmem>>, %arg3: memref<128x256xf32, #tpu.memory_space<vmem>>, %arg4: memref<128x256xf32, #tpu.memory_space<vmem>>, %arg5: memref<1x256xf32, #tpu.memory_space<vmem>>, %arg6: memref<256x256xf32, #tpu.memory_space<vmem>>, %arg7: memref<1x256xf32, #tpu.memory_space<vmem>>, %arg8: memref<640x128xf32, #tpu.memory_space<vmem>>, %arg9: memref<640x128xf32, #tpu.memory_space<vmem>>) attributes {dimension_semantics = [#tpu.dimension_semantics<arbitrary>], iteration_bounds = array<i64: 16>, scalar_prefetch = 0 : i64, scratch_operands = 0 : i64, tpu.core_type = #tpu.core_type<tc>, window_params = [{transform_indices = @transform_0, window_bounds = array<i64: 640, 128>}, {transform_indices = @transform_1, window_bounds = array<i64: 640, 128>}, {pipeline_mode = #tpu.pipeline_mode<synchronous>, transform_indices = @transform_2, window_bounds = array<i64: 128, 256>}, {pipeline_mode = #tpu.pipeline_mode<synchronous>, transform_indices = @transform_3, window_bounds = array<i64: 128, 256>}, {pipeline_mode = #tpu.pipeline_mode<synchronous>, transform_indices = @transform_4, window_bounds = array<i64: 1, 256>}, {pipeline_mode = #tpu.pipeline_mode<synchronous>, transform_indices = @transform_5, window_bounds = array<i64: 256, 256>}, {pipeline_mode = #tpu.pipeline_mode<synchronous>, transform_indices = @transform_6, window_bounds = array<i64: 1, 256>}, {transform_indices = @transform_7, window_bounds = array<i64: 640, 128>}, {transform_indices = @transform_8, window_bounds = array<i64: 640, 128>}]} {
    %get3A = arith.constant 0 : index
    %get3A_0 = arith.constant 0 : index
    %get3A_1 = vector.load %arg1[%get3A, %get3A_0] : memref<640x128xf32, #tpu.memory_space<vmem>>, vector<640x128xf32>
    %get3A_2 = arith.constant 0 : index
    %get3A_3 = arith.constant 0 : index
    %get3A_4 = vector.load %arg3[%get3A_2, %get3A_3] : memref<128x256xf32, #tpu.memory_space<vmem>>, vector<128x256xf32>
    %dot_general3A = arith.constant dense<0.000000e+00> : vector<640x256xf32>
    %dot_general3A_5 = tpu.matmul %get3A_1, %get3A_4, %dot_general3A {dimension_numbers = #tpu.dot_dimension_numbers<[1], [0], [0], [1], [0, 0, 1, 1], [], []>, transpose_lhs_hint = false} : vector<640x128xf32>, vector<128x256xf32>, vector<640x256xf32> -> vector<640x256xf32>
    %get3A_6 = arith.constant 0 : index
    %get3A_7 = arith.constant 0 : index
    %get3A_8 = vector.load %arg2[%get3A_6, %get3A_7] : memref<640x128xf32, #tpu.memory_space<vmem>>, vector<640x128xf32>
    %get3A_9 = arith.constant 0 : index
    %get3A_10 = arith.constant 0 : index
    %get3A_11 = vector.load %arg4[%get3A_9, %get3A_10] : memref<128x256xf32, #tpu.memory_space<vmem>>, vector<128x256xf32>
    %dot_general3A_12 = arith.constant dense<0.000000e+00> : vector<640x256xf32>
    %dot_general3A_13 = tpu.matmul %get3A_8, %get3A_11, %dot_general3A_12 {dimension_numbers = #tpu.dot_dimension_numbers<[1], [0], [0], [1], [0, 0, 1, 1], [], []>, transpose_lhs_hint = false} : vector<640x128xf32>, vector<128x256xf32>, vector<640x256xf32> -> vector<640x256xf32>
    %add3A = arith.addf %dot_general3A_5, %dot_general3A_13 : vector<640x256xf32>
    %get3A_14 = arith.constant 0 : index
    %get3A_15 = arith.constant 0 : index
    %get3A_16 = vector.load %arg5[%get3A_14, %get3A_15] : memref<1x256xf32, #tpu.memory_space<vmem>>, vector<1x256xf32>
    %add3A_17 = vector.broadcast %get3A_16 : vector<1x256xf32> to vector<640x256xf32>
    %add3A_18 = arith.addf %add3A, %add3A_17 : vector<640x256xf32>
    %max3A = arith.constant 0.000000e+00 : f32
    %max3A_19 = vector.broadcast %max3A : f32 to vector<640x256xf32>
    %max3A_20 = arith.maximumf %add3A_18, %max3A_19 : vector<640x256xf32>
    %get3A_21 = arith.constant 0 : index
    %get3A_22 = arith.constant 0 : index
    %get3A_23 = vector.load %arg6[%get3A_21, %get3A_22] : memref<256x256xf32, #tpu.memory_space<vmem>>, vector<256x256xf32>
    %dot_general3A_24 = arith.constant dense<0.000000e+00> : vector<640x256xf32>
    %dot_general3A_25 = tpu.matmul %max3A_20, %get3A_23, %dot_general3A_24 {dimension_numbers = #tpu.dot_dimension_numbers<[1], [0], [0], [1], [0, 0, 1, 1], [], []>, transpose_lhs_hint = false} : vector<640x256xf32>, vector<256x256xf32>, vector<640x256xf32> -> vector<640x256xf32>
    %get3A_26 = arith.constant 0 : index
    %get3A_27 = arith.constant 0 : index
    %get3A_28 = vector.load %arg7[%get3A_26, %get3A_27] : memref<1x256xf32, #tpu.memory_space<vmem>>, vector<1x256xf32>
    %add3A_29 = vector.broadcast %get3A_28 : vector<1x256xf32> to vector<640x256xf32>
    %add3A_30 = arith.addf %dot_general3A_25, %add3A_29 : vector<640x256xf32>
    %max3A_31 = arith.constant 0.000000e+00 : f32
    %max3A_32 = vector.broadcast %max3A_31 : f32 to vector<640x256xf32>
    %max3A_33 = arith.maximumf %add3A_30, %max3A_32 : vector<640x256xf32>
    %slice3A = vector.extract_strided_slice %max3A_33 {offsets = [0, 0], sizes = [640, 128], strides = [1, 1]} : vector<640x256xf32> to vector<640x128xf32>
    %swap3A = arith.constant 0 : index
    %swap3A_34 = arith.constant 0 : index
    %swap3A_35 = vector.load %arg8[%swap3A, %swap3A_34] : memref<640x128xf32, #tpu.memory_space<vmem>>, vector<640x128xf32>
    tpu.vector_store %arg8[%swap3A, %swap3A_34], %slice3A {strides = array<i32>} : memref<640x128xf32, #tpu.memory_space<vmem>>, vector<640x128xf32>,
    %slice3A_36 = vector.extract_strided_slice %max3A_33 {offsets = [0, 128], sizes = [640, 128], strides = [1, 1]} : vector<640x256xf32> to vector<640x128xf32>
    %swap3A_37 = arith.constant 0 : index
    %swap3A_38 = arith.constant 0 : index
    %swap3A_39 = vector.load %arg9[%swap3A_37, %swap3A_38] : memref<640x128xf32, #tpu.memory_space<vmem>>, vector<640x128xf32>
    tpu.vector_store %arg9[%swap3A_37, %swap3A_38], %slice3A_36 {strides = array<i32>} : memref<640x128xf32, #tpu.memory_space<vmem>>, vector<640x128xf32>,
    return
  }
  func.func @transform_0(%arg0: i32) -> (i32, i32) {
    %c0_i32 = arith.constant 0 : i32
    %c0_i32_0 = arith.constant 0 : i32
    return %arg0, %c0_i32 : i32, i32
  }
  func.func @transform_1(%arg0: i32) -> (i32, i32) {
    %c0_i32 = arith.constant 0 : i32
    %c0_i32_0 = arith.constant 0 : i32
    return %arg0, %c0_i32 : i32, i32
  }
  func.func @transform_2(%arg0: i32) -> (i32, i32) {
    %c0_i32 = arith.constant 0 : i32
    %c0_i32_0 = arith.constant 0 : i32
    %c0_i32_1 = arith.constant 0 : i32
    return %c0_i32, %c0_i32_0 : i32, i32
  }
  func.func @transform_3(%arg0: i32) -> (i32, i32) {
    %c0_i32 = arith.constant 0 : i32
    %c0_i32_0 = arith.constant 0 : i32
    %c0_i32_1 = arith.constant 0 : i32
    return %c0_i32, %c0_i32_0 : i32, i32
  }
  func.func @transform_4(%arg0: i32) -> (i32, i32) {
    %c0_i32 = arith.constant 0 : i32
    %c0_i32_0 = arith.constant 0 : i32
    %c0_i32_1 = arith.constant 0 : i32
    return %c0_i32, %c0_i32_0 : i32, i32
  }
  func.func @transform_5(%arg0: i32) -> (i32, i32) {
    %c0_i32 = arith.constant 0 : i32
    %c0_i32_0 = arith.constant 0 : i32
    %c0_i32_1 = arith.constant 0 : i32
    return %c0_i32, %c0_i32_0 : i32, i32
  }
  func.func @transform_6(%arg0: i32) -> (i32, i32) {
    %c0_i32 = arith.constant 0 : i32
    %c0_i32_0 = arith.constant 0 : i32
    %c0_i32_1 = arith.constant 0 : i32
    return %c0_i32, %c0_i32_0 : i32, i32
  }
  func.func @transform_7(%arg0: i32) -> (i32, i32) {
    %c0_i32 = arith.constant 0 : i32
    %c0_i32_0 = arith.constant 0 : i32
    return %arg0, %c0_i32 : i32, i32
  }
  func.func @transform_8(%arg0: i32) -> (i32, i32) {
    %c0_i32 = arith.constant 0 : i32
    %c0_i32_0 = arith.constant 0 : i32
    return %arg0, %c0_i32 : i32, i32
  }
}

module attributes {stable_mosaic.version = 14 : i64} {
  func.func @_mlp_body(%arg0: i32, %arg1: memref<640x128xf32, #tpu.memory_space<vmem>>, %arg2: memref<640x128xf32, #tpu.memory_space<vmem>>, %arg3: memref<128x256xf32, #tpu.memory_space<vmem>>, %arg4: memref<128x256xf32, #tpu.memory_space<vmem>>, %arg5: memref<1x256xf32, #tpu.memory_space<vmem>>, %arg6: memref<256x256xf32, #tpu.memory_space<vmem>>, %arg7: memref<1x256xf32, #tpu.memory_space<vmem>>, %arg8: memref<640x128xf32, #tpu.memory_space<vmem>>, %arg9: memref<640x128xf32, #tpu.memory_space<vmem>>) attributes {dimension_semantics = [#tpu.dimension_semantics<arbitrary>], iteration_bounds = array<i64: 16>, scalar_prefetch = 0 : i64, scratch_operands = 0 : i64, tpu.core_type = #tpu.core_type<tc>, window_params = [{transform_indices = @transform_0, window_bounds = array<i64: 640, 128>}, {transform_indices = @transform_1, window_bounds = array<i64: 640, 128>}, {pipeline_mode = #tpu.pipeline_mode<synchronous>, transform_indices = @transform_2, window_bounds = array<i64: 128, 256>}, {pipeline_mode = #tpu.pipeline_mode<synchronous>, transform_indices = @transform_3, window_bounds = array<i64: 128, 256>}, {pipeline_mode = #tpu.pipeline_mode<synchronous>, transform_indices = @transform_4, window_bounds = array<i64: 1, 256>}, {pipeline_mode = #tpu.pipeline_mode<synchronous>, transform_indices = @transform_5, window_bounds = array<i64: 256, 256>}, {pipeline_mode = #tpu.pipeline_mode<synchronous>, transform_indices = @transform_6, window_bounds = array<i64: 1, 256>}, {transform_indices = @transform_7, window_bounds = array<i64: 640, 128>}, {transform_indices = @transform_8, window_bounds = array<i64: 640, 128>}]} {
    %get3A = arith.constant 0 : index
    %get3A_0 = arith.constant 0 : index
    %get3A_1 = vector.load %arg1[%get3A, %get3A_0] : memref<640x128xf32, #tpu.memory_space<vmem>>, vector<640x128xf32>
    %get3A_2 = arith.constant 0 : index
    %get3A_3 = arith.constant 0 : index
    %get3A_4 = vector.load %arg3[%get3A_2, %get3A_3] : memref<128x256xf32, #tpu.memory_space<vmem>>, vector<128x256xf32>
    %dot_general3A = arith.constant dense<0.000000e+00> : vector<640x256xf32>
    %dot_general3A_5 = tpu.matmul %get3A_1, %get3A_4, %dot_general3A {dimension_numbers = #tpu.dot_dimension_numbers<[1], [0], [0], [1], [0, 0, 1, 1], [], []>, transpose_lhs_hint = false} : vector<640x128xf32>, vector<128x256xf32>, vector<640x256xf32> -> vector<640x256xf32>
    %get3A_6 = arith.constant 0 : index
    %get3A_7 = arith.constant 0 : index
    %get3A_8 = vector.load %arg2[%get3A_6, %get3A_7] : memref<640x128xf32, #tpu.memory_space<vmem>>, vector<640x128xf32>
    %get3A_9 = arith.constant 0 : index
    %get3A_10 = arith.constant 0 : index
    %get3A_11 = vector.load %arg4[%get3A_9, %get3A_10] : memref<128x256xf32, #tpu.memory_space<vmem>>, vector<128x256xf32>
    %dot_general3A_12 = arith.constant dense<0.000000e+00> : vector<640x256xf32>
    %dot_general3A_13 = tpu.matmul %get3A_8, %get3A_11, %dot_general3A_12 {dimension_numbers = #tpu.dot_dimension_numbers<[1], [0], [0], [1], [0, 0, 1, 1], [], []>, transpose_lhs_hint = false} : vector<640x128xf32>, vector<128x256xf32>, vector<640x256xf32> -> vector<640x256xf32>
    %add3A = arith.addf %dot_general3A_5, %dot_general3A_13 : vector<640x256xf32>
    %get3A_14 = arith.constant 0 : index
    %get3A_15 = arith.constant 0 : index
    %get3A_16 = vector.load %arg5[%get3A_14, %get3A_15] : memref<1x256xf32, #tpu.memory_space<vmem>>, vector<1x256xf32>
    %add3A_17 = vector.broadcast %get3A_16 : vector<1x256xf32> to vector<640x256xf32>
    %add3A_18 = arith.addf %add3A, %add3A_17 : vector<640x256xf32>
    %max3A = arith.constant 0.000000e+00 : f32
    %max3A_19 = vector.broadcast %max3A : f32 to vector<640x256xf32>
    %max3A_20 = arith.maximumf %add3A_18, %max3A_19 : vector<640x256xf32>
    %get3A_21 = arith.constant 0 : index
    %get3A_22 = arith.constant 0 : index
    %get3A_23 = vector.load %arg6[%get3A_21, %get3A_22] : memref<256x256xf32, #tpu.memory_space<vmem>>, vector<256x256xf32>
    %dot_general3A_24 = arith.constant dense<0.000000e+00> : vector<640x256xf32>
    %dot_general3A_25 = tpu.matmul %max3A_20, %get3A_23, %dot_general3A_24 {dimension_numbers = #tpu.dot_dimension_numbers<[1], [0], [0], [1], [0, 0, 1, 1], [], []>, transpose_lhs_hint = false} : vector<640x256xf32>, vector<256x256xf32>, vector<640x256xf32> -> vector<640x256xf32>
    %get3A_26 = arith.constant 0 : index
    %get3A_27 = arith.constant 0 : index
    %get3A_28 = vector.load %arg7[%get3A_26, %get3A_27] : memref<1x256xf32, #tpu.memory_space<vmem>>, vector<1x256xf32>
    %add3A_29 = vector.broadcast %get3A_28 : vector<1x256xf32> to vector<640x256xf32>
    %add3A_30 = arith.addf %dot_general3A_25, %add3A_29 : vector<640x256xf32>
    %slice3A = vector.extract_strided_slice %add3A_30 {offsets = [0, 0], sizes = [640, 128], strides = [1, 1]} : vector<640x256xf32> to vector<640x128xf32>
    %swap3A = arith.constant 0 : index
    %swap3A_31 = arith.constant 0 : index
    %swap3A_32 = vector.load %arg8[%swap3A, %swap3A_31] : memref<640x128xf32, #tpu.memory_space<vmem>>, vector<640x128xf32>
    tpu.vector_store %arg8[%swap3A, %swap3A_31], %slice3A {strides = array<i32>} : memref<640x128xf32, #tpu.memory_space<vmem>>, vector<640x128xf32>,
    %slice3A_33 = vector.extract_strided_slice %add3A_30 {offsets = [0, 128], sizes = [640, 128], strides = [1, 1]} : vector<640x256xf32> to vector<640x128xf32>
    %swap3A_34 = arith.constant 0 : index
    %swap3A_35 = arith.constant 0 : index
    %swap3A_36 = vector.load %arg9[%swap3A_34, %swap3A_35] : memref<640x128xf32, #tpu.memory_space<vmem>>, vector<640x128xf32>
    tpu.vector_store %arg9[%swap3A_34, %swap3A_35], %slice3A_33 {strides = array<i32>} : memref<640x128xf32, #tpu.memory_space<vmem>>, vector<640x128xf32>,
    return
  }
  func.func @transform_0(%arg0: i32) -> (i32, i32) {
    %c0_i32 = arith.constant 0 : i32
    %c0_i32_0 = arith.constant 0 : i32
    return %arg0, %c0_i32 : i32, i32
  }
  func.func @transform_1(%arg0: i32) -> (i32, i32) {
    %c0_i32 = arith.constant 0 : i32
    %c0_i32_0 = arith.constant 0 : i32
    return %arg0, %c0_i32 : i32, i32
  }
  func.func @transform_2(%arg0: i32) -> (i32, i32) {
    %c0_i32 = arith.constant 0 : i32
    %c0_i32_0 = arith.constant 0 : i32
    %c0_i32_1 = arith.constant 0 : i32
    return %c0_i32, %c0_i32_0 : i32, i32
  }
  func.func @transform_3(%arg0: i32) -> (i32, i32) {
    %c0_i32 = arith.constant 0 : i32
    %c0_i32_0 = arith.constant 0 : i32
    %c0_i32_1 = arith.constant 0 : i32
    return %c0_i32, %c0_i32_0 : i32, i32
  }
  func.func @transform_4(%arg0: i32) -> (i32, i32) {
    %c0_i32 = arith.constant 0 : i32
    %c0_i32_0 = arith.constant 0 : i32
    %c0_i32_1 = arith.constant 0 : i32
    return %c0_i32, %c0_i32_0 : i32, i32
  }
  func.func @transform_5(%arg0: i32) -> (i32, i32) {
    %c0_i32 = arith.constant 0 : i32
    %c0_i32_0 = arith.constant 0 : i32
    %c0_i32_1 = arith.constant 0 : i32
    return %c0_i32, %c0_i32_0 : i32, i32
  }
  func.func @transform_6(%arg0: i32) -> (i32, i32) {
    %c0_i32 = arith.constant 0 : i32
    %c0_i32_0 = arith.constant 0 : i32
    %c0_i32_1 = arith.constant 0 : i32
    return %c0_i32, %c0_i32_0 : i32, i32
  }
  func.func @transform_7(%arg0: i32) -> (i32, i32) {
    %c0_i32 = arith.constant 0 : i32
    %c0_i32_0 = arith.constant 0 : i32
    return %arg0, %c0_i32 : i32, i32
  }
  func.func @transform_8(%arg0: i32) -> (i32, i32) {
    %c0_i32 = arith.constant 0 : i32
    %c0_i32_0 = arith.constant 0 : i32
    return %arg0, %c0_i32 : i32, i32
  }
}

module attributes {stable_mosaic.version = 14 : i64} {
  func.func @_div_body(%arg0: memref<128x128xf32, #tpu.memory_space<vmem>>, %arg1: memref<128x128xf32, #tpu.memory_space<vmem>>, %arg2: memref<128x128xf32, #tpu.memory_space<vmem>>, %arg3: memref<128x256xf32, #tpu.memory_space<vmem>>) attributes {dimension_semantics = [], scalar_prefetch = 0 : i64, scratch_operands = 0 : i64, tpu.core_type = #tpu.core_type<tc>} {
    %get3A = arith.constant 0 : index
    %get3A_0 = arith.constant 0 : index
    %get3A_1 = vector.load %arg2[%get3A, %get3A_0] : memref<128x128xf32, #tpu.memory_space<vmem>>, vector<128x1xf32>
    %max3A = arith.constant 1.000000e+00 : f32
    %max3A_2 = vector.broadcast %max3A : f32 to vector<128x1xf32>
    %max3A_3 = arith.maximumf %get3A_1, %max3A_2 : vector<128x1xf32>
    %get3A_4 = arith.constant 0 : index
    %get3A_5 = arith.constant 0 : index
    %get3A_6 = vector.load %arg0[%get3A_4, %get3A_5] : memref<128x128xf32, #tpu.memory_space<vmem>>, vector<128x128xf32>
    %div3A = vector.broadcast %max3A_3 : vector<128x1xf32> to vector<128x128xf32>
    %div3A_7 = arith.divf %get3A_6, %div3A : vector<128x128xf32>
    %swap3A = arith.constant 0 : index
    %swap3A_8 = arith.constant 0 : index
    %swap3A_9 = vector.load %arg3[%swap3A, %swap3A_8] : memref<128x256xf32, #tpu.memory_space<vmem>>, vector<128x128xf32>
    tpu.vector_store %arg3[%swap3A, %swap3A_8], %div3A_7 {strides = array<i32>} : memref<128x256xf32, #tpu.memory_space<vmem>>, vector<128x128xf32>,
    %get3A_10 = arith.constant 0 : index
    %get3A_11 = arith.constant 0 : index
    %get3A_12 = vector.load %arg1[%get3A_10, %get3A_11] : memref<128x128xf32, #tpu.memory_space<vmem>>, vector<128x128xf32>
    %div3A_13 = vector.broadcast %max3A_3 : vector<128x1xf32> to vector<128x128xf32>
    %div3A_14 = arith.divf %get3A_12, %div3A_13 : vector<128x128xf32>
    %swap3A_15 = arith.constant 0 : index
    %swap3A_16 = arith.constant 128 : index
    %swap3A_17 = vector.load %arg3[%swap3A_15, %swap3A_16] : memref<128x256xf32, #tpu.memory_space<vmem>>, vector<128x128xf32>
    tpu.vector_store %arg3[%swap3A_15, %swap3A_16], %div3A_14 {strides = array<i32>} : memref<128x256xf32, #tpu.memory_space<vmem>>, vector<128x128xf32>,
    return
  }
}

</mosaic_0001>

<sc_bundles>
// kernel: kernel.10.cloned.1.call-start
scs
__scs_entry_jumppad:
0x0: {  	(pc) =	sbr.rel $0x88, $3  }
0x1: {  	(tag) =	ssettag $0x0;
	lr =	simm.s32 $0x1  }
0x2: {  	[smem:$0x3F92] =	sst lr;
	_ =	strace $0xD0000000  }
0x3: {  	_ = 	snop  }
0x4: {  	_ = 	snop  }
0x5: {  	_ = 	snop  }
0x6: {  	_ = 	snop  }
0x7: {  	_ = 	snop  }
__scs_overlays_trampoline_lowered:
0x8: {  	[smem:$0x3FA1] =	sst s0  }
0x9: {  	[smem:$0x3FA2] =	sst s1  }
0xa: {  	[smem:$0x3FA3] =	sst s2  }
0xb: {  	[smem:$0x3FA4] =	sst s3  }
0xc: {  	[smem:$0x3FA5] =	sst s4  }
0xd: {  	[smem:$0x3FA6] =	sst s5  }
0xe: {  	[smem:$0x3FA7] =	sst s6  }
0xf: {  	[smem:$0x3FA8] =	sst s7  }
0x10: {  	[smem:$0x3FA9] =	sst s8  }
0x11: {  	[smem:$0x3FAA] =	sst s9;
	s0 =	simm.s32 @!p0 $0x0  }
0x12: {  	s1 =	sld [smem:$0x3F90];
	s0 =	simm.s32 @p0 $0x1  }
0x13: {  	[smem:$0x3FAB] =	sst s0;
	s0 =	simm.s32 @!p1 $0x0  }
0x14: {  	s2 =	sld [smem:$0x3F8F];
	s0 =	simm.s32 @p1 $0x1  }
0x15: {  	[smem:$0x3FAC] =	sst s0;
	s0 =	simm.s32 @!p2 $0x0  }
0x16: {  	s3 =	sld [smem:$0x3FDB];
	s0 =	simm.s32 @p2 $0x1  }
0x17: {  	s4 =	simm.s32 $0x1BF5;
	[smem:$0x3FAE] =	sst s0  }
0x18: {  	s0 =	sld [smem:$0x3F91];
	_ =	swait.ge [sflag:s4], $0x0  }
0x19: {  	s7 =	sld [smem:$0x3F92]  }
0x1a: {  	s8 =	sadd.s32 $0xFFFFE003, lr  }
0x1b: {  	s9 =	sadd.s32 $0xFFFFFEF7, lr;
	s5 =	simm.s32 $0xFFFFFFFF;
	p2 =	slt.u32 s8, $0xFFFFF086  }
0x1c: {  	p1 =	slt.u32 s9, $0xF7A;
	s5 =	simm.s32 @!p2 $0x0  }
0x1d: {  	s5 =	simm.s32 @p1 $0x1;
	p0 =	seq.s32 s7, s2  }
0x1e: {  	s7 =	smul.u32 @!p0 $0xF7A, s2;
	p2 =	seq.s32 @!p0 s5, $0x0  }
0x1f: {  	s9 =	smul.u32 $0xF7A, s1;
	s8 =	simm.s32 @!p0 $0x1BF5;
	p2 =	por !p2, p0  }
0x20: {  	[sflag:s8] =	ssyncset.s32 @!p0 $0xFFFFF086;
	s6 =	sadd.s32 @!p0 s3, s7;
	s7 =	simm.s32 @!p0 $0x108  }
0x21: {  	s3 =	sadd.s32 s3, s9;
	s6 =	sadd.s32 @!p0 $0x88, s6;
	s7 =	simm.s32 @p2 $0x1082  }
0x22: {  	[simem:s7], [sflag:s8] =	dma.local @!p0 [hbm:s6], $0xF7A  }
0x23: {  	s9 =	sor.u32 $0xD0000000, s2;
	s6 =	simm.s32 $0x108;
	_ =	swait.ge @!p0 [sflag:s8], $0x0  }
0x24: {  	s3 =	sadd.s32 $0x88, s3;
	s6 =	simm.s32 @!p1 $0x1082;
	[sflag:s4] =	ssyncset.s32 $0xFFFFF086  }
0x25: {  	[simem:s6], [sflag:s4] =	dma.local [hbm:s3], $0xF7A  }
0x26: {  	[smem:$0x3F92] =	sst s1;
	(tag) =	ssettag s2;
	_ =	strace s9  }
0x27: {  	s1 =	sld [smem:$0x3FA2]  }
0x28: {  	s2 =	sld [smem:$0x3FA3]  }
0x29: {  	s4 =	sld [smem:$0x3FA5]  }
0x2a: {  	p0 =	seq.s32 s5, $0x0;
	s5 =	sld [smem:$0x3FA6]  }
0x2b: {  	s6 =	sld [smem:$0x3FA7]  }
0x2c: {  	s7 =	sld [smem:$0x3FA8]  }
0x2d: {  	s3 =	simm.s32 $0x108;
	s8 =	sld [smem:$0x3FA9]  }
0x2e: {  	s3 =	simm.s32 @!p0 $0x1082;
	s9 =	sld [smem:$0x3FAA]  }
0x2f: {  	lr =	sadd.s32 s0, s3;
	s0 =	sld [smem:$0x3FA1]  }
0x30: {  	s3 =	sld [smem:$0x3FA4]  }
0x31: {  	[smem:$0x3FAD] =	sst s10  }
0x32: {  	s10 =	sld [smem:$0x3FAB];
	_ =	sdelay $0x3  }
0x33: {  	p0 =	seq.s32 s10, $0x1;
	s10 =	sld [smem:$0x3FAD];
	_ =	sdelay $0x3  }
0x34: {  	[smem:$0x3FAD] =	sst s10  }
0x35: {  	s10 =	sld [smem:$0x3FAC];
	_ =	sdelay $0x3  }
0x36: {  	p1 =	seq.s32 s10, $0x1;
	s10 =	sld [smem:$0x3FAD];
	_ =	sdelay $0x3  }
0x37: {  	[smem:$0x3FAD] =	sst s10  }
0x38: {  	s10 =	sld [smem:$0x3FAE]  }
0x39: {  	_ = 	snop;
	(pc) =	sbr.ind lr, $3  }
0x3a: {  	_ = 	snop  }
0x3b: {  	_ = 	snop  }
0x3c: {  	p2 =	seq.s32 s10, $0x1;
	s10 =	sld [smem:$0x3FAD]  }
0x3d: {  	_ =	shalt  }
0x3e: {  	_ =	shalt  }
0x3f: {  	_ =	shalt  }
0x40: {  	_ =	shalt  }
0x41: {  	_ =	shalt  }
0x42: {  	_ =	shalt  }
0x43: {  	_ =	shalt  }
0x44: {  	_ =	shalt  }
0x45: {  	_ =	shalt  }
0x46: {  	_ =	shalt  }
0x47: {  	_ =	shalt  }
0x48: {  	_ =	shalt  }
0x49: {  	_ =	shalt  }
0x4a: {  	_ =	shalt  }
0x4b: {  	_ =	shalt  }
0x4c: {  	_ =	shalt  }
0x4d: {  	_ =	shalt  }
0x4e: {  	_ =	shalt  }
0x4f: {  	_ =	shalt  }
0x50: {  	_ =	shalt  }
0x51: {  	_ =	shalt  }
0x52: {  	_ =	shalt  }
0x53: {  	_ =	shalt  }
0x54: {  	_ =	shalt  }
0x55: {  	_ =	shalt  }
0x56: {  	_ =	shalt  }
0x57: {  	_ =	shalt  }
0x58: {  	_ =	shalt  }
0x59: {  	_ =	shalt  }
0x5a: {  	_ =	shalt  }
0x5b: {  	_ =	shalt  }
0x5c: {  	_ =	shalt  }
0x5d: {  	_ =	shalt  }
0x5e: {  	_ =	shalt  }
0x5f: {  	_ =	shalt  }
0x60: {  	_ =	shalt  }
0x61: {  	_ =	shalt  }
0x62: {  	_ =	shalt  }
0x63: {  	_ =	shalt  }
0x64: {  	_ =	shalt  }
0x65: {  	_ =	shalt  }
0x66: {  	_ =	shalt  }
0x67: {  	_ =	shalt  }
0x68: {  	_ =	shalt  }
0x69: {  	_ =	shalt  }
0x6a: {  	_ =	shalt  }
0x6b: {  	_ =	shalt  }
0x6c: {  	_ =	shalt  }
0x6d: {  	_ =	shalt  }
0x6e: {  	_ =	shalt  }
0x6f: {  	_ =	shalt  }
0x70: {  	_ =	shalt  }
0x71: {  	_ =	shalt  }
0x72: {  	_ =	shalt  }
0x73: {  	_ =	shalt  }
0x74: {  	_ =	shalt  }
0x75: {  	_ =	shalt  }
0x76: {  	_ =	shalt  }
0x77: {  	_ =	shalt  }
0x78: {  	_ =	shalt  }
0x79: {  	_ =	shalt  }
0x7a: {  	_ =	shalt  }
0x7b: {  	_ =	shalt  }
0x7c: {  	_ =	shalt  }
0x7d: {  	_ =	shalt  }
0x7e: {  	_ =	shalt  }
0x7f: {  	_ =	shalt  }
0x80: {  	_ =	shalt  }
0x81: {  	_ =	shalt  }
0x82: {  	_ =	shalt  }
0x83: {  	_ =	shalt  }
0x84: {  	_ =	shalt  }
0x85: {  	_ =	shalt  }
0x86: {  	_ =	shalt  }
0x87: {  	_ =	shalt  }
.Lfunc_end0:
.L_simem_size_0:
called_computation_lowered:
.L_overlay_start_0:
0x88: {  	s2 =	sld [smem:$0x3FD9]  }
0x89: {  	s3 =	sld [smem:$0x3FFE];
	_ =	sdelay $0x1  }
0x8a: {  	s1 =	srdreg.scid  }
0x8b: {  	s0 =	sand.u32 $0x1, s1  }
0x8c: {  	s16 =	sshll.u32 s0, $0xA;
	s2 =	sadd.s32 s3, s2  }
0x8d: {  	s2 =	sadd.s32 s2, s16  }
0x8e: {  	[smem:$0x3FB9] =	sst s2  }
0x8f: {  	_ = 	snop  }
0x90: {  	(tm) =	ssettm $0x1  }
0x91: {  	s17 =	sld [smem:$0x3FFB];
	_ =	sdelay $0x3  }
0x92: {  	_ =	strace s17  }
0x93: {  	s2 =	sld [smem:$0x3FFC];
	_ =	sdelay $0x3  }
0x94: {  	_ =	strace s2  }
0x95: {  	s2 =	sld [smem:$0x3FFD];
	_ =	sdelay $0x3  }
0x96: {  	_ =	strace s2  }
0x97: {  	_ =	strace $0x8FFFFFFF  }
0x98: {  	s18 =	sld [smem:$0x3FDB];
	_ =	sdelay $0x1  }
0x99: {  	s19 =	simm.s32 $_scs_section_size  }
0x9a: {  	s4 =	simm.s32 $_size__tile_overlayer_lowered;
	s5 =	simm.s32 $_tile_overlayer_lowered  }
0x9b: {  	s22 =	simm.s32 $0x1BFF;
	s21 =	sshll.u32 s5, $0x1;
	s2 =	sadd.s32 s19, s18  }
0x9c: {  	s6 =	simm.s32 $0x0;
	s20 =	sshll.u32 s4, $0x1;
	s4 =	sadd.s32 s21, s2  }
0x9d: {  	[timem:s6], [sflag:s22] =	dma.local [hbm:s4], s20  }
0x9e: {  	_ =	swait.ge [sflag:s22], s20  }
0x9f: {  	s3 =	ssub.s32 $0x0, s20;
	[sflag:s22] =	ssyncset.done $0x0  }
0xa0: {  	[sflag:s22] =	ssyncadd.s32 s3;
	_ =	sdelay $0x1  }
0xa1: {  	s23 =	simm.s32 $0x1B8B  }
0xa2: {  	_ =	swait.ge [sflag:s23], $0x1  }
0xa3: {  	[sflag:s23] =	ssyncset.done $0x0  }
0xa4: {  	s25 =	simm.s32 $0x1B8E;
	s24 =	sld [smem:$0x3FFE];
	[sflag:s23] =	ssyncadd.s32 $0xFFFFFFFF  }
0xa5: {  	s26 =	simm.s32 $execute0_lowered;
	[smem:$0x3FD2] =	sst s25  }
0xa6: {  	s4 =	sshll.u32 s26, $0x1;
	_ =	strace $0x80000046;
	[dreg:$0x1] =	wrdreg $0xFFFFFFFF  }
0xa7: {  	s28 =	simm.s32 $_size_execute0_lowered;
	s2 =	sadd.s32 s2, s4;
	[dreg:$0x0] =	wrdreg $0x0  }
0xa8: {  	s4 =	sshll.u32 s28, $0x1;
	[dreg:$0x2] =	wrdreg s2  }
0xa9: {  	[dreg:$0x3] =	wrdreg s4  }
0xaa: {  	[dreg:$0x4] =	wrdreg $0xC0  }
0xab: {  	_ =	task [dreg:s6], $0x5FFFF  }
0xac: {  	[dreg:$0x1] =	wrdreg $0xFFFFFFFF  }
0xad: {  	[dreg:$0x0] =	wrdreg $0x60  }
0xae: {  	[dreg:$0x2] =	wrdreg s24  }
0xaf: {  	[dreg:$0x3] =	wrdreg $0xA9000  }
0xb0: {  	[dreg:$0x4] =	wrdreg $0x9  }
0xb1: {  	_ =	task.clear_ibuf [dreg:s6], $0x5FFFF;
	_ =	strace $0x90000046  }
0xb2: {  	s29 =	simm.s32 $0x9;
	_ =	strace $0x80000048  }
0xb3: {  	_ =	swait.ge [sflag:s29], $0x1  }
0xb4: {  	[sflag:s29] =	ssyncadd.s32 $0xFFFFFFFF  }
0xb5: {  	_ =	strace $0x90000048  }
0xb6: {  	_ =	sfence  }
0xb7: {  	s30 =	sld [smem:$0x0];
	_ =	sdelay $0x2  }
0xb8: {  	s31 =	sshll.u32 s1, $0xD;
	s1 =	sshrl.u32 s1, $0x2  }
0xb9: {  	s3 =	sand.u32 $0x4000, s31;
	s1 =	sadd.s32 s1, s30  }
0xba: {  	s0 =	sor.u32 s3, s0;
	s1 =	sshll.u32 s1, $0x11  }
0xbb: {  	s0 =	sor.u32 s1, s0  }
0xbc: {  	s0 =	sadd.s32 $0x8F2B, s0  }
0xbd: {  	[sflag:s0] =	ssyncadd.remote.s32 $0x1  }
0xbe: {  	_ =	sfence.sel $0xFFFF  }
0xbf: {  	[dreg:$0x0] =	wrdreg $0xFFFFFFFF;
	(pc) =	sbr.abs _section_cstart, $3  }
0xc0: {  	[dreg:$0x1] =	wrdreg $0xFFFFFFFF  }
0xc1: {  	_ =	task.clear_ibuf [dreg:s6], $0x2FFFF;
	_ =	strace $0x9FFFFFFF  }
0xc2: {  	(tm) =	ssettm $0x7FFFFFFF  }
0xc3: {  	_ =	shalt  }
tec
execute0_lowered:
.L_overlay_start_1:
0x0: {  	(tag) =	ssettag $0x1  }
0x1: {  	s0 =	rddreg [dreg:$0x0]  }
0x2: {  	s1 =	rddreg [dreg:$0x1];
	s3 =	simm.s32 $0x0;
	s14 =	stileid.u32  }
0x3: {  	s2 =	srdreg.scid;
	s29 =	simm.s32 $0x3;
	s16 =	smul.u32 $0x2800, s14  }
0x4: {  	s31 =	simm.s32 $0x80;
	s30 =	simm.s32 $0x1;
	s10 =	smul.u32 $0x280, s14  }
0x5: {  	[smem:$0x7FF] =	sst s3;
	s4 =	sadd.s32 $0x2CA00, s0;
	s13 =	smul.u32 $0x50000, s14  }
0x6: {  	s2 =	sand.u32 $0x1, s2;
	s6 =	sadd.s32 $0x4A00, s0;
	s21 =	smul.u32 $0x500, s14  }
0x7: {  	s5 =	sadd.s32 $0x59A00, s0;
	_ =	strace $0x80000047;
	s7 =	smul.u32 $0x28000, s2  }
0x8: {  	s9 =	ssub.s32 $0x2, s2;
	p0 =	seq.s32 s2, $0x0;
	s8 =	sshrl.u32 s16, $0x3  }
0x9: {  	s11 =	sshrl.u32 s9, $0x1;
	s23 =	sadd.s32 $0x80, s10;
	s24 =	sshrl.u32 s13, $0x2  }
0xa: {  	s13 =	sadd.s32 $0x100, s10;
	s18 =	sadd.s32 $0x180, s10;
	s10 =	sadd.s32 $0x200, s10  }
0xb: {  	s12 =	sadd.s32 s8, s0;
	s0 =	sadd.s32 s7, s0;
	s22 =	ssub.s32 s9, s11  }
0xc: {  	s25 =	sshll.u32 s23, $0x7;
	s11 =	sadd.s32 s24, s1;
	s17 =	sshll.u32 s23, $0x4  }
0xd: {  	s15 =	sshll.u32 s13, $0x7;
	s19 =	sshll.u32 s18, $0x7;
	s20 =	sshll.u32 s10, $0x7  }
0xe: {  	s10 =	sshll.u32 s10, $0x4;
	s8 =	sadd.s32 s5, s8;
	s5 =	sadd.s32 s21, s5  }
0xf: {  	s7 =	simm.s32 $0x2;
	[dreg:$0x3] =	wrdreg s11;
	s26 =	sadd.s32 s25, s1  }
0x10: {  	s9 =	sadd.s32 s15, s1;
	s11 =	sshll.u32 s13, $0x4;
	s13 =	sshll.u32 s18, $0x4  }
0x11: {  	s12 =	sadd.s32 $0x54A00, s12;
	[dreg:$0x9] =	wrdreg s8;
	s8 =	smov.u32 s6  }
0x12: {  	s18 =	sadd.s32 $0x5EA00, s0;
	s22 =	smax.u32 s22, $0x1;
	[dreg:$0x4] =	wrdreg s26  }
0x13: {  	s28 =	sadd.s32 $0x30, s5;
	s0 =	simm.s32 $0x2900;
	[dreg:$0x5] =	wrdreg s9  }
0x14: {  	s9 =	sadd.s32 s19, s1;
	[dreg:$0x8] =	wrdreg s12;
	s8 =	smov.u32 @p0 s4  }
0x15: {  	[dreg:$0xa] =	wrdreg s22;
	s19 =	smov.u32 s16;
	s21 =	smov.u32 s11  }
0x16: {  	p0 =	sne.s32 s2, $0x0;
	s26 =	sshll.u32 s14, $0x6;
	s15 =	smov.u32 s13  }
0x17: {  	s22 =	smov.u32 s10;
	[dreg:$0x6] =	wrdreg s9;
	s9 =	sadd.s32 s20, s1  }
.Ltmp0:
0x18: {  	s23 =	sadd.s32 s8, s16;
	[dreg:$0x7] =	wrdreg s9;
	(pc) =	sbr.rel .LBB2_1-.Ltmp0, $4  }
0x19: {  	s2 =	simm.s32 $0x6900;
	s24 =	sadd.s32 s8, s17;
	[dreg:$0xb] =	wrdreg s23  }
0x1a: {  	s20 =	smov.u32 s17;
	s25 =	sadd.s32 s8, s11;
	[dreg:$0xc] =	wrdreg s24  }
0x1b: {  	[dreg:$0xd] =	wrdreg s25;
	s23 =	sadd.s32 s8, s13;
	s24 =	sadd.s32 s8, s10  }
0x1c: {  	s25 =	sor.u32 $0x1C03, s26;
	s26 =	sadd.s32 $0x10, s5;
	s8 =	simm.s32 $0x0  }
.LBB2_7:
0x1d: {  	[tilespmem:s2], [sflag:$0x2] =	stream.indirect.gather [hbm4b:s6+s31], $0x80, s31, s31, $0xb8;
	[tilespmem:$0x1E940] =	vst v63  }
.LBB2_8:
0x1e: {  	_ =	swait.ge [sflag:s30], $0x4000  }
0x1f: {  	[sflag:s30] =	ssyncset.done $0x0  }
0x20: {  	s11 =	simm.s32 $0x2800;
	[sflag:s30] =	ssyncadd.s32 $0xFFFFC000  }
0x21: {  	[spmem:s1] =	stream.indirect.scatter.add.f32 [tilespmem:s0], [sflag:$0x3], $0x80, s11, s31, $0xb8;
	[tilespmem:$0x1E940] =	vst v63  }
0x22: {  	_ =	swait.ge [sflag:s29], $0x4000  }
0x23: {  	[sflag:s29] =	ssyncset.done $0x0  }
0x24: {  	[sflag:s29] =	ssyncadd.s32 $0xFFFFC000  }
0x25: {  	_ =	swait.ge [sflag:s7], $0x4000  }
0x26: {  	[sflag:s7] =	ssyncset.done $0x0  }
0x27: {  	s13 =	simm.s32 $0x2880;
	[sflag:s7] =	ssyncadd.s32 $0xFFFFC000  }
0x28: {  	[spmem:s1] =	stream.indirect.scatter.add.f32 [tilespmem:s2], [sflag:$0x3], $0x80, s13, s31, $0xb8;
	[tilespmem:$0x1E940] =	vst v63  }
0x29: {  	_ =	swait.ge [sflag:s29], $0x4000  }
0x2a: {  	[sflag:s29] =	ssyncset.done $0x0  }
0x2b: {  	[sflag:s29] =	ssyncadd.s32 $0xFFFFC000  }
0x2c: {  	s16 =	sadd.s32 s19, s18;
	[bflag:$0x0] =	sbarrier.arrive $0xFFFF  }
0x2d: {  	[hbm:s16], [sflag:s25] =	dma.local [spmem:s5], $0x800  }
0x2e: {  	_ =	swait.ge [sflag:s29], $0x800  }
0x2f: {  	[sflag:s29] =	ssyncset.done $0x0  }
0x30: {  	s17 =	sadd.s32 s20, s18;
	[sflag:s29] =	ssyncadd.s32 $0xFFFFF800  }
0x31: {  	[hbm:s17], [sflag:s25] =	dma.local [spmem:s10], $0x800  }
0x32: {  	_ =	swait.ge [sflag:s29], $0x800  }
0x33: {  	[sflag:s29] =	ssyncset.done $0x0  }
0x34: {  	s11 =	sadd.s32 s21, s18;
	[sflag:s29] =	ssyncadd.s32 $0xFFFFF800  }
0x35: {  	[hbm:s11], [sflag:s25] =	dma.local [spmem:s12], $0x800  }
0x36: {  	_ =	swait.ge [sflag:s29], $0x800  }
0x37: {  	[sflag:s29] =	ssyncset.done $0x0  }
0x38: {  	s13 =	sadd.s32 s15, s18;
	[sflag:s29] =	ssyncadd.s32 $0xFFFFF800  }
0x39: {  	[hbm:s13], [sflag:s25] =	dma.local [spmem:s14], $0x800  }
0x3a: {  	_ =	swait.ge [sflag:s29], $0x800  }
0x3b: {  	[sflag:s29] =	ssyncset.done $0x0  }
0x3c: {  	s16 =	sadd.s32 s22, s18;
	[sflag:s29] =	ssyncadd.s32 $0xFFFFF800  }
0x3d: {  	[hbm:s16], [sflag:s25] =	dma.local [spmem:s9], $0x800  }
0x3e: {  	_ =	swait.ge [sflag:s29], $0x800  }
0x3f: {  	s8 =	sadd.s32 $0x1, s8;
	s17 =	rddreg [dreg:$0xa]  }
0x40: {  	p1 =	sne.s32 s8, s17  }
.Ltmp1:
0x41: {  	_ = 	snop;
	(pc) =	sbr.rel @!p1 .LBB2_9-.Ltmp1, $3  }
0x42: {  	_ =	sdelay $0x1  }
0x43: {  	[sflag:s29] =	ssyncset.done $0x0  }
0x44: {  	[sflag:s29] =	ssyncadd.s32 $0xFFFFF800  }
.LBB2_1:
0x45: {  	s5 =	rddreg [dreg:$0x3]  }
0x46: {  	s9 =	rddreg [dreg:$0xb];
	s5 =	sshrl.u32 s5, $0x3  }
0x47: {  	[spmem:s5], [sflag:s25] =	dma.local [hbm:s9], $0x800  }
0x48: {  	_ =	swait.ge [sflag:s29], $0x800  }
0x49: {  	[sflag:s29] =	ssyncset.done $0x0;
	s10 =	rddreg [dreg:$0x4]  }
0x4a: {  	s11 =	rddreg [dreg:$0xc];
	[sflag:s29] =	ssyncadd.s32 $0xFFFFF800;
	s10 =	sshrl.u32 s10, $0x3  }
0x4b: {  	[spmem:s10], [sflag:s25] =	dma.local [hbm:s11], $0x800  }
0x4c: {  	_ =	swait.ge [sflag:s29], $0x800  }
0x4d: {  	[sflag:s29] =	ssyncset.done $0x0;
	s12 =	rddreg [dreg:$0x5]  }
0x4e: {  	s13 =	rddreg [dreg:$0xd];
	[sflag:s29] =	ssyncadd.s32 $0xFFFFF800;
	s12 =	sshrl.u32 s12, $0x3  }
0x4f: {  	[spmem:s12], [sflag:s25] =	dma.local [hbm:s13], $0x800  }
0x50: {  	_ =	swait.ge [sflag:s29], $0x800  }
0x51: {  	[sflag:s29] =	ssyncset.done $0x0;
	s14 =	rddreg [dreg:$0x6]  }
0x52: {  	[sflag:s29] =	ssyncadd.s32 $0xFFFFF800;
	s14 =	sshrl.u32 s14, $0x3  }
0x53: {  	[spmem:s14], [sflag:s25] =	dma.local [hbm:s23], $0x800  }
0x54: {  	_ =	swait.ge [sflag:s29], $0x800  }
0x55: {  	[sflag:s29] =	ssyncset.done $0x0;
	s16 =	rddreg [dreg:$0x7]  }
0x56: {  	[sflag:s29] =	ssyncadd.s32 $0xFFFFF800;
	s9 =	sshrl.u32 s16, $0x3  }
0x57: {  	[spmem:s9], [sflag:s25] =	dma.local [hbm:s24], $0x800  }
0x58: {  	_ =	swait.ge [sflag:s29], $0x800  }
0x59: {  	[sflag:s29] =	ssyncset.done $0x0  }
0x5a: {  	s13 =	simm.s32 $0x100;
	s11 =	rddreg [dreg:$0x8];
	[sflag:s29] =	ssyncadd.s32 $0xFFFFF800  }
0x5b: {  	[tilespmem:s13], [sflag:$0x3] =	stream.linear.gather [hbm4b:s11+s3], $0x2800, $0x38;
	[tilespmem:$0x1E940] =	vst v63  }
0x5c: {  	_ =	swait.ge [sflag:s29], $0x2800  }
0x5d: {  	[sflag:s29] =	ssyncset.done $0x0  }
0x5e: {  	[sflag:s29] =	ssyncadd.s32 $0xFFFFD800  }
0x5f: {  	[bflag:$0x0] =	sbarrier.arrive $0xFFFF  }
.Ltmp2:
0x60: {  	s17 =	rddreg [dreg:$0x9];
	(pc) =	sbr.rel @p0 .LBB2_5-.Ltmp2, $4  }
0x61: {  	[tilespmem:s3], [sflag:$0x3] =	stream.linear.gather [hbm4b:s17+s3], $0x80, $0x38;
	[tilespmem:$0x1E940] =	vst v63  }
0x62: {  	_ =	swait.ge [sflag:s29], $0x80  }
0x63: {  	[sflag:s29] =	ssyncset.done $0x0  }
0x64: {  	[sflag:s29] =	ssyncadd.s32 $0xFFFFFF80  }
0x65: {  	s16 =	simm.s32 $0x0  }
0x66: {  	[tilespmem:s0], [sflag:$0x1] =	stream.indirect.gather [hbm4b:s4+s31], $0x80, s16, s31, $0xb8;
	[tilespmem:$0x1E940] =	vst v63  }
0x67: {  	_ = 	snop  }
0x68: {  	[tilespmem:s31], [sflag:$0x3] =	stream.linear.gather [hbm4b:s26+s16], $0x80, $0x38;
	[tilespmem:$0x1E940] =	vst v63  }
0x69: {  	_ =	swait.ge [sflag:s29], $0x80  }
0x6a: {  	[sflag:s29] =	ssyncset.done $0x0  }
0x6b: {  	[sflag:s29] =	ssyncadd.s32 $0xFFFFFF80  }
0x6c: {  	[tilespmem:s2], [sflag:$0x2] =	stream.indirect.gather [hbm4b:s4+s31], $0x80, s31, s31, $0xb8;
	[tilespmem:$0x1E940] =	vst v63  }
0x6d: {  	_ =	swait.ge [sflag:s30], $0x4000  }
0x6e: {  	[sflag:s30] =	ssyncset.done $0x0  }
0x6f: {  	s11 =	simm.s32 $0x100;
	[sflag:s30] =	ssyncadd.s32 $0xFFFFC000  }
0x70: {  	[spmem:s1] =	stream.indirect.scatter.add.f32 [tilespmem:s0], [sflag:$0x3], $0x80, s11, s31, $0xb8;
	[tilespmem:$0x1E940] =	vst v63  }
0x71: {  	_ =	swait.ge [sflag:s29], $0x4000  }
0x72: {  	[sflag:s29] =	ssyncset.done $0x0  }
0x73: {  	s13 =	sadd.s32 $0xFFFFFFF0, s28;
	[sflag:s29] =	ssyncadd.s32 $0xFFFFC000  }
0x74: {  	[tilespmem:s3], [sflag:$0x3] =	stream.linear.gather [hbm4b:s13+s3], $0x80, $0x38;
	[tilespmem:$0x1E940] =	vst v63  }
0x75: {  	_ =	swait.ge [sflag:s29], $0x80  }
0x76: {  	[sflag:s29] =	ssyncset.done $0x0  }
0x77: {  	[sflag:s29] =	ssyncadd.s32 $0xFFFFFF80  }
0x78: {  	[tilespmem:s0], [sflag:$0x1] =	stream.indirect.gather [hbm4b:s4+s31], $0x80, s3, s31, $0xb8;
	[tilespmem:$0x1E940] =	vst v63  }
0x79: {  	_ =	swait.ge [sflag:s7], $0x4000  }
0x7a: {  	[sflag:s7] =	ssyncset.done $0x0  }
0x7b: {  	s17 =	simm.s32 $0x180;
	[sflag:s7] =	ssyncadd.s32 $0xFFFFC000  }
0x7c: {  	[spmem:s1] =	stream.indirect.scatter.add.f32 [tilespmem:s2], [sflag:$0x3], $0x80, s17, s31, $0xb8;
	[tilespmem:$0x1E940] =	vst v63  }
0x7d: {  	_ =	swait.ge [sflag:s29], $0x4000  }
0x7e: {  	[sflag:s29] =	ssyncset.done $0x0  }
0x7f: {  	[sflag:s29] =	ssyncadd.s32 $0xFFFFC000  }
0x80: {  	[tilespmem:s31], [sflag:$0x3] =	stream.linear.gather [hbm4b:s28+s3], $0x80, $0x38;
	[tilespmem:$0x1E940] =	vst v63  }
0x81: {  	_ =	swait.ge [sflag:s29], $0x80  }
0x82: {  	[sflag:s29] =	ssyncset.done $0x0  }
0x83: {  	s16 =	simm.s32 $0x400;
	s17 =	sadd.s32 $0x20, s28;
	[sflag:s29] =	ssyncadd.s32 $0xFFFFFF80  }
.LBB2_3:
0x84: {  	[tilespmem:s2], [sflag:$0x2] =	stream.indirect.gather [hbm4b:s4+s31], $0x80, s31, s31, $0xb8;
	[tilespmem:$0x1E940] =	vst v63  }
0x85: {  	s11 =	smov.u32 s16  }
0x86: {  	p1 =	seq.s32 s16, $0x9800;
	s16 =	sadd.s32 $0x400, s16;
	_ =	swait.ge [sflag:s30], $0x4000  }
0x87: {  	s11 =	sshra.s32 s11, $0x2;
	[sflag:s30] =	ssyncset.done $0x0  }
0x88: {  	s13 =	sadd.s32 $0x100, s11;
	[sflag:s30] =	ssyncadd.s32 $0xFFFFC000  }
0x89: {  	[spmem:s1] =	stream.indirect.scatter.add.f32 [tilespmem:s0], [sflag:$0x3], $0x80, s13, s31, $0xb8;
	[tilespmem:$0x1E940] =	vst v63  }
0x8a: {  	_ =	swait.ge [sflag:s29], $0x4000  }
0x8b: {  	[sflag:s29] =	ssyncset.done $0x0  }
0x8c: {  	s13 =	sadd.s32 $0xFFFFFFF0, s17;
	[sflag:s29] =	ssyncadd.s32 $0xFFFFC000  }
0x8d: {  	[tilespmem:s3], [sflag:$0x3] =	stream.linear.gather [hbm4b:s13+s3], $0x80, $0x38;
	[tilespmem:$0x1E940] =	vst v63  }
0x8e: {  	_ =	swait.ge [sflag:s29], $0x80  }
0x8f: {  	[sflag:s29] =	ssyncset.done $0x0  }
0x90: {  	[sflag:s29] =	ssyncadd.s32 $0xFFFFFF80  }
0x91: {  	[tilespmem:s0], [sflag:$0x1] =	stream.indirect.gather [hbm4b:s4+s31], $0x80, s3, s31, $0xb8;
	[tilespmem:$0x1E940] =	vst v63  }
0x92: {  	_ =	swait.ge [sflag:s7], $0x4000  }
0x93: {  	[sflag:s7] =	ssyncset.done $0x0  }
0x94: {  	s11 =	sadd.s32 $0x180, s11;
	[sflag:s7] =	ssyncadd.s32 $0xFFFFC000  }
0x95: {  	[spmem:s1] =	stream.indirect.scatter.add.f32 [tilespmem:s2], [sflag:$0x3], $0x80, s11, s31, $0xb8;
	[tilespmem:$0x1E940] =	vst v63  }
0x96: {  	_ =	swait.ge [sflag:s29], $0x4000  }
0x97: {  	[sflag:s29] =	ssyncset.done $0x0  }
.Ltmp3:
0x98: {  	[sflag:s29] =	ssyncadd.s32 $0xFFFFC000;
	(pc) =	sbr.rel @!p1 .LBB2_3-.Ltmp3, $4  }
0x99: {  	[tilespmem:s31], [sflag:$0x3] =	stream.linear.gather [hbm4b:s17+s3], $0x80, $0x38;
	[tilespmem:$0x1E940] =	vst v63  }
0x9a: {  	_ =	swait.ge [sflag:s29], $0x80  }
0x9b: {  	[sflag:s29] =	ssyncset.done $0x0  }
0x9c: {  	s17 =	sadd.s32 $0x20, s17;
	[sflag:s29] =	ssyncadd.s32 $0xFFFFFF80  }
.Ltmp4:
0x9d: {  	(pc) =	sbr.rel .LBB2_8-.Ltmp4, $2  }
0x9e: {  	_ =	sdelay $0x2  }
0x9f: {  	[tilespmem:s2], [sflag:$0x2] =	stream.indirect.gather [hbm4b:s4+s31], $0x80, s31, s31, $0xb8;
	[tilespmem:$0x1E940] =	vst v63  }
.LBB2_5:
0xa0: {  	s11 =	simm.s32 $0x0  }
0xa1: {  	[tilespmem:s0], [sflag:$0x1] =	stream.indirect.gather [hbm4b:s6+s31], $0x80, s11, s31, $0xb8;
	[tilespmem:$0x1E940] =	vst v63  }
0xa2: {  	_ = 	snop  }
0xa3: {  	[tilespmem:s31], [sflag:$0x3] =	stream.linear.gather [hbm4b:s26+s11], $0x80, $0x38;
	[tilespmem:$0x1E940] =	vst v63  }
0xa4: {  	_ =	swait.ge [sflag:s29], $0x80  }
0xa5: {  	[sflag:s29] =	ssyncset.done $0x0  }
0xa6: {  	[sflag:s29] =	ssyncadd.s32 $0xFFFFFF80  }
0xa7: {  	[tilespmem:s2], [sflag:$0x2] =	stream.indirect.gather [hbm4b:s6+s31], $0x80, s31, s31, $0xb8;
	[tilespmem:$0x1E940] =	vst v63  }
0xa8: {  	_ =	swait.ge [sflag:s30], $0x4000  }
0xa9: {  	[sflag:s30] =	ssyncset.done $0x0  }
0xaa: {  	s13 =	simm.s32 $0x100;
	[sflag:s30] =	ssyncadd.s32 $0xFFFFC000  }
0xab: {  	[spmem:s1] =	stream.indirect.scatter.add.f32 [tilespmem:s0], [sflag:$0x3], $0x80, s13, s31, $0xb8;
	[tilespmem:$0x1E940] =	vst v63  }
0xac: {  	_ =	swait.ge [sflag:s29], $0x4000  }
0xad: {  	[sflag:s29] =	ssyncset.done $0x0  }
0xae: {  	s16 =	sadd.s32 $0xFFFFFFF0, s28;
	[sflag:s29] =	ssyncadd.s32 $0xFFFFC000  }
0xaf: {  	[tilespmem:s3], [sflag:$0x3] =	stream.linear.gather [hbm4b:s16+s3], $0x80, $0x38;
	[tilespmem:$0x1E940] =	vst v63  }
0xb0: {  	_ =	swait.ge [sflag:s29], $0x80  }
0xb1: {  	[sflag:s29] =	ssyncset.done $0x0  }
0xb2: {  	[sflag:s29] =	ssyncadd.s32 $0xFFFFFF80  }
0xb3: {  	[tilespmem:s0], [sflag:$0x1] =	stream.indirect.gather [hbm4b:s6+s31], $0x80, s3, s31, $0xb8;
	[tilespmem:$0x1E940] =	vst v63  }
0xb4: {  	_ =	swait.ge [sflag:s7], $0x4000  }
0xb5: {  	[sflag:s7] =	ssyncset.done $0x0  }
0xb6: {  	s17 =	simm.s32 $0x180;
	[sflag:s7] =	ssyncadd.s32 $0xFFFFC000  }
0xb7: {  	[spmem:s1] =	stream.indirect.scatter.add.f32 [tilespmem:s2], [sflag:$0x3], $0x80, s17, s31, $0xb8;
	[tilespmem:$0x1E940] =	vst v63  }
0xb8: {  	_ =	swait.ge [sflag:s29], $0x4000  }
0xb9: {  	[sflag:s29] =	ssyncset.done $0x0  }
0xba: {  	[sflag:s29] =	ssyncadd.s32 $0xFFFFC000  }
0xbb: {  	[tilespmem:s31], [sflag:$0x3] =	stream.linear.gather [hbm4b:s28+s3], $0x80, $0x38;
	[tilespmem:$0x1E940] =	vst v63  }
0xbc: {  	_ =	swait.ge [sflag:s29], $0x80  }
0xbd: {  	[sflag:s29] =	ssyncset.done $0x0  }
0xbe: {  	s16 =	simm.s32 $0x400;
	s17 =	sadd.s32 $0x20, s28;
	[sflag:s29] =	ssyncadd.s32 $0xFFFFFF80  }
.LBB2_6:
0xbf: {  	[tilespmem:s2], [sflag:$0x2] =	stream.indirect.gather [hbm4b:s6+s31], $0x80, s31, s31, $0xb8;
	[tilespmem:$0x1E940] =	vst v63  }
0xc0: {  	s11 =	smov.u32 s16  }
0xc1: {  	p1 =	sne.s32 s16, $0x9800;
	s16 =	sadd.s32 $0x400, s16;
	_ =	swait.ge [sflag:s30], $0x4000  }
0xc2: {  	s11 =	sshra.s32 s11, $0x2;
	[sflag:s30] =	ssyncset.done $0x0  }
0xc3: {  	s13 =	sadd.s32 $0x100, s11;
	[sflag:s30] =	ssyncadd.s32 $0xFFFFC000  }
0xc4: {  	[spmem:s1] =	stream.indirect.scatter.add.f32 [tilespmem:s0], [sflag:$0x3], $0x80, s13, s31, $0xb8;
	[tilespmem:$0x1E940] =	vst v63  }
0xc5: {  	_ =	swait.ge [sflag:s29], $0x4000  }
0xc6: {  	[sflag:s29] =	ssyncset.done $0x0  }
0xc7: {  	s13 =	sadd.s32 $0xFFFFFFF0, s17;
	[sflag:s29] =	ssyncadd.s32 $0xFFFFC000  }
0xc8: {  	[tilespmem:s3], [sflag:$0x3] =	stream.linear.gather [hbm4b:s13+s3], $0x80, $0x38;
	[tilespmem:$0x1E940] =	vst v63  }
0xc9: {  	_ =	swait.ge [sflag:s29], $0x80  }
0xca: {  	[sflag:s29] =	ssyncset.done $0x0  }
0xcb: {  	[sflag:s29] =	ssyncadd.s32 $0xFFFFFF80  }
0xcc: {  	[tilespmem:s0], [sflag:$0x1] =	stream.indirect.gather [hbm4b:s6+s31], $0x80, s3, s31, $0xb8;
	[tilespmem:$0x1E940] =	vst v63  }
0xcd: {  	_ =	swait.ge [sflag:s7], $0x4000  }
0xce: {  	[sflag:s7] =	ssyncset.done $0x0  }
0xcf: {  	s11 =	sadd.s32 $0x180, s11;
	[sflag:s7] =	ssyncadd.s32 $0xFFFFC000  }
0xd0: {  	[spmem:s1] =	stream.indirect.scatter.add.f32 [tilespmem:s2], [sflag:$0x3], $0x80, s11, s31, $0xb8;
	[tilespmem:$0x1E940] =	vst v63  }
0xd1: {  	_ =	swait.ge [sflag:s29], $0x4000  }
0xd2: {  	[sflag:s29] =	ssyncset.done $0x0  }
.Ltmp5:
0xd3: {  	[sflag:s29] =	ssyncadd.s32 $0xFFFFC000;
	(pc) =	sbr.rel @p1 .LBB2_6-.Ltmp5, $4  }
0xd4: {  	[tilespmem:s31], [sflag:$0x3] =	stream.linear.gather [hbm4b:s17+s3], $0x80, $0x38;
	[tilespmem:$0x1E940] =	vst v63  }
0xd5: {  	_ =	swait.ge [sflag:s29], $0x80  }
0xd6: {  	[sflag:s29] =	ssyncset.done $0x0  }
0xd7: {  	s17 =	sadd.s32 $0x20, s17;
	[sflag:s29] =	ssyncadd.s32 $0xFFFFFF80  }
.Ltmp6:
0xd8: {  	_ = 	snop;
	(pc) =	sbr.rel .LBB2_7-.Ltmp6, $1  }
0xd9: {  	_ =	sdelay $0x3  }
.LBB2_9:
0xda: {  	_ =	sfence.sel $0x180000  }
0xdb: {  	[bflag:$0x0] =	sbarrier.arrive $0xFFFF  }
0xdc: {  	_ =	strace $0x90000047  }
0xdd: {  	s0 =	stileid.u32;
	[bflag:$0x2] =	sbarrier.arrive $0xFFFF  }
0xde: {  	p0 =	sne.s32 s0, $0x0;
	s0 =	rddreg [dreg:$0x2]  }
0xdf: {  	s0 =	sadd.s32 @!p0 $0x100000, s0  }
0xe0: {  	[sflag:s0] =	ssyncadd.tile.s32 @!p0 $0x1;
	_ =	shalt  }
.Lfunc_end2:
_tile_overlayer_lowered:
.L_overlay_start_2:
0xe1: {  	(tag) =	ssettag $0x2  }
0xe2: {  	s0 =	rddreg [dreg:$0x0];
	s2 =	stileid.u32  }
0xe3: {  	s1 =	rddreg [dreg:$0x1];
	p0 =	sne.s32 s2, $0x0  }
0xe4: {  	s3 =	rddreg [dreg:$0x2];
	[bflag:$0x3] =	sbarrier.arrive $0xFFFF;
	s2 =	simm.s32 @!p0 $0x1C03  }
0xe5: {  	[timem:s3], [sflag:s2] =	dma.local @!p0 [hbm:s0], s1  }
0xe6: {  	s0 =	simm.s32 @!p0 $0x3  }
0xe7: {  	_ =	swait.ge @!p0 [sflag:s0], s1  }
0xe8: {  	s1 =	ssub.s32 @!p0 $0x0, s1;
	[sflag:s0] =	ssyncset.done @!p0 $0x0  }
0xe9: {  	[sflag:s0] =	ssyncadd.s32 @!p0 s1  }
0xea: {  	[bflag:$0x3] =	sbarrier.arrive $0xFFFF  }
0xeb: {  	_ =	shalt  }

// kernel: kernel.13.cloned.1.call-start
scs
__scs_entry_jumppad:
0x0: {  	(pc) =	sbr.rel $0x88, $3  }
0x1: {  	(tag) =	ssettag $0x0;
	lr =	simm.s32 $0x1  }
0x2: {  	[smem:$0x3F92] =	sst lr;
	_ =	strace $0xD0000000  }
0x3: {  	_ = 	snop  }
0x4: {  	_ = 	snop  }
0x5: {  	_ = 	snop  }
0x6: {  	_ = 	snop  }
0x7: {  	_ = 	snop  }
__scs_overlays_trampoline_lowered:
0x8: {  	[smem:$0x3FA1] =	sst s0  }
0x9: {  	[smem:$0x3FA2] =	sst s1  }
0xa: {  	[smem:$0x3FA3] =	sst s2  }
0xb: {  	[smem:$0x3FA4] =	sst s3  }
0xc: {  	[smem:$0x3FA5] =	sst s4  }
0xd: {  	[smem:$0x3FA6] =	sst s5  }
0xe: {  	[smem:$0x3FA7] =	sst s6  }
0xf: {  	[smem:$0x3FA8] =	sst s7  }
0x10: {  	[smem:$0x3FA9] =	sst s8  }
0x11: {  	[smem:$0x3FAA] =	sst s9;
	s0 =	simm.s32 @!p0 $0x0  }
0x12: {  	s1 =	sld [smem:$0x3F90];
	s0 =	simm.s32 @p0 $0x1  }
0x13: {  	[smem:$0x3FAB] =	sst s0;
	s0 =	simm.s32 @!p1 $0x0  }
0x14: {  	s2 =	sld [smem:$0x3F8F];
	s0 =	simm.s32 @p1 $0x1  }
0x15: {  	[smem:$0x3FAC] =	sst s0;
	s0 =	simm.s32 @!p2 $0x0  }
0x16: {  	s3 =	sld [smem:$0x3FDB];
	s0 =	simm.s32 @p2 $0x1  }
0x17: {  	s4 =	simm.s32 $0x1BF5;
	[smem:$0x3FAE] =	sst s0  }
0x18: {  	s0 =	sld [smem:$0x3F91];
	_ =	swait.ge [sflag:s4], $0x0  }
0x19: {  	s7 =	sld [smem:$0x3F92]  }
0x1a: {  	s8 =	sadd.s32 $0xFFFFE003, lr  }
0x1b: {  	s9 =	sadd.s32 $0xFFFFFEF7, lr;
	s5 =	simm.s32 $0xFFFFFFFF;
	p2 =	slt.u32 s8, $0xFFFFF086  }
0x1c: {  	p1 =	slt.u32 s9, $0xF7A;
	s5 =	simm.s32 @!p2 $0x0  }
0x1d: {  	s5 =	simm.s32 @p1 $0x1;
	p0 =	seq.s32 s7, s2  }
0x1e: {  	s7 =	smul.u32 @!p0 $0xF7A, s2;
	p2 =	seq.s32 @!p0 s5, $0x0  }
0x1f: {  	s9 =	smul.u32 $0xF7A, s1;
	s8 =	simm.s32 @!p0 $0x1BF5;
	p2 =	por !p2, p0  }
0x20: {  	[sflag:s8] =	ssyncset.s32 @!p0 $0xFFFFF086;
	s6 =	sadd.s32 @!p0 s3, s7;
	s7 =	simm.s32 @!p0 $0x108  }
0x21: {  	s3 =	sadd.s32 s3, s9;
	s6 =	sadd.s32 @!p0 $0x88, s6;
	s7 =	simm.s32 @p2 $0x1082  }
0x22: {  	[simem:s7], [sflag:s8] =	dma.local @!p0 [hbm:s6], $0xF7A  }
0x23: {  	s9 =	sor.u32 $0xD0000000, s2;
	s6 =	simm.s32 $0x108;
	_ =	swait.ge @!p0 [sflag:s8], $0x0  }
0x24: {  	s3 =	sadd.s32 $0x88, s3;
	s6 =	simm.s32 @!p1 $0x1082;
	[sflag:s4] =	ssyncset.s32 $0xFFFFF086  }
0x25: {  	[simem:s6], [sflag:s4] =	dma.local [hbm:s3], $0xF7A  }
0x26: {  	[smem:$0x3F92] =	sst s1;
	(tag) =	ssettag s2;
	_ =	strace s9  }
0x27: {  	s1 =	sld [smem:$0x3FA2]  }
0x28: {  	s2 =	sld [smem:$0x3FA3]  }
0x29: {  	s4 =	sld [smem:$0x3FA5]  }
0x2a: {  	p0 =	seq.s32 s5, $0x0;
	s5 =	sld [smem:$0x3FA6]  }
0x2b: {  	s6 =	sld [smem:$0x3FA7]  }
0x2c: {  	s7 =	sld [smem:$0x3FA8]  }
0x2d: {  	s3 =	simm.s32 $0x108;
	s8 =	sld [smem:$0x3FA9]  }
0x2e: {  	s3 =	simm.s32 @!p0 $0x1082;
	s9 =	sld [smem:$0x3FAA]  }
0x2f: {  	lr =	sadd.s32 s0, s3;
	s0 =	sld [smem:$0x3FA1]  }
0x30: {  	s3 =	sld [smem:$0x3FA4]  }
0x31: {  	[smem:$0x3FAD] =	sst s10  }
0x32: {  	s10 =	sld [smem:$0x3FAB];
	_ =	sdelay $0x3  }
0x33: {  	p0 =	seq.s32 s10, $0x1;
	s10 =	sld [smem:$0x3FAD];
	_ =	sdelay $0x3  }
0x34: {  	[smem:$0x3FAD] =	sst s10  }
0x35: {  	s10 =	sld [smem:$0x3FAC];
	_ =	sdelay $0x3  }
0x36: {  	p1 =	seq.s32 s10, $0x1;
	s10 =	sld [smem:$0x3FAD];
	_ =	sdelay $0x3  }
0x37: {  	[smem:$0x3FAD] =	sst s10  }
0x38: {  	s10 =	sld [smem:$0x3FAE]  }
0x39: {  	_ = 	snop;
	(pc) =	sbr.ind lr, $3  }
0x3a: {  	_ = 	snop  }
0x3b: {  	_ = 	snop  }
0x3c: {  	p2 =	seq.s32 s10, $0x1;
	s10 =	sld [smem:$0x3FAD]  }
0x3d: {  	_ =	shalt  }
0x3e: {  	_ =	shalt  }
0x3f: {  	_ =	shalt  }
0x40: {  	_ =	shalt  }
0x41: {  	_ =	shalt  }
0x42: {  	_ =	shalt  }
0x43: {  	_ =	shalt  }
0x44: {  	_ =	shalt  }
0x45: {  	_ =	shalt  }
0x46: {  	_ =	shalt  }
0x47: {  	_ =	shalt  }
0x48: {  	_ =	shalt  }
0x49: {  	_ =	shalt  }
0x4a: {  	_ =	shalt  }
0x4b: {  	_ =	shalt  }
0x4c: {  	_ =	shalt  }
0x4d: {  	_ =	shalt  }
0x4e: {  	_ =	shalt  }
0x4f: {  	_ =	shalt  }
0x50: {  	_ =	shalt  }
0x51: {  	_ =	shalt  }
0x52: {  	_ =	shalt  }
0x53: {  	_ =	shalt  }
0x54: {  	_ =	shalt  }
0x55: {  	_ =	shalt  }
0x56: {  	_ =	shalt  }
0x57: {  	_ =	shalt  }
0x58: {  	_ =	shalt  }
0x59: {  	_ =	shalt  }
0x5a: {  	_ =	shalt  }
0x5b: {  	_ =	shalt  }
0x5c: {  	_ =	shalt  }
0x5d: {  	_ =	shalt  }
0x5e: {  	_ =	shalt  }
0x5f: {  	_ =	shalt  }
0x60: {  	_ =	shalt  }
0x61: {  	_ =	shalt  }
0x62: {  	_ =	shalt  }
0x63: {  	_ =	shalt  }
0x64: {  	_ =	shalt  }
0x65: {  	_ =	shalt  }
0x66: {  	_ =	shalt  }
0x67: {  	_ =	shalt  }
0x68: {  	_ =	shalt  }
0x69: {  	_ =	shalt  }
0x6a: {  	_ =	shalt  }
0x6b: {  	_ =	shalt  }
0x6c: {  	_ =	shalt  }
0x6d: {  	_ =	shalt  }
0x6e: {  	_ =	shalt  }
0x6f: {  	_ =	shalt  }
0x70: {  	_ =	shalt  }
0x71: {  	_ =	shalt  }
0x72: {  	_ =	shalt  }
0x73: {  	_ =	shalt  }
0x74: {  	_ =	shalt  }
0x75: {  	_ =	shalt  }
0x76: {  	_ =	shalt  }
0x77: {  	_ =	shalt  }
0x78: {  	_ =	shalt  }
0x79: {  	_ =	shalt  }
0x7a: {  	_ =	shalt  }
0x7b: {  	_ =	shalt  }
0x7c: {  	_ =	shalt  }
0x7d: {  	_ =	shalt  }
0x7e: {  	_ =	shalt  }
0x7f: {  	_ =	shalt  }
0x80: {  	_ =	shalt  }
0x81: {  	_ =	shalt  }
0x82: {  	_ =	shalt  }
0x83: {  	_ =	shalt  }
0x84: {  	_ =	shalt  }
0x85: {  	_ =	shalt  }
0x86: {  	_ =	shalt  }
0x87: {  	_ =	shalt  }
.Lfunc_end0:
.L_simem_size_0:
called_computation.1_lowered:
.L_overlay_start_0:
0x88: {  	s2 =	sld [smem:$0x3FD9]  }
0x89: {  	s3 =	sld [smem:$0x3FFE];
	_ =	sdelay $0x1  }
0x8a: {  	s1 =	srdreg.scid  }
0x8b: {  	s0 =	sand.u32 $0x1, s1  }
0x8c: {  	s16 =	sshll.u32 s0, $0xA;
	s2 =	sadd.s32 s3, s2  }
0x8d: {  	s2 =	sadd.s32 s2, s16  }
0x8e: {  	[smem:$0x3FB9] =	sst s2  }
0x8f: {  	_ = 	snop  }
0x90: {  	(tm) =	ssettm $0x1  }
0x91: {  	s17 =	sld [smem:$0x3FFB];
	_ =	sdelay $0x3  }
0x92: {  	_ =	strace s17  }
0x93: {  	s2 =	sld [smem:$0x3FFC];
	_ =	sdelay $0x3  }
0x94: {  	_ =	strace s2  }
0x95: {  	s2 =	sld [smem:$0x3FFD];
	_ =	sdelay $0x3  }
0x96: {  	_ =	strace s2  }
0x97: {  	_ =	strace $0x8FFFFFFF  }
0x98: {  	s18 =	sld [smem:$0x3FDB];
	_ =	sdelay $0x1  }
0x99: {  	s19 =	simm.s32 $_scs_section_size  }
0x9a: {  	s4 =	simm.s32 $_size__tile_overlayer_lowered;
	s5 =	simm.s32 $_tile_overlayer_lowered  }
0x9b: {  	s22 =	simm.s32 $0x1BFF;
	s21 =	sshll.u32 s5, $0x1;
	s2 =	sadd.s32 s19, s18  }
0x9c: {  	s6 =	simm.s32 $0x0;
	s20 =	sshll.u32 s4, $0x1;
	s4 =	sadd.s32 s21, s2  }
0x9d: {  	[timem:s6], [sflag:s22] =	dma.local [hbm:s4], s20  }
0x9e: {  	_ =	swait.ge [sflag:s22], s20  }
0x9f: {  	s3 =	ssub.s32 $0x0, s20;
	[sflag:s22] =	ssyncset.done $0x0  }
0xa0: {  	[sflag:s22] =	ssyncadd.s32 s3;
	_ =	sdelay $0x1  }
0xa1: {  	s23 =	simm.s32 $0x1B8B  }
0xa2: {  	_ =	swait.ge [sflag:s23], $0x1  }
0xa3: {  	[sflag:s23] =	ssyncset.done $0x0  }
0xa4: {  	s25 =	simm.s32 $0x1B8E;
	s24 =	sld [smem:$0x3FFE];
	[sflag:s23] =	ssyncadd.s32 $0xFFFFFFFF  }
0xa5: {  	s26 =	simm.s32 $execute0_lowered;
	[smem:$0x3FD2] =	sst s25  }
0xa6: {  	s4 =	sshll.u32 s26, $0x1;
	_ =	strace $0x80000049;
	[dreg:$0x1] =	wrdreg $0xFFFFFFFF  }
0xa7: {  	s28 =	simm.s32 $_size_execute0_lowered;
	s2 =	sadd.s32 s2, s4;
	[dreg:$0x0] =	wrdreg $0x0  }
0xa8: {  	s4 =	sshll.u32 s28, $0x1;
	[dreg:$0x2] =	wrdreg s2  }
0xa9: {  	[dreg:$0x3] =	wrdreg s4  }
0xaa: {  	[dreg:$0x4] =	wrdreg $0xC0  }
0xab: {  	_ =	task [dreg:s6], $0x5FFFF  }
0xac: {  	[dreg:$0x1] =	wrdreg $0xFFFFFFFF  }
0xad: {  	[dreg:$0x0] =	wrdreg $0x60  }
0xae: {  	[dreg:$0x2] =	wrdreg s24  }
0xaf: {  	[dreg:$0x3] =	wrdreg $0xA9000  }
0xb0: {  	[dreg:$0x4] =	wrdreg $0x9  }
0xb1: {  	_ =	task.clear_ibuf [dreg:s6], $0x5FFFF;
	_ =	strace $0x90000049  }
0xb2: {  	s29 =	simm.s32 $0x9;
	_ =	strace $0x8000004B  }
0xb3: {  	_ =	swait.ge [sflag:s29], $0x1  }
0xb4: {  	[sflag:s29] =	ssyncadd.s32 $0xFFFFFFFF  }
0xb5: {  	_ =	strace $0x9000004B  }
0xb6: {  	_ =	sfence  }
0xb7: {  	s30 =	sld [smem:$0x0];
	_ =	sdelay $0x2  }
0xb8: {  	s31 =	sshll.u32 s1, $0xD;
	s1 =	sshrl.u32 s1, $0x2  }
0xb9: {  	s3 =	sand.u32 $0x4000, s31;
	s1 =	sadd.s32 s1, s30  }
0xba: {  	s0 =	sor.u32 s3, s0;
	s1 =	sshll.u32 s1, $0x11  }
0xbb: {  	s0 =	sor.u32 s1, s0  }
0xbc: {  	s0 =	sadd.s32 $0x8F2B, s0  }
0xbd: {  	[sflag:s0] =	ssyncadd.remote.s32 $0x1  }
0xbe: {  	_ =	sfence.sel $0xFFFF  }
0xbf: {  	[dreg:$0x0] =	wrdreg $0xFFFFFFFF;
	(pc) =	sbr.abs _section_cstart, $3  }
0xc0: {  	[dreg:$0x1] =	wrdreg $0xFFFFFFFF  }
0xc1: {  	_ =	task.clear_ibuf [dreg:s6], $0x2FFFF;
	_ =	strace $0x9FFFFFFF  }
0xc2: {  	(tm) =	ssettm $0x7FFFFFFF  }
0xc3: {  	_ =	shalt  }
tec
execute0_lowered:
.L_overlay_start_1:
0x0: {  	(tag) =	ssettag $0x1  }
0x1: {  	s0 =	rddreg [dreg:$0x0]  }
0x2: {  	s1 =	rddreg [dreg:$0x1];
	s3 =	simm.s32 $0x0;
	s14 =	stileid.u32  }
0x3: {  	s2 =	srdreg.scid;
	s29 =	simm.s32 $0x3;
	s16 =	smul.u32 $0x2800, s14  }
0x4: {  	s31 =	simm.s32 $0x80;
	s30 =	simm.s32 $0x1;
	s10 =	smul.u32 $0x280, s14  }
0x5: {  	[smem:$0x7FF] =	sst s3;
	s4 =	sadd.s32 $0x4A00, s0;
	s13 =	smul.u32 $0x50000, s14  }
0x6: {  	s2 =	sand.u32 $0x1, s2;
	s6 =	sadd.s32 $0x2CA00, s0;
	s21 =	smul.u32 $0x500, s14  }
0x7: {  	s5 =	sadd.s32 $0x59A00, s0;
	_ =	strace $0x8000004A;
	s7 =	smul.u32 $0x28000, s2  }
0x8: {  	s9 =	ssub.s32 $0x2, s2;
	p0 =	seq.s32 s2, $0x0;
	s8 =	sshrl.u32 s16, $0x3  }
0x9: {  	s11 =	sshrl.u32 s9, $0x1;
	s23 =	sadd.s32 $0x80, s10;
	s24 =	sshrl.u32 s13, $0x2  }
0xa: {  	s13 =	sadd.s32 $0x100, s10;
	s18 =	sadd.s32 $0x180, s10;
	s10 =	sadd.s32 $0x200, s10  }
0xb: {  	s12 =	sadd.s32 s8, s0;
	s0 =	sadd.s32 s7, s0;
	s22 =	ssub.s32 s9, s11  }
0xc: {  	s25 =	sshll.u32 s23, $0x7;
	s11 =	sadd.s32 s24, s1;
	s17 =	sshll.u32 s23, $0x4  }
0xd: {  	s15 =	sshll.u32 s13, $0x7;
	s19 =	sshll.u32 s18, $0x7;
	s20 =	sshll.u32 s10, $0x7  }
0xe: {  	s10 =	sshll.u32 s10, $0x4;
	s8 =	sadd.s32 s5, s8;
	s5 =	sadd.s32 s21, s5  }
0xf: {  	s7 =	simm.s32 $0x2;
	[dreg:$0x3] =	wrdreg s11;
	s26 =	sadd.s32 s25, s1  }
0x10: {  	s9 =	sadd.s32 s15, s1;
	s11 =	sshll.u32 s13, $0x4;
	s13 =	sshll.u32 s18, $0x4  }
0x11: {  	s12 =	sadd.s32 $0x54A00, s12;
	[dreg:$0x9] =	wrdreg s8;
	s8 =	smov.u32 s6  }
0x12: {  	s18 =	sadd.s32 $0x5EA00, s0;
	s22 =	smax.u32 s22, $0x1;
	[dreg:$0x4] =	wrdreg s26  }
0x13: {  	s28 =	sadd.s32 $0x30, s5;
	s0 =	simm.s32 $0x2900;
	[dreg:$0x5] =	wrdreg s9  }
0x14: {  	s9 =	sadd.s32 s19, s1;
	[dreg:$0x8] =	wrdreg s12;
	s8 =	smov.u32 @p0 s4  }
0x15: {  	[dreg:$0xa] =	wrdreg s22;
	s19 =	smov.u32 s16;
	s21 =	smov.u32 s11  }
0x16: {  	p0 =	sne.s32 s2, $0x0;
	s26 =	sshll.u32 s14, $0x6;
	s15 =	smov.u32 s13  }
0x17: {  	s22 =	smov.u32 s10;
	[dreg:$0x6] =	wrdreg s9;
	s9 =	sadd.s32 s20, s1  }
.Ltmp0:
0x18: {  	s23 =	sadd.s32 s8, s16;
	[dreg:$0x7] =	wrdreg s9;
	(pc) =	sbr.rel .LBB2_1-.Ltmp0, $4  }
0x19: {  	s2 =	simm.s32 $0x6900;
	s24 =	sadd.s32 s8, s17;
	[dreg:$0xb] =	wrdreg s23  }
0x1a: {  	s20 =	smov.u32 s17;
	s25 =	sadd.s32 s8, s11;
	[dreg:$0xc] =	wrdreg s24  }
0x1b: {  	[dreg:$0xd] =	wrdreg s25;
	s23 =	sadd.s32 s8, s13;
	s24 =	sadd.s32 s8, s10  }
0x1c: {  	s25 =	sor.u32 $0x1C03, s26;
	s26 =	sadd.s32 $0x10, s5;
	s8 =	simm.s32 $0x0  }
.LBB2_7:
0x1d: {  	[tilespmem:s2], [sflag:$0x2] =	stream.indirect.gather [hbm4b:s6+s31], $0x80, s31, s31, $0xb8;
	[tilespmem:$0x1E940] =	vst v63  }
.LBB2_8:
0x1e: {  	_ =	swait.ge [sflag:s30], $0x4000  }
0x1f: {  	[sflag:s30] =	ssyncset.done $0x0  }
0x20: {  	s11 =	simm.s32 $0x2800;
	[sflag:s30] =	ssyncadd.s32 $0xFFFFC000  }
0x21: {  	[spmem:s1] =	stream.indirect.scatter.add.f32 [tilespmem:s0], [sflag:$0x3], $0x80, s11, s31, $0xb8;
	[tilespmem:$0x1E940] =	vst v63  }
0x22: {  	_ =	swait.ge [sflag:s29], $0x4000  }
0x23: {  	[sflag:s29] =	ssyncset.done $0x0  }
0x24: {  	[sflag:s29] =	ssyncadd.s32 $0xFFFFC000  }
0x25: {  	_ =	swait.ge [sflag:s7], $0x4000  }
0x26: {  	[sflag:s7] =	ssyncset.done $0x0  }
0x27: {  	s13 =	simm.s32 $0x2880;
	[sflag:s7] =	ssyncadd.s32 $0xFFFFC000  }
0x28: {  	[spmem:s1] =	stream.indirect.scatter.add.f32 [tilespmem:s2], [sflag:$0x3], $0x80, s13, s31, $0xb8;
	[tilespmem:$0x1E940] =	vst v63  }
0x29: {  	_ =	swait.ge [sflag:s29], $0x4000  }
0x2a: {  	[sflag:s29] =	ssyncset.done $0x0  }
0x2b: {  	[sflag:s29] =	ssyncadd.s32 $0xFFFFC000  }
0x2c: {  	s16 =	sadd.s32 s19, s18;
	[bflag:$0x0] =	sbarrier.arrive $0xFFFF  }
0x2d: {  	[hbm:s16], [sflag:s25] =	dma.local [spmem:s5], $0x800  }
0x2e: {  	_ =	swait.ge [sflag:s29], $0x800  }
0x2f: {  	[sflag:s29] =	ssyncset.done $0x0  }
0x30: {  	s17 =	sadd.s32 s20, s18;
	[sflag:s29] =	ssyncadd.s32 $0xFFFFF800  }
0x31: {  	[hbm:s17], [sflag:s25] =	dma.local [spmem:s10], $0x800  }
0x32: {  	_ =	swait.ge [sflag:s29], $0x800  }
0x33: {  	[sflag:s29] =	ssyncset.done $0x0  }
0x34: {  	s11 =	sadd.s32 s21, s18;
	[sflag:s29] =	ssyncadd.s32 $0xFFFFF800  }
0x35: {  	[hbm:s11], [sflag:s25] =	dma.local [spmem:s12], $0x800  }
0x36: {  	_ =	swait.ge [sflag:s29], $0x800  }
0x37: {  	[sflag:s29] =	ssyncset.done $0x0  }
0x38: {  	s13 =	sadd.s32 s15, s18;
	[sflag:s29] =	ssyncadd.s32 $0xFFFFF800  }
0x39: {  	[hbm:s13], [sflag:s25] =	dma.local [spmem:s14], $0x800  }
0x3a: {  	_ =	swait.ge [sflag:s29], $0x800  }
0x3b: {  	[sflag:s29] =	ssyncset.done $0x0  }
0x3c: {  	s16 =	sadd.s32 s22, s18;
	[sflag:s29] =	ssyncadd.s32 $0xFFFFF800  }
0x3d: {  	[hbm:s16], [sflag:s25] =	dma.local [spmem:s9], $0x800  }
0x3e: {  	_ =	swait.ge [sflag:s29], $0x800  }
0x3f: {  	s8 =	sadd.s32 $0x1, s8;
	s17 =	rddreg [dreg:$0xa]  }
0x40: {  	p1 =	sne.s32 s8, s17  }
.Ltmp1:
0x41: {  	_ = 	snop;
	(pc) =	sbr.rel @!p1 .LBB2_9-.Ltmp1, $3  }
0x42: {  	_ =	sdelay $0x1  }
0x43: {  	[sflag:s29] =	ssyncset.done $0x0  }
0x44: {  	[sflag:s29] =	ssyncadd.s32 $0xFFFFF800  }
.LBB2_1:
0x45: {  	s5 =	rddreg [dreg:$0x3]  }
0x46: {  	s9 =	rddreg [dreg:$0xb];
	s5 =	sshrl.u32 s5, $0x3  }
0x47: {  	[spmem:s5], [sflag:s25] =	dma.local [hbm:s9], $0x800  }
0x48: {  	_ =	swait.ge [sflag:s29], $0x800  }
0x49: {  	[sflag:s29] =	ssyncset.done $0x0;
	s10 =	rddreg [dreg:$0x4]  }
0x4a: {  	s11 =	rddreg [dreg:$0xc];
	[sflag:s29] =	ssyncadd.s32 $0xFFFFF800;
	s10 =	sshrl.u32 s10, $0x3  }
0x4b: {  	[spmem:s10], [sflag:s25] =	dma.local [hbm:s11], $0x800  }
0x4c: {  	_ =	swait.ge [sflag:s29], $0x800  }
0x4d: {  	[sflag:s29] =	ssyncset.done $0x0;
	s12 =	rddreg [dreg:$0x5]  }
0x4e: {  	s13 =	rddreg [dreg:$0xd];
	[sflag:s29] =	ssyncadd.s32 $0xFFFFF800;
	s12 =	sshrl.u32 s12, $0x3  }
0x4f: {  	[spmem:s12], [sflag:s25] =	dma.local [hbm:s13], $0x800  }
0x50: {  	_ =	swait.ge [sflag:s29], $0x800  }
0x51: {  	[sflag:s29] =	ssyncset.done $0x0;
	s14 =	rddreg [dreg:$0x6]  }
0x52: {  	[sflag:s29] =	ssyncadd.s32 $0xFFFFF800;
	s14 =	sshrl.u32 s14, $0x3  }
0x53: {  	[spmem:s14], [sflag:s25] =	dma.local [hbm:s23], $0x800  }
0x54: {  	_ =	swait.ge [sflag:s29], $0x800  }
0x55: {  	[sflag:s29] =	ssyncset.done $0x0;
	s16 =	rddreg [dreg:$0x7]  }
0x56: {  	[sflag:s29] =	ssyncadd.s32 $0xFFFFF800;
	s9 =	sshrl.u32 s16, $0x3  }
0x57: {  	[spmem:s9], [sflag:s25] =	dma.local [hbm:s24], $0x800  }
0x58: {  	_ =	swait.ge [sflag:s29], $0x800  }
0x59: {  	[sflag:s29] =	ssyncset.done $0x0  }
0x5a: {  	s13 =	simm.s32 $0x100;
	s11 =	rddreg [dreg:$0x8];
	[sflag:s29] =	ssyncadd.s32 $0xFFFFF800  }
0x5b: {  	[tilespmem:s13], [sflag:$0x3] =	stream.linear.gather [hbm4b:s11+s3], $0x2800, $0x38;
	[tilespmem:$0x1E940] =	vst v63  }
0x5c: {  	_ =	swait.ge [sflag:s29], $0x2800  }
0x5d: {  	[sflag:s29] =	ssyncset.done $0x0  }
0x5e: {  	[sflag:s29] =	ssyncadd.s32 $0xFFFFD800  }
0x5f: {  	[bflag:$0x0] =	sbarrier.arrive $0xFFFF  }
.Ltmp2:
0x60: {  	s17 =	rddreg [dreg:$0x9];
	(pc) =	sbr.rel @p0 .LBB2_5-.Ltmp2, $4  }
0x61: {  	[tilespmem:s3], [sflag:$0x3] =	stream.linear.gather [hbm4b:s17+s3], $0x80, $0x38;
	[tilespmem:$0x1E940] =	vst v63  }
0x62: {  	_ =	swait.ge [sflag:s29], $0x80  }
0x63: {  	[sflag:s29] =	ssyncset.done $0x0  }
0x64: {  	[sflag:s29] =	ssyncadd.s32 $0xFFFFFF80  }
0x65: {  	s16 =	simm.s32 $0x0  }
0x66: {  	[tilespmem:s0], [sflag:$0x1] =	stream.indirect.gather [hbm4b:s4+s31], $0x80, s16, s31, $0xb8;
	[tilespmem:$0x1E940] =	vst v63  }
0x67: {  	_ = 	snop  }
0x68: {  	[tilespmem:s31], [sflag:$0x3] =	stream.linear.gather [hbm4b:s26+s16], $0x80, $0x38;
	[tilespmem:$0x1E940] =	vst v63  }
0x69: {  	_ =	swait.ge [sflag:s29], $0x80  }
0x6a: {  	[sflag:s29] =	ssyncset.done $0x0  }
0x6b: {  	[sflag:s29] =	ssyncadd.s32 $0xFFFFFF80  }
0x6c: {  	[tilespmem:s2], [sflag:$0x2] =	stream.indirect.gather [hbm4b:s4+s31], $0x80, s31, s31, $0xb8;
	[tilespmem:$0x1E940] =	vst v63  }
0x6d: {  	_ =	swait.ge [sflag:s30], $0x4000  }
0x6e: {  	[sflag:s30] =	ssyncset.done $0x0  }
0x6f: {  	s11 =	simm.s32 $0x100;
	[sflag:s30] =	ssyncadd.s32 $0xFFFFC000  }
0x70: {  	[spmem:s1] =	stream.indirect.scatter.add.f32 [tilespmem:s0], [sflag:$0x3], $0x80, s11, s31, $0xb8;
	[tilespmem:$0x1E940] =	vst v63  }
0x71: {  	_ =	swait.ge [sflag:s29], $0x4000  }
0x72: {  	[sflag:s29] =	ssyncset.done $0x0  }
0x73: {  	s13 =	sadd.s32 $0xFFFFFFF0, s28;
	[sflag:s29] =	ssyncadd.s32 $0xFFFFC000  }
0x74: {  	[tilespmem:s3], [sflag:$0x3] =	stream.linear.gather [hbm4b:s13+s3], $0x80, $0x38;
	[tilespmem:$0x1E940] =	vst v63  }
0x75: {  	_ =	swait.ge [sflag:s29], $0x80  }
0x76: {  	[sflag:s29] =	ssyncset.done $0x0  }
0x77: {  	[sflag:s29] =	ssyncadd.s32 $0xFFFFFF80  }
0x78: {  	[tilespmem:s0], [sflag:$0x1] =	stream.indirect.gather [hbm4b:s4+s31], $0x80, s3, s31, $0xb8;
	[tilespmem:$0x1E940] =	vst v63  }
0x79: {  	_ =	swait.ge [sflag:s7], $0x4000  }
0x7a: {  	[sflag:s7] =	ssyncset.done $0x0  }
0x7b: {  	s17 =	simm.s32 $0x180;
	[sflag:s7] =	ssyncadd.s32 $0xFFFFC000  }
0x7c: {  	[spmem:s1] =	stream.indirect.scatter.add.f32 [tilespmem:s2], [sflag:$0x3], $0x80, s17, s31, $0xb8;
	[tilespmem:$0x1E940] =	vst v63  }
0x7d: {  	_ =	swait.ge [sflag:s29], $0x4000  }
0x7e: {  	[sflag:s29] =	ssyncset.done $0x0  }
0x7f: {  	[sflag:s29] =	ssyncadd.s32 $0xFFFFC000  }
0x80: {  	[tilespmem:s31], [sflag:$0x3] =	stream.linear.gather [hbm4b:s28+s3], $0x80, $0x38;
	[tilespmem:$0x1E940] =	vst v63  }
0x81: {  	_ =	swait.ge [sflag:s29], $0x80  }
0x82: {  	[sflag:s29] =	ssyncset.done $0x0  }
0x83: {  	s16 =	simm.s32 $0x400;
	s17 =	sadd.s32 $0x20, s28;
	[sflag:s29] =	ssyncadd.s32 $0xFFFFFF80  }
.LBB2_3:
0x84: {  	[tilespmem:s2], [sflag:$0x2] =	stream.indirect.gather [hbm4b:s4+s31], $0x80, s31, s31, $0xb8;
	[tilespmem:$0x1E940] =	vst v63  }
0x85: {  	s11 =	smov.u32 s16  }
0x86: {  	p1 =	seq.s32 s16, $0x9800;
	s16 =	sadd.s32 $0x400, s16;
	_ =	swait.ge [sflag:s30], $0x4000  }
0x87: {  	s11 =	sshra.s32 s11, $0x2;
	[sflag:s30] =	ssyncset.done $0x0  }
0x88: {  	s13 =	sadd.s32 $0x100, s11;
	[sflag:s30] =	ssyncadd.s32 $0xFFFFC000  }
0x89: {  	[spmem:s1] =	stream.indirect.scatter.add.f32 [tilespmem:s0], [sflag:$0x3], $0x80, s13, s31, $0xb8;
	[tilespmem:$0x1E940] =	vst v63  }
0x8a: {  	_ =	swait.ge [sflag:s29], $0x4000  }
0x8b: {  	[sflag:s29] =	ssyncset.done $0x0  }
0x8c: {  	s13 =	sadd.s32 $0xFFFFFFF0, s17;
	[sflag:s29] =	ssyncadd.s32 $0xFFFFC000  }
0x8d: {  	[tilespmem:s3], [sflag:$0x3] =	stream.linear.gather [hbm4b:s13+s3], $0x80, $0x38;
	[tilespmem:$0x1E940] =	vst v63  }
0x8e: {  	_ =	swait.ge [sflag:s29], $0x80  }
0x8f: {  	[sflag:s29] =	ssyncset.done $0x0  }
0x90: {  	[sflag:s29] =	ssyncadd.s32 $0xFFFFFF80  }
0x91: {  	[tilespmem:s0], [sflag:$0x1] =	stream.indirect.gather [hbm4b:s4+s31], $0x80, s3, s31, $0xb8;
	[tilespmem:$0x1E940] =	vst v63  }
0x92: {  	_ =	swait.ge [sflag:s7], $0x4000  }
0x93: {  	[sflag:s7] =	ssyncset.done $0x0  }
0x94: {  	s11 =	sadd.s32 $0x180, s11;
	[sflag:s7] =	ssyncadd.s32 $0xFFFFC000  }
0x95: {  	[spmem:s1] =	stream.indirect.scatter.add.f32 [tilespmem:s2], [sflag:$0x3], $0x80, s11, s31, $0xb8;
	[tilespmem:$0x1E940] =	vst v63  }
0x96: {  	_ =	swait.ge [sflag:s29], $0x4000  }
0x97: {  	[sflag:s29] =	ssyncset.done $0x0  }
.Ltmp3:
0x98: {  	[sflag:s29] =	ssyncadd.s32 $0xFFFFC000;
	(pc) =	sbr.rel @!p1 .LBB2_3-.Ltmp3, $4  }
0x99: {  	[tilespmem:s31], [sflag:$0x3] =	stream.linear.gather [hbm4b:s17+s3], $0x80, $0x38;
	[tilespmem:$0x1E940] =	vst v63  }
0x9a: {  	_ =	swait.ge [sflag:s29], $0x80  }
0x9b: {  	[sflag:s29] =	ssyncset.done $0x0  }
0x9c: {  	s17 =	sadd.s32 $0x20, s17;
	[sflag:s29] =	ssyncadd.s32 $0xFFFFFF80  }
.Ltmp4:
0x9d: {  	(pc) =	sbr.rel .LBB2_8-.Ltmp4, $2  }
0x9e: {  	_ =	sdelay $0x2  }
0x9f: {  	[tilespmem:s2], [sflag:$0x2] =	stream.indirect.gather [hbm4b:s4+s31], $0x80, s31, s31, $0xb8;
	[tilespmem:$0x1E940] =	vst v63  }
.LBB2_5:
0xa0: {  	s11 =	simm.s32 $0x0  }
0xa1: {  	[tilespmem:s0], [sflag:$0x1] =	stream.indirect.gather [hbm4b:s6+s31], $0x80, s11, s31, $0xb8;
	[tilespmem:$0x1E940] =	vst v63  }
0xa2: {  	_ = 	snop  }
0xa3: {  	[tilespmem:s31], [sflag:$0x3] =	stream.linear.gather [hbm4b:s26+s11], $0x80, $0x38;
	[tilespmem:$0x1E940] =	vst v63  }
0xa4: {  	_ =	swait.ge [sflag:s29], $0x80  }
0xa5: {  	[sflag:s29] =	ssyncset.done $0x0  }
0xa6: {  	[sflag:s29] =	ssyncadd.s32 $0xFFFFFF80  }
0xa7: {  	[tilespmem:s2], [sflag:$0x2] =	stream.indirect.gather [hbm4b:s6+s31], $0x80, s31, s31, $0xb8;
	[tilespmem:$0x1E940] =	vst v63  }
0xa8: {  	_ =	swait.ge [sflag:s30], $0x4000  }
0xa9: {  	[sflag:s30] =	ssyncset.done $0x0  }
0xaa: {  	s13 =	simm.s32 $0x100;
	[sflag:s30] =	ssyncadd.s32 $0xFFFFC000  }
0xab: {  	[spmem:s1] =	stream.indirect.scatter.add.f32 [tilespmem:s0], [sflag:$0x3], $0x80, s13, s31, $0xb8;
	[tilespmem:$0x1E940] =	vst v63  }
0xac: {  	_ =	swait.ge [sflag:s29], $0x4000  }
0xad: {  	[sflag:s29] =	ssyncset.done $0x0  }
0xae: {  	s16 =	sadd.s32 $0xFFFFFFF0, s28;
	[sflag:s29] =	ssyncadd.s32 $0xFFFFC000  }
0xaf: {  	[tilespmem:s3], [sflag:$0x3] =	stream.linear.gather [hbm4b:s16+s3], $0x80, $0x38;
	[tilespmem:$0x1E940] =	vst v63  }
0xb0: {  	_ =	swait.ge [sflag:s29], $0x80  }
0xb1: {  	[sflag:s29] =	ssyncset.done $0x0  }
0xb2: {  	[sflag:s29] =	ssyncadd.s32 $0xFFFFFF80  }
0xb3: {  	[tilespmem:s0], [sflag:$0x1] =	stream.indirect.gather [hbm4b:s6+s31], $0x80, s3, s31, $0xb8;
	[tilespmem:$0x1E940] =	vst v63  }
0xb4: {  	_ =	swait.ge [sflag:s7], $0x4000  }
0xb5: {  	[sflag:s7] =	ssyncset.done $0x0  }
0xb6: {  	s17 =	simm.s32 $0x180;
	[sflag:s7] =	ssyncadd.s32 $0xFFFFC000  }
0xb7: {  	[spmem:s1] =	stream.indirect.scatter.add.f32 [tilespmem:s2], [sflag:$0x3], $0x80, s17, s31, $0xb8;
	[tilespmem:$0x1E940] =	vst v63  }
0xb8: {  	_ =	swait.ge [sflag:s29], $0x4000  }
0xb9: {  	[sflag:s29] =	ssyncset.done $0x0  }
0xba: {  	[sflag:s29] =	ssyncadd.s32 $0xFFFFC000  }
0xbb: {  	[tilespmem:s31], [sflag:$0x3] =	stream.linear.gather [hbm4b:s28+s3], $0x80, $0x38;
	[tilespmem:$0x1E940] =	vst v63  }
0xbc: {  	_ =	swait.ge [sflag:s29], $0x80  }
0xbd: {  	[sflag:s29] =	ssyncset.done $0x0  }
0xbe: {  	s16 =	simm.s32 $0x400;
	s17 =	sadd.s32 $0x20, s28;
	[sflag:s29] =	ssyncadd.s32 $0xFFFFFF80  }
.LBB2_6:
0xbf: {  	[tilespmem:s2], [sflag:$0x2] =	stream.indirect.gather [hbm4b:s6+s31], $0x80, s31, s31, $0xb8;
	[tilespmem:$0x1E940] =	vst v63  }
0xc0: {  	s11 =	smov.u32 s16  }
0xc1: {  	p1 =	sne.s32 s16, $0x9800;
	s16 =	sadd.s32 $0x400, s16;
	_ =	swait.ge [sflag:s30], $0x4000  }
0xc2: {  	s11 =	sshra.s32 s11, $0x2;
	[sflag:s30] =	ssyncset.done $0x0  }
0xc3: {  	s13 =	sadd.s32 $0x100, s11;
	[sflag:s30] =	ssyncadd.s32 $0xFFFFC000  }
0xc4: {  	[spmem:s1] =	stream.indirect.scatter.add.f32 [tilespmem:s0], [sflag:$0x3], $0x80, s13, s31, $0xb8;
	[tilespmem:$0x1E940] =	vst v63  }
0xc5: {  	_ =	swait.ge [sflag:s29], $0x4000  }
0xc6: {  	[sflag:s29] =	ssyncset.done $0x0  }
0xc7: {  	s13 =	sadd.s32 $0xFFFFFFF0, s17;
	[sflag:s29] =	ssyncadd.s32 $0xFFFFC000  }
0xc8: {  	[tilespmem:s3], [sflag:$0x3] =	stream.linear.gather [hbm4b:s13+s3], $0x80, $0x38;
	[tilespmem:$0x1E940] =	vst v63  }
0xc9: {  	_ =	swait.ge [sflag:s29], $0x80  }
0xca: {  	[sflag:s29] =	ssyncset.done $0x0  }
0xcb: {  	[sflag:s29] =	ssyncadd.s32 $0xFFFFFF80  }
0xcc: {  	[tilespmem:s0], [sflag:$0x1] =	stream.indirect.gather [hbm4b:s6+s31], $0x80, s3, s31, $0xb8;
	[tilespmem:$0x1E940] =	vst v63  }
0xcd: {  	_ =	swait.ge [sflag:s7], $0x4000  }
0xce: {  	[sflag:s7] =	ssyncset.done $0x0  }
0xcf: {  	s11 =	sadd.s32 $0x180, s11;
	[sflag:s7] =	ssyncadd.s32 $0xFFFFC000  }
0xd0: {  	[spmem:s1] =	stream.indirect.scatter.add.f32 [tilespmem:s2], [sflag:$0x3], $0x80, s11, s31, $0xb8;
	[tilespmem:$0x1E940] =	vst v63  }
0xd1: {  	_ =	swait.ge [sflag:s29], $0x4000  }
0xd2: {  	[sflag:s29] =	ssyncset.done $0x0  }
.Ltmp5:
0xd3: {  	[sflag:s29] =	ssyncadd.s32 $0xFFFFC000;
	(pc) =	sbr.rel @p1 .LBB2_6-.Ltmp5, $4  }
0xd4: {  	[tilespmem:s31], [sflag:$0x3] =	stream.linear.gather [hbm4b:s17+s3], $0x80, $0x38;
	[tilespmem:$0x1E940] =	vst v63  }
0xd5: {  	_ =	swait.ge [sflag:s29], $0x80  }
0xd6: {  	[sflag:s29] =	ssyncset.done $0x0  }
0xd7: {  	s17 =	sadd.s32 $0x20, s17;
	[sflag:s29] =	ssyncadd.s32 $0xFFFFFF80  }
.Ltmp6:
0xd8: {  	_ = 	snop;
	(pc) =	sbr.rel .LBB2_7-.Ltmp6, $1  }
0xd9: {  	_ =	sdelay $0x3  }
.LBB2_9:
0xda: {  	_ =	sfence.sel $0x180000  }
0xdb: {  	[bflag:$0x0] =	sbarrier.arrive $0xFFFF  }
0xdc: {  	_ =	strace $0x9000004A  }
0xdd: {  	s0 =	stileid.u32;
	[bflag:$0x2] =	sbarrier.arrive $0xFFFF  }
0xde: {  	p0 =	sne.s32 s0, $0x0;
	s0 =	rddreg [dreg:$0x2]  }
0xdf: {  	s0 =	sadd.s32 @!p0 $0x100000, s0  }
0xe0: {  	[sflag:s0] =	ssyncadd.tile.s32 @!p0 $0x1;
	_ =	shalt  }
.Lfunc_end2:
_tile_overlayer_lowered:
.L_overlay_start_2:
0xe1: {  	(tag) =	ssettag $0x2  }
0xe2: {  	s0 =	rddreg [dreg:$0x0];
	s2 =	stileid.u32  }
0xe3: {  	s1 =	rddreg [dreg:$0x1];
	p0 =	sne.s32 s2, $0x0  }
0xe4: {  	s3 =	rddreg [dreg:$0x2];
	[bflag:$0x3] =	sbarrier.arrive $0xFFFF;
	s2 =	simm.s32 @!p0 $0x1C03  }
0xe5: {  	[timem:s3], [sflag:s2] =	dma.local @!p0 [hbm:s0], s1  }
0xe6: {  	s0 =	simm.s32 @!p0 $0x3  }
0xe7: {  	_ =	swait.ge @!p0 [sflag:s0], s1  }
0xe8: {  	s1 =	ssub.s32 @!p0 $0x0, s1;
	[sflag:s0] =	ssyncset.done @!p0 $0x0  }
0xe9: {  	[sflag:s0] =	ssyncadd.s32 @!p0 s1  }
0xea: {  	[bflag:$0x3] =	sbarrier.arrive $0xFFFF  }
0xeb: {  	_ =	shalt  }

// kernel: kernel.16.cloned.1.call-start
scs
__scs_entry_jumppad:
0x0: {  	(pc) =	sbr.rel $0x88, $3  }
0x1: {  	(tag) =	ssettag $0x0;
	lr =	simm.s32 $0x1  }
0x2: {  	[smem:$0x3F92] =	sst lr;
	_ =	strace $0xD0000000  }
0x3: {  	_ = 	snop  }
0x4: {  	_ = 	snop  }
0x5: {  	_ = 	snop  }
0x6: {  	_ = 	snop  }
0x7: {  	_ = 	snop  }
__scs_overlays_trampoline_lowered:
0x8: {  	[smem:$0x3FA1] =	sst s0  }
0x9: {  	[smem:$0x3FA2] =	sst s1  }
0xa: {  	[smem:$0x3FA3] =	sst s2  }
0xb: {  	[smem:$0x3FA4] =	sst s3  }
0xc: {  	[smem:$0x3FA5] =	sst s4  }
0xd: {  	[smem:$0x3FA6] =	sst s5  }
0xe: {  	[smem:$0x3FA7] =	sst s6  }
0xf: {  	[smem:$0x3FA8] =	sst s7  }
0x10: {  	[smem:$0x3FA9] =	sst s8  }
0x11: {  	[smem:$0x3FAA] =	sst s9;
	s0 =	simm.s32 @!p0 $0x0  }
0x12: {  	s1 =	sld [smem:$0x3F90];
	s0 =	simm.s32 @p0 $0x1  }
0x13: {  	[smem:$0x3FAB] =	sst s0;
	s0 =	simm.s32 @!p1 $0x0  }
0x14: {  	s2 =	sld [smem:$0x3F8F];
	s0 =	simm.s32 @p1 $0x1  }
0x15: {  	[smem:$0x3FAC] =	sst s0;
	s0 =	simm.s32 @!p2 $0x0  }
0x16: {  	s3 =	sld [smem:$0x3FDB];
	s0 =	simm.s32 @p2 $0x1  }
0x17: {  	s4 =	simm.s32 $0x1BF5;
	[smem:$0x3FAE] =	sst s0  }
0x18: {  	s0 =	sld [smem:$0x3F91];
	_ =	swait.ge [sflag:s4], $0x0  }
0x19: {  	s7 =	sld [smem:$0x3F92]  }
0x1a: {  	s8 =	sadd.s32 $0xFFFFE003, lr  }
0x1b: {  	s9 =	sadd.s32 $0xFFFFFEF7, lr;
	s5 =	simm.s32 $0xFFFFFFFF;
	p2 =	slt.u32 s8, $0xFFFFF086  }
0x1c: {  	p1 =	slt.u32 s9, $0xF7A;
	s5 =	simm.s32 @!p2 $0x0  }
0x1d: {  	s5 =	simm.s32 @p1 $0x1;
	p0 =	seq.s32 s7, s2  }
0x1e: {  	s7 =	smul.u32 @!p0 $0xF7A, s2;
	p2 =	seq.s32 @!p0 s5, $0x0  }
0x1f: {  	s9 =	smul.u32 $0xF7A, s1;
	s8 =	simm.s32 @!p0 $0x1BF5;
	p2 =	por !p2, p0  }
0x20: {  	[sflag:s8] =	ssyncset.s32 @!p0 $0xFFFFF086;
	s6 =	sadd.s32 @!p0 s3, s7;
	s7 =	simm.s32 @!p0 $0x108  }
0x21: {  	s3 =	sadd.s32 s3, s9;
	s6 =	sadd.s32 @!p0 $0x88, s6;
	s7 =	simm.s32 @p2 $0x1082  }
0x22: {  	[simem:s7], [sflag:s8] =	dma.local @!p0 [hbm:s6], $0xF7A  }
0x23: {  	s9 =	sor.u32 $0xD0000000, s2;
	s6 =	simm.s32 $0x108;
	_ =	swait.ge @!p0 [sflag:s8], $0x0  }
0x24: {  	s3 =	sadd.s32 $0x88, s3;
	s6 =	simm.s32 @!p1 $0x1082;
	[sflag:s4] =	ssyncset.s32 $0xFFFFF086  }
0x25: {  	[simem:s6], [sflag:s4] =	dma.local [hbm:s3], $0xF7A  }
0x26: {  	[smem:$0x3F92] =	sst s1;
	(tag) =	ssettag s2;
	_ =	strace s9  }
0x27: {  	s1 =	sld [smem:$0x3FA2]  }
0x28: {  	s2 =	sld [smem:$0x3FA3]  }
0x29: {  	s4 =	sld [smem:$0x3FA5]  }
0x2a: {  	p0 =	seq.s32 s5, $0x0;
	s5 =	sld [smem:$0x3FA6]  }
0x2b: {  	s6 =	sld [smem:$0x3FA7]  }
0x2c: {  	s7 =	sld [smem:$0x3FA8]  }
0x2d: {  	s3 =	simm.s32 $0x108;
	s8 =	sld [smem:$0x3FA9]  }
0x2e: {  	s3 =	simm.s32 @!p0 $0x1082;
	s9 =	sld [smem:$0x3FAA]  }
0x2f: {  	lr =	sadd.s32 s0, s3;
	s0 =	sld [smem:$0x3FA1]  }
0x30: {  	s3 =	sld [smem:$0x3FA4]  }
0x31: {  	[smem:$0x3FAD] =	sst s10  }
0x32: {  	s10 =	sld [smem:$0x3FAB];
	_ =	sdelay $0x3  }
0x33: {  	p0 =	seq.s32 s10, $0x1;
	s10 =	sld [smem:$0x3FAD];
	_ =	sdelay $0x3  }
0x34: {  	[smem:$0x3FAD] =	sst s10  }
0x35: {  	s10 =	sld [smem:$0x3FAC];
	_ =	sdelay $0x3  }
0x36: {  	p1 =	seq.s32 s10, $0x1;
	s10 =	sld [smem:$0x3FAD];
	_ =	sdelay $0x3  }
0x37: {  	[smem:$0x3FAD] =	sst s10  }
0x38: {  	s10 =	sld [smem:$0x3FAE]  }
0x39: {  	_ = 	snop;
	(pc) =	sbr.ind lr, $3  }
0x3a: {  	_ = 	snop  }
0x3b: {  	_ = 	snop  }
0x3c: {  	p2 =	seq.s32 s10, $0x1;
	s10 =	sld [smem:$0x3FAD]  }
0x3d: {  	_ =	shalt  }
0x3e: {  	_ =	shalt  }
0x3f: {  	_ =	shalt  }
0x40: {  	_ =	shalt  }
0x41: {  	_ =	shalt  }
0x42: {  	_ =	shalt  }
0x43: {  	_ =	shalt  }
0x44: {  	_ =	shalt  }
0x45: {  	_ =	shalt  }
0x46: {  	_ =	shalt  }
0x47: {  	_ =	shalt  }
0x48: {  	_ =	shalt  }
0x49: {  	_ =	shalt  }
0x4a: {  	_ =	shalt  }
0x4b: {  	_ =	shalt  }
0x4c: {  	_ =	shalt  }
0x4d: {  	_ =	shalt  }
0x4e: {  	_ =	shalt  }
0x4f: {  	_ =	shalt  }
0x50: {  	_ =	shalt  }
0x51: {  	_ =	shalt  }
0x52: {  	_ =	shalt  }
0x53: {  	_ =	shalt  }
0x54: {  	_ =	shalt  }
0x55: {  	_ =	shalt  }
0x56: {  	_ =	shalt  }
0x57: {  	_ =	shalt  }
0x58: {  	_ =	shalt  }
0x59: {  	_ =	shalt  }
0x5a: {  	_ =	shalt  }
0x5b: {  	_ =	shalt  }
0x5c: {  	_ =	shalt  }
0x5d: {  	_ =	shalt  }
0x5e: {  	_ =	shalt  }
0x5f: {  	_ =	shalt  }
0x60: {  	_ =	shalt  }
0x61: {  	_ =	shalt  }
0x62: {  	_ =	shalt  }
0x63: {  	_ =	shalt  }
0x64: {  	_ =	shalt  }
0x65: {  	_ =	shalt  }
0x66: {  	_ =	shalt  }
0x67: {  	_ =	shalt  }
0x68: {  	_ =	shalt  }
0x69: {  	_ =	shalt  }
0x6a: {  	_ =	shalt  }
0x6b: {  	_ =	shalt  }
0x6c: {  	_ =	shalt  }
0x6d: {  	_ =	shalt  }
0x6e: {  	_ =	shalt  }
0x6f: {  	_ =	shalt  }
0x70: {  	_ =	shalt  }
0x71: {  	_ =	shalt  }
0x72: {  	_ =	shalt  }
0x73: {  	_ =	shalt  }
0x74: {  	_ =	shalt  }
0x75: {  	_ =	shalt  }
0x76: {  	_ =	shalt  }
0x77: {  	_ =	shalt  }
0x78: {  	_ =	shalt  }
0x79: {  	_ =	shalt  }
0x7a: {  	_ =	shalt  }
0x7b: {  	_ =	shalt  }
0x7c: {  	_ =	shalt  }
0x7d: {  	_ =	shalt  }
0x7e: {  	_ =	shalt  }
0x7f: {  	_ =	shalt  }
0x80: {  	_ =	shalt  }
0x81: {  	_ =	shalt  }
0x82: {  	_ =	shalt  }
0x83: {  	_ =	shalt  }
0x84: {  	_ =	shalt  }
0x85: {  	_ =	shalt  }
0x86: {  	_ =	shalt  }
0x87: {  	_ =	shalt  }
.Lfunc_end0:
.L_simem_size_0:
called_computation.2_lowered:
.L_overlay_start_0:
0x88: {  	s2 =	sld [smem:$0x3FD9]  }
0x89: {  	s3 =	sld [smem:$0x3FFE];
	_ =	sdelay $0x1  }
0x8a: {  	s1 =	srdreg.scid  }
0x8b: {  	s0 =	sand.u32 $0x1, s1  }
0x8c: {  	s16 =	sshll.u32 s0, $0xA;
	s2 =	sadd.s32 s3, s2  }
0x8d: {  	s2 =	sadd.s32 s2, s16  }
0x8e: {  	[smem:$0x3FB9] =	sst s2  }
0x8f: {  	_ = 	snop  }
0x90: {  	(tm) =	ssettm $0x1  }
0x91: {  	s17 =	sld [smem:$0x3FFB];
	_ =	sdelay $0x3  }
0x92: {  	_ =	strace s17  }
0x93: {  	s2 =	sld [smem:$0x3FFC];
	_ =	sdelay $0x3  }
0x94: {  	_ =	strace s2  }
0x95: {  	s2 =	sld [smem:$0x3FFD];
	_ =	sdelay $0x3  }
0x96: {  	_ =	strace s2  }
0x97: {  	_ =	strace $0x8FFFFFFF  }
0x98: {  	s18 =	sld [smem:$0x3FDB];
	_ =	sdelay $0x1  }
0x99: {  	s19 =	simm.s32 $_scs_section_size  }
0x9a: {  	s4 =	simm.s32 $_size__tile_overlayer_lowered;
	s5 =	simm.s32 $_tile_overlayer_lowered  }
0x9b: {  	s22 =	simm.s32 $0x1BFF;
	s21 =	sshll.u32 s5, $0x1;
	s2 =	sadd.s32 s19, s18  }
0x9c: {  	s6 =	simm.s32 $0x0;
	s20 =	sshll.u32 s4, $0x1;
	s4 =	sadd.s32 s21, s2  }
0x9d: {  	[timem:s6], [sflag:s22] =	dma.local [hbm:s4], s20  }
0x9e: {  	_ =	swait.ge [sflag:s22], s20  }
0x9f: {  	s3 =	ssub.s32 $0x0, s20;
	[sflag:s22] =	ssyncset.done $0x0  }
0xa0: {  	[sflag:s22] =	ssyncadd.s32 s3;
	_ =	sdelay $0x1  }
0xa1: {  	s23 =	simm.s32 $0x1B8B  }
0xa2: {  	_ =	swait.ge [sflag:s23], $0x1  }
0xa3: {  	[sflag:s23] =	ssyncset.done $0x0  }
0xa4: {  	s25 =	simm.s32 $0x1B8E;
	s24 =	sld [smem:$0x3FFE];
	[sflag:s23] =	ssyncadd.s32 $0xFFFFFFFF  }
0xa5: {  	s26 =	simm.s32 $execute0_lowered;
	[smem:$0x3FD2] =	sst s25  }
0xa6: {  	s4 =	sshll.u32 s26, $0x1;
	_ =	strace $0x8000004C;
	[dreg:$0x1] =	wrdreg $0xFFFFFFFF  }
0xa7: {  	s28 =	simm.s32 $_size_execute0_lowered;
	s2 =	sadd.s32 s2, s4;
	[dreg:$0x0] =	wrdreg $0x0  }
0xa8: {  	s4 =	sshll.u32 s28, $0x1;
	[dreg:$0x2] =	wrdreg s2  }
0xa9: {  	[dreg:$0x3] =	wrdreg s4  }
0xaa: {  	[dreg:$0x4] =	wrdreg $0xC0  }
0xab: {  	_ =	task [dreg:s6], $0x5FFFF  }
0xac: {  	[dreg:$0x1] =	wrdreg $0xFFFFFFFF  }
0xad: {  	[dreg:$0x0] =	wrdreg $0x60  }
0xae: {  	[dreg:$0x2] =	wrdreg s24  }
0xaf: {  	[dreg:$0x3] =	wrdreg $0xA9000  }
0xb0: {  	[dreg:$0x4] =	wrdreg $0x9  }
0xb1: {  	_ =	task.clear_ibuf [dreg:s6], $0x5FFFF;
	_ =	strace $0x9000004C  }
0xb2: {  	s29 =	simm.s32 $0x9;
	_ =	strace $0x8000004E  }
0xb3: {  	_ =	swait.ge [sflag:s29], $0x1  }
0xb4: {  	[sflag:s29] =	ssyncadd.s32 $0xFFFFFFFF  }
0xb5: {  	_ =	strace $0x9000004E  }
0xb6: {  	_ =	sfence  }
0xb7: {  	s30 =	sld [smem:$0x0];
	_ =	sdelay $0x2  }
0xb8: {  	s31 =	sshll.u32 s1, $0xD;
	s1 =	sshrl.u32 s1, $0x2  }
0xb9: {  	s3 =	sand.u32 $0x4000, s31;
	s1 =	sadd.s32 s1, s30  }
0xba: {  	s0 =	sor.u32 s3, s0;
	s1 =	sshll.u32 s1, $0x11  }
0xbb: {  	s0 =	sor.u32 s1, s0  }
0xbc: {  	s0 =	sadd.s32 $0x8F2B, s0  }
0xbd: {  	[sflag:s0] =	ssyncadd.remote.s32 $0x1  }
0xbe: {  	_ =	sfence.sel $0xFFFF  }
0xbf: {  	[dreg:$0x0] =	wrdreg $0xFFFFFFFF;
	(pc) =	sbr.abs _section_cstart, $3  }
0xc0: {  	[dreg:$0x1] =	wrdreg $0xFFFFFFFF  }
0xc1: {  	_ =	task.clear_ibuf [dreg:s6], $0x2FFFF;
	_ =	strace $0x9FFFFFFF  }
0xc2: {  	(tm) =	ssettm $0x7FFFFFFF  }
0xc3: {  	_ =	shalt  }
tec
execute0_lowered:
.L_overlay_start_1:
0x0: {  	(tag) =	ssettag $0x1  }
0x1: {  	s0 =	rddreg [dreg:$0x0]  }
0x2: {  	s1 =	rddreg [dreg:$0x1];
	s3 =	simm.s32 $0x0;
	s14 =	stileid.u32  }
0x3: {  	s2 =	srdreg.scid;
	s29 =	simm.s32 $0x3;
	s16 =	smul.u32 $0x2800, s14  }
0x4: {  	s31 =	simm.s32 $0x80;
	s30 =	simm.s32 $0x1;
	s10 =	smul.u32 $0x280, s14  }
0x5: {  	[smem:$0x7FF] =	sst s3;
	s4 =	sadd.s32 $0x4A00, s0;
	s13 =	smul.u32 $0x50000, s14  }
0x6: {  	s2 =	sand.u32 $0x1, s2;
	s6 =	sadd.s32 $0x2CA00, s0;
	s21 =	smul.u32 $0x500, s14  }
0x7: {  	s5 =	sadd.s32 $0x59A00, s0;
	_ =	strace $0x8000004D;
	s7 =	smul.u32 $0x28000, s2  }
0x8: {  	s9 =	ssub.s32 $0x2, s2;
	p0 =	seq.s32 s2, $0x0;
	s8 =	sshrl.u32 s16, $0x3  }
0x9: {  	s11 =	sshrl.u32 s9, $0x1;
	s23 =	sadd.s32 $0x80, s10;
	s24 =	sshrl.u32 s13, $0x2  }
0xa: {  	s13 =	sadd.s32 $0x100, s10;
	s18 =	sadd.s32 $0x180, s10;
	s10 =	sadd.s32 $0x200, s10  }
0xb: {  	s12 =	sadd.s32 s8, s0;
	s0 =	sadd.s32 s7, s0;
	s22 =	ssub.s32 s9, s11  }
0xc: {  	s25 =	sshll.u32 s23, $0x7;
	s11 =	sadd.s32 s24, s1;
	s17 =	sshll.u32 s23, $0x4  }
0xd: {  	s15 =	sshll.u32 s13, $0x7;
	s19 =	sshll.u32 s18, $0x7;
	s20 =	sshll.u32 s10, $0x7  }
0xe: {  	s10 =	sshll.u32 s10, $0x4;
	s8 =	sadd.s32 s5, s8;
	s5 =	sadd.s32 s21, s5  }
0xf: {  	s7 =	simm.s32 $0x2;
	[dreg:$0x3] =	wrdreg s11;
	s26 =	sadd.s32 s25, s1  }
0x10: {  	s9 =	sadd.s32 s15, s1;
	s11 =	sshll.u32 s13, $0x4;
	s13 =	sshll.u32 s18, $0x4  }
0x11: {  	s12 =	sadd.s32 $0x54A00, s12;
	[dreg:$0x9] =	wrdreg s8;
	s8 =	smov.u32 s6  }
0x12: {  	s18 =	sadd.s32 $0x5EA00, s0;
	s22 =	smax.u32 s22, $0x1;
	[dreg:$0x4] =	wrdreg s26  }
0x13: {  	s28 =	sadd.s32 $0x30, s5;
	s0 =	simm.s32 $0x2900;
	[dreg:$0x5] =	wrdreg s9  }
0x14: {  	s9 =	sadd.s32 s19, s1;
	[dreg:$0x8] =	wrdreg s12;
	s8 =	smov.u32 @p0 s4  }
0x15: {  	[dreg:$0xa] =	wrdreg s22;
	s19 =	smov.u32 s16;
	s21 =	smov.u32 s11  }
0x16: {  	p0 =	sne.s32 s2, $0x0;
	s26 =	sshll.u32 s14, $0x6;
	s15 =	smov.u32 s13  }
0x17: {  	s22 =	smov.u32 s10;
	[dreg:$0x6] =	wrdreg s9;
	s9 =	sadd.s32 s20, s1  }
.Ltmp0:
0x18: {  	s23 =	sadd.s32 s8, s16;
	[dreg:$0x7] =	wrdreg s9;
	(pc) =	sbr.rel .LBB2_1-.Ltmp0, $4  }
0x19: {  	s2 =	simm.s32 $0x6900;
	s24 =	sadd.s32 s8, s17;
	[dreg:$0xb] =	wrdreg s23  }
0x1a: {  	s20 =	smov.u32 s17;
	s25 =	sadd.s32 s8, s11;
	[dreg:$0xc] =	wrdreg s24  }
0x1b: {  	[dreg:$0xd] =	wrdreg s25;
	s23 =	sadd.s32 s8, s13;
	s24 =	sadd.s32 s8, s10  }
0x1c: {  	s25 =	sor.u32 $0x1C03, s26;
	s26 =	sadd.s32 $0x10, s5;
	s8 =	simm.s32 $0x0  }
.LBB2_7:
0x1d: {  	[tilespmem:s2], [sflag:$0x2] =	stream.indirect.gather [hbm4b:s6+s31], $0x80, s31, s31, $0xb8;
	[tilespmem:$0x1E940] =	vst v63  }
.LBB2_8:
0x1e: {  	_ =	swait.ge [sflag:s30], $0x4000  }
0x1f: {  	[sflag:s30] =	ssyncset.done $0x0  }
0x20: {  	s11 =	simm.s32 $0x2800;
	[sflag:s30] =	ssyncadd.s32 $0xFFFFC000  }
0x21: {  	[spmem:s1] =	stream.indirect.scatter.add.f32 [tilespmem:s0], [sflag:$0x3], $0x80, s11, s31, $0xb8;
	[tilespmem:$0x1E940] =	vst v63  }
0x22: {  	_ =	swait.ge [sflag:s29], $0x4000  }
0x23: {  	[sflag:s29] =	ssyncset.done $0x0  }
0x24: {  	[sflag:s29] =	ssyncadd.s32 $0xFFFFC000  }
0x25: {  	_ =	swait.ge [sflag:s7], $0x4000  }
0x26: {  	[sflag:s7] =	ssyncset.done $0x0  }
0x27: {  	s13 =	simm.s32 $0x2880;
	[sflag:s7] =	ssyncadd.s32 $0xFFFFC000  }
0x28: {  	[spmem:s1] =	stream.indirect.scatter.add.f32 [tilespmem:s2], [sflag:$0x3], $0x80, s13, s31, $0xb8;
	[tilespmem:$0x1E940] =	vst v63  }
0x29: {  	_ =	swait.ge [sflag:s29], $0x4000  }
0x2a: {  	[sflag:s29] =	ssyncset.done $0x0  }
0x2b: {  	[sflag:s29] =	ssyncadd.s32 $0xFFFFC000  }
0x2c: {  	s16 =	sadd.s32 s19, s18;
	[bflag:$0x0] =	sbarrier.arrive $0xFFFF  }
0x2d: {  	[hbm:s16], [sflag:s25] =	dma.local [spmem:s5], $0x800  }
0x2e: {  	_ =	swait.ge [sflag:s29], $0x800  }
0x2f: {  	[sflag:s29] =	ssyncset.done $0x0  }
0x30: {  	s17 =	sadd.s32 s20, s18;
	[sflag:s29] =	ssyncadd.s32 $0xFFFFF800  }
0x31: {  	[hbm:s17], [sflag:s25] =	dma.local [spmem:s10], $0x800  }
0x32: {  	_ =	swait.ge [sflag:s29], $0x800  }
0x33: {  	[sflag:s29] =	ssyncset.done $0x0  }
0x34: {  	s11 =	sadd.s32 s21, s18;
	[sflag:s29] =	ssyncadd.s32 $0xFFFFF800  }
0x35: {  	[hbm:s11], [sflag:s25] =	dma.local [spmem:s12], $0x800  }
0x36: {  	_ =	swait.ge [sflag:s29], $0x800  }
0x37: {  	[sflag:s29] =	ssyncset.done $0x0  }
0x38: {  	s13 =	sadd.s32 s15, s18;
	[sflag:s29] =	ssyncadd.s32 $0xFFFFF800  }
0x39: {  	[hbm:s13], [sflag:s25] =	dma.local [spmem:s14], $0x800  }
0x3a: {  	_ =	swait.ge [sflag:s29], $0x800  }
0x3b: {  	[sflag:s29] =	ssyncset.done $0x0  }
0x3c: {  	s16 =	sadd.s32 s22, s18;
	[sflag:s29] =	ssyncadd.s32 $0xFFFFF800  }
0x3d: {  	[hbm:s16], [sflag:s25] =	dma.local [spmem:s9], $0x800  }
0x3e: {  	_ =	swait.ge [sflag:s29], $0x800  }
0x3f: {  	s8 =	sadd.s32 $0x1, s8;
	s17 =	rddreg [dreg:$0xa]  }
0x40: {  	p1 =	sne.s32 s8, s17  }
.Ltmp1:
0x41: {  	_ = 	snop;
	(pc) =	sbr.rel @!p1 .LBB2_9-.Ltmp1, $3  }
0x42: {  	_ =	sdelay $0x1  }
0x43: {  	[sflag:s29] =	ssyncset.done $0x0  }
0x44: {  	[sflag:s29] =	ssyncadd.s32 $0xFFFFF800  }
.LBB2_1:
0x45: {  	s5 =	rddreg [dreg:$0x3]  }
0x46: {  	s9 =	rddreg [dreg:$0xb];
	s5 =	sshrl.u32 s5, $0x3  }
0x47: {  	[spmem:s5], [sflag:s25] =	dma.local [hbm:s9], $0x800  }
0x48: {  	_ =	swait.ge [sflag:s29], $0x800  }
0x49: {  	[sflag:s29] =	ssyncset.done $0x0;
	s10 =	rddreg [dreg:$0x4]  }
0x4a: {  	s11 =	rddreg [dreg:$0xc];
	[sflag:s29] =	ssyncadd.s32 $0xFFFFF800;
	s10 =	sshrl.u32 s10, $0x3  }
0x4b: {  	[spmem:s10], [sflag:s25] =	dma.local [hbm:s11], $0x800  }
0x4c: {  	_ =	swait.ge [sflag:s29], $0x800  }
0x4d: {  	[sflag:s29] =	ssyncset.done $0x0;
	s12 =	rddreg [dreg:$0x5]  }
0x4e: {  	s13 =	rddreg [dreg:$0xd];
	[sflag:s29] =	ssyncadd.s32 $0xFFFFF800;
	s12 =	sshrl.u32 s12, $0x3  }
0x4f: {  	[spmem:s12], [sflag:s25] =	dma.local [hbm:s13], $0x800  }
0x50: {  	_ =	swait.ge [sflag:s29], $0x800  }
0x51: {  	[sflag:s29] =	ssyncset.done $0x0;
	s14 =	rddreg [dreg:$0x6]  }
0x52: {  	[sflag:s29] =	ssyncadd.s32 $0xFFFFF800;
	s14 =	sshrl.u32 s14, $0x3  }
0x53: {  	[spmem:s14], [sflag:s25] =	dma.local [hbm:s23], $0x800  }
0x54: {  	_ =	swait.ge [sflag:s29], $0x800  }
0x55: {  	[sflag:s29] =	ssyncset.done $0x0;
	s16 =	rddreg [dreg:$0x7]  }
0x56: {  	[sflag:s29] =	ssyncadd.s32 $0xFFFFF800;
	s9 =	sshrl.u32 s16, $0x3  }
0x57: {  	[spmem:s9], [sflag:s25] =	dma.local [hbm:s24], $0x800  }
0x58: {  	_ =	swait.ge [sflag:s29], $0x800  }
0x59: {  	[sflag:s29] =	ssyncset.done $0x0  }
0x5a: {  	s13 =	simm.s32 $0x100;
	s11 =	rddreg [dreg:$0x8];
	[sflag:s29] =	ssyncadd.s32 $0xFFFFF800  }
0x5b: {  	[tilespmem:s13], [sflag:$0x3] =	stream.linear.gather [hbm4b:s11+s3], $0x2800, $0x38;
	[tilespmem:$0x1E940] =	vst v63  }
0x5c: {  	_ =	swait.ge [sflag:s29], $0x2800  }
0x5d: {  	[sflag:s29] =	ssyncset.done $0x0  }
0x5e: {  	[sflag:s29] =	ssyncadd.s32 $0xFFFFD800  }
0x5f: {  	[bflag:$0x0] =	sbarrier.arrive $0xFFFF  }
.Ltmp2:
0x60: {  	s17 =	rddreg [dreg:$0x9];
	(pc) =	sbr.rel @p0 .LBB2_5-.Ltmp2, $4  }
0x61: {  	[tilespmem:s3], [sflag:$0x3] =	stream.linear.gather [hbm4b:s17+s3], $0x80, $0x38;
	[tilespmem:$0x1E940] =	vst v63  }
0x62: {  	_ =	swait.ge [sflag:s29], $0x80  }
0x63: {  	[sflag:s29] =	ssyncset.done $0x0  }
0x64: {  	[sflag:s29] =	ssyncadd.s32 $0xFFFFFF80  }
0x65: {  	s16 =	simm.s32 $0x0  }
0x66: {  	[tilespmem:s0], [sflag:$0x1] =	stream.indirect.gather [hbm4b:s4+s31], $0x80, s16, s31, $0xb8;
	[tilespmem:$0x1E940] =	vst v63  }
0x67: {  	_ = 	snop  }
0x68: {  	[tilespmem:s31], [sflag:$0x3] =	stream.linear.gather [hbm4b:s26+s16], $0x80, $0x38;
	[tilespmem:$0x1E940] =	vst v63  }
0x69: {  	_ =	swait.ge [sflag:s29], $0x80  }
0x6a: {  	[sflag:s29] =	ssyncset.done $0x0  }
0x6b: {  	[sflag:s29] =	ssyncadd.s32 $0xFFFFFF80  }
0x6c: {  	[tilespmem:s2], [sflag:$0x2] =	stream.indirect.gather [hbm4b:s4+s31], $0x80, s31, s31, $0xb8;
	[tilespmem:$0x1E940] =	vst v63  }
0x6d: {  	_ =	swait.ge [sflag:s30], $0x4000  }
0x6e: {  	[sflag:s30] =	ssyncset.done $0x0  }
0x6f: {  	s11 =	simm.s32 $0x100;
	[sflag:s30] =	ssyncadd.s32 $0xFFFFC000  }
0x70: {  	[spmem:s1] =	stream.indirect.scatter.add.f32 [tilespmem:s0], [sflag:$0x3], $0x80, s11, s31, $0xb8;
	[tilespmem:$0x1E940] =	vst v63  }
0x71: {  	_ =	swait.ge [sflag:s29], $0x4000  }
0x72: {  	[sflag:s29] =	ssyncset.done $0x0  }
0x73: {  	s13 =	sadd.s32 $0xFFFFFFF0, s28;
	[sflag:s29] =	ssyncadd.s32 $0xFFFFC000  }
0x74: {  	[tilespmem:s3], [sflag:$0x3] =	stream.linear.gather [hbm4b:s13+s3], $0x80, $0x38;
	[tilespmem:$0x1E940] =	vst v63  }
0x75: {  	_ =	swait.ge [sflag:s29], $0x80  }
0x76: {  	[sflag:s29] =	ssyncset.done $0x0  }
0x77: {  	[sflag:s29] =	ssyncadd.s32 $0xFFFFFF80  }
0x78: {  	[tilespmem:s0], [sflag:$0x1] =	stream.indirect.gather [hbm4b:s4+s31], $0x80, s3, s31, $0xb8;
	[tilespmem:$0x1E940] =	vst v63  }
0x79: {  	_ =	swait.ge [sflag:s7], $0x4000  }
0x7a: {  	[sflag:s7] =	ssyncset.done $0x0  }
0x7b: {  	s17 =	simm.s32 $0x180;
	[sflag:s7] =	ssyncadd.s32 $0xFFFFC000  }
0x7c: {  	[spmem:s1] =	stream.indirect.scatter.add.f32 [tilespmem:s2], [sflag:$0x3], $0x80, s17, s31, $0xb8;
	[tilespmem:$0x1E940] =	vst v63  }
0x7d: {  	_ =	swait.ge [sflag:s29], $0x4000  }
0x7e: {  	[sflag:s29] =	ssyncset.done $0x0  }
0x7f: {  	[sflag:s29] =	ssyncadd.s32 $0xFFFFC000  }
0x80: {  	[tilespmem:s31], [sflag:$0x3] =	stream.linear.gather [hbm4b:s28+s3], $0x80, $0x38;
	[tilespmem:$0x1E940] =	vst v63  }
0x81: {  	_ =	swait.ge [sflag:s29], $0x80  }
0x82: {  	[sflag:s29] =	ssyncset.done $0x0  }
0x83: {  	s16 =	simm.s32 $0x400;
	s17 =	sadd.s32 $0x20, s28;
	[sflag:s29] =	ssyncadd.s32 $0xFFFFFF80  }
.LBB2_3:
0x84: {  	[tilespmem:s2], [sflag:$0x2] =	stream.indirect.gather [hbm4b:s4+s31], $0x80, s31, s31, $0xb8;
	[tilespmem:$0x1E940] =	vst v63  }
0x85: {  	s11 =	smov.u32 s16  }
0x86: {  	p1 =	seq.s32 s16, $0x9800;
	s16 =	sadd.s32 $0x400, s16;
	_ =	swait.ge [sflag:s30], $0x4000  }
0x87: {  	s11 =	sshra.s32 s11, $0x2;
	[sflag:s30] =	ssyncset.done $0x0  }
0x88: {  	s13 =	sadd.s32 $0x100, s11;
	[sflag:s30] =	ssyncadd.s32 $0xFFFFC000  }
0x89: {  	[spmem:s1] =	stream.indirect.scatter.add.f32 [tilespmem:s0], [sflag:$0x3], $0x80, s13, s31, $0xb8;
	[tilespmem:$0x1E940] =	vst v63  }
0x8a: {  	_ =	swait.ge [sflag:s29], $0x4000  }
0x8b: {  	[sflag:s29] =	ssyncset.done $0x0  }
0x8c: {  	s13 =	sadd.s32 $0xFFFFFFF0, s17;
	[sflag:s29] =	ssyncadd.s32 $0xFFFFC000  }
0x8d: {  	[tilespmem:s3], [sflag:$0x3] =	stream.linear.gather [hbm4b:s13+s3], $0x80, $0x38;
	[tilespmem:$0x1E940] =	vst v63  }
0x8e: {  	_ =	swait.ge [sflag:s29], $0x80  }
0x8f: {  	[sflag:s29] =	ssyncset.done $0x0  }
0x90: {  	[sflag:s29] =	ssyncadd.s32 $0xFFFFFF80  }
0x91: {  	[tilespmem:s0], [sflag:$0x1] =	stream.indirect.gather [hbm4b:s4+s31], $0x80, s3, s31, $0xb8;
	[tilespmem:$0x1E940] =	vst v63  }
0x92: {  	_ =	swait.ge [sflag:s7], $0x4000  }
0x93: {  	[sflag:s7] =	ssyncset.done $0x0  }
0x94: {  	s11 =	sadd.s32 $0x180, s11;
	[sflag:s7] =	ssyncadd.s32 $0xFFFFC000  }
0x95: {  	[spmem:s1] =	stream.indirect.scatter.add.f32 [tilespmem:s2], [sflag:$0x3], $0x80, s11, s31, $0xb8;
	[tilespmem:$0x1E940] =	vst v63  }
0x96: {  	_ =	swait.ge [sflag:s29], $0x4000  }
0x97: {  	[sflag:s29] =	ssyncset.done $0x0  }
.Ltmp3:
0x98: {  	[sflag:s29] =	ssyncadd.s32 $0xFFFFC000;
	(pc) =	sbr.rel @!p1 .LBB2_3-.Ltmp3, $4  }
0x99: {  	[tilespmem:s31], [sflag:$0x3] =	stream.linear.gather [hbm4b:s17+s3], $0x80, $0x38;
	[tilespmem:$0x1E940] =	vst v63  }
0x9a: {  	_ =	swait.ge [sflag:s29], $0x80  }
0x9b: {  	[sflag:s29] =	ssyncset.done $0x0  }
0x9c: {  	s17 =	sadd.s32 $0x20, s17;
	[sflag:s29] =	ssyncadd.s32 $0xFFFFFF80  }
.Ltmp4:
0x9d: {  	(pc) =	sbr.rel .LBB2_8-.Ltmp4, $2  }
0x9e: {  	_ =	sdelay $0x2  }
0x9f: {  	[tilespmem:s2], [sflag:$0x2] =	stream.indirect.gather [hbm4b:s4+s31], $0x80, s31, s31, $0xb8;
	[tilespmem:$0x1E940] =	vst v63  }
.LBB2_5:
0xa0: {  	s11 =	simm.s32 $0x0  }
0xa1: {  	[tilespmem:s0], [sflag:$0x1] =	stream.indirect.gather [hbm4b:s6+s31], $0x80, s11, s31, $0xb8;
	[tilespmem:$0x1E940] =	vst v63  }
0xa2: {  	_ = 	snop  }
0xa3: {  	[tilespmem:s31], [sflag:$0x3] =	stream.linear.gather [hbm4b:s26+s11], $0x80, $0x38;
	[tilespmem:$0x1E940] =	vst v63  }
0xa4: {  	_ =	swait.ge [sflag:s29], $0x80  }
0xa5: {  	[sflag:s29] =	ssyncset.done $0x0  }
0xa6: {  	[sflag:s29] =	ssyncadd.s32 $0xFFFFFF80  }
0xa7: {  	[tilespmem:s2], [sflag:$0x2] =	stream.indirect.gather [hbm4b:s6+s31], $0x80, s31, s31, $0xb8;
	[tilespmem:$0x1E940] =	vst v63  }
0xa8: {  	_ =	swait.ge [sflag:s30], $0x4000  }
0xa9: {  	[sflag:s30] =	ssyncset.done $0x0  }
0xaa: {  	s13 =	simm.s32 $0x100;
	[sflag:s30] =	ssyncadd.s32 $0xFFFFC000  }
0xab: {  	[spmem:s1] =	stream.indirect.scatter.add.f32 [tilespmem:s0], [sflag:$0x3], $0x80, s13, s31, $0xb8;
	[tilespmem:$0x1E940] =	vst v63  }
0xac: {  	_ =	swait.ge [sflag:s29], $0x4000  }
0xad: {  	[sflag:s29] =	ssyncset.done $0x0  }
0xae: {  	s16 =	sadd.s32 $0xFFFFFFF0, s28;
	[sflag:s29] =	ssyncadd.s32 $0xFFFFC000  }
0xaf: {  	[tilespmem:s3], [sflag:$0x3] =	stream.linear.gather [hbm4b:s16+s3], $0x80, $0x38;
	[tilespmem:$0x1E940] =	vst v63  }
0xb0: {  	_ =	swait.ge [sflag:s29], $0x80  }
0xb1: {  	[sflag:s29] =	ssyncset.done $0x0  }
0xb2: {  	[sflag:s29] =	ssyncadd.s32 $0xFFFFFF80  }
0xb3: {  	[tilespmem:s0], [sflag:$0x1] =	stream.indirect.gather [hbm4b:s6+s31], $0x80, s3, s31, $0xb8;
	[tilespmem:$0x1E940] =	vst v63  }
0xb4: {  	_ =	swait.ge [sflag:s7], $0x4000  }
0xb5: {  	[sflag:s7] =	ssyncset.done $0x0  }
0xb6: {  	s17 =	simm.s32 $0x180;
	[sflag:s7] =	ssyncadd.s32 $0xFFFFC000  }
0xb7: {  	[spmem:s1] =	stream.indirect.scatter.add.f32 [tilespmem:s2], [sflag:$0x3], $0x80, s17, s31, $0xb8;
	[tilespmem:$0x1E940] =	vst v63  }
0xb8: {  	_ =	swait.ge [sflag:s29], $0x4000  }
0xb9: {  	[sflag:s29] =	ssyncset.done $0x0  }
0xba: {  	[sflag:s29] =	ssyncadd.s32 $0xFFFFC000  }
0xbb: {  	[tilespmem:s31], [sflag:$0x3] =	stream.linear.gather [hbm4b:s28+s3], $0x80, $0x38;
	[tilespmem:$0x1E940] =	vst v63  }
0xbc: {  	_ =	swait.ge [sflag:s29], $0x80  }
0xbd: {  	[sflag:s29] =	ssyncset.done $0x0  }
0xbe: {  	s16 =	simm.s32 $0x400;
	s17 =	sadd.s32 $0x20, s28;
	[sflag:s29] =	ssyncadd.s32 $0xFFFFFF80  }
.LBB2_6:
0xbf: {  	[tilespmem:s2], [sflag:$0x2] =	stream.indirect.gather [hbm4b:s6+s31], $0x80, s31, s31, $0xb8;
	[tilespmem:$0x1E940] =	vst v63  }
0xc0: {  	s11 =	smov.u32 s16  }
0xc1: {  	p1 =	sne.s32 s16, $0x9800;
	s16 =	sadd.s32 $0x400, s16;
	_ =	swait.ge [sflag:s30], $0x4000  }
0xc2: {  	s11 =	sshra.s32 s11, $0x2;
	[sflag:s30] =	ssyncset.done $0x0  }
0xc3: {  	s13 =	sadd.s32 $0x100, s11;
	[sflag:s30] =	ssyncadd.s32 $0xFFFFC000  }
0xc4: {  	[spmem:s1] =	stream.indirect.scatter.add.f32 [tilespmem:s0], [sflag:$0x3], $0x80, s13, s31, $0xb8;
	[tilespmem:$0x1E940] =	vst v63  }
0xc5: {  	_ =	swait.ge [sflag:s29], $0x4000  }
0xc6: {  	[sflag:s29] =	ssyncset.done $0x0  }
0xc7: {  	s13 =	sadd.s32 $0xFFFFFFF0, s17;
	[sflag:s29] =	ssyncadd.s32 $0xFFFFC000  }
0xc8: {  	[tilespmem:s3], [sflag:$0x3] =	stream.linear.gather [hbm4b:s13+s3], $0x80, $0x38;
	[tilespmem:$0x1E940] =	vst v63  }
0xc9: {  	_ =	swait.ge [sflag:s29], $0x80  }
0xca: {  	[sflag:s29] =	ssyncset.done $0x0  }
0xcb: {  	[sflag:s29] =	ssyncadd.s32 $0xFFFFFF80  }
0xcc: {  	[tilespmem:s0], [sflag:$0x1] =	stream.indirect.gather [hbm4b:s6+s31], $0x80, s3, s31, $0xb8;
	[tilespmem:$0x1E940] =	vst v63  }
0xcd: {  	_ =	swait.ge [sflag:s7], $0x4000  }
0xce: {  	[sflag:s7] =	ssyncset.done $0x0  }
0xcf: {  	s11 =	sadd.s32 $0x180, s11;
	[sflag:s7] =	ssyncadd.s32 $0xFFFFC000  }
0xd0: {  	[spmem:s1] =	stream.indirect.scatter.add.f32 [tilespmem:s2], [sflag:$0x3], $0x80, s11, s31, $0xb8;
	[tilespmem:$0x1E940] =	vst v63  }
0xd1: {  	_ =	swait.ge [sflag:s29], $0x4000  }
0xd2: {  	[sflag:s29] =	ssyncset.done $0x0  }
.Ltmp5:
0xd3: {  	[sflag:s29] =	ssyncadd.s32 $0xFFFFC000;
	(pc) =	sbr.rel @p1 .LBB2_6-.Ltmp5, $4  }
0xd4: {  	[tilespmem:s31], [sflag:$0x3] =	stream.linear.gather [hbm4b:s17+s3], $0x80, $0x38;
	[tilespmem:$0x1E940] =	vst v63  }
0xd5: {  	_ =	swait.ge [sflag:s29], $0x80  }
0xd6: {  	[sflag:s29] =	ssyncset.done $0x0  }
0xd7: {  	s17 =	sadd.s32 $0x20, s17;
	[sflag:s29] =	ssyncadd.s32 $0xFFFFFF80  }
.Ltmp6:
0xd8: {  	_ = 	snop;
	(pc) =	sbr.rel .LBB2_7-.Ltmp6, $1  }
0xd9: {  	_ =	sdelay $0x3  }
.LBB2_9:
0xda: {  	_ =	sfence.sel $0x180000  }
0xdb: {  	[bflag:$0x0] =	sbarrier.arrive $0xFFFF  }
0xdc: {  	_ =	strace $0x9000004D  }
0xdd: {  	s0 =	stileid.u32;
	[bflag:$0x2] =	sbarrier.arrive $0xFFFF  }
0xde: {  	p0 =	sne.s32 s0, $0x0;
	s0 =	rddreg [dreg:$0x2]  }
0xdf: {  	s0 =	sadd.s32 @!p0 $0x100000, s0  }
0xe0: {  	[sflag:s0] =	ssyncadd.tile.s32 @!p0 $0x1;
	_ =	shalt  }
.Lfunc_end2:
_tile_overlayer_lowered:
.L_overlay_start_2:
0xe1: {  	(tag) =	ssettag $0x2  }
0xe2: {  	s0 =	rddreg [dreg:$0x0];
	s2 =	stileid.u32  }
0xe3: {  	s1 =	rddreg [dreg:$0x1];
	p0 =	sne.s32 s2, $0x0  }
0xe4: {  	s3 =	rddreg [dreg:$0x2];
	[bflag:$0x3] =	sbarrier.arrive $0xFFFF;
	s2 =	simm.s32 @!p0 $0x1C03  }
0xe5: {  	[timem:s3], [sflag:s2] =	dma.local @!p0 [hbm:s0], s1  }
0xe6: {  	s0 =	simm.s32 @!p0 $0x3  }
0xe7: {  	_ =	swait.ge @!p0 [sflag:s0], s1  }
0xe8: {  	s1 =	ssub.s32 @!p0 $0x0, s1;
	[sflag:s0] =	ssyncset.done @!p0 $0x0  }
0xe9: {  	[sflag:s0] =	ssyncadd.s32 @!p0 s1  }
0xea: {  	[bflag:$0x3] =	sbarrier.arrive $0xFFFF  }
0xeb: {  	_ =	shalt  }

// kernel: kernel.19.cloned.1.call-start
scs
__scs_entry_jumppad:
0x0: {  	(pc) =	sbr.rel $0x88, $3  }
0x1: {  	(tag) =	ssettag $0x0;
	lr =	simm.s32 $0x1  }
0x2: {  	[smem:$0x3F92] =	sst lr;
	_ =	strace $0xD0000000  }
0x3: {  	_ = 	snop  }
0x4: {  	_ = 	snop  }
0x5: {  	_ = 	snop  }
0x6: {  	_ = 	snop  }
0x7: {  	_ = 	snop  }
__scs_overlays_trampoline_lowered:
0x8: {  	[smem:$0x3FA1] =	sst s0  }
0x9: {  	[smem:$0x3FA2] =	sst s1  }
0xa: {  	[smem:$0x3FA3] =	sst s2  }
0xb: {  	[smem:$0x3FA4] =	sst s3  }
0xc: {  	[smem:$0x3FA5] =	sst s4  }
0xd: {  	[smem:$0x3FA6] =	sst s5  }
0xe: {  	[smem:$0x3FA7] =	sst s6  }
0xf: {  	[smem:$0x3FA8] =	sst s7  }
0x10: {  	[smem:$0x3FA9] =	sst s8  }
0x11: {  	[smem:$0x3FAA] =	sst s9;
	s0 =	simm.s32 @!p0 $0x0  }
0x12: {  	s1 =	sld [smem:$0x3F90];
	s0 =	simm.s32 @p0 $0x1  }
0x13: {  	[smem:$0x3FAB] =	sst s0;
	s0 =	simm.s32 @!p1 $0x0  }
0x14: {  	s2 =	sld [smem:$0x3F8F];
	s0 =	simm.s32 @p1 $0x1  }
0x15: {  	[smem:$0x3FAC] =	sst s0;
	s0 =	simm.s32 @!p2 $0x0  }
0x16: {  	s3 =	sld [smem:$0x3FDB];
	s0 =	simm.s32 @p2 $0x1  }
0x17: {  	s4 =	simm.s32 $0x1BF5;
	[smem:$0x3FAE] =	sst s0  }
0x18: {  	s0 =	sld [smem:$0x3F91];
	_ =	swait.ge [sflag:s4], $0x0  }
0x19: {  	s7 =	sld [smem:$0x3F92]  }
0x1a: {  	s8 =	sadd.s32 $0xFFFFE003, lr  }
0x1b: {  	s9 =	sadd.s32 $0xFFFFFEF7, lr;
	s5 =	simm.s32 $0xFFFFFFFF;
	p2 =	slt.u32 s8, $0xFFFFF086  }
0x1c: {  	p1 =	slt.u32 s9, $0xF7A;
	s5 =	simm.s32 @!p2 $0x0  }
0x1d: {  	s5 =	simm.s32 @p1 $0x1;
	p0 =	seq.s32 s7, s2  }
0x1e: {  	s7 =	smul.u32 @!p0 $0xF7A, s2;
	p2 =	seq.s32 @!p0 s5, $0x0  }
0x1f: {  	s9 =	smul.u32 $0xF7A, s1;
	s8 =	simm.s32 @!p0 $0x1BF5;
	p2 =	por !p2, p0  }
0x20: {  	[sflag:s8] =	ssyncset.s32 @!p0 $0xFFFFF086;
	s6 =	sadd.s32 @!p0 s3, s7;
	s7 =	simm.s32 @!p0 $0x108  }
0x21: {  	s3 =	sadd.s32 s3, s9;
	s6 =	sadd.s32 @!p0 $0x88, s6;
	s7 =	simm.s32 @p2 $0x1082  }
0x22: {  	[simem:s7], [sflag:s8] =	dma.local @!p0 [hbm:s6], $0xF7A  }
0x23: {  	s9 =	sor.u32 $0xD0000000, s2;
	s6 =	simm.s32 $0x108;
	_ =	swait.ge @!p0 [sflag:s8], $0x0  }
0x24: {  	s3 =	sadd.s32 $0x88, s3;
	s6 =	simm.s32 @!p1 $0x1082;
	[sflag:s4] =	ssyncset.s32 $0xFFFFF086  }
0x25: {  	[simem:s6], [sflag:s4] =	dma.local [hbm:s3], $0xF7A  }
0x26: {  	[smem:$0x3F92] =	sst s1;
	(tag) =	ssettag s2;
	_ =	strace s9  }
0x27: {  	s1 =	sld [smem:$0x3FA2]  }
0x28: {  	s2 =	sld [smem:$0x3FA3]  }
0x29: {  	s4 =	sld [smem:$0x3FA5]  }
0x2a: {  	p0 =	seq.s32 s5, $0x0;
	s5 =	sld [smem:$0x3FA6]  }
0x2b: {  	s6 =	sld [smem:$0x3FA7]  }
0x2c: {  	s7 =	sld [smem:$0x3FA8]  }
0x2d: {  	s3 =	simm.s32 $0x108;
	s8 =	sld [smem:$0x3FA9]  }
0x2e: {  	s3 =	simm.s32 @!p0 $0x1082;
	s9 =	sld [smem:$0x3FAA]  }
0x2f: {  	lr =	sadd.s32 s0, s3;
	s0 =	sld [smem:$0x3FA1]  }
0x30: {  	s3 =	sld [smem:$0x3FA4]  }
0x31: {  	[smem:$0x3FAD] =	sst s10  }
0x32: {  	s10 =	sld [smem:$0x3FAB];
	_ =	sdelay $0x3  }
0x33: {  	p0 =	seq.s32 s10, $0x1;
	s10 =	sld [smem:$0x3FAD];
	_ =	sdelay $0x3  }
0x34: {  	[smem:$0x3FAD] =	sst s10  }
0x35: {  	s10 =	sld [smem:$0x3FAC];
	_ =	sdelay $0x3  }
0x36: {  	p1 =	seq.s32 s10, $0x1;
	s10 =	sld [smem:$0x3FAD];
	_ =	sdelay $0x3  }
0x37: {  	[smem:$0x3FAD] =	sst s10  }
0x38: {  	s10 =	sld [smem:$0x3FAE]  }
0x39: {  	_ = 	snop;
	(pc) =	sbr.ind lr, $3  }
0x3a: {  	_ = 	snop  }
0x3b: {  	_ = 	snop  }
0x3c: {  	p2 =	seq.s32 s10, $0x1;
	s10 =	sld [smem:$0x3FAD]  }
0x3d: {  	_ =	shalt  }
0x3e: {  	_ =	shalt  }
0x3f: {  	_ =	shalt  }
0x40: {  	_ =	shalt  }
0x41: {  	_ =	shalt  }
0x42: {  	_ =	shalt  }
0x43: {  	_ =	shalt  }
0x44: {  	_ =	shalt  }
0x45: {  	_ =	shalt  }
0x46: {  	_ =	shalt  }
0x47: {  	_ =	shalt  }
0x48: {  	_ =	shalt  }
0x49: {  	_ =	shalt  }
0x4a: {  	_ =	shalt  }
0x4b: {  	_ =	shalt  }
0x4c: {  	_ =	shalt  }
0x4d: {  	_ =	shalt  }
0x4e: {  	_ =	shalt  }
0x4f: {  	_ =	shalt  }
0x50: {  	_ =	shalt  }
0x51: {  	_ =	shalt  }
0x52: {  	_ =	shalt  }
0x53: {  	_ =	shalt  }
0x54: {  	_ =	shalt  }
0x55: {  	_ =	shalt  }
0x56: {  	_ =	shalt  }
0x57: {  	_ =	shalt  }
0x58: {  	_ =	shalt  }
0x59: {  	_ =	shalt  }
0x5a: {  	_ =	shalt  }
0x5b: {  	_ =	shalt  }
0x5c: {  	_ =	shalt  }
0x5d: {  	_ =	shalt  }
0x5e: {  	_ =	shalt  }
0x5f: {  	_ =	shalt  }
0x60: {  	_ =	shalt  }
0x61: {  	_ =	shalt  }
0x62: {  	_ =	shalt  }
0x63: {  	_ =	shalt  }
0x64: {  	_ =	shalt  }
0x65: {  	_ =	shalt  }
0x66: {  	_ =	shalt  }
0x67: {  	_ =	shalt  }
0x68: {  	_ =	shalt  }
0x69: {  	_ =	shalt  }
0x6a: {  	_ =	shalt  }
0x6b: {  	_ =	shalt  }
0x6c: {  	_ =	shalt  }
0x6d: {  	_ =	shalt  }
0x6e: {  	_ =	shalt  }
0x6f: {  	_ =	shalt  }
0x70: {  	_ =	shalt  }
0x71: {  	_ =	shalt  }
0x72: {  	_ =	shalt  }
0x73: {  	_ =	shalt  }
0x74: {  	_ =	shalt  }
0x75: {  	_ =	shalt  }
0x76: {  	_ =	shalt  }
0x77: {  	_ =	shalt  }
0x78: {  	_ =	shalt  }
0x79: {  	_ =	shalt  }
0x7a: {  	_ =	shalt  }
0x7b: {  	_ =	shalt  }
0x7c: {  	_ =	shalt  }
0x7d: {  	_ =	shalt  }
0x7e: {  	_ =	shalt  }
0x7f: {  	_ =	shalt  }
0x80: {  	_ =	shalt  }
0x81: {  	_ =	shalt  }
0x82: {  	_ =	shalt  }
0x83: {  	_ =	shalt  }
0x84: {  	_ =	shalt  }
0x85: {  	_ =	shalt  }
0x86: {  	_ =	shalt  }
0x87: {  	_ =	shalt  }
.Lfunc_end0:
.L_simem_size_0:
called_computation.3_lowered:
.L_overlay_start_0:
0x88: {  	s2 =	sld [smem:$0x3FD9]  }
0x89: {  	s3 =	sld [smem:$0x3FFE];
	_ =	sdelay $0x1  }
0x8a: {  	s1 =	srdreg.scid  }
0x8b: {  	s0 =	sand.u32 $0x1, s1  }
0x8c: {  	s17 =	sshll.u32 s0, $0xA;
	s2 =	sadd.s32 s3, s2  }
0x8d: {  	s2 =	sadd.s32 s2, s17  }
0x8e: {  	[smem:$0x3FB9] =	sst s2  }
0x8f: {  	_ = 	snop  }
0x90: {  	s2 =	sld [smem:$0x3FD0];
	(tm) =	ssettm $0x1  }
0x91: {  	s18 =	sld [smem:$0x3FFB];
	_ =	sdelay $0x3  }
0x92: {  	_ =	strace s18  }
0x93: {  	s3 =	sld [smem:$0x3FFC];
	_ =	sdelay $0x3  }
0x94: {  	_ =	strace s3  }
0x95: {  	s3 =	sld [smem:$0x3FFD];
	_ =	sdelay $0x3  }
0x96: {  	_ =	strace s3  }
0x97: {  	_ =	strace $0x8FFFFFFF  }
0x98: {  	s19 =	sld [smem:$0x3FDB];
	_ =	sdelay $0x1  }
0x99: {  	s4 =	simm.s32 $_scs_section_size  }
0x9a: {  	s5 =	simm.s32 $_size__tile_overlayer_lowered;
	s6 =	simm.s32 $_tile_overlayer_lowered  }
0x9b: {  	s22 =	simm.s32 $0x1BFF;
	s21 =	sshll.u32 s6, $0x1;
	s3 =	sadd.s32 s4, s19  }
0x9c: {  	s7 =	simm.s32 $0x0;
	s20 =	sshll.u32 s5, $0x1;
	s5 =	sadd.s32 s21, s3  }
0x9d: {  	[timem:s7], [sflag:s22] =	dma.local [hbm:s5], s20  }
0x9e: {  	_ =	swait.ge [sflag:s22], s20  }
0x9f: {  	s4 =	ssub.s32 $0x0, s20;
	[sflag:s22] =	ssyncset.done $0x0  }
0xa0: {  	[sflag:s22] =	ssyncadd.s32 s4;
	_ =	sdelay $0x1  }
0xa1: {  	s23 =	simm.s32 $0x1B8B  }
0xa2: {  	_ =	swait.ge [sflag:s23], $0x1  }
0xa3: {  	[sflag:s23] =	ssyncset.done $0x0  }
0xa4: {  	s25 =	simm.s32 $0x1B8E;
	s24 =	sld [smem:$0x3FFE];
	[sflag:s23] =	ssyncadd.s32 $0xFFFFFFFF  }
0xa5: {  	s26 =	simm.s32 $execute0_lowered;
	[smem:$0x3FD2] =	sst s25  }
0xa6: {  	s5 =	sshll.u32 s26, $0x1;
	_ =	strace $0x8000004F;
	[dreg:$0x1] =	wrdreg $0xFFFFFFFF  }
0xa7: {  	s28 =	simm.s32 $_size_execute0_lowered;
	s3 =	sadd.s32 s3, s5;
	[dreg:$0x0] =	wrdreg $0x0  }
0xa8: {  	s5 =	sshll.u32 s28, $0x1;
	[dreg:$0x2] =	wrdreg s3  }
0xa9: {  	[dreg:$0x3] =	wrdreg s5  }
0xaa: {  	[dreg:$0x4] =	wrdreg $0xC0  }
0xab: {  	_ =	task [dreg:s7], $0x5FFFF  }
0xac: {  	[dreg:$0x1] =	wrdreg $0xFFFFFFFF  }
0xad: {  	[dreg:$0x0] =	wrdreg $0x60  }
0xae: {  	[dreg:$0x2] =	wrdreg s24  }
0xaf: {  	[dreg:$0x3] =	wrdreg s2  }
0xb0: {  	[dreg:$0x4] =	wrdreg $0x84000  }
0xb1: {  	[dreg:$0x5] =	wrdreg $0x88400  }
0xb2: {  	[dreg:$0x6] =	wrdreg $0x9  }
0xb3: {  	_ =	task.clear_ibuf [dreg:s7], $0x7FFFF;
	_ =	strace $0x9000004F  }
0xb4: {  	s29 =	simm.s32 $0x9;
	_ =	strace $0x80000051  }
0xb5: {  	_ =	swait.ge [sflag:s29], $0x1  }
0xb6: {  	[sflag:s29] =	ssyncadd.s32 $0xFFFFFFFF  }
0xb7: {  	_ =	strace $0x90000051  }
0xb8: {  	_ =	sfence  }
0xb9: {  	s30 =	sld [smem:$0x0];
	_ =	sdelay $0x2  }
0xba: {  	s31 =	sshll.u32 s1, $0xD;
	s1 =	sshrl.u32 s1, $0x2  }
0xbb: {  	s3 =	sand.u32 $0x4000, s31;
	s1 =	sadd.s32 s1, s30  }
0xbc: {  	s0 =	sor.u32 s3, s0;
	s1 =	sshll.u32 s1, $0x11  }
0xbd: {  	s0 =	sor.u32 s1, s0  }
0xbe: {  	s0 =	sadd.s32 $0x8F2B, s0  }
0xbf: {  	[sflag:s0] =	ssyncadd.remote.s32 $0x1  }
0xc0: {  	_ =	sfence.sel $0xFFFF  }
0xc1: {  	[dreg:$0x0] =	wrdreg $0xFFFFFFFF;
	(pc) =	sbr.abs _section_cstart, $3  }
0xc2: {  	[dreg:$0x1] =	wrdreg $0xFFFFFFFF  }
0xc3: {  	_ =	task.clear_ibuf [dreg:s7], $0x2FFFF;
	_ =	strace $0x9FFFFFFF  }
0xc4: {  	(tm) =	ssettm $0x7FFFFFFF  }
0xc5: {  	_ =	shalt  }
tec
execute0_lowered:
.L_overlay_start_1:
0x0: {  	(tag) =	ssettag $0x1  }
0x1: {  	s5 =	rddreg [dreg:$0x0]  }
0x2: {  	s6 =	rddreg [dreg:$0x1]  }
0x3: {  	s2 =	rddreg [dreg:$0x2]  }
0x4: {  	s1 =	rddreg [dreg:$0x3]  }
0x5: {  	s0 =	rddreg [dreg:$0x4];
	s4 =	simm.s32 $0x0;
	s7 =	srdreg.scid  }
0x6: {  	s3 =	stileid.u32;
	s13 =	simm.s32 $0x400;
	s18 =	simm.s32 $0x100  }
0x7: {  	s16 =	simm.s32 $0x180;
	p2 =	por $0x0, $0x0;
	[smem:$0x7FF] =	sst s4  }
0x8: {  	s20 =	sadd.s32 $0x54A00, s5;
	s7 =	sand.u32 $0x1, s7;
	s8 =	sadd.s32 $0x55400, s5  }
0x9: {  	s11 =	sshll.u32 s3, $0x7;
	s29 =	sshll.u32 s3, $0xA;
	s12 =	smul.u32 $0x2800, s3  }
0xa: {  	_ =	strace $0x80000050;
	s9 =	ssub.s32 $0x2, s7;
	[dreg:$0x5] =	wrdreg s8  }
0xb: {  	s24 =	sadd.s32 s11, s5;
	s26 =	sshll.u32 s7, $0xB;
	p0 =	seq.s32 s7, $0x0  }
0xc: {  	s25 =	sadd.s32 s29, s2;
	p1 =	sne.s32 s7, $0x0;
	s10 =	sshrl.u32 s9, $0x1  }
0xd: {  	s21 =	sadd.s32 $0xAEA00, s24;
	s14 =	sadd.s32 s6, s26;
	s9 =	ssub.s32 s9, s10  }
0xe: {  	s6 =	simm.s32 $0x4A00;
	s26 =	sadd.s32 s29, s1;
	s31 =	smax.u32 s9, $0x1  }
0xf: {  	s6 =	simm.s32 @!p0 $0x2CA00;
	p0 =	sne.s32 s3, $0x0;
	s30 =	sadd.s32 $0xFFFFFFFF, s31  }
0x10: {  	s10 =	simm.s32 $0x80;
	s7 =	sadd.s32 s11, s14;
	p3 =	sne.s32 s30, $0x0  }
.Ltmp0:
0x11: {  	s14 =	simm.s32 $0x200;
	s11 =	sshrl.u32 s25, $0x3;
	(pc) =	sbr.rel @!p3 .LBB2_3-.Ltmp0, $4  }
0x12: {  	s8 =	sshrl.u32 @!p1 s26, $0x3;
	s6 =	sadd.s32 s6, s5;
	s5 =	sadd.s32 $0x55C00, s24  }
0x13: {  	s24 =	sshrl.u32 @!p0 s2, $0x3;
	s23 =	sshrl.u32 @!p0 s1, $0x3;
	s22 =	sadd.s32 s6, s12  }
0x14: {  	s9 =	simm.s32 $0x4400;
	s6 =	simm.s32 $0x1;
	s19 =	sadd.s32 $0x800, s22  }
0x15: {  	s17 =	sadd.s32 $0x1000, s22;
	s15 =	sadd.s32 $0x1800, s22;
	s12 =	sadd.s32 $0x2000, s22  }
0x16: {  	s25 =	simm.s32 @!p0 $0x1C01;
	s26 =	simm.s32 @!p0 $0x1  }
0x17: {  	[spmem:s24], [sflag:s25] =	dma.local @!p0 [hbm:s20], $0x880  }
0x18: {  	_ =	swait.ge @!p0 [sflag:s26], $0x880  }
0x19: {  	[sflag:s26] =	ssyncset.done @!p0 $0x0  }
0x1a: {  	[sflag:s26] =	ssyncadd.s32 @!p0 $0xFFFFF780  }
0x1b: {  	[spmem:s23], [sflag:s25] =	dma.local @!p0 [hbm:s20], $0x880  }
0x1c: {  	_ =	swait.ge @!p0 [sflag:s26], $0x880  }
0x1d: {  	[sflag:s26] =	ssyncset.done @!p0 $0x0  }
0x1e: {  	[sflag:s26] =	ssyncadd.s32 @!p0 $0xFFFFF780  }
0x1f: {  	[tilespmem:s4], [sflag:$0x1] =	stream.linear.gather [hbm4b:s21+s4], $0x280, $0x38;
	[tilespmem:$0x8C80] =	vst v63  }
0x20: {  	_ =	swait.ge [sflag:s6], $0x280  }
0x21: {  	[sflag:s6] =	ssyncset.done $0x0  }
0x22: {  	s28 =	rddreg [dreg:$0x5];
	[sflag:s6] =	ssyncadd.s32 $0xFFFFFD80  }
0x23: {  	[tilespmem:s9], [sflag:$0x1] =	stream.linear.gather [hbm4b:s28+s4], $0x4000, $0x38;
	[tilespmem:$0x8C80] =	vst v63  }
0x24: {  	_ =	swait.ge [sflag:s6], $0x4000  }
0x25: {  	[sflag:s6] =	ssyncset.done $0x0  }
0x26: {  	[sflag:s6] =	ssyncadd.s32 $0xFFFFC000  }
0x27: {  	[bflag:$0x0] =	sbarrier.arrive $0xFFFF  }
0x28: {  	[tilespmem:s13], [sflag:$0x1] =	stream.linear.gather [hbm4b:s22+s4], $0x4000, $0x38;
	[tilespmem:$0x8C80] =	vst v63  }
0x29: {  	_ =	swait.ge [sflag:s6], $0x4000  }
0x2a: {  	[sflag:s6] =	ssyncset.done $0x0  }
0x2b: {  	[sflag:s6] =	ssyncadd.s32 $0xFFFFC000  }
0x2c: {  	[spmem:s2] =	stream.indirect.scatter.add.f32 [tilespmem:s13], [sflag:$0x1], $0x80, s4, s10, $0xb8;
	[tilespmem:$0x8C80] =	vst v63  }
0x2d: {  	_ =	swait.ge [sflag:s6], $0x4000  }
0x2e: {  	[sflag:s6] =	ssyncset.done $0x0  }
0x2f: {  	[sflag:s6] =	ssyncadd.s32 $0xFFFFC000  }
0x30: {  	[spmem:s1] =	stream.indirect.scatter.add.f32 [tilespmem:s9], [sflag:$0x1], $0x80, s4, s10, $0xb8;
	[tilespmem:$0x8C80] =	vst v63  }
0x31: {  	_ =	swait.ge [sflag:s6], $0x4000  }
0x32: {  	[sflag:s6] =	ssyncset.done $0x0  }
0x33: {  	[sflag:s6] =	ssyncadd.s32 $0xFFFFC000  }
0x34: {  	[tilespmem:s13], [sflag:$0x1] =	stream.linear.gather [hbm4b:s19+s4], $0x4000, $0x38;
	[tilespmem:$0x8C80] =	vst v63  }
0x35: {  	_ =	swait.ge [sflag:s6], $0x4000  }
0x36: {  	[sflag:s6] =	ssyncset.done $0x0  }
0x37: {  	[sflag:s6] =	ssyncadd.s32 $0xFFFFC000  }
0x38: {  	[spmem:s2] =	stream.indirect.scatter.add.f32 [tilespmem:s13], [sflag:$0x1], $0x80, s10, s10, $0xb8;
	[tilespmem:$0x8C80] =	vst v63  }
0x39: {  	_ =	swait.ge [sflag:s6], $0x4000  }
0x3a: {  	[sflag:s6] =	ssyncset.done $0x0  }
0x3b: {  	[sflag:s6] =	ssyncadd.s32 $0xFFFFC000  }
0x3c: {  	[spmem:s1] =	stream.indirect.scatter.add.f32 [tilespmem:s9], [sflag:$0x1], $0x80, s10, s10, $0xb8;
	[tilespmem:$0x8C80] =	vst v63  }
0x3d: {  	_ =	swait.ge [sflag:s6], $0x4000  }
0x3e: {  	[sflag:s6] =	ssyncset.done $0x0  }
0x3f: {  	[sflag:s6] =	ssyncadd.s32 $0xFFFFC000  }
0x40: {  	[tilespmem:s13], [sflag:$0x1] =	stream.linear.gather [hbm4b:s17+s4], $0x4000, $0x38;
	[tilespmem:$0x8C80] =	vst v63  }
0x41: {  	_ =	swait.ge [sflag:s6], $0x4000  }
0x42: {  	[sflag:s6] =	ssyncset.done $0x0  }
0x43: {  	[sflag:s6] =	ssyncadd.s32 $0xFFFFC000  }
0x44: {  	[spmem:s2] =	stream.indirect.scatter.add.f32 [tilespmem:s13], [sflag:$0x1], $0x80, s18, s10, $0xb8;
	[tilespmem:$0x8C80] =	vst v63  }
0x45: {  	_ =	swait.ge [sflag:s6], $0x4000  }
0x46: {  	[sflag:s6] =	ssyncset.done $0x0  }
0x47: {  	[sflag:s6] =	ssyncadd.s32 $0xFFFFC000  }
0x48: {  	[spmem:s1] =	stream.indirect.scatter.add.f32 [tilespmem:s9], [sflag:$0x1], $0x80, s18, s10, $0xb8;
	[tilespmem:$0x8C80] =	vst v63  }
0x49: {  	_ =	swait.ge [sflag:s6], $0x4000  }
0x4a: {  	[sflag:s6] =	ssyncset.done $0x0  }
0x4b: {  	[sflag:s6] =	ssyncadd.s32 $0xFFFFC000  }
0x4c: {  	[tilespmem:s13], [sflag:$0x1] =	stream.linear.gather [hbm4b:s15+s4], $0x4000, $0x38;
	[tilespmem:$0x8C80] =	vst v63  }
0x4d: {  	_ =	swait.ge [sflag:s6], $0x4000  }
0x4e: {  	[sflag:s6] =	ssyncset.done $0x0  }
0x4f: {  	[sflag:s6] =	ssyncadd.s32 $0xFFFFC000  }
0x50: {  	[spmem:s2] =	stream.indirect.scatter.add.f32 [tilespmem:s13], [sflag:$0x1], $0x80, s16, s10, $0xb8;
	[tilespmem:$0x8C80] =	vst v63  }
0x51: {  	_ =	swait.ge [sflag:s6], $0x4000  }
0x52: {  	[sflag:s6] =	ssyncset.done $0x0  }
0x53: {  	[sflag:s6] =	ssyncadd.s32 $0xFFFFC000  }
0x54: {  	[spmem:s1] =	stream.indirect.scatter.add.f32 [tilespmem:s9], [sflag:$0x1], $0x80, s16, s10, $0xb8;
	[tilespmem:$0x8C80] =	vst v63  }
0x55: {  	_ =	swait.ge [sflag:s6], $0x4000  }
0x56: {  	[sflag:s6] =	ssyncset.done $0x0  }
0x57: {  	[sflag:s6] =	ssyncadd.s32 $0xFFFFC000  }
0x58: {  	[tilespmem:s13], [sflag:$0x1] =	stream.linear.gather [hbm4b:s12+s4], $0x4000, $0x38;
	[tilespmem:$0x8C80] =	vst v63  }
0x59: {  	_ =	swait.ge [sflag:s6], $0x4000  }
0x5a: {  	[sflag:s6] =	ssyncset.done $0x0  }
0x5b: {  	[sflag:s6] =	ssyncadd.s32 $0xFFFFC000  }
0x5c: {  	[spmem:s2] =	stream.indirect.scatter.add.f32 [tilespmem:s13], [sflag:$0x1], $0x80, s14, s10, $0xb8;
	[tilespmem:$0x8C80] =	vst v63  }
0x5d: {  	_ =	swait.ge [sflag:s6], $0x4000  }
0x5e: {  	[sflag:s6] =	ssyncset.done $0x0  }
0x5f: {  	[sflag:s6] =	ssyncadd.s32 $0xFFFFC000  }
0x60: {  	[spmem:s1] =	stream.indirect.scatter.add.f32 [tilespmem:s9], [sflag:$0x1], $0x80, s14, s10, $0xb8;
	[tilespmem:$0x8C80] =	vst v63  }
0x61: {  	_ =	swait.ge [sflag:s6], $0x4000  }
0x62: {  	[sflag:s6] =	ssyncset.done $0x0  }
0x63: {  	s28 =	sshll.u32 s3, $0x6;
	[sflag:s6] =	ssyncadd.s32 $0xFFFFC000  }
0x64: {  	s30 =	sadd.s32 $0xFFFFFFFF, s30;
	s29 =	sor.u32 $0x1C01, s28;
	[bflag:$0x0] =	sbarrier.arrive $0xFFFF  }
0x65: {  	[hbm:s7], [sflag:s29] =	dma.local [spmem:s11], $0x80  }
0x66: {  	p3 =	sne.s32 s30, $0x0;
	_ =	swait.ge [sflag:s6], $0x80  }
.Ltmp1:
0x67: {  	[sflag:s6] =	ssyncset.done $0x0;
	(pc) =	sbr.rel @!p3 .LBB2_3-.Ltmp1, $4  }
0x68: {  	s28 =	simm.s32 @!p1 $0x1;
	[sflag:s6] =	ssyncadd.s32 $0xFFFFFF80  }
0x69: {  	[hbm:s5], [sflag:s29] =	dma.local @!p1 [spmem:s8], $0x80  }
0x6a: {  	_ =	swait.ge @!p1 [sflag:s28], $0x80  }
0x6b: {  	p2 =	por $0x1, $0x1;
	[sflag:s28] =	ssyncset.done @!p1 $0x0  }
.LBB2_2:
0x6c: {  	[sflag:s28] =	ssyncadd.s32 @!p1 $0xFFFFFF80  }
0x6d: {  	[spmem:s24], [sflag:s25] =	dma.local @!p0 [hbm:s20], $0x880  }
0x6e: {  	_ =	swait.ge @!p0 [sflag:s26], $0x880  }
0x6f: {  	[sflag:s26] =	ssyncset.done @!p0 $0x0  }
0x70: {  	[sflag:s26] =	ssyncadd.s32 @!p0 $0xFFFFF780  }
0x71: {  	[spmem:s23], [sflag:s25] =	dma.local @!p0 [hbm:s20], $0x880  }
0x72: {  	_ =	swait.ge @!p0 [sflag:s26], $0x880  }
0x73: {  	[sflag:s26] =	ssyncset.done @!p0 $0x0  }
0x74: {  	[sflag:s26] =	ssyncadd.s32 @!p0 $0xFFFFF780  }
0x75: {  	[tilespmem:s4], [sflag:$0x1] =	stream.linear.gather [hbm4b:s21+s4], $0x280, $0x38;
	[tilespmem:$0x8C80] =	vst v63  }
0x76: {  	_ =	swait.ge [sflag:s6], $0x280  }
0x77: {  	[sflag:s6] =	ssyncset.done $0x0  }
0x78: {  	s31 =	rddreg [dreg:$0x5];
	[sflag:s6] =	ssyncadd.s32 $0xFFFFFD80  }
0x79: {  	[tilespmem:s9], [sflag:$0x1] =	stream.linear.gather [hbm4b:s31+s4], $0x4000, $0x38;
	[tilespmem:$0x8C80] =	vst v63  }
0x7a: {  	_ =	swait.ge [sflag:s6], $0x4000  }
0x7b: {  	[sflag:s6] =	ssyncset.done $0x0  }
0x7c: {  	[sflag:s6] =	ssyncadd.s32 $0xFFFFC000  }
0x7d: {  	[bflag:$0x0] =	sbarrier.arrive $0xFFFF  }
0x7e: {  	[tilespmem:s13], [sflag:$0x1] =	stream.linear.gather [hbm4b:s22+s4], $0x4000, $0x38;
	[tilespmem:$0x8C80] =	vst v63  }
0x7f: {  	_ =	swait.ge [sflag:s6], $0x4000  }
0x80: {  	[sflag:s6] =	ssyncset.done $0x0  }
0x81: {  	[sflag:s6] =	ssyncadd.s32 $0xFFFFC000  }
0x82: {  	[spmem:s2] =	stream.indirect.scatter.add.f32 [tilespmem:s13], [sflag:$0x1], $0x80, s4, s10, $0xb8;
	[tilespmem:$0x8C80] =	vst v63  }
0x83: {  	_ =	swait.ge [sflag:s6], $0x4000  }
0x84: {  	[sflag:s6] =	ssyncset.done $0x0  }
0x85: {  	[sflag:s6] =	ssyncadd.s32 $0xFFFFC000  }
0x86: {  	[spmem:s1] =	stream.indirect.scatter.add.f32 [tilespmem:s9], [sflag:$0x1], $0x80, s4, s10, $0xb8;
	[tilespmem:$0x8C80] =	vst v63  }
0x87: {  	_ =	swait.ge [sflag:s6], $0x4000  }
0x88: {  	[sflag:s6] =	ssyncset.done $0x0  }
0x89: {  	[sflag:s6] =	ssyncadd.s32 $0xFFFFC000  }
0x8a: {  	[tilespmem:s13], [sflag:$0x1] =	stream.linear.gather [hbm4b:s19+s4], $0x4000, $0x38;
	[tilespmem:$0x8C80] =	vst v63  }
0x8b: {  	_ =	swait.ge [sflag:s6], $0x4000  }
0x8c: {  	[sflag:s6] =	ssyncset.done $0x0  }
0x8d: {  	[sflag:s6] =	ssyncadd.s32 $0xFFFFC000  }
0x8e: {  	[spmem:s2] =	stream.indirect.scatter.add.f32 [tilespmem:s13], [sflag:$0x1], $0x80, s10, s10, $0xb8;
	[tilespmem:$0x8C80] =	vst v63  }
0x8f: {  	_ =	swait.ge [sflag:s6], $0x4000  }
0x90: {  	[sflag:s6] =	ssyncset.done $0x0  }
0x91: {  	[sflag:s6] =	ssyncadd.s32 $0xFFFFC000  }
0x92: {  	[spmem:s1] =	stream.indirect.scatter.add.f32 [tilespmem:s9], [sflag:$0x1], $0x80, s10, s10, $0xb8;
	[tilespmem:$0x8C80] =	vst v63  }
0x93: {  	_ =	swait.ge [sflag:s6], $0x4000  }
0x94: {  	[sflag:s6] =	ssyncset.done $0x0  }
0x95: {  	[sflag:s6] =	ssyncadd.s32 $0xFFFFC000  }
0x96: {  	[tilespmem:s13], [sflag:$0x1] =	stream.linear.gather [hbm4b:s17+s4], $0x4000, $0x38;
	[tilespmem:$0x8C80] =	vst v63  }
0x97: {  	_ =	swait.ge [sflag:s6], $0x4000  }
0x98: {  	[sflag:s6] =	ssyncset.done $0x0  }
0x99: {  	[sflag:s6] =	ssyncadd.s32 $0xFFFFC000  }
0x9a: {  	[spmem:s2] =	stream.indirect.scatter.add.f32 [tilespmem:s13], [sflag:$0x1], $0x80, s18, s10, $0xb8;
	[tilespmem:$0x8C80] =	vst v63  }
0x9b: {  	_ =	swait.ge [sflag:s6], $0x4000  }
0x9c: {  	[sflag:s6] =	ssyncset.done $0x0  }
0x9d: {  	[sflag:s6] =	ssyncadd.s32 $0xFFFFC000  }
0x9e: {  	[spmem:s1] =	stream.indirect.scatter.add.f32 [tilespmem:s9], [sflag:$0x1], $0x80, s18, s10, $0xb8;
	[tilespmem:$0x8C80] =	vst v63  }
0x9f: {  	_ =	swait.ge [sflag:s6], $0x4000  }
0xa0: {  	[sflag:s6] =	ssyncset.done $0x0  }
0xa1: {  	[sflag:s6] =	ssyncadd.s32 $0xFFFFC000  }
0xa2: {  	[tilespmem:s13], [sflag:$0x1] =	stream.linear.gather [hbm4b:s15+s4], $0x4000, $0x38;
	[tilespmem:$0x8C80] =	vst v63  }
0xa3: {  	_ =	swait.ge [sflag:s6], $0x4000  }
0xa4: {  	[sflag:s6] =	ssyncset.done $0x0  }
0xa5: {  	[sflag:s6] =	ssyncadd.s32 $0xFFFFC000  }
0xa6: {  	[spmem:s2] =	stream.indirect.scatter.add.f32 [tilespmem:s13], [sflag:$0x1], $0x80, s16, s10, $0xb8;
	[tilespmem:$0x8C80] =	vst v63  }
0xa7: {  	_ =	swait.ge [sflag:s6], $0x4000  }
0xa8: {  	[sflag:s6] =	ssyncset.done $0x0  }
0xa9: {  	[sflag:s6] =	ssyncadd.s32 $0xFFFFC000  }
0xaa: {  	[spmem:s1] =	stream.indirect.scatter.add.f32 [tilespmem:s9], [sflag:$0x1], $0x80, s16, s10, $0xb8;
	[tilespmem:$0x8C80] =	vst v63  }
0xab: {  	_ =	swait.ge [sflag:s6], $0x4000  }
0xac: {  	[sflag:s6] =	ssyncset.done $0x0  }
0xad: {  	[sflag:s6] =	ssyncadd.s32 $0xFFFFC000  }
0xae: {  	[tilespmem:s13], [sflag:$0x1] =	stream.linear.gather [hbm4b:s12+s4], $0x4000, $0x38;
	[tilespmem:$0x8C80] =	vst v63  }
0xaf: {  	_ =	swait.ge [sflag:s6], $0x4000  }
0xb0: {  	[sflag:s6] =	ssyncset.done $0x0  }
0xb1: {  	[sflag:s6] =	ssyncadd.s32 $0xFFFFC000  }
0xb2: {  	[spmem:s2] =	stream.indirect.scatter.add.f32 [tilespmem:s13], [sflag:$0x1], $0x80, s14, s10, $0xb8;
	[tilespmem:$0x8C80] =	vst v63  }
0xb3: {  	_ =	swait.ge [sflag:s6], $0x4000  }
0xb4: {  	[sflag:s6] =	ssyncset.done $0x0  }
0xb5: {  	[sflag:s6] =	ssyncadd.s32 $0xFFFFC000  }
0xb6: {  	[spmem:s1] =	stream.indirect.scatter.add.f32 [tilespmem:s9], [sflag:$0x1], $0x80, s14, s10, $0xb8;
	[tilespmem:$0x8C80] =	vst v63  }
0xb7: {  	_ =	swait.ge [sflag:s6], $0x4000  }
0xb8: {  	[sflag:s6] =	ssyncset.done $0x0  }
0xb9: {  	[sflag:s6] =	ssyncadd.s32 $0xFFFFC000  }
0xba: {  	s30 =	sadd.s32 $0xFFFFFFFF, s30;
	[bflag:$0x0] =	sbarrier.arrive $0xFFFF  }
0xbb: {  	[hbm:s7], [sflag:s29] =	dma.local [spmem:s11], $0x80  }
0xbc: {  	p3 =	sne.s32 s30, $0x0;
	_ =	swait.ge [sflag:s6], $0x80  }
.Ltmp2:
0xbd: {  	[sflag:s6] =	ssyncset.done $0x0;
	(pc) =	sbr.rel @p3 .LBB2_2-.Ltmp2, $4  }
0xbe: {  	[sflag:s6] =	ssyncadd.s32 $0xFFFFFF80  }
0xbf: {  	[hbm:s5], [sflag:s29] =	dma.local @!p1 [spmem:s8], $0x80  }
0xc0: {  	_ =	swait.ge @!p1 [sflag:s28], $0x80  }
0xc1: {  	[sflag:s28] =	ssyncset.done @!p1 $0x0  }
.LBB2_3:
0xc2: {  	p2 =	por p1, !p2  }
0xc3: {  	s25 =	simm.s32 @!p0 $0x1C01;
	[sflag:s28] =	ssyncadd.s32 @!p2 $0xFFFFFF80  }
0xc4: {  	[spmem:s24], [sflag:s25] =	dma.local @!p0 [hbm:s20], $0x880  }
0xc5: {  	s24 =	simm.s32 @!p0 $0x1  }
0xc6: {  	_ =	swait.ge @!p0 [sflag:s24], $0x880  }
0xc7: {  	[sflag:s24] =	ssyncset.done @!p0 $0x0  }
0xc8: {  	[sflag:s24] =	ssyncadd.s32 @!p0 $0xFFFFF780  }
0xc9: {  	[spmem:s23], [sflag:s25] =	dma.local @!p0 [hbm:s20], $0x880  }
0xca: {  	_ =	swait.ge @!p0 [sflag:s24], $0x880  }
0xcb: {  	[sflag:s24] =	ssyncset.done @!p0 $0x0  }
0xcc: {  	[sflag:s24] =	ssyncadd.s32 @!p0 $0xFFFFF780  }
0xcd: {  	[tilespmem:s4], [sflag:$0x1] =	stream.linear.gather [hbm4b:s21+s4], $0x280, $0x38;
	[tilespmem:$0x8C80] =	vst v63  }
0xce: {  	_ =	swait.ge [sflag:s6], $0x280  }
0xcf: {  	[sflag:s6] =	ssyncset.done $0x0  }
0xd0: {  	s30 =	rddreg [dreg:$0x5];
	[sflag:s6] =	ssyncadd.s32 $0xFFFFFD80  }
0xd1: {  	[tilespmem:s9], [sflag:$0x1] =	stream.linear.gather [hbm4b:s30+s4], $0x4000, $0x38;
	[tilespmem:$0x8C80] =	vst v63  }
0xd2: {  	_ =	swait.ge [sflag:s6], $0x4000  }
0xd3: {  	[sflag:s6] =	ssyncset.done $0x0  }
0xd4: {  	[sflag:s6] =	ssyncadd.s32 $0xFFFFC000  }
0xd5: {  	[bflag:$0x0] =	sbarrier.arrive $0xFFFF  }
0xd6: {  	[tilespmem:s13], [sflag:$0x1] =	stream.linear.gather [hbm4b:s22+s4], $0x4000, $0x38;
	[tilespmem:$0x8C80] =	vst v63  }
0xd7: {  	_ =	swait.ge [sflag:s6], $0x4000  }
0xd8: {  	[sflag:s6] =	ssyncset.done $0x0  }
0xd9: {  	[sflag:s6] =	ssyncadd.s32 $0xFFFFC000  }
0xda: {  	[spmem:s2] =	stream.indirect.scatter.add.f32 [tilespmem:s13], [sflag:$0x1], $0x80, s4, s10, $0xb8;
	[tilespmem:$0x8C80] =	vst v63  }
0xdb: {  	_ =	swait.ge [sflag:s6], $0x4000  }
0xdc: {  	[sflag:s6] =	ssyncset.done $0x0  }
0xdd: {  	[sflag:s6] =	ssyncadd.s32 $0xFFFFC000  }
0xde: {  	[spmem:s1] =	stream.indirect.scatter.add.f32 [tilespmem:s9], [sflag:$0x1], $0x80, s4, s10, $0xb8;
	[tilespmem:$0x8C80] =	vst v63  }
0xdf: {  	_ =	swait.ge [sflag:s6], $0x4000  }
0xe0: {  	[sflag:s6] =	ssyncset.done $0x0  }
0xe1: {  	[sflag:s6] =	ssyncadd.s32 $0xFFFFC000  }
0xe2: {  	[tilespmem:s13], [sflag:$0x1] =	stream.linear.gather [hbm4b:s19+s4], $0x4000, $0x38;
	[tilespmem:$0x8C80] =	vst v63  }
0xe3: {  	_ =	swait.ge [sflag:s6], $0x4000  }
0xe4: {  	[sflag:s6] =	ssyncset.done $0x0  }
0xe5: {  	[sflag:s6] =	ssyncadd.s32 $0xFFFFC000  }
0xe6: {  	[spmem:s2] =	stream.indirect.scatter.add.f32 [tilespmem:s13], [sflag:$0x1], $0x80, s10, s10, $0xb8;
	[tilespmem:$0x8C80] =	vst v63  }
0xe7: {  	_ =	swait.ge [sflag:s6], $0x4000  }
0xe8: {  	[sflag:s6] =	ssyncset.done $0x0  }
0xe9: {  	[sflag:s6] =	ssyncadd.s32 $0xFFFFC000  }
0xea: {  	[spmem:s1] =	stream.indirect.scatter.add.f32 [tilespmem:s9], [sflag:$0x1], $0x80, s10, s10, $0xb8;
	[tilespmem:$0x8C80] =	vst v63  }
0xeb: {  	_ =	swait.ge [sflag:s6], $0x4000  }
0xec: {  	[sflag:s6] =	ssyncset.done $0x0  }
0xed: {  	[sflag:s6] =	ssyncadd.s32 $0xFFFFC000  }
0xee: {  	[tilespmem:s13], [sflag:$0x1] =	stream.linear.gather [hbm4b:s17+s4], $0x4000, $0x38;
	[tilespmem:$0x8C80] =	vst v63  }
0xef: {  	_ =	swait.ge [sflag:s6], $0x4000  }
0xf0: {  	[sflag:s6] =	ssyncset.done $0x0  }
0xf1: {  	[sflag:s6] =	ssyncadd.s32 $0xFFFFC000  }
0xf2: {  	[spmem:s2] =	stream.indirect.scatter.add.f32 [tilespmem:s13], [sflag:$0x1], $0x80, s18, s10, $0xb8;
	[tilespmem:$0x8C80] =	vst v63  }
0xf3: {  	_ =	swait.ge [sflag:s6], $0x4000  }
0xf4: {  	[sflag:s6] =	ssyncset.done $0x0  }
0xf5: {  	[sflag:s6] =	ssyncadd.s32 $0xFFFFC000  }
0xf6: {  	[spmem:s1] =	stream.indirect.scatter.add.f32 [tilespmem:s9], [sflag:$0x1], $0x80, s18, s10, $0xb8;
	[tilespmem:$0x8C80] =	vst v63  }
0xf7: {  	_ =	swait.ge [sflag:s6], $0x4000  }
0xf8: {  	[sflag:s6] =	ssyncset.done $0x0  }
0xf9: {  	[sflag:s6] =	ssyncadd.s32 $0xFFFFC000  }
0xfa: {  	[tilespmem:s13], [sflag:$0x1] =	stream.linear.gather [hbm4b:s15+s4], $0x4000, $0x38;
	[tilespmem:$0x8C80] =	vst v63  }
0xfb: {  	_ =	swait.ge [sflag:s6], $0x4000  }
0xfc: {  	[sflag:s6] =	ssyncset.done $0x0  }
0xfd: {  	[sflag:s6] =	ssyncadd.s32 $0xFFFFC000  }
0xfe: {  	[spmem:s2] =	stream.indirect.scatter.add.f32 [tilespmem:s13], [sflag:$0x1], $0x80, s16, s10, $0xb8;
	[tilespmem:$0x8C80] =	vst v63  }
0xff: {  	_ =	swait.ge [sflag:s6], $0x4000  }
0x100: {  	[sflag:s6] =	ssyncset.done $0x0  }
0x101: {  	[sflag:s6] =	ssyncadd.s32 $0xFFFFC000  }
0x102: {  	[spmem:s1] =	stream.indirect.scatter.add.f32 [tilespmem:s9], [sflag:$0x1], $0x80, s16, s10, $0xb8;
	[tilespmem:$0x8C80] =	vst v63  }
0x103: {  	_ =	swait.ge [sflag:s6], $0x4000  }
0x104: {  	[sflag:s6] =	ssyncset.done $0x0  }
0x105: {  	[sflag:s6] =	ssyncadd.s32 $0xFFFFC000  }
0x106: {  	[tilespmem:s13], [sflag:$0x1] =	stream.linear.gather [hbm4b:s12+s4], $0x4000, $0x38;
	[tilespmem:$0x8C80] =	vst v63  }
0x107: {  	_ =	swait.ge [sflag:s6], $0x4000  }
0x108: {  	[sflag:s6] =	ssyncset.done $0x0  }
0x109: {  	[sflag:s6] =	ssyncadd.s32 $0xFFFFC000  }
0x10a: {  	[spmem:s2] =	stream.indirect.scatter.add.f32 [tilespmem:s13], [sflag:$0x1], $0x80, s14, s10, $0xb8;
	[tilespmem:$0x8C80] =	vst v63  }
0x10b: {  	_ =	swait.ge [sflag:s6], $0x4000  }
0x10c: {  	[sflag:s6] =	ssyncset.done $0x0  }
0x10d: {  	[sflag:s6] =	ssyncadd.s32 $0xFFFFC000  }
0x10e: {  	[spmem:s1] =	stream.indirect.scatter.add.f32 [tilespmem:s9], [sflag:$0x1], $0x80, s14, s10, $0xb8;
	[tilespmem:$0x8C80] =	vst v63  }
0x10f: {  	_ =	swait.ge [sflag:s6], $0x4000  }
0x110: {  	[sflag:s6] =	ssyncset.done $0x0  }
0x111: {  	s31 =	sshll.u32 s3, $0x6;
	[sflag:s6] =	ssyncadd.s32 $0xFFFFC000  }
0x112: {  	s1 =	sor.u32 $0x1C01, s31;
	[bflag:$0x0] =	sbarrier.arrive $0xFFFF  }
0x113: {  	[hbm:s7], [sflag:s1] =	dma.local [spmem:s11], $0x80  }
0x114: {  	_ =	swait.ge [sflag:s6], $0x80  }
0x115: {  	[sflag:s6] =	ssyncset.done $0x0  }
0x116: {  	[sflag:s6] =	ssyncadd.s32 $0xFFFFFF80  }
0x117: {  	[hbm:s5], [sflag:s1] =	dma.local @!p1 [spmem:s8], $0x80  }
0x118: {  	s1 =	simm.s32 @!p1 $0x1  }
0x119: {  	_ =	swait.ge @!p1 [sflag:s1], $0x80  }
0x11a: {  	[sflag:s1] =	ssyncset.done @!p1 $0x0  }
0x11b: {  	[sflag:s1] =	ssyncadd.s32 @!p1 $0xFFFFFF80  }
0x11c: {  	_ =	sfence.sel $0x180000  }
0x11d: {  	[bflag:$0x0] =	sbarrier.arrive $0xFFFF  }
0x11e: {  	_ =	strace $0x90000050  }
0x11f: {  	s0 =	sadd.s32 @!p0 $0x100000, s0;
	[bflag:$0x2] =	sbarrier.arrive $0xFFFF  }
0x120: {  	[sflag:s0] =	ssyncadd.tile.s32 @!p0 $0x1;
	_ =	shalt  }
.Lfunc_end2:
_tile_overlayer_lowered:
.L_overlay_start_2:
0x121: {  	(tag) =	ssettag $0x2  }
0x122: {  	s0 =	rddreg [dreg:$0x0];
	s2 =	stileid.u32  }
0x123: {  	s1 =	rddreg [dreg:$0x1];
	p0 =	sne.s32 s2, $0x0  }
0x124: {  	s3 =	rddreg [dreg:$0x2];
	[bflag:$0x3] =	sbarrier.arrive $0xFFFF;
	s2 =	simm.s32 @!p0 $0x1C01  }
0x125: {  	[timem:s3], [sflag:s2] =	dma.local @!p0 [hbm:s0], s1  }
0x126: {  	s0 =	simm.s32 @!p0 $0x1  }
0x127: {  	_ =	swait.ge @!p0 [sflag:s0], s1  }
0x128: {  	s1 =	ssub.s32 @!p0 $0x0, s1;
	[sflag:s0] =	ssyncset.done @!p0 $0x0  }
0x129: {  	[sflag:s0] =	ssyncadd.s32 @!p0 s1  }
0x12a: {  	[bflag:$0x3] =	sbarrier.arrive $0xFFFF  }
0x12b: {  	_ =	shalt  }

</sc_bundles>
